<compile_context>
chip_gen: v7x
topology: tpu7x:2x2x1
jax: 0.10.2.dev20260603
libtpu: 0.0.44.dev20260713+nightly
codegen_flags: <defaults>
</compile_context>

<pallas_src>
import jax
import jax.numpy as jnp
from jax import lax
from jax.experimental import pallas as pl
from jax.experimental.pallas import tpu as pltpu
from jax.experimental.pallas import tpu_sc as plsc

B = 4096
C_IN = 19
C_OUT = 64
D = 128
NC = 2
NS = 16
NW = NC * NS
ROWS_PER_W = B // NW
CHUNK = 8
N_CHUNKS = ROWS_PER_W // CHUNK


NBUF = 3
LOOKAHEAD = 3
C_LO = 24
N_HI = C_OUT - C_LO


def _sc_body(inp_hbm, maskblk_hbm, maskpad_hbm, out_hbm, mask_v, ring_v,
             sem_in, sem_wout, sem_mask, sem_fill):
    wid = lax.axis_index("s") * NC + lax.axis_index("c")
    base = wid * ROWS_PER_W
    mask_fill = pltpu.async_copy(maskblk_hbm, mask_v, sem_fill)
    pad_fill = [
        pltpu.async_copy(maskpad_hbm,
                         ring_v.at[b].at[:, pl.ds(C_IN, C_LO - C_IN)], sem_fill)
        for b in range(NBUF)
    ]

    in_dma = [None] * N_CHUNKS
    wout_dma = [None] * N_CHUNKS
    wmask_dma = [None] * N_CHUNKS

    def start_in(c):
        in_dma[c] = pltpu.async_copy(
            inp_hbm.at[pl.ds(base + c * CHUNK, CHUNK)],
            ring_v.at[c % NBUF].at[:, pl.ds(0, C_IN)], sem_in)

    for c in range(LOOKAHEAD):
        start_in(c)
    mask_fill.wait()
    for b in range(NBUF):
        pad_fill[b].wait()
    for c in range(N_CHUNKS):
        r0 = base + c * CHUNK
        wmask_dma[c] = pltpu.async_copy(
            mask_v, out_hbm.at[pl.ds(r0, CHUNK), pl.ds(C_LO, N_HI)],
            sem_mask)
        in_dma[c].wait()
        wout_dma[c] = pltpu.async_copy(
            ring_v.at[c % NBUF], out_hbm.at[pl.ds(r0, CHUNK), pl.ds(0, C_LO)],
            sem_wout)
        nxt = c + LOOKAHEAD
        if nxt < N_CHUNKS:
            if nxt >= NBUF:
                wout_dma[nxt - NBUF].wait()
            start_in(nxt)
    for c in range(max(0, N_CHUNKS - NBUF), N_CHUNKS):
        wout_dma[c].wait()
    for c in range(N_CHUNKS):
        wmask_dma[c].wait()


_sc_call = pl.kernel(
    _sc_body,
    mesh=plsc.VectorSubcoreMesh(core_axis_name="c", subcore_axis_name="s"),
    out_type=jax.ShapeDtypeStruct((B, C_OUT, D), jnp.float32),
    scratch_types=[
        pltpu.VMEM((CHUNK, N_HI, D), jnp.float32),
        pltpu.VMEM((NBUF, CHUNK, C_LO, D), jnp.float32),
        pltpu.SemaphoreType.DMA,
        pltpu.SemaphoreType.DMA,
        pltpu.SemaphoreType.DMA,
        pltpu.SemaphoreType.DMA,
    ],
)


@jax.jit
def kernel(inp, mask_token):
    mrow = mask_token.reshape(1, 1, D)
    maskblk = jnp.broadcast_to(mrow, (CHUNK, N_HI, D))
    maskpad = jnp.broadcast_to(mrow, (CHUNK, C_LO - C_IN, D))
    return _sc_call(inp, maskblk, maskpad)

# --- scband reference (transcript-rebuilt; emitter-appended) ---
"""Pipeline reference for scband-mask-tokens-insert-38345468019194 (READ-ONLY COPY).

The authoritative reference and input builder live on the scoring server;
editing this copy changes nothing except your own understanding.
"""

import jax, jax.numpy as jnp
import numpy as np

LR_CHANNELS = ['Fp1','Fp2','F7','F3','Fz','F4','F8','T3','C3','Cz','C4','T4','T5','P3','Pz','P4','T6','O1','O2']
HR_CHANNELS = LR_CHANNELS + ['Fpz','AF7','AF3','AFz','AF4','AF8','F5','F1','F2','F6','FT7','FC5','FC3','FC1','FCz','FC2','FC4','FC6','FT8','C5','C1','C2','C6','T7','T8','TP7','CP5','CP3','CP1','CP2','CP4','CP6','TP8','P7','P5','P1','P2','P6','P8','PO7','PO3','POz','PO4','PO8','Oz']
LR_DICT = {ch: i for i, ch in enumerate(LR_CHANNELS)}
HR_IDX = np.array([LR_DICT.get(ch, 0) for ch in HR_CHANNELS], dtype=np.int32)
IS_MASKED = np.array([ch not in LR_DICT for ch in HR_CHANNELS], dtype=bool)

def setup_inputs(seed: int = 0):
    key = jax.random.key(seed)
    k1, k2 = jax.random.split(key)
    inp = jax.random.normal(k1, (4096, 19, 128), dtype=jnp.float32)
    mask_token = jax.random.normal(k2, (1, 1, 128), dtype=jnp.float32) * 0.02
    return {'inp': inp, 'mask_token': mask_token}

def reference(inp, mask_token):
    # gather lr channels into hr layout (index 0 is a dummy for masked slots)
    gathered = jnp.take(inp, jnp.asarray(HR_IDX), axis=1)
    # insert mask token wherever the hr channel is absent from the lr montage
    out = jnp.where(jnp.asarray(IS_MASKED)[None, :, None], mask_token, gathered)
    return out

if __name__ == "__main__":
    import jax
    _d = setup_inputs()
    print(jax.jit(kernel)(*tuple(_d.values())))

</pallas_src>

<mosaic_0001>
#map = affine_map<(d0, d1) -> (0, 0, 0)>
module attributes {stable_mosaic.version = 14 : i64} {
  func.func @_sc_body(%arg0: i32, %arg1: i32, %arg2: memref<4096x19x128xf32, #tpu.memory_space<hbm>>, %arg3: memref<8x40x128xf32, #tpu.memory_space<hbm>>, %arg4: memref<8x5x128xf32, #tpu.memory_space<hbm>>, %arg5: memref<4096x64x128xf32, #tpu.memory_space<hbm>>, %arg6: memref<8x40x128xf32, #tpu.memory_space<vmem>>, %arg7: memref<3x8x24x128xf32, #tpu.memory_space<vmem>>, %arg8: memref<!tpu.dma_semaphore, #tpu.memory_space<semaphore_mem>>, %arg9: memref<!tpu.dma_semaphore, #tpu.memory_space<semaphore_mem>>, %arg10: memref<!tpu.dma_semaphore, #tpu.memory_space<semaphore_mem>>, %arg11: memref<!tpu.dma_semaphore, #tpu.memory_space<semaphore_mem>>) attributes {dimension_semantics = [#tpu.dimension_semantics<core_parallel>, #tpu.dimension_semantics<subcore_parallel>], iteration_bounds = array<i64: 2, 16>, scalar_prefetch = 0 : i64, scratch_operands = 6 : i64, tpu.core_type = #tpu.core_type<sc_vector_subcore>, window_params = [{transform_indices = #map}, {transform_indices = #map}, {transform_indices = #map}, {transform_indices = #map}]} {
    %mul3A = arith.constant 2 : i32
    %mul3A_0 = arith.muli %arg1, %mul3A : i32
    %add3A = arith.addi %mul3A_0, %arg0 : i32
    %mul3A_1 = arith.constant 128 : i32
    %mul3A_2 = arith.muli %add3A, %mul3A_1 : i32
    tpu.enqueue_dma source(%arg3 : memref<8x40x128xf32, #tpu.memory_space<hbm>>) target(%arg6 : memref<8x40x128xf32, #tpu.memory_space<vmem>>) target_semaphore(%arg11 : memref<!tpu.dma_semaphore, #tpu.memory_space<semaphore_mem>>)
    %dma_start3A = arith.constant 0 : i32
    %dma_start3A_3 = arith.constant 0 : i32
    %dma_start3A_4 = arith.constant 0 : i32
    %dma_start3A_5 = arith.constant 0 : i32
    %dma_start3A_6 = tpu.memref_slice %arg7[%dma_start3A, %dma_start3A_3, %dma_start3A_4, %dma_start3A_5] : memref<3x8x24x128xf32, #tpu.memory_space<vmem>> -> memref<1x8x24x128xf32, #tpu.memory_space<vmem>>
    %dma_start3A_7 = tpu.memref_squeeze %dma_start3A_6 : memref<1x8x24x128xf32, #tpu.memory_space<vmem>> -> memref<8x24x128xf32, #tpu.memory_space<vmem>>
    %dma_start3A_8 = arith.constant 0 : i32
    %dma_start3A_9 = arith.constant 19 : i32
    %dma_start3A_10 = arith.constant 0 : i32
    %dma_start3A_11 = tpu.memref_slice %dma_start3A_7[%dma_start3A_8, %dma_start3A_9, %dma_start3A_10] : memref<8x24x128xf32, #tpu.memory_space<vmem>> -> memref<8x5x128xf32, #tpu.memory_space<vmem>>
    %dma_start3A_12 = arith.constant 0 : i32
    %dma_start3A_13 = arith.constant 0 : i32
    %dma_start3A_14 = arith.constant 0 : i32
    %dma_start3A_15 = tpu.memref_slice %arg7[%dma_start3A, %dma_start3A_12, %dma_start3A_13, %dma_start3A_14] : memref<3x8x24x128xf32, #tpu.memory_space<vmem>> -> memref<1x8x24x128xf32, #tpu.memory_space<vmem>>
    %dma_start3A_16 = tpu.memref_squeeze %dma_start3A_15 : memref<1x8x24x128xf32, #tpu.memory_space<vmem>> -> memref<8x24x128xf32, #tpu.memory_space<vmem>>
    %dma_start3A_17 = arith.constant 0 : i32
    %dma_start3A_18 = arith.constant 19 : i32
    %dma_start3A_19 = arith.constant 0 : i32
    %dma_start3A_20 = tpu.memref_slice %dma_start3A_16[%dma_start3A_17, %dma_start3A_18, %dma_start3A_19] : memref<8x24x128xf32, #tpu.memory_space<vmem>> -> memref<8x5x128xf32, #tpu.memory_space<vmem>>
    tpu.enqueue_dma source(%arg4 : memref<8x5x128xf32, #tpu.memory_space<hbm>>) target(%dma_start3A_20 : memref<8x5x128xf32, #tpu.memory_space<vmem>>) target_semaphore(%arg11 : memref<!tpu.dma_semaphore, #tpu.memory_space<semaphore_mem>>)
    %dma_start3A_21 = arith.constant 1 : i32
    %dma_start3A_22 = arith.constant 0 : i32
    %dma_start3A_23 = arith.constant 0 : i32
    %dma_start3A_24 = arith.constant 0 : i32
    %dma_start3A_25 = tpu.memref_slice %arg7[%dma_start3A_21, %dma_start3A_22, %dma_start3A_23, %dma_start3A_24] : memref<3x8x24x128xf32, #tpu.memory_space<vmem>> -> memref<1x8x24x128xf32, #tpu.memory_space<vmem>>
    %dma_start3A_26 = tpu.memref_squeeze %dma_start3A_25 : memref<1x8x24x128xf32, #tpu.memory_space<vmem>> -> memref<8x24x128xf32, #tpu.memory_space<vmem>>
    %dma_start3A_27 = arith.constant 0 : i32
    %dma_start3A_28 = arith.constant 19 : i32
    %dma_start3A_29 = arith.constant 0 : i32
    %dma_start3A_30 = tpu.memref_slice %dma_start3A_26[%dma_start3A_27, %dma_start3A_28, %dma_start3A_29] : memref<8x24x128xf32, #tpu.memory_space<vmem>> -> memref<8x5x128xf32, #tpu.memory_space<vmem>>
    %dma_start3A_31 = arith.constant 0 : i32
    %dma_start3A_32 = arith.constant 0 : i32
    %dma_start3A_33 = arith.constant 0 : i32
    %dma_start3A_34 = tpu.memref_slice %arg7[%dma_start3A_21, %dma_start3A_31, %dma_start3A_32, %dma_start3A_33] : memref<3x8x24x128xf32, #tpu.memory_space<vmem>> -> memref<1x8x24x128xf32, #tpu.memory_space<vmem>>
    %dma_start3A_35 = tpu.memref_squeeze %dma_start3A_34 : memref<1x8x24x128xf32, #tpu.memory_space<vmem>> -> memref<8x24x128xf32, #tpu.memory_space<vmem>>
    %dma_start3A_36 = arith.constant 0 : i32
    %dma_start3A_37 = arith.constant 19 : i32
    %dma_start3A_38 = arith.constant 0 : i32
    %dma_start3A_39 = tpu.memref_slice %dma_start3A_35[%dma_start3A_36, %dma_start3A_37, %dma_start3A_38] : memref<8x24x128xf32, #tpu.memory_space<vmem>> -> memref<8x5x128xf32, #tpu.memory_space<vmem>>
    tpu.enqueue_dma source(%arg4 : memref<8x5x128xf32, #tpu.memory_space<hbm>>) target(%dma_start3A_39 : memref<8x5x128xf32, #tpu.memory_space<vmem>>) target_semaphore(%arg11 : memref<!tpu.dma_semaphore, #tpu.memory_space<semaphore_mem>>)
    %dma_start3A_40 = arith.constant 2 : i32
    %dma_start3A_41 = arith.constant 0 : i32
    %dma_start3A_42 = arith.constant 0 : i32
    %dma_start3A_43 = arith.constant 0 : i32
    %dma_start3A_44 = tpu.memref_slice %arg7[%dma_start3A_40, %dma_start3A_41, %dma_start3A_42, %dma_start3A_43] : memref<3x8x24x128xf32, #tpu.memory_space<vmem>> -> memref<1x8x24x128xf32, #tpu.memory_space<vmem>>
    %dma_start3A_45 = tpu.memref_squeeze %dma_start3A_44 : memref<1x8x24x128xf32, #tpu.memory_space<vmem>> -> memref<8x24x128xf32, #tpu.memory_space<vmem>>
    %dma_start3A_46 = arith.constant 0 : i32
    %dma_start3A_47 = arith.constant 19 : i32
    %dma_start3A_48 = arith.constant 0 : i32
    %dma_start3A_49 = tpu.memref_slice %dma_start3A_45[%dma_start3A_46, %dma_start3A_47, %dma_start3A_48] : memref<8x24x128xf32, #tpu.memory_space<vmem>> -> memref<8x5x128xf32, #tpu.memory_space<vmem>>
    %dma_start3A_50 = arith.constant 0 : i32
    %dma_start3A_51 = arith.constant 0 : i32
    %dma_start3A_52 = arith.constant 0 : i32
    %dma_start3A_53 = tpu.memref_slice %arg7[%dma_start3A_40, %dma_start3A_50, %dma_start3A_51, %dma_start3A_52] : memref<3x8x24x128xf32, #tpu.memory_space<vmem>> -> memref<1x8x24x128xf32, #tpu.memory_space<vmem>>
    %dma_start3A_54 = tpu.memref_squeeze %dma_start3A_53 : memref<1x8x24x128xf32, #tpu.memory_space<vmem>> -> memref<8x24x128xf32, #tpu.memory_space<vmem>>
    %dma_start3A_55 = arith.constant 0 : i32
    %dma_start3A_56 = arith.constant 19 : i32
    %dma_start3A_57 = arith.constant 0 : i32
    %dma_start3A_58 = tpu.memref_slice %dma_start3A_54[%dma_start3A_55, %dma_start3A_56, %dma_start3A_57] : memref<8x24x128xf32, #tpu.memory_space<vmem>> -> memref<8x5x128xf32, #tpu.memory_space<vmem>>
    tpu.enqueue_dma source(%arg4 : memref<8x5x128xf32, #tpu.memory_space<hbm>>) target(%dma_start3A_58 : memref<8x5x128xf32, #tpu.memory_space<vmem>>) target_semaphore(%arg11 : memref<!tpu.dma_semaphore, #tpu.memory_space<semaphore_mem>>)
    %add3A_59 = arith.constant 0 : i32
    %add3A_60 = arith.addi %mul3A_2, %add3A_59 : i32
    %dma_start3A_61 = arith.constant 0 : i32
    %dma_start3A_62 = arith.constant 0 : i32
    %dma_start3A_63 = arith.constant 0 : i32
    %dma_start3A_64 = arith.constant 0 : i32
    %dma_start3A_65 = tpu.memref_slice %arg7[%dma_start3A_61, %dma_start3A_62, %dma_start3A_63, %dma_start3A_64] : memref<3x8x24x128xf32, #tpu.memory_space<vmem>> -> memref<1x8x24x128xf32, #tpu.memory_space<vmem>>
    %dma_start3A_66 = tpu.memref_squeeze %dma_start3A_65 : memref<1x8x24x128xf32, #tpu.memory_space<vmem>> -> memref<8x24x128xf32, #tpu.memory_space<vmem>>
    %dma_start3A_67 = arith.constant 0 : i32
    %dma_start3A_68 = arith.constant 0 : i32
    %dma_start3A_69 = arith.constant 0 : i32
    %dma_start3A_70 = tpu.memref_slice %dma_start3A_66[%dma_start3A_67, %dma_start3A_68, %dma_start3A_69] : memref<8x24x128xf32, #tpu.memory_space<vmem>> -> memref<8x19x128xf32, #tpu.memory_space<vmem>>
    %dma_start3A_71 = arith.constant 0 : i32
    %dma_start3A_72 = arith.constant 0 : i32
    %dma_start3A_73 = tpu.memref_slice %arg2[%add3A_60, %dma_start3A_71, %dma_start3A_72] : memref<4096x19x128xf32, #tpu.memory_space<hbm>> -> memref<8x19x128xf32, #tpu.memory_space<hbm>>
    %dma_start3A_74 = arith.constant 0 : i32
    %dma_start3A_75 = arith.constant 0 : i32
    %dma_start3A_76 = arith.constant 0 : i32
    %dma_start3A_77 = tpu.memref_slice %arg7[%dma_start3A_61, %dma_start3A_74, %dma_start3A_75, %dma_start3A_76] : memref<3x8x24x128xf32, #tpu.memory_space<vmem>> -> memref<1x8x24x128xf32, #tpu.memory_space<vmem>>
    %dma_start3A_78 = tpu.memref_squeeze %dma_start3A_77 : memref<1x8x24x128xf32, #tpu.memory_space<vmem>> -> memref<8x24x128xf32, #tpu.memory_space<vmem>>
    %dma_start3A_79 = arith.constant 0 : i32
    %dma_start3A_80 = arith.constant 0 : i32
    %dma_start3A_81 = arith.constant 0 : i32
    %dma_start3A_82 = tpu.memref_slice %dma_start3A_78[%dma_start3A_79, %dma_start3A_80, %dma_start3A_81] : memref<8x24x128xf32, #tpu.memory_space<vmem>> -> memref<8x19x128xf32, #tpu.memory_space<vmem>>
    %dma_start3A_83 = arith.constant 0 : i32
    %dma_start3A_84 = arith.constant 0 : i32
    %dma_start3A_85 = tpu.memref_slice %arg2[%add3A_60, %dma_start3A_83, %dma_start3A_84] : memref<4096x19x128xf32, #tpu.memory_space<hbm>> -> memref<8x19x128xf32, #tpu.memory_space<hbm>>
    tpu.enqueue_dma source(%dma_start3A_85 : memref<8x19x128xf32, #tpu.memory_space<hbm>>) target(%dma_start3A_82 : memref<8x19x128xf32, #tpu.memory_space<vmem>>) target_semaphore(%arg8 : memref<!tpu.dma_semaphore, #tpu.memory_space<semaphore_mem>>)
    %add3A_86 = arith.constant 8 : i32
    %add3A_87 = arith.addi %mul3A_2, %add3A_86 : i32
    %dma_start3A_88 = arith.constant 1 : i32
    %dma_start3A_89 = arith.constant 0 : i32
    %dma_start3A_90 = arith.constant 0 : i32
    %dma_start3A_91 = arith.constant 0 : i32
    %dma_start3A_92 = tpu.memref_slice %arg7[%dma_start3A_88, %dma_start3A_89, %dma_start3A_90, %dma_start3A_91] : memref<3x8x24x128xf32, #tpu.memory_space<vmem>> -> memref<1x8x24x128xf32, #tpu.memory_space<vmem>>
    %dma_start3A_93 = tpu.memref_squeeze %dma_start3A_92 : memref<1x8x24x128xf32, #tpu.memory_space<vmem>> -> memref<8x24x128xf32, #tpu.memory_space<vmem>>
    %dma_start3A_94 = arith.constant 0 : i32
    %dma_start3A_95 = arith.constant 0 : i32
    %dma_start3A_96 = arith.constant 0 : i32
    %dma_start3A_97 = tpu.memref_slice %dma_start3A_93[%dma_start3A_94, %dma_start3A_95, %dma_start3A_96] : memref<8x24x128xf32, #tpu.memory_space<vmem>> -> memref<8x19x128xf32, #tpu.memory_space<vmem>>
    %dma_start3A_98 = arith.constant 0 : i32
    %dma_start3A_99 = arith.constant 0 : i32
    %dma_start3A_100 = tpu.memref_slice %arg2[%add3A_87, %dma_start3A_98, %dma_start3A_99] : memref<4096x19x128xf32, #tpu.memory_space<hbm>> -> memref<8x19x128xf32, #tpu.memory_space<hbm>>
    %dma_start3A_101 = arith.constant 0 : i32
    %dma_start3A_102 = arith.constant 0 : i32
    %dma_start3A_103 = arith.constant 0 : i32
    %dma_start3A_104 = tpu.memref_slice %arg7[%dma_start3A_88, %dma_start3A_101, %dma_start3A_102, %dma_start3A_103] : memref<3x8x24x128xf32, #tpu.memory_space<vmem>> -> memref<1x8x24x128xf32, #tpu.memory_space<vmem>>
    %dma_start3A_105 = tpu.memref_squeeze %dma_start3A_104 : memref<1x8x24x128xf32, #tpu.memory_space<vmem>> -> memref<8x24x128xf32, #tpu.memory_space<vmem>>
    %dma_start3A_106 = arith.constant 0 : i32
    %dma_start3A_107 = arith.constant 0 : i32
    %dma_start3A_108 = arith.constant 0 : i32
    %dma_start3A_109 = tpu.memref_slice %dma_start3A_105[%dma_start3A_106, %dma_start3A_107, %dma_start3A_108] : memref<8x24x128xf32, #tpu.memory_space<vmem>> -> memref<8x19x128xf32, #tpu.memory_space<vmem>>
    %dma_start3A_110 = arith.constant 0 : i32
    %dma_start3A_111 = arith.constant 0 : i32
    %dma_start3A_112 = tpu.memref_slice %arg2[%add3A_87, %dma_start3A_110, %dma_start3A_111] : memref<4096x19x128xf32, #tpu.memory_space<hbm>> -> memref<8x19x128xf32, #tpu.memory_space<hbm>>
    tpu.enqueue_dma source(%dma_start3A_112 : memref<8x19x128xf32, #tpu.memory_space<hbm>>) target(%dma_start3A_109 : memref<8x19x128xf32, #tpu.memory_space<vmem>>) target_semaphore(%arg8 : memref<!tpu.dma_semaphore, #tpu.memory_space<semaphore_mem>>)
    %add3A_113 = arith.constant 16 : i32
    %add3A_114 = arith.addi %mul3A_2, %add3A_113 : i32
    %dma_start3A_115 = arith.constant 2 : i32
    %dma_start3A_116 = arith.constant 0 : i32
    %dma_start3A_117 = arith.constant 0 : i32
    %dma_start3A_118 = arith.constant 0 : i32
    %dma_start3A_119 = tpu.memref_slice %arg7[%dma_start3A_115, %dma_start3A_116, %dma_start3A_117, %dma_start3A_118] : memref<3x8x24x128xf32, #tpu.memory_space<vmem>> -> memref<1x8x24x128xf32, #tpu.memory_space<vmem>>
    %dma_start3A_120 = tpu.memref_squeeze %dma_start3A_119 : memref<1x8x24x128xf32, #tpu.memory_space<vmem>> -> memref<8x24x128xf32, #tpu.memory_space<vmem>>
    %dma_start3A_121 = arith.constant 0 : i32
    %dma_start3A_122 = arith.constant 0 : i32
    %dma_start3A_123 = arith.constant 0 : i32
    %dma_start3A_124 = tpu.memref_slice %dma_start3A_120[%dma_start3A_121, %dma_start3A_122, %dma_start3A_123] : memref<8x24x128xf32, #tpu.memory_space<vmem>> -> memref<8x19x128xf32, #tpu.memory_space<vmem>>
    %dma_start3A_125 = arith.constant 0 : i32
    %dma_start3A_126 = arith.constant 0 : i32
    %dma_start3A_127 = tpu.memref_slice %arg2[%add3A_114, %dma_start3A_125, %dma_start3A_126] : memref<4096x19x128xf32, #tpu.memory_space<hbm>> -> memref<8x19x128xf32, #tpu.memory_space<hbm>>
    %dma_start3A_128 = arith.constant 0 : i32
    %dma_start3A_129 = arith.constant 0 : i32
    %dma_start3A_130 = arith.constant 0 : i32
    %dma_start3A_131 = tpu.memref_slice %arg7[%dma_start3A_115, %dma_start3A_128, %dma_start3A_129, %dma_start3A_130] : memref<3x8x24x128xf32, #tpu.memory_space<vmem>> -> memref<1x8x24x128xf32, #tpu.memory_space<vmem>>
    %dma_start3A_132 = tpu.memref_squeeze %dma_start3A_131 : memref<1x8x24x128xf32, #tpu.memory_space<vmem>> -> memref<8x24x128xf32, #tpu.memory_space<vmem>>
    %dma_start3A_133 = arith.constant 0 : i32
    %dma_start3A_134 = arith.constant 0 : i32
    %dma_start3A_135 = arith.constant 0 : i32
    %dma_start3A_136 = tpu.memref_slice %dma_start3A_132[%dma_start3A_133, %dma_start3A_134, %dma_start3A_135] : memref<8x24x128xf32, #tpu.memory_space<vmem>> -> memref<8x19x128xf32, #tpu.memory_space<vmem>>
    %dma_start3A_137 = arith.constant 0 : i32
    %dma_start3A_138 = arith.constant 0 : i32
    %dma_start3A_139 = tpu.memref_slice %arg2[%add3A_114, %dma_start3A_137, %dma_start3A_138] : memref<4096x19x128xf32, #tpu.memory_space<hbm>> -> memref<8x19x128xf32, #tpu.memory_space<hbm>>
    tpu.enqueue_dma source(%dma_start3A_139 : memref<8x19x128xf32, #tpu.memory_space<hbm>>) target(%dma_start3A_136 : memref<8x19x128xf32, #tpu.memory_space<vmem>>) target_semaphore(%arg8 : memref<!tpu.dma_semaphore, #tpu.memory_space<semaphore_mem>>)
    tpu.wait_dma2 semaphore(%arg11 : memref<!tpu.dma_semaphore, #tpu.memory_space<semaphore_mem>>) src(%arg3 : memref<8x40x128xf32, #tpu.memory_space<hbm>>) dst(%arg6 : memref<8x40x128xf32, #tpu.memory_space<vmem>>)
    %dma_wait3A = arith.constant 0 : i32
    %dma_wait3A_140 = arith.constant 0 : i32
    %dma_wait3A_141 = arith.constant 0 : i32
    %dma_wait3A_142 = arith.constant 0 : i32
    %dma_wait3A_143 = tpu.memref_slice %arg7[%dma_wait3A, %dma_wait3A_140, %dma_wait3A_141, %dma_wait3A_142] : memref<3x8x24x128xf32, #tpu.memory_space<vmem>> -> memref<1x8x24x128xf32, #tpu.memory_space<vmem>>
    %dma_wait3A_144 = tpu.memref_squeeze %dma_wait3A_143 : memref<1x8x24x128xf32, #tpu.memory_space<vmem>> -> memref<8x24x128xf32, #tpu.memory_space<vmem>>
    %dma_wait3A_145 = arith.constant 0 : i32
    %dma_wait3A_146 = arith.constant 19 : i32
    %dma_wait3A_147 = arith.constant 0 : i32
    %dma_wait3A_148 = tpu.memref_slice %dma_wait3A_144[%dma_wait3A_145, %dma_wait3A_146, %dma_wait3A_147] : memref<8x24x128xf32, #tpu.memory_space<vmem>> -> memref<8x5x128xf32, #tpu.memory_space<vmem>>
    %dma_wait3A_149 = arith.constant 0 : i32
    %dma_wait3A_150 = arith.constant 0 : i32
    %dma_wait3A_151 = arith.constant 0 : i32
    %dma_wait3A_152 = tpu.memref_slice %arg7[%dma_wait3A, %dma_wait3A_149, %dma_wait3A_150, %dma_wait3A_151] : memref<3x8x24x128xf32, #tpu.memory_space<vmem>> -> memref<1x8x24x128xf32, #tpu.memory_space<vmem>>
    %dma_wait3A_153 = tpu.memref_squeeze %dma_wait3A_152 : memref<1x8x24x128xf32, #tpu.memory_space<vmem>> -> memref<8x24x128xf32, #tpu.memory_space<vmem>>
    %dma_wait3A_154 = arith.constant 0 : i32
    %dma_wait3A_155 = arith.constant 19 : i32
    %dma_wait3A_156 = arith.constant 0 : i32
    %dma_wait3A_157 = tpu.memref_slice %dma_wait3A_153[%dma_wait3A_154, %dma_wait3A_155, %dma_wait3A_156] : memref<8x24x128xf32, #tpu.memory_space<vmem>> -> memref<8x5x128xf32, #tpu.memory_space<vmem>>
    tpu.wait_dma2 semaphore(%arg11 : memref<!tpu.dma_semaphore, #tpu.memory_space<semaphore_mem>>) src(%arg4 : memref<8x5x128xf32, #tpu.memory_space<hbm>>) dst(%dma_wait3A_157 : memref<8x5x128xf32, #tpu.memory_space<vmem>>)
    %dma_wait3A_158 = arith.constant 1 : i32
    %dma_wait3A_159 = arith.constant 0 : i32
    %dma_wait3A_160 = arith.constant 0 : i32
    %dma_wait3A_161 = arith.constant 0 : i32
    %dma_wait3A_162 = tpu.memref_slice %arg7[%dma_wait3A_158, %dma_wait3A_159, %dma_wait3A_160, %dma_wait3A_161] : memref<3x8x24x128xf32, #tpu.memory_space<vmem>> -> memref<1x8x24x128xf32, #tpu.memory_space<vmem>>
    %dma_wait3A_163 = tpu.memref_squeeze %dma_wait3A_162 : memref<1x8x24x128xf32, #tpu.memory_space<vmem>> -> memref<8x24x128xf32, #tpu.memory_space<vmem>>
    %dma_wait3A_164 = arith.constant 0 : i32
    %dma_wait3A_165 = arith.constant 19 : i32
    %dma_wait3A_166 = arith.constant 0 : i32
    %dma_wait3A_167 = tpu.memref_slice %dma_wait3A_163[%dma_wait3A_164, %dma_wait3A_165, %dma_wait3A_166] : memref<8x24x128xf32, #tpu.memory_space<vmem>> -> memref<8x5x128xf32, #tpu.memory_space<vmem>>
    %dma_wait3A_168 = arith.constant 0 : i32
    %dma_wait3A_169 = arith.constant 0 : i32
    %dma_wait3A_170 = arith.constant 0 : i32
    %dma_wait3A_171 = tpu.memref_slice %arg7[%dma_wait3A_158, %dma_wait3A_168, %dma_wait3A_169, %dma_wait3A_170] : memref<3x8x24x128xf32, #tpu.memory_space<vmem>> -> memref<1x8x24x128xf32, #tpu.memory_space<vmem>>
    %dma_wait3A_172 = tpu.memref_squeeze %dma_wait3A_171 : memref<1x8x24x128xf32, #tpu.memory_space<vmem>> -> memref<8x24x128xf32, #tpu.memory_space<vmem>>
    %dma_wait3A_173 = arith.constant 0 : i32
    %dma_wait3A_174 = arith.constant 19 : i32
    %dma_wait3A_175 = arith.constant 0 : i32
    %dma_wait3A_176 = tpu.memref_slice %dma_wait3A_172[%dma_wait3A_173, %dma_wait3A_174, %dma_wait3A_175] : memref<8x24x128xf32, #tpu.memory_space<vmem>> -> memref<8x5x128xf32, #tpu.memory_space<vmem>>
    tpu.wait_dma2 semaphore(%arg11 : memref<!tpu.dma_semaphore, #tpu.memory_space<semaphore_mem>>) src(%arg4 : memref<8x5x128xf32, #tpu.memory_space<hbm>>) dst(%dma_wait3A_176 : memref<8x5x128xf32, #tpu.memory_space<vmem>>)
    %dma_wait3A_177 = arith.constant 2 : i32
    %dma_wait3A_178 = arith.constant 0 : i32
    %dma_wait3A_179 = arith.constant 0 : i32
    %dma_wait3A_180 = arith.constant 0 : i32
    %dma_wait3A_181 = tpu.memref_slice %arg7[%dma_wait3A_177, %dma_wait3A_178, %dma_wait3A_179, %dma_wait3A_180] : memref<3x8x24x128xf32, #tpu.memory_space<vmem>> -> memref<1x8x24x128xf32, #tpu.memory_space<vmem>>
    %dma_wait3A_182 = tpu.memref_squeeze %dma_wait3A_181 : memref<1x8x24x128xf32, #tpu.memory_space<vmem>> -> memref<8x24x128xf32, #tpu.memory_space<vmem>>
    %dma_wait3A_183 = arith.constant 0 : i32
    %dma_wait3A_184 = arith.constant 19 : i32
    %dma_wait3A_185 = arith.constant 0 : i32
    %dma_wait3A_186 = tpu.memref_slice %dma_wait3A_182[%dma_wait3A_183, %dma_wait3A_184, %dma_wait3A_185] : memref<8x24x128xf32, #tpu.memory_space<vmem>> -> memref<8x5x128xf32, #tpu.memory_space<vmem>>
    %dma_wait3A_187 = arith.constant 0 : i32
    %dma_wait3A_188 = arith.constant 0 : i32
    %dma_wait3A_189 = arith.constant 0 : i32
    %dma_wait3A_190 = tpu.memref_slice %arg7[%dma_wait3A_177, %dma_wait3A_187, %dma_wait3A_188, %dma_wait3A_189] : memref<3x8x24x128xf32, #tpu.memory_space<vmem>> -> memref<1x8x24x128xf32, #tpu.memory_space<vmem>>
    %dma_wait3A_191 = tpu.memref_squeeze %dma_wait3A_190 : memref<1x8x24x128xf32, #tpu.memory_space<vmem>> -> memref<8x24x128xf32, #tpu.memory_space<vmem>>
    %dma_wait3A_192 = arith.constant 0 : i32
    %dma_wait3A_193 = arith.constant 19 : i32
    %dma_wait3A_194 = arith.constant 0 : i32
    %dma_wait3A_195 = tpu.memref_slice %dma_wait3A_191[%dma_wait3A_192, %dma_wait3A_193, %dma_wait3A_194] : memref<8x24x128xf32, #tpu.memory_space<vmem>> -> memref<8x5x128xf32, #tpu.memory_space<vmem>>
    tpu.wait_dma2 semaphore(%arg11 : memref<!tpu.dma_semaphore, #tpu.memory_space<semaphore_mem>>) src(%arg4 : memref<8x5x128xf32, #tpu.memory_space<hbm>>) dst(%dma_wait3A_195 : memref<8x5x128xf32, #tpu.memory_space<vmem>>)
    %add3A_196 = arith.constant 0 : i32
    %add3A_197 = arith.addi %mul3A_2, %add3A_196 : i32
    %dma_start3A_198 = arith.constant 24 : i32
    %dma_start3A_199 = arith.constant 0 : i32
    %dma_start3A_200 = tpu.memref_slice %arg5[%add3A_197, %dma_start3A_198, %dma_start3A_199] : memref<4096x64x128xf32, #tpu.memory_space<hbm>> -> memref<8x40x128xf32, #tpu.memory_space<hbm>>
    %dma_start3A_201 = arith.constant 24 : i32
    %dma_start3A_202 = arith.constant 0 : i32
    %dma_start3A_203 = tpu.memref_slice %arg5[%add3A_197, %dma_start3A_201, %dma_start3A_202] : memref<4096x64x128xf32, #tpu.memory_space<hbm>> -> memref<8x40x128xf32, #tpu.memory_space<hbm>>
    tpu.enqueue_dma source(%arg6 : memref<8x40x128xf32, #tpu.memory_space<vmem>>) target(%dma_start3A_203 : memref<8x40x128xf32, #tpu.memory_space<hbm>>) target_semaphore(%arg10 : memref<!tpu.dma_semaphore, #tpu.memory_space<semaphore_mem>>)
    %dma_wait3A_204 = arith.constant 0 : i32
    %dma_wait3A_205 = arith.constant 0 : i32
    %dma_wait3A_206 = arith.constant 0 : i32
    %dma_wait3A_207 = arith.constant 0 : i32
    %dma_wait3A_208 = tpu.memref_slice %arg7[%dma_wait3A_204, %dma_wait3A_205, %dma_wait3A_206, %dma_wait3A_207] : memref<3x8x24x128xf32, #tpu.memory_space<vmem>> -> memref<1x8x24x128xf32, #tpu.memory_space<vmem>>
    %dma_wait3A_209 = tpu.memref_squeeze %dma_wait3A_208 : memref<1x8x24x128xf32, #tpu.memory_space<vmem>> -> memref<8x24x128xf32, #tpu.memory_space<vmem>>
    %dma_wait3A_210 = arith.constant 0 : i32
    %dma_wait3A_211 = arith.constant 0 : i32
    %dma_wait3A_212 = arith.constant 0 : i32
    %dma_wait3A_213 = tpu.memref_slice %dma_wait3A_209[%dma_wait3A_210, %dma_wait3A_211, %dma_wait3A_212] : memref<8x24x128xf32, #tpu.memory_space<vmem>> -> memref<8x19x128xf32, #tpu.memory_space<vmem>>
    %dma_wait3A_214 = arith.constant 0 : i32
    %dma_wait3A_215 = arith.constant 0 : i32
    %dma_wait3A_216 = tpu.memref_slice %arg2[%add3A_60, %dma_wait3A_214, %dma_wait3A_215] : memref<4096x19x128xf32, #tpu.memory_space<hbm>> -> memref<8x19x128xf32, #tpu.memory_space<hbm>>
    %dma_wait3A_217 = arith.constant 0 : i32
    %dma_wait3A_218 = arith.constant 0 : i32
    %dma_wait3A_219 = arith.constant 0 : i32
    %dma_wait3A_220 = tpu.memref_slice %arg7[%dma_wait3A_204, %dma_wait3A_217, %dma_wait3A_218, %dma_wait3A_219] : memref<3x8x24x128xf32, #tpu.memory_space<vmem>> -> memref<1x8x24x128xf32, #tpu.memory_space<vmem>>
    %dma_wait3A_221 = tpu.memref_squeeze %dma_wait3A_220 : memref<1x8x24x128xf32, #tpu.memory_space<vmem>> -> memref<8x24x128xf32, #tpu.memory_space<vmem>>
    %dma_wait3A_222 = arith.constant 0 : i32
    %dma_wait3A_223 = arith.constant 0 : i32
    %dma_wait3A_224 = arith.constant 0 : i32
    %dma_wait3A_225 = tpu.memref_slice %dma_wait3A_221[%dma_wait3A_222, %dma_wait3A_223, %dma_wait3A_224] : memref<8x24x128xf32, #tpu.memory_space<vmem>> -> memref<8x19x128xf32, #tpu.memory_space<vmem>>
    %dma_wait3A_226 = arith.constant 0 : i32
    %dma_wait3A_227 = arith.constant 0 : i32
    %dma_wait3A_228 = tpu.memref_slice %arg2[%add3A_60, %dma_wait3A_226, %dma_wait3A_227] : memref<4096x19x128xf32, #tpu.memory_space<hbm>> -> memref<8x19x128xf32, #tpu.memory_space<hbm>>
    tpu.wait_dma2 semaphore(%arg8 : memref<!tpu.dma_semaphore, #tpu.memory_space<semaphore_mem>>) src(%dma_wait3A_228 : memref<8x19x128xf32, #tpu.memory_space<hbm>>) dst(%dma_wait3A_225 : memref<8x19x128xf32, #tpu.memory_space<vmem>>)
    %dma_start3A_229 = arith.constant 0 : i32
    %dma_start3A_230 = arith.constant 0 : i32
    %dma_start3A_231 = arith.constant 0 : i32
    %dma_start3A_232 = arith.constant 0 : i32
    %dma_start3A_233 = tpu.memref_slice %arg7[%dma_start3A_229, %dma_start3A_230, %dma_start3A_231, %dma_start3A_232] : memref<3x8x24x128xf32, #tpu.memory_space<vmem>> -> memref<1x8x24x128xf32, #tpu.memory_space<vmem>>
    %dma_start3A_234 = tpu.memref_squeeze %dma_start3A_233 : memref<1x8x24x128xf32, #tpu.memory_space<vmem>> -> memref<8x24x128xf32, #tpu.memory_space<vmem>>
    %dma_start3A_235 = arith.constant 0 : i32
    %dma_start3A_236 = arith.constant 0 : i32
    %dma_start3A_237 = tpu.memref_slice %arg5[%add3A_197, %dma_start3A_235, %dma_start3A_236] : memref<4096x64x128xf32, #tpu.memory_space<hbm>> -> memref<8x24x128xf32, #tpu.memory_space<hbm>>
    %dma_start3A_238 = arith.constant 0 : i32
    %dma_start3A_239 = arith.constant 0 : i32
    %dma_start3A_240 = tpu.memref_slice %arg5[%add3A_197, %dma_start3A_238, %dma_start3A_239] : memref<4096x64x128xf32, #tpu.memory_space<hbm>> -> memref<8x24x128xf32, #tpu.memory_space<hbm>>
    %dma_start3A_241 = arith.constant 0 : i32
    %dma_start3A_242 = arith.constant 0 : i32
    %dma_start3A_243 = arith.constant 0 : i32
    %dma_start3A_244 = tpu.memref_slice %arg7[%dma_start3A_229, %dma_start3A_241, %dma_start3A_242, %dma_start3A_243] : memref<3x8x24x128xf32, #tpu.memory_space<vmem>> -> memref<1x8x24x128xf32, #tpu.memory_space<vmem>>
    %dma_start3A_245 = tpu.memref_squeeze %dma_start3A_244 : memref<1x8x24x128xf32, #tpu.memory_space<vmem>> -> memref<8x24x128xf32, #tpu.memory_space<vmem>>
    tpu.enqueue_dma source(%dma_start3A_245 : memref<8x24x128xf32, #tpu.memory_space<vmem>>) target(%dma_start3A_240 : memref<8x24x128xf32, #tpu.memory_space<hbm>>) target_semaphore(%arg9 : memref<!tpu.dma_semaphore, #tpu.memory_space<semaphore_mem>>)
    %dma_wait3A_246 = arith.constant 0 : i32
    %dma_wait3A_247 = arith.constant 0 : i32
    %dma_wait3A_248 = arith.constant 0 : i32
    %dma_wait3A_249 = arith.constant 0 : i32
    %dma_wait3A_250 = tpu.memref_slice %arg7[%dma_wait3A_246, %dma_wait3A_247, %dma_wait3A_248, %dma_wait3A_249] : memref<3x8x24x128xf32, #tpu.memory_space<vmem>> -> memref<1x8x24x128xf32, #tpu.memory_space<vmem>>
    %dma_wait3A_251 = tpu.memref_squeeze %dma_wait3A_250 : memref<1x8x24x128xf32, #tpu.memory_space<vmem>> -> memref<8x24x128xf32, #tpu.memory_space<vmem>>
    %dma_wait3A_252 = arith.constant 0 : i32
    %dma_wait3A_253 = arith.constant 0 : i32
    %dma_wait3A_254 = tpu.memref_slice %arg5[%add3A_197, %dma_wait3A_252, %dma_wait3A_253] : memref<4096x64x128xf32, #tpu.memory_space<hbm>> -> memref<8x24x128xf32, #tpu.memory_space<hbm>>
    %dma_wait3A_255 = arith.constant 0 : i32
    %dma_wait3A_256 = arith.constant 0 : i32
    %dma_wait3A_257 = tpu.memref_slice %arg5[%add3A_197, %dma_wait3A_255, %dma_wait3A_256] : memref<4096x64x128xf32, #tpu.memory_space<hbm>> -> memref<8x24x128xf32, #tpu.memory_space<hbm>>
    %dma_wait3A_258 = arith.constant 0 : i32
    %dma_wait3A_259 = arith.constant 0 : i32
    %dma_wait3A_260 = arith.constant 0 : i32
    %dma_wait3A_261 = tpu.memref_slice %arg7[%dma_wait3A_246, %dma_wait3A_258, %dma_wait3A_259, %dma_wait3A_260] : memref<3x8x24x128xf32, #tpu.memory_space<vmem>> -> memref<1x8x24x128xf32, #tpu.memory_space<vmem>>
    %dma_wait3A_262 = tpu.memref_squeeze %dma_wait3A_261 : memref<1x8x24x128xf32, #tpu.memory_space<vmem>> -> memref<8x24x128xf32, #tpu.memory_space<vmem>>
    tpu.wait_dma2 semaphore(%arg9 : memref<!tpu.dma_semaphore, #tpu.memory_space<semaphore_mem>>) src(%dma_wait3A_262 : memref<8x24x128xf32, #tpu.memory_space<vmem>>) dst(%dma_wait3A_257 : memref<8x24x128xf32, #tpu.memory_space<hbm>>)
    %add3A_263 = arith.constant 24 : i32
    %add3A_264 = arith.addi %mul3A_2, %add3A_263 : i32
    %dma_start3A_265 = arith.constant 0 : i32
    %dma_start3A_266 = arith.constant 0 : i32
    %dma_start3A_267 = arith.constant 0 : i32
    %dma_start3A_268 = arith.constant 0 : i32
    %dma_start3A_269 = tpu.memref_slice %arg7[%dma_start3A_265, %dma_start3A_266, %dma_start3A_267, %dma_start3A_268] : memref<3x8x24x128xf32, #tpu.memory_space<vmem>> -> memref<1x8x24x128xf32, #tpu.memory_space<vmem>>
    %dma_start3A_270 = tpu.memref_squeeze %dma_start3A_269 : memref<1x8x24x128xf32, #tpu.memory_space<vmem>> -> memref<8x24x128xf32, #tpu.memory_space<vmem>>
    %dma_start3A_271 = arith.constant 0 : i32
    %dma_start3A_272 = arith.constant 0 : i32
    %dma_start3A_273 = arith.constant 0 : i32
    %dma_start3A_274 = tpu.memref_slice %dma_start3A_270[%dma_start3A_271, %dma_start3A_272, %dma_start3A_273] : memref<8x24x128xf32, #tpu.memory_space<vmem>> -> memref<8x19x128xf32, #tpu.memory_space<vmem>>
    %dma_start3A_275 = arith.constant 0 : i32
    %dma_start3A_276 = arith.constant 0 : i32
    %dma_start3A_277 = tpu.memref_slice %arg2[%add3A_264, %dma_start3A_275, %dma_start3A_276] : memref<4096x19x128xf32, #tpu.memory_space<hbm>> -> memref<8x19x128xf32, #tpu.memory_space<hbm>>
    %dma_start3A_278 = arith.constant 0 : i32
    %dma_start3A_279 = arith.constant 0 : i32
    %dma_start3A_280 = arith.constant 0 : i32
    %dma_start3A_281 = tpu.memref_slice %arg7[%dma_start3A_265, %dma_start3A_278, %dma_start3A_279, %dma_start3A_280] : memref<3x8x24x128xf32, #tpu.memory_space<vmem>> -> memref<1x8x24x128xf32, #tpu.memory_space<vmem>>
    %dma_start3A_282 = tpu.memref_squeeze %dma_start3A_281 : memref<1x8x24x128xf32, #tpu.memory_space<vmem>> -> memref<8x24x128xf32, #tpu.memory_space<vmem>>
    %dma_start3A_283 = arith.constant 0 : i32
    %dma_start3A_284 = arith.constant 0 : i32
    %dma_start3A_285 = arith.constant 0 : i32
    %dma_start3A_286 = tpu.memref_slice %dma_start3A_282[%dma_start3A_283, %dma_start3A_284, %dma_start3A_285] : memref<8x24x128xf32, #tpu.memory_space<vmem>> -> memref<8x19x128xf32, #tpu.memory_space<vmem>>
    %dma_start3A_287 = arith.constant 0 : i32
    %dma_start3A_288 = arith.constant 0 : i32
    %dma_start3A_289 = tpu.memref_slice %arg2[%add3A_264, %dma_start3A_287, %dma_start3A_288] : memref<4096x19x128xf32, #tpu.memory_space<hbm>> -> memref<8x19x128xf32, #tpu.memory_space<hbm>>
    tpu.enqueue_dma source(%dma_start3A_289 : memref<8x19x128xf32, #tpu.memory_space<hbm>>) target(%dma_start3A_286 : memref<8x19x128xf32, #tpu.memory_space<vmem>>) target_semaphore(%arg8 : memref<!tpu.dma_semaphore, #tpu.memory_space<semaphore_mem>>)
    %add3A_290 = arith.constant 8 : i32
    %add3A_291 = arith.addi %mul3A_2, %add3A_290 : i32
    %dma_start3A_292 = arith.constant 24 : i32
    %dma_start3A_293 = arith.constant 0 : i32
    %dma_start3A_294 = tpu.memref_slice %arg5[%add3A_291, %dma_start3A_292, %dma_start3A_293] : memref<4096x64x128xf32, #tpu.memory_space<hbm>> -> memref<8x40x128xf32, #tpu.memory_space<hbm>>
    %dma_start3A_295 = arith.constant 24 : i32
    %dma_start3A_296 = arith.constant 0 : i32
    %dma_start3A_297 = tpu.memref_slice %arg5[%add3A_291, %dma_start3A_295, %dma_start3A_296] : memref<4096x64x128xf32, #tpu.memory_space<hbm>> -> memref<8x40x128xf32, #tpu.memory_space<hbm>>
    tpu.enqueue_dma source(%arg6 : memref<8x40x128xf32, #tpu.memory_space<vmem>>) target(%dma_start3A_297 : memref<8x40x128xf32, #tpu.memory_space<hbm>>) target_semaphore(%arg10 : memref<!tpu.dma_semaphore, #tpu.memory_space<semaphore_mem>>)
    %dma_wait3A_298 = arith.constant 1 : i32
    %dma_wait3A_299 = arith.constant 0 : i32
    %dma_wait3A_300 = arith.constant 0 : i32
    %dma_wait3A_301 = arith.constant 0 : i32
    %dma_wait3A_302 = tpu.memref_slice %arg7[%dma_wait3A_298, %dma_wait3A_299, %dma_wait3A_300, %dma_wait3A_301] : memref<3x8x24x128xf32, #tpu.memory_space<vmem>> -> memref<1x8x24x128xf32, #tpu.memory_space<vmem>>
    %dma_wait3A_303 = tpu.memref_squeeze %dma_wait3A_302 : memref<1x8x24x128xf32, #tpu.memory_space<vmem>> -> memref<8x24x128xf32, #tpu.memory_space<vmem>>
    %dma_wait3A_304 = arith.constant 0 : i32
    %dma_wait3A_305 = arith.constant 0 : i32
    %dma_wait3A_306 = arith.constant 0 : i32
    %dma_wait3A_307 = tpu.memref_slice %dma_wait3A_303[%dma_wait3A_304, %dma_wait3A_305, %dma_wait3A_306] : memref<8x24x128xf32, #tpu.memory_space<vmem>> -> memref<8x19x128xf32, #tpu.memory_space<vmem>>
    %dma_wait3A_308 = arith.constant 0 : i32
    %dma_wait3A_309 = arith.constant 0 : i32
    %dma_wait3A_310 = tpu.memref_slice %arg2[%add3A_87, %dma_wait3A_308, %dma_wait3A_309] : memref<4096x19x128xf32, #tpu.memory_space<hbm>> -> memref<8x19x128xf32, #tpu.memory_space<hbm>>
    %dma_wait3A_311 = arith.constant 0 : i32
    %dma_wait3A_312 = arith.constant 0 : i32
    %dma_wait3A_313 = arith.constant 0 : i32
    %dma_wait3A_314 = tpu.memref_slice %arg7[%dma_wait3A_298, %dma_wait3A_311, %dma_wait3A_312, %dma_wait3A_313] : memref<3x8x24x128xf32, #tpu.memory_space<vmem>> -> memref<1x8x24x128xf32, #tpu.memory_space<vmem>>
    %dma_wait3A_315 = tpu.memref_squeeze %dma_wait3A_314 : memref<1x8x24x128xf32, #tpu.memory_space<vmem>> -> memref<8x24x128xf32, #tpu.memory_space<vmem>>
    %dma_wait3A_316 = arith.constant 0 : i32
    %dma_wait3A_317 = arith.constant 0 : i32
    %dma_wait3A_318 = arith.constant 0 : i32
    %dma_wait3A_319 = tpu.memref_slice %dma_wait3A_315[%dma_wait3A_316, %dma_wait3A_317, %dma_wait3A_318] : memref<8x24x128xf32, #tpu.memory_space<vmem>> -> memref<8x19x128xf32, #tpu.memory_space<vmem>>
    %dma_wait3A_320 = arith.constant 0 : i32
    %dma_wait3A_321 = arith.constant 0 : i32
    %dma_wait3A_322 = tpu.memref_slice %arg2[%add3A_87, %dma_wait3A_320, %dma_wait3A_321] : memref<4096x19x128xf32, #tpu.memory_space<hbm>> -> memref<8x19x128xf32, #tpu.memory_space<hbm>>
    tpu.wait_dma2 semaphore(%arg8 : memref<!tpu.dma_semaphore, #tpu.memory_space<semaphore_mem>>) src(%dma_wait3A_322 : memref<8x19x128xf32, #tpu.memory_space<hbm>>) dst(%dma_wait3A_319 : memref<8x19x128xf32, #tpu.memory_space<vmem>>)
    %dma_start3A_323 = arith.constant 1 : i32
    %dma_start3A_324 = arith.constant 0 : i32
    %dma_start3A_325 = arith.constant 0 : i32
    %dma_start3A_326 = arith.constant 0 : i32
    %dma_start3A_327 = tpu.memref_slice %arg7[%dma_start3A_323, %dma_start3A_324, %dma_start3A_325, %dma_start3A_326] : memref<3x8x24x128xf32, #tpu.memory_space<vmem>> -> memref<1x8x24x128xf32, #tpu.memory_space<vmem>>
    %dma_start3A_328 = tpu.memref_squeeze %dma_start3A_327 : memref<1x8x24x128xf32, #tpu.memory_space<vmem>> -> memref<8x24x128xf32, #tpu.memory_space<vmem>>
    %dma_start3A_329 = arith.constant 0 : i32
    %dma_start3A_330 = arith.constant 0 : i32
    %dma_start3A_331 = tpu.memref_slice %arg5[%add3A_291, %dma_start3A_329, %dma_start3A_330] : memref<4096x64x128xf32, #tpu.memory_space<hbm>> -> memref<8x24x128xf32, #tpu.memory_space<hbm>>
    %dma_start3A_332 = arith.constant 0 : i32
    %dma_start3A_333 = arith.constant 0 : i32
    %dma_start3A_334 = tpu.memref_slice %arg5[%add3A_291, %dma_start3A_332, %dma_start3A_333] : memref<4096x64x128xf32, #tpu.memory_space<hbm>> -> memref<8x24x128xf32, #tpu.memory_space<hbm>>
    %dma_start3A_335 = arith.constant 0 : i32
    %dma_start3A_336 = arith.constant 0 : i32
    %dma_start3A_337 = arith.constant 0 : i32
    %dma_start3A_338 = tpu.memref_slice %arg7[%dma_start3A_323, %dma_start3A_335, %dma_start3A_336, %dma_start3A_337] : memref<3x8x24x128xf32, #tpu.memory_space<vmem>> -> memref<1x8x24x128xf32, #tpu.memory_space<vmem>>
    %dma_start3A_339 = tpu.memref_squeeze %dma_start3A_338 : memref<1x8x24x128xf32, #tpu.memory_space<vmem>> -> memref<8x24x128xf32, #tpu.memory_space<vmem>>
    tpu.enqueue_dma source(%dma_start3A_339 : memref<8x24x128xf32, #tpu.memory_space<vmem>>) target(%dma_start3A_334 : memref<8x24x128xf32, #tpu.memory_space<hbm>>) target_semaphore(%arg9 : memref<!tpu.dma_semaphore, #tpu.memory_space<semaphore_mem>>)
    %dma_wait3A_340 = arith.constant 1 : i32
    %dma_wait3A_341 = arith.constant 0 : i32
    %dma_wait3A_342 = arith.constant 0 : i32
    %dma_wait3A_343 = arith.constant 0 : i32
    %dma_wait3A_344 = tpu.memref_slice %arg7[%dma_wait3A_340, %dma_wait3A_341, %dma_wait3A_342, %dma_wait3A_343] : memref<3x8x24x128xf32, #tpu.memory_space<vmem>> -> memref<1x8x24x128xf32, #tpu.memory_space<vmem>>
    %dma_wait3A_345 = tpu.memref_squeeze %dma_wait3A_344 : memref<1x8x24x128xf32, #tpu.memory_space<vmem>> -> memref<8x24x128xf32, #tpu.memory_space<vmem>>
    %dma_wait3A_346 = arith.constant 0 : i32
    %dma_wait3A_347 = arith.constant 0 : i32
    %dma_wait3A_348 = tpu.memref_slice %arg5[%add3A_291, %dma_wait3A_346, %dma_wait3A_347] : memref<4096x64x128xf32, #tpu.memory_space<hbm>> -> memref<8x24x128xf32, #tpu.memory_space<hbm>>
    %dma_wait3A_349 = arith.constant 0 : i32
    %dma_wait3A_350 = arith.constant 0 : i32
    %dma_wait3A_351 = tpu.memref_slice %arg5[%add3A_291, %dma_wait3A_349, %dma_wait3A_350] : memref<4096x64x128xf32, #tpu.memory_space<hbm>> -> memref<8x24x128xf32, #tpu.memory_space<hbm>>
    %dma_wait3A_352 = arith.constant 0 : i32
    %dma_wait3A_353 = arith.constant 0 : i32
    %dma_wait3A_354 = arith.constant 0 : i32
    %dma_wait3A_355 = tpu.memref_slice %arg7[%dma_wait3A_340, %dma_wait3A_352, %dma_wait3A_353, %dma_wait3A_354] : memref<3x8x24x128xf32, #tpu.memory_space<vmem>> -> memref<1x8x24x128xf32, #tpu.memory_space<vmem>>
    %dma_wait3A_356 = tpu.memref_squeeze %dma_wait3A_355 : memref<1x8x24x128xf32, #tpu.memory_space<vmem>> -> memref<8x24x128xf32, #tpu.memory_space<vmem>>
    tpu.wait_dma2 semaphore(%arg9 : memref<!tpu.dma_semaphore, #tpu.memory_space<semaphore_mem>>) src(%dma_wait3A_356 : memref<8x24x128xf32, #tpu.memory_space<vmem>>) dst(%dma_wait3A_351 : memref<8x24x128xf32, #tpu.memory_space<hbm>>)
    %add3A_357 = arith.constant 32 : i32
    %add3A_358 = arith.addi %mul3A_2, %add3A_357 : i32
    %dma_start3A_359 = arith.constant 1 : i32
    %dma_start3A_360 = arith.constant 0 : i32
    %dma_start3A_361 = arith.constant 0 : i32
    %dma_start3A_362 = arith.constant 0 : i32
    %dma_start3A_363 = tpu.memref_slice %arg7[%dma_start3A_359, %dma_start3A_360, %dma_start3A_361, %dma_start3A_362] : memref<3x8x24x128xf32, #tpu.memory_space<vmem>> -> memref<1x8x24x128xf32, #tpu.memory_space<vmem>>
    %dma_start3A_364 = tpu.memref_squeeze %dma_start3A_363 : memref<1x8x24x128xf32, #tpu.memory_space<vmem>> -> memref<8x24x128xf32, #tpu.memory_space<vmem>>
    %dma_start3A_365 = arith.constant 0 : i32
    %dma_start3A_366 = arith.constant 0 : i32
    %dma_start3A_367 = arith.constant 0 : i32
    %dma_start3A_368 = tpu.memref_slice %dma_start3A_364[%dma_start3A_365, %dma_start3A_366, %dma_start3A_367] : memref<8x24x128xf32, #tpu.memory_space<vmem>> -> memref<8x19x128xf32, #tpu.memory_space<vmem>>
    %dma_start3A_369 = arith.constant 0 : i32
    %dma_start3A_370 = arith.constant 0 : i32
    %dma_start3A_371 = tpu.memref_slice %arg2[%add3A_358, %dma_start3A_369, %dma_start3A_370] : memref<4096x19x128xf32, #tpu.memory_space<hbm>> -> memref<8x19x128xf32, #tpu.memory_space<hbm>>
    %dma_start3A_372 = arith.constant 0 : i32
    %dma_start3A_373 = arith.constant 0 : i32
    %dma_start3A_374 = arith.constant 0 : i32
    %dma_start3A_375 = tpu.memref_slice %arg7[%dma_start3A_359, %dma_start3A_372, %dma_start3A_373, %dma_start3A_374] : memref<3x8x24x128xf32, #tpu.memory_space<vmem>> -> memref<1x8x24x128xf32, #tpu.memory_space<vmem>>
    %dma_start3A_376 = tpu.memref_squeeze %dma_start3A_375 : memref<1x8x24x128xf32, #tpu.memory_space<vmem>> -> memref<8x24x128xf32, #tpu.memory_space<vmem>>
    %dma_start3A_377 = arith.constant 0 : i32
    %dma_start3A_378 = arith.constant 0 : i32
    %dma_start3A_379 = arith.constant 0 : i32
    %dma_start3A_380 = tpu.memref_slice %dma_start3A_376[%dma_start3A_377, %dma_start3A_378, %dma_start3A_379] : memref<8x24x128xf32, #tpu.memory_space<vmem>> -> memref<8x19x128xf32, #tpu.memory_space<vmem>>
    %dma_start3A_381 = arith.constant 0 : i32
    %dma_start3A_382 = arith.constant 0 : i32
    %dma_start3A_383 = tpu.memref_slice %arg2[%add3A_358, %dma_start3A_381, %dma_start3A_382] : memref<4096x19x128xf32, #tpu.memory_space<hbm>> -> memref<8x19x128xf32, #tpu.memory_space<hbm>>
    tpu.enqueue_dma source(%dma_start3A_383 : memref<8x19x128xf32, #tpu.memory_space<hbm>>) target(%dma_start3A_380 : memref<8x19x128xf32, #tpu.memory_space<vmem>>) target_semaphore(%arg8 : memref<!tpu.dma_semaphore, #tpu.memory_space<semaphore_mem>>)
    %add3A_384 = arith.constant 16 : i32
    %add3A_385 = arith.addi %mul3A_2, %add3A_384 : i32
    %dma_start3A_386 = arith.constant 24 : i32
    %dma_start3A_387 = arith.constant 0 : i32
    %dma_start3A_388 = tpu.memref_slice %arg5[%add3A_385, %dma_start3A_386, %dma_start3A_387] : memref<4096x64x128xf32, #tpu.memory_space<hbm>> -> memref<8x40x128xf32, #tpu.memory_space<hbm>>
    %dma_start3A_389 = arith.constant 24 : i32
    %dma_start3A_390 = arith.constant 0 : i32
    %dma_start3A_391 = tpu.memref_slice %arg5[%add3A_385, %dma_start3A_389, %dma_start3A_390] : memref<4096x64x128xf32, #tpu.memory_space<hbm>> -> memref<8x40x128xf32, #tpu.memory_space<hbm>>
    tpu.enqueue_dma source(%arg6 : memref<8x40x128xf32, #tpu.memory_space<vmem>>) target(%dma_start3A_391 : memref<8x40x128xf32, #tpu.memory_space<hbm>>) target_semaphore(%arg10 : memref<!tpu.dma_semaphore, #tpu.memory_space<semaphore_mem>>)
    %dma_wait3A_392 = arith.constant 2 : i32
    %dma_wait3A_393 = arith.constant 0 : i32
    %dma_wait3A_394 = arith.constant 0 : i32
    %dma_wait3A_395 = arith.constant 0 : i32
    %dma_wait3A_396 = tpu.memref_slice %arg7[%dma_wait3A_392, %dma_wait3A_393, %dma_wait3A_394, %dma_wait3A_395] : memref<3x8x24x128xf32, #tpu.memory_space<vmem>> -> memref<1x8x24x128xf32, #tpu.memory_space<vmem>>
    %dma_wait3A_397 = tpu.memref_squeeze %dma_wait3A_396 : memref<1x8x24x128xf32, #tpu.memory_space<vmem>> -> memref<8x24x128xf32, #tpu.memory_space<vmem>>
    %dma_wait3A_398 = arith.constant 0 : i32
    %dma_wait3A_399 = arith.constant 0 : i32
    %dma_wait3A_400 = arith.constant 0 : i32
    %dma_wait3A_401 = tpu.memref_slice %dma_wait3A_397[%dma_wait3A_398, %dma_wait3A_399, %dma_wait3A_400] : memref<8x24x128xf32, #tpu.memory_space<vmem>> -> memref<8x19x128xf32, #tpu.memory_space<vmem>>
    %dma_wait3A_402 = arith.constant 0 : i32
    %dma_wait3A_403 = arith.constant 0 : i32
    %dma_wait3A_404 = tpu.memref_slice %arg2[%add3A_114, %dma_wait3A_402, %dma_wait3A_403] : memref<4096x19x128xf32, #tpu.memory_space<hbm>> -> memref<8x19x128xf32, #tpu.memory_space<hbm>>
    %dma_wait3A_405 = arith.constant 0 : i32
    %dma_wait3A_406 = arith.constant 0 : i32
    %dma_wait3A_407 = arith.constant 0 : i32
    %dma_wait3A_408 = tpu.memref_slice %arg7[%dma_wait3A_392, %dma_wait3A_405, %dma_wait3A_406, %dma_wait3A_407] : memref<3x8x24x128xf32, #tpu.memory_space<vmem>> -> memref<1x8x24x128xf32, #tpu.memory_space<vmem>>
    %dma_wait3A_409 = tpu.memref_squeeze %dma_wait3A_408 : memref<1x8x24x128xf32, #tpu.memory_space<vmem>> -> memref<8x24x128xf32, #tpu.memory_space<vmem>>
    %dma_wait3A_410 = arith.constant 0 : i32
    %dma_wait3A_411 = arith.constant 0 : i32
    %dma_wait3A_412 = arith.constant 0 : i32
    %dma_wait3A_413 = tpu.memref_slice %dma_wait3A_409[%dma_wait3A_410, %dma_wait3A_411, %dma_wait3A_412] : memref<8x24x128xf32, #tpu.memory_space<vmem>> -> memref<8x19x128xf32, #tpu.memory_space<vmem>>
    %dma_wait3A_414 = arith.constant 0 : i32
    %dma_wait3A_415 = arith.constant 0 : i32
    %dma_wait3A_416 = tpu.memref_slice %arg2[%add3A_114, %dma_wait3A_414, %dma_wait3A_415] : memref<4096x19x128xf32, #tpu.memory_space<hbm>> -> memref<8x19x128xf32, #tpu.memory_space<hbm>>
    tpu.wait_dma2 semaphore(%arg8 : memref<!tpu.dma_semaphore, #tpu.memory_space<semaphore_mem>>) src(%dma_wait3A_416 : memref<8x19x128xf32, #tpu.memory_space<hbm>>) dst(%dma_wait3A_413 : memref<8x19x128xf32, #tpu.memory_space<vmem>>)
    %dma_start3A_417 = arith.constant 2 : i32
    %dma_start3A_418 = arith.constant 0 : i32
    %dma_start3A_419 = arith.constant 0 : i32
    %dma_start3A_420 = arith.constant 0 : i32
    %dma_start3A_421 = tpu.memref_slice %arg7[%dma_start3A_417, %dma_start3A_418, %dma_start3A_419, %dma_start3A_420] : memref<3x8x24x128xf32, #tpu.memory_space<vmem>> -> memref<1x8x24x128xf32, #tpu.memory_space<vmem>>
    %dma_start3A_422 = tpu.memref_squeeze %dma_start3A_421 : memref<1x8x24x128xf32, #tpu.memory_space<vmem>> -> memref<8x24x128xf32, #tpu.memory_space<vmem>>
    %dma_start3A_423 = arith.constant 0 : i32
    %dma_start3A_424 = arith.constant 0 : i32
    %dma_start3A_425 = tpu.memref_slice %arg5[%add3A_385, %dma_start3A_423, %dma_start3A_424] : memref<4096x64x128xf32, #tpu.memory_space<hbm>> -> memref<8x24x128xf32, #tpu.memory_space<hbm>>
    %dma_start3A_426 = arith.constant 0 : i32
    %dma_start3A_427 = arith.constant 0 : i32
    %dma_start3A_428 = tpu.memref_slice %arg5[%add3A_385, %dma_start3A_426, %dma_start3A_427] : memref<4096x64x128xf32, #tpu.memory_space<hbm>> -> memref<8x24x128xf32, #tpu.memory_space<hbm>>
    %dma_start3A_429 = arith.constant 0 : i32
    %dma_start3A_430 = arith.constant 0 : i32
    %dma_start3A_431 = arith.constant 0 : i32
    %dma_start3A_432 = tpu.memref_slice %arg7[%dma_start3A_417, %dma_start3A_429, %dma_start3A_430, %dma_start3A_431] : memref<3x8x24x128xf32, #tpu.memory_space<vmem>> -> memref<1x8x24x128xf32, #tpu.memory_space<vmem>>
    %dma_start3A_433 = tpu.memref_squeeze %dma_start3A_432 : memref<1x8x24x128xf32, #tpu.memory_space<vmem>> -> memref<8x24x128xf32, #tpu.memory_space<vmem>>
    tpu.enqueue_dma source(%dma_start3A_433 : memref<8x24x128xf32, #tpu.memory_space<vmem>>) target(%dma_start3A_428 : memref<8x24x128xf32, #tpu.memory_space<hbm>>) target_semaphore(%arg9 : memref<!tpu.dma_semaphore, #tpu.memory_space<semaphore_mem>>)
    %dma_wait3A_434 = arith.constant 2 : i32
    %dma_wait3A_435 = arith.constant 0 : i32
    %dma_wait3A_436 = arith.constant 0 : i32
    %dma_wait3A_437 = arith.constant 0 : i32
    %dma_wait3A_438 = tpu.memref_slice %arg7[%dma_wait3A_434, %dma_wait3A_435, %dma_wait3A_436, %dma_wait3A_437] : memref<3x8x24x128xf32, #tpu.memory_space<vmem>> -> memref<1x8x24x128xf32, #tpu.memory_space<vmem>>
    %dma_wait3A_439 = tpu.memref_squeeze %dma_wait3A_438 : memref<1x8x24x128xf32, #tpu.memory_space<vmem>> -> memref<8x24x128xf32, #tpu.memory_space<vmem>>
    %dma_wait3A_440 = arith.constant 0 : i32
    %dma_wait3A_441 = arith.constant 0 : i32
    %dma_wait3A_442 = tpu.memref_slice %arg5[%add3A_385, %dma_wait3A_440, %dma_wait3A_441] : memref<4096x64x128xf32, #tpu.memory_space<hbm>> -> memref<8x24x128xf32, #tpu.memory_space<hbm>>
    %dma_wait3A_443 = arith.constant 0 : i32
    %dma_wait3A_444 = arith.constant 0 : i32
    %dma_wait3A_445 = tpu.memref_slice %arg5[%add3A_385, %dma_wait3A_443, %dma_wait3A_444] : memref<4096x64x128xf32, #tpu.memory_space<hbm>> -> memref<8x24x128xf32, #tpu.memory_space<hbm>>
    %dma_wait3A_446 = arith.constant 0 : i32
    %dma_wait3A_447 = arith.constant 0 : i32
    %dma_wait3A_448 = arith.constant 0 : i32
    %dma_wait3A_449 = tpu.memref_slice %arg7[%dma_wait3A_434, %dma_wait3A_446, %dma_wait3A_447, %dma_wait3A_448] : memref<3x8x24x128xf32, #tpu.memory_space<vmem>> -> memref<1x8x24x128xf32, #tpu.memory_space<vmem>>
    %dma_wait3A_450 = tpu.memref_squeeze %dma_wait3A_449 : memref<1x8x24x128xf32, #tpu.memory_space<vmem>> -> memref<8x24x128xf32, #tpu.memory_space<vmem>>
    tpu.wait_dma2 semaphore(%arg9 : memref<!tpu.dma_semaphore, #tpu.memory_space<semaphore_mem>>) src(%dma_wait3A_450 : memref<8x24x128xf32, #tpu.memory_space<vmem>>) dst(%dma_wait3A_445 : memref<8x24x128xf32, #tpu.memory_space<hbm>>)
    %add3A_451 = arith.constant 40 : i32
    %add3A_452 = arith.addi %mul3A_2, %add3A_451 : i32
    %dma_start3A_453 = arith.constant 2 : i32
    %dma_start3A_454 = arith.constant 0 : i32
    %dma_start3A_455 = arith.constant 0 : i32
    %dma_start3A_456 = arith.constant 0 : i32
    %dma_start3A_457 = tpu.memref_slice %arg7[%dma_start3A_453, %dma_start3A_454, %dma_start3A_455, %dma_start3A_456] : memref<3x8x24x128xf32, #tpu.memory_space<vmem>> -> memref<1x8x24x128xf32, #tpu.memory_space<vmem>>
    %dma_start3A_458 = tpu.memref_squeeze %dma_start3A_457 : memref<1x8x24x128xf32, #tpu.memory_space<vmem>> -> memref<8x24x128xf32, #tpu.memory_space<vmem>>
    %dma_start3A_459 = arith.constant 0 : i32
    %dma_start3A_460 = arith.constant 0 : i32
    %dma_start3A_461 = arith.constant 0 : i32
    %dma_start3A_462 = tpu.memref_slice %dma_start3A_458[%dma_start3A_459, %dma_start3A_460, %dma_start3A_461] : memref<8x24x128xf32, #tpu.memory_space<vmem>> -> memref<8x19x128xf32, #tpu.memory_space<vmem>>
    %dma_start3A_463 = arith.constant 0 : i32
    %dma_start3A_464 = arith.constant 0 : i32
    %dma_start3A_465 = tpu.memref_slice %arg2[%add3A_452, %dma_start3A_463, %dma_start3A_464] : memref<4096x19x128xf32, #tpu.memory_space<hbm>> -> memref<8x19x128xf32, #tpu.memory_space<hbm>>
    %dma_start3A_466 = arith.constant 0 : i32
    %dma_start3A_467 = arith.constant 0 : i32
    %dma_start3A_468 = arith.constant 0 : i32
    %dma_start3A_469 = tpu.memref_slice %arg7[%dma_start3A_453, %dma_start3A_466, %dma_start3A_467, %dma_start3A_468] : memref<3x8x24x128xf32, #tpu.memory_space<vmem>> -> memref<1x8x24x128xf32, #tpu.memory_space<vmem>>
    %dma_start3A_470 = tpu.memref_squeeze %dma_start3A_469 : memref<1x8x24x128xf32, #tpu.memory_space<vmem>> -> memref<8x24x128xf32, #tpu.memory_space<vmem>>
    %dma_start3A_471 = arith.constant 0 : i32
    %dma_start3A_472 = arith.constant 0 : i32
    %dma_start3A_473 = arith.constant 0 : i32
    %dma_start3A_474 = tpu.memref_slice %dma_start3A_470[%dma_start3A_471, %dma_start3A_472, %dma_start3A_473] : memref<8x24x128xf32, #tpu.memory_space<vmem>> -> memref<8x19x128xf32, #tpu.memory_space<vmem>>
    %dma_start3A_475 = arith.constant 0 : i32
    %dma_start3A_476 = arith.constant 0 : i32
    %dma_start3A_477 = tpu.memref_slice %arg2[%add3A_452, %dma_start3A_475, %dma_start3A_476] : memref<4096x19x128xf32, #tpu.memory_space<hbm>> -> memref<8x19x128xf32, #tpu.memory_space<hbm>>
    tpu.enqueue_dma source(%dma_start3A_477 : memref<8x19x128xf32, #tpu.memory_space<hbm>>) target(%dma_start3A_474 : memref<8x19x128xf32, #tpu.memory_space<vmem>>) target_semaphore(%arg8 : memref<!tpu.dma_semaphore, #tpu.memory_space<semaphore_mem>>)
    %add3A_478 = arith.constant 24 : i32
    %add3A_479 = arith.addi %mul3A_2, %add3A_478 : i32
    %dma_start3A_480 = arith.constant 24 : i32
    %dma_start3A_481 = arith.constant 0 : i32
    %dma_start3A_482 = tpu.memref_slice %arg5[%add3A_479, %dma_start3A_480, %dma_start3A_481] : memref<4096x64x128xf32, #tpu.memory_space<hbm>> -> memref<8x40x128xf32, #tpu.memory_space<hbm>>
    %dma_start3A_483 = arith.constant 24 : i32
    %dma_start3A_484 = arith.constant 0 : i32
    %dma_start3A_485 = tpu.memref_slice %arg5[%add3A_479, %dma_start3A_483, %dma_start3A_484] : memref<4096x64x128xf32, #tpu.memory_space<hbm>> -> memref<8x40x128xf32, #tpu.memory_space<hbm>>
    tpu.enqueue_dma source(%arg6 : memref<8x40x128xf32, #tpu.memory_space<vmem>>) target(%dma_start3A_485 : memref<8x40x128xf32, #tpu.memory_space<hbm>>) target_semaphore(%arg10 : memref<!tpu.dma_semaphore, #tpu.memory_space<semaphore_mem>>)
    %dma_wait3A_486 = arith.constant 0 : i32
    %dma_wait3A_487 = arith.constant 0 : i32
    %dma_wait3A_488 = arith.constant 0 : i32
    %dma_wait3A_489 = arith.constant 0 : i32
    %dma_wait3A_490 = tpu.memref_slice %arg7[%dma_wait3A_486, %dma_wait3A_487, %dma_wait3A_488, %dma_wait3A_489] : memref<3x8x24x128xf32, #tpu.memory_space<vmem>> -> memref<1x8x24x128xf32, #tpu.memory_space<vmem>>
    %dma_wait3A_491 = tpu.memref_squeeze %dma_wait3A_490 : memref<1x8x24x128xf32, #tpu.memory_space<vmem>> -> memref<8x24x128xf32, #tpu.memory_space<vmem>>
    %dma_wait3A_492 = arith.constant 0 : i32
    %dma_wait3A_493 = arith.constant 0 : i32
    %dma_wait3A_494 = arith.constant 0 : i32
    %dma_wait3A_495 = tpu.memref_slice %dma_wait3A_491[%dma_wait3A_492, %dma_wait3A_493, %dma_wait3A_494] : memref<8x24x128xf32, #tpu.memory_space<vmem>> -> memref<8x19x128xf32, #tpu.memory_space<vmem>>
    %dma_wait3A_496 = arith.constant 0 : i32
    %dma_wait3A_497 = arith.constant 0 : i32
    %dma_wait3A_498 = tpu.memref_slice %arg2[%add3A_264, %dma_wait3A_496, %dma_wait3A_497] : memref<4096x19x128xf32, #tpu.memory_space<hbm>> -> memref<8x19x128xf32, #tpu.memory_space<hbm>>
    %dma_wait3A_499 = arith.constant 0 : i32
    %dma_wait3A_500 = arith.constant 0 : i32
    %dma_wait3A_501 = arith.constant 0 : i32
    %dma_wait3A_502 = tpu.memref_slice %arg7[%dma_wait3A_486, %dma_wait3A_499, %dma_wait3A_500, %dma_wait3A_501] : memref<3x8x24x128xf32, #tpu.memory_space<vmem>> -> memref<1x8x24x128xf32, #tpu.memory_space<vmem>>
    %dma_wait3A_503 = tpu.memref_squeeze %dma_wait3A_502 : memref<1x8x24x128xf32, #tpu.memory_space<vmem>> -> memref<8x24x128xf32, #tpu.memory_space<vmem>>
    %dma_wait3A_504 = arith.constant 0 : i32
    %dma_wait3A_505 = arith.constant 0 : i32
    %dma_wait3A_506 = arith.constant 0 : i32
    %dma_wait3A_507 = tpu.memref_slice %dma_wait3A_503[%dma_wait3A_504, %dma_wait3A_505, %dma_wait3A_506] : memref<8x24x128xf32, #tpu.memory_space<vmem>> -> memref<8x19x128xf32, #tpu.memory_space<vmem>>
    %dma_wait3A_508 = arith.constant 0 : i32
    %dma_wait3A_509 = arith.constant 0 : i32
    %dma_wait3A_510 = tpu.memref_slice %arg2[%add3A_264, %dma_wait3A_508, %dma_wait3A_509] : memref<4096x19x128xf32, #tpu.memory_space<hbm>> -> memref<8x19x128xf32, #tpu.memory_space<hbm>>
    tpu.wait_dma2 semaphore(%arg8 : memref<!tpu.dma_semaphore, #tpu.memory_space<semaphore_mem>>) src(%dma_wait3A_510 : memref<8x19x128xf32, #tpu.memory_space<hbm>>) dst(%dma_wait3A_507 : memref<8x19x128xf32, #tpu.memory_space<vmem>>)
    %dma_start3A_511 = arith.constant 0 : i32
    %dma_start3A_512 = arith.constant 0 : i32
    %dma_start3A_513 = arith.constant 0 : i32
    %dma_start3A_514 = arith.constant 0 : i32
    %dma_start3A_515 = tpu.memref_slice %arg7[%dma_start3A_511, %dma_start3A_512, %dma_start3A_513, %dma_start3A_514] : memref<3x8x24x128xf32, #tpu.memory_space<vmem>> -> memref<1x8x24x128xf32, #tpu.memory_space<vmem>>
    %dma_start3A_516 = tpu.memref_squeeze %dma_start3A_515 : memref<1x8x24x128xf32, #tpu.memory_space<vmem>> -> memref<8x24x128xf32, #tpu.memory_space<vmem>>
    %dma_start3A_517 = arith.constant 0 : i32
    %dma_start3A_518 = arith.constant 0 : i32
    %dma_start3A_519 = tpu.memref_slice %arg5[%add3A_479, %dma_start3A_517, %dma_start3A_518] : memref<4096x64x128xf32, #tpu.memory_space<hbm>> -> memref<8x24x128xf32, #tpu.memory_space<hbm>>
    %dma_start3A_520 = arith.constant 0 : i32
    %dma_start3A_521 = arith.constant 0 : i32
    %dma_start3A_522 = tpu.memref_slice %arg5[%add3A_479, %dma_start3A_520, %dma_start3A_521] : memref<4096x64x128xf32, #tpu.memory_space<hbm>> -> memref<8x24x128xf32, #tpu.memory_space<hbm>>
    %dma_start3A_523 = arith.constant 0 : i32
    %dma_start3A_524 = arith.constant 0 : i32
    %dma_start3A_525 = arith.constant 0 : i32
    %dma_start3A_526 = tpu.memref_slice %arg7[%dma_start3A_511, %dma_start3A_523, %dma_start3A_524, %dma_start3A_525] : memref<3x8x24x128xf32, #tpu.memory_space<vmem>> -> memref<1x8x24x128xf32, #tpu.memory_space<vmem>>
    %dma_start3A_527 = tpu.memref_squeeze %dma_start3A_526 : memref<1x8x24x128xf32, #tpu.memory_space<vmem>> -> memref<8x24x128xf32, #tpu.memory_space<vmem>>
    tpu.enqueue_dma source(%dma_start3A_527 : memref<8x24x128xf32, #tpu.memory_space<vmem>>) target(%dma_start3A_522 : memref<8x24x128xf32, #tpu.memory_space<hbm>>) target_semaphore(%arg9 : memref<!tpu.dma_semaphore, #tpu.memory_space<semaphore_mem>>)
    %dma_wait3A_528 = arith.constant 0 : i32
    %dma_wait3A_529 = arith.constant 0 : i32
    %dma_wait3A_530 = arith.constant 0 : i32
    %dma_wait3A_531 = arith.constant 0 : i32
    %dma_wait3A_532 = tpu.memref_slice %arg7[%dma_wait3A_528, %dma_wait3A_529, %dma_wait3A_530, %dma_wait3A_531] : memref<3x8x24x128xf32, #tpu.memory_space<vmem>> -> memref<1x8x24x128xf32, #tpu.memory_space<vmem>>
    %dma_wait3A_533 = tpu.memref_squeeze %dma_wait3A_532 : memref<1x8x24x128xf32, #tpu.memory_space<vmem>> -> memref<8x24x128xf32, #tpu.memory_space<vmem>>
    %dma_wait3A_534 = arith.constant 0 : i32
    %dma_wait3A_535 = arith.constant 0 : i32
    %dma_wait3A_536 = tpu.memref_slice %arg5[%add3A_479, %dma_wait3A_534, %dma_wait3A_535] : memref<4096x64x128xf32, #tpu.memory_space<hbm>> -> memref<8x24x128xf32, #tpu.memory_space<hbm>>
    %dma_wait3A_537 = arith.constant 0 : i32
    %dma_wait3A_538 = arith.constant 0 : i32
    %dma_wait3A_539 = tpu.memref_slice %arg5[%add3A_479, %dma_wait3A_537, %dma_wait3A_538] : memref<4096x64x128xf32, #tpu.memory_space<hbm>> -> memref<8x24x128xf32, #tpu.memory_space<hbm>>
    %dma_wait3A_540 = arith.constant 0 : i32
    %dma_wait3A_541 = arith.constant 0 : i32
    %dma_wait3A_542 = arith.constant 0 : i32
    %dma_wait3A_543 = tpu.memref_slice %arg7[%dma_wait3A_528, %dma_wait3A_540, %dma_wait3A_541, %dma_wait3A_542] : memref<3x8x24x128xf32, #tpu.memory_space<vmem>> -> memref<1x8x24x128xf32, #tpu.memory_space<vmem>>
    %dma_wait3A_544 = tpu.memref_squeeze %dma_wait3A_543 : memref<1x8x24x128xf32, #tpu.memory_space<vmem>> -> memref<8x24x128xf32, #tpu.memory_space<vmem>>
    tpu.wait_dma2 semaphore(%arg9 : memref<!tpu.dma_semaphore, #tpu.memory_space<semaphore_mem>>) src(%dma_wait3A_544 : memref<8x24x128xf32, #tpu.memory_space<vmem>>) dst(%dma_wait3A_539 : memref<8x24x128xf32, #tpu.memory_space<hbm>>)
    %add3A_545 = arith.constant 48 : i32
    %add3A_546 = arith.addi %mul3A_2, %add3A_545 : i32
    %dma_start3A_547 = arith.constant 0 : i32
    %dma_start3A_548 = arith.constant 0 : i32
    %dma_start3A_549 = arith.constant 0 : i32
    %dma_start3A_550 = arith.constant 0 : i32
    %dma_start3A_551 = tpu.memref_slice %arg7[%dma_start3A_547, %dma_start3A_548, %dma_start3A_549, %dma_start3A_550] : memref<3x8x24x128xf32, #tpu.memory_space<vmem>> -> memref<1x8x24x128xf32, #tpu.memory_space<vmem>>
    %dma_start3A_552 = tpu.memref_squeeze %dma_start3A_551 : memref<1x8x24x128xf32, #tpu.memory_space<vmem>> -> memref<8x24x128xf32, #tpu.memory_space<vmem>>
    %dma_start3A_553 = arith.constant 0 : i32
    %dma_start3A_554 = arith.constant 0 : i32
    %dma_start3A_555 = arith.constant 0 : i32
    %dma_start3A_556 = tpu.memref_slice %dma_start3A_552[%dma_start3A_553, %dma_start3A_554, %dma_start3A_555] : memref<8x24x128xf32, #tpu.memory_space<vmem>> -> memref<8x19x128xf32, #tpu.memory_space<vmem>>
    %dma_start3A_557 = arith.constant 0 : i32
    %dma_start3A_558 = arith.constant 0 : i32
    %dma_start3A_559 = tpu.memref_slice %arg2[%add3A_546, %dma_start3A_557, %dma_start3A_558] : memref<4096x19x128xf32, #tpu.memory_space<hbm>> -> memref<8x19x128xf32, #tpu.memory_space<hbm>>
    %dma_start3A_560 = arith.constant 0 : i32
    %dma_start3A_561 = arith.constant 0 : i32
    %dma_start3A_562 = arith.constant 0 : i32
    %dma_start3A_563 = tpu.memref_slice %arg7[%dma_start3A_547, %dma_start3A_560, %dma_start3A_561, %dma_start3A_562] : memref<3x8x24x128xf32, #tpu.memory_space<vmem>> -> memref<1x8x24x128xf32, #tpu.memory_space<vmem>>
    %dma_start3A_564 = tpu.memref_squeeze %dma_start3A_563 : memref<1x8x24x128xf32, #tpu.memory_space<vmem>> -> memref<8x24x128xf32, #tpu.memory_space<vmem>>
    %dma_start3A_565 = arith.constant 0 : i32
    %dma_start3A_566 = arith.constant 0 : i32
    %dma_start3A_567 = arith.constant 0 : i32
    %dma_start3A_568 = tpu.memref_slice %dma_start3A_564[%dma_start3A_565, %dma_start3A_566, %dma_start3A_567] : memref<8x24x128xf32, #tpu.memory_space<vmem>> -> memref<8x19x128xf32, #tpu.memory_space<vmem>>
    %dma_start3A_569 = arith.constant 0 : i32
    %dma_start3A_570 = arith.constant 0 : i32
    %dma_start3A_571 = tpu.memref_slice %arg2[%add3A_546, %dma_start3A_569, %dma_start3A_570] : memref<4096x19x128xf32, #tpu.memory_space<hbm>> -> memref<8x19x128xf32, #tpu.memory_space<hbm>>
    tpu.enqueue_dma source(%dma_start3A_571 : memref<8x19x128xf32, #tpu.memory_space<hbm>>) target(%dma_start3A_568 : memref<8x19x128xf32, #tpu.memory_space<vmem>>) target_semaphore(%arg8 : memref<!tpu.dma_semaphore, #tpu.memory_space<semaphore_mem>>)
    %add3A_572 = arith.constant 32 : i32
    %add3A_573 = arith.addi %mul3A_2, %add3A_572 : i32
    %dma_start3A_574 = arith.constant 24 : i32
    %dma_start3A_575 = arith.constant 0 : i32
    %dma_start3A_576 = tpu.memref_slice %arg5[%add3A_573, %dma_start3A_574, %dma_start3A_575] : memref<4096x64x128xf32, #tpu.memory_space<hbm>> -> memref<8x40x128xf32, #tpu.memory_space<hbm>>
    %dma_start3A_577 = arith.constant 24 : i32
    %dma_start3A_578 = arith.constant 0 : i32
    %dma_start3A_579 = tpu.memref_slice %arg5[%add3A_573, %dma_start3A_577, %dma_start3A_578] : memref<4096x64x128xf32, #tpu.memory_space<hbm>> -> memref<8x40x128xf32, #tpu.memory_space<hbm>>
    tpu.enqueue_dma source(%arg6 : memref<8x40x128xf32, #tpu.memory_space<vmem>>) target(%dma_start3A_579 : memref<8x40x128xf32, #tpu.memory_space<hbm>>) target_semaphore(%arg10 : memref<!tpu.dma_semaphore, #tpu.memory_space<semaphore_mem>>)
    %dma_wait3A_580 = arith.constant 1 : i32
    %dma_wait3A_581 = arith.constant 0 : i32
    %dma_wait3A_582 = arith.constant 0 : i32
    %dma_wait3A_583 = arith.constant 0 : i32
    %dma_wait3A_584 = tpu.memref_slice %arg7[%dma_wait3A_580, %dma_wait3A_581, %dma_wait3A_582, %dma_wait3A_583] : memref<3x8x24x128xf32, #tpu.memory_space<vmem>> -> memref<1x8x24x128xf32, #tpu.memory_space<vmem>>
    %dma_wait3A_585 = tpu.memref_squeeze %dma_wait3A_584 : memref<1x8x24x128xf32, #tpu.memory_space<vmem>> -> memref<8x24x128xf32, #tpu.memory_space<vmem>>
    %dma_wait3A_586 = arith.constant 0 : i32
    %dma_wait3A_587 = arith.constant 0 : i32
    %dma_wait3A_588 = arith.constant 0 : i32
    %dma_wait3A_589 = tpu.memref_slice %dma_wait3A_585[%dma_wait3A_586, %dma_wait3A_587, %dma_wait3A_588] : memref<8x24x128xf32, #tpu.memory_space<vmem>> -> memref<8x19x128xf32, #tpu.memory_space<vmem>>
    %dma_wait3A_590 = arith.constant 0 : i32
    %dma_wait3A_591 = arith.constant 0 : i32
    %dma_wait3A_592 = tpu.memref_slice %arg2[%add3A_358, %dma_wait3A_590, %dma_wait3A_591] : memref<4096x19x128xf32, #tpu.memory_space<hbm>> -> memref<8x19x128xf32, #tpu.memory_space<hbm>>
    %dma_wait3A_593 = arith.constant 0 : i32
    %dma_wait3A_594 = arith.constant 0 : i32
    %dma_wait3A_595 = arith.constant 0 : i32
    %dma_wait3A_596 = tpu.memref_slice %arg7[%dma_wait3A_580, %dma_wait3A_593, %dma_wait3A_594, %dma_wait3A_595] : memref<3x8x24x128xf32, #tpu.memory_space<vmem>> -> memref<1x8x24x128xf32, #tpu.memory_space<vmem>>
    %dma_wait3A_597 = tpu.memref_squeeze %dma_wait3A_596 : memref<1x8x24x128xf32, #tpu.memory_space<vmem>> -> memref<8x24x128xf32, #tpu.memory_space<vmem>>
    %dma_wait3A_598 = arith.constant 0 : i32
    %dma_wait3A_599 = arith.constant 0 : i32
    %dma_wait3A_600 = arith.constant 0 : i32
    %dma_wait3A_601 = tpu.memref_slice %dma_wait3A_597[%dma_wait3A_598, %dma_wait3A_599, %dma_wait3A_600] : memref<8x24x128xf32, #tpu.memory_space<vmem>> -> memref<8x19x128xf32, #tpu.memory_space<vmem>>
    %dma_wait3A_602 = arith.constant 0 : i32
    %dma_wait3A_603 = arith.constant 0 : i32
    %dma_wait3A_604 = tpu.memref_slice %arg2[%add3A_358, %dma_wait3A_602, %dma_wait3A_603] : memref<4096x19x128xf32, #tpu.memory_space<hbm>> -> memref<8x19x128xf32, #tpu.memory_space<hbm>>
    tpu.wait_dma2 semaphore(%arg8 : memref<!tpu.dma_semaphore, #tpu.memory_space<semaphore_mem>>) src(%dma_wait3A_604 : memref<8x19x128xf32, #tpu.memory_space<hbm>>) dst(%dma_wait3A_601 : memref<8x19x128xf32, #tpu.memory_space<vmem>>)
    %dma_start3A_605 = arith.constant 1 : i32
    %dma_start3A_606 = arith.constant 0 : i32
    %dma_start3A_607 = arith.constant 0 : i32
    %dma_start3A_608 = arith.constant 0 : i32
    %dma_start3A_609 = tpu.memref_slice %arg7[%dma_start3A_605, %dma_start3A_606, %dma_start3A_607, %dma_start3A_608] : memref<3x8x24x128xf32, #tpu.memory_space<vmem>> -> memref<1x8x24x128xf32, #tpu.memory_space<vmem>>
    %dma_start3A_610 = tpu.memref_squeeze %dma_start3A_609 : memref<1x8x24x128xf32, #tpu.memory_space<vmem>> -> memref<8x24x128xf32, #tpu.memory_space<vmem>>
    %dma_start3A_611 = arith.constant 0 : i32
    %dma_start3A_612 = arith.constant 0 : i32
    %dma_start3A_613 = tpu.memref_slice %arg5[%add3A_573, %dma_start3A_611, %dma_start3A_612] : memref<4096x64x128xf32, #tpu.memory_space<hbm>> -> memref<8x24x128xf32, #tpu.memory_space<hbm>>
    %dma_start3A_614 = arith.constant 0 : i32
    %dma_start3A_615 = arith.constant 0 : i32
    %dma_start3A_616 = tpu.memref_slice %arg5[%add3A_573, %dma_start3A_614, %dma_start3A_615] : memref<4096x64x128xf32, #tpu.memory_space<hbm>> -> memref<8x24x128xf32, #tpu.memory_space<hbm>>
    %dma_start3A_617 = arith.constant 0 : i32
    %dma_start3A_618 = arith.constant 0 : i32
    %dma_start3A_619 = arith.constant 0 : i32
    %dma_start3A_620 = tpu.memref_slice %arg7[%dma_start3A_605, %dma_start3A_617, %dma_start3A_618, %dma_start3A_619] : memref<3x8x24x128xf32, #tpu.memory_space<vmem>> -> memref<1x8x24x128xf32, #tpu.memory_space<vmem>>
    %dma_start3A_621 = tpu.memref_squeeze %dma_start3A_620 : memref<1x8x24x128xf32, #tpu.memory_space<vmem>> -> memref<8x24x128xf32, #tpu.memory_space<vmem>>
    tpu.enqueue_dma source(%dma_start3A_621 : memref<8x24x128xf32, #tpu.memory_space<vmem>>) target(%dma_start3A_616 : memref<8x24x128xf32, #tpu.memory_space<hbm>>) target_semaphore(%arg9 : memref<!tpu.dma_semaphore, #tpu.memory_space<semaphore_mem>>)
    %dma_wait3A_622 = arith.constant 1 : i32
    %dma_wait3A_623 = arith.constant 0 : i32
    %dma_wait3A_624 = arith.constant 0 : i32
    %dma_wait3A_625 = arith.constant 0 : i32
    %dma_wait3A_626 = tpu.memref_slice %arg7[%dma_wait3A_622, %dma_wait3A_623, %dma_wait3A_624, %dma_wait3A_625] : memref<3x8x24x128xf32, #tpu.memory_space<vmem>> -> memref<1x8x24x128xf32, #tpu.memory_space<vmem>>
    %dma_wait3A_627 = tpu.memref_squeeze %dma_wait3A_626 : memref<1x8x24x128xf32, #tpu.memory_space<vmem>> -> memref<8x24x128xf32, #tpu.memory_space<vmem>>
    %dma_wait3A_628 = arith.constant 0 : i32
    %dma_wait3A_629 = arith.constant 0 : i32
    %dma_wait3A_630 = tpu.memref_slice %arg5[%add3A_573, %dma_wait3A_628, %dma_wait3A_629] : memref<4096x64x128xf32, #tpu.memory_space<hbm>> -> memref<8x24x128xf32, #tpu.memory_space<hbm>>
    %dma_wait3A_631 = arith.constant 0 : i32
    %dma_wait3A_632 = arith.constant 0 : i32
    %dma_wait3A_633 = tpu.memref_slice %arg5[%add3A_573, %dma_wait3A_631, %dma_wait3A_632] : memref<4096x64x128xf32, #tpu.memory_space<hbm>> -> memref<8x24x128xf32, #tpu.memory_space<hbm>>
    %dma_wait3A_634 = arith.constant 0 : i32
    %dma_wait3A_635 = arith.constant 0 : i32
    %dma_wait3A_636 = arith.constant 0 : i32
    %dma_wait3A_637 = tpu.memref_slice %arg7[%dma_wait3A_622, %dma_wait3A_634, %dma_wait3A_635, %dma_wait3A_636] : memref<3x8x24x128xf32, #tpu.memory_space<vmem>> -> memref<1x8x24x128xf32, #tpu.memory_space<vmem>>
    %dma_wait3A_638 = tpu.memref_squeeze %dma_wait3A_637 : memref<1x8x24x128xf32, #tpu.memory_space<vmem>> -> memref<8x24x128xf32, #tpu.memory_space<vmem>>
    tpu.wait_dma2 semaphore(%arg9 : memref<!tpu.dma_semaphore, #tpu.memory_space<semaphore_mem>>) src(%dma_wait3A_638 : memref<8x24x128xf32, #tpu.memory_space<vmem>>) dst(%dma_wait3A_633 : memref<8x24x128xf32, #tpu.memory_space<hbm>>)
    %add3A_639 = arith.constant 56 : i32
    %add3A_640 = arith.addi %mul3A_2, %add3A_639 : i32
    %dma_start3A_641 = arith.constant 1 : i32
    %dma_start3A_642 = arith.constant 0 : i32
    %dma_start3A_643 = arith.constant 0 : i32
    %dma_start3A_644 = arith.constant 0 : i32
    %dma_start3A_645 = tpu.memref_slice %arg7[%dma_start3A_641, %dma_start3A_642, %dma_start3A_643, %dma_start3A_644] : memref<3x8x24x128xf32, #tpu.memory_space<vmem>> -> memref<1x8x24x128xf32, #tpu.memory_space<vmem>>
    %dma_start3A_646 = tpu.memref_squeeze %dma_start3A_645 : memref<1x8x24x128xf32, #tpu.memory_space<vmem>> -> memref<8x24x128xf32, #tpu.memory_space<vmem>>
    %dma_start3A_647 = arith.constant 0 : i32
    %dma_start3A_648 = arith.constant 0 : i32
    %dma_start3A_649 = arith.constant 0 : i32
    %dma_start3A_650 = tpu.memref_slice %dma_start3A_646[%dma_start3A_647, %dma_start3A_648, %dma_start3A_649] : memref<8x24x128xf32, #tpu.memory_space<vmem>> -> memref<8x19x128xf32, #tpu.memory_space<vmem>>
    %dma_start3A_651 = arith.constant 0 : i32
    %dma_start3A_652 = arith.constant 0 : i32
    %dma_start3A_653 = tpu.memref_slice %arg2[%add3A_640, %dma_start3A_651, %dma_start3A_652] : memref<4096x19x128xf32, #tpu.memory_space<hbm>> -> memref<8x19x128xf32, #tpu.memory_space<hbm>>
    %dma_start3A_654 = arith.constant 0 : i32
    %dma_start3A_655 = arith.constant 0 : i32
    %dma_start3A_656 = arith.constant 0 : i32
    %dma_start3A_657 = tpu.memref_slice %arg7[%dma_start3A_641, %dma_start3A_654, %dma_start3A_655, %dma_start3A_656] : memref<3x8x24x128xf32, #tpu.memory_space<vmem>> -> memref<1x8x24x128xf32, #tpu.memory_space<vmem>>
    %dma_start3A_658 = tpu.memref_squeeze %dma_start3A_657 : memref<1x8x24x128xf32, #tpu.memory_space<vmem>> -> memref<8x24x128xf32, #tpu.memory_space<vmem>>
    %dma_start3A_659 = arith.constant 0 : i32
    %dma_start3A_660 = arith.constant 0 : i32
    %dma_start3A_661 = arith.constant 0 : i32
    %dma_start3A_662 = tpu.memref_slice %dma_start3A_658[%dma_start3A_659, %dma_start3A_660, %dma_start3A_661] : memref<8x24x128xf32, #tpu.memory_space<vmem>> -> memref<8x19x128xf32, #tpu.memory_space<vmem>>
    %dma_start3A_663 = arith.constant 0 : i32
    %dma_start3A_664 = arith.constant 0 : i32
    %dma_start3A_665 = tpu.memref_slice %arg2[%add3A_640, %dma_start3A_663, %dma_start3A_664] : memref<4096x19x128xf32, #tpu.memory_space<hbm>> -> memref<8x19x128xf32, #tpu.memory_space<hbm>>
    tpu.enqueue_dma source(%dma_start3A_665 : memref<8x19x128xf32, #tpu.memory_space<hbm>>) target(%dma_start3A_662 : memref<8x19x128xf32, #tpu.memory_space<vmem>>) target_semaphore(%arg8 : memref<!tpu.dma_semaphore, #tpu.memory_space<semaphore_mem>>)
    %add3A_666 = arith.constant 40 : i32
    %add3A_667 = arith.addi %mul3A_2, %add3A_666 : i32
    %dma_start3A_668 = arith.constant 24 : i32
    %dma_start3A_669 = arith.constant 0 : i32
    %dma_start3A_670 = tpu.memref_slice %arg5[%add3A_667, %dma_start3A_668, %dma_start3A_669] : memref<4096x64x128xf32, #tpu.memory_space<hbm>> -> memref<8x40x128xf32, #tpu.memory_space<hbm>>
    %dma_start3A_671 = arith.constant 24 : i32
    %dma_start3A_672 = arith.constant 0 : i32
    %dma_start3A_673 = tpu.memref_slice %arg5[%add3A_667, %dma_start3A_671, %dma_start3A_672] : memref<4096x64x128xf32, #tpu.memory_space<hbm>> -> memref<8x40x128xf32, #tpu.memory_space<hbm>>
    tpu.enqueue_dma source(%arg6 : memref<8x40x128xf32, #tpu.memory_space<vmem>>) target(%dma_start3A_673 : memref<8x40x128xf32, #tpu.memory_space<hbm>>) target_semaphore(%arg10 : memref<!tpu.dma_semaphore, #tpu.memory_space<semaphore_mem>>)
    %dma_wait3A_674 = arith.constant 2 : i32
    %dma_wait3A_675 = arith.constant 0 : i32
    %dma_wait3A_676 = arith.constant 0 : i32
    %dma_wait3A_677 = arith.constant 0 : i32
    %dma_wait3A_678 = tpu.memref_slice %arg7[%dma_wait3A_674, %dma_wait3A_675, %dma_wait3A_676, %dma_wait3A_677] : memref<3x8x24x128xf32, #tpu.memory_space<vmem>> -> memref<1x8x24x128xf32, #tpu.memory_space<vmem>>
    %dma_wait3A_679 = tpu.memref_squeeze %dma_wait3A_678 : memref<1x8x24x128xf32, #tpu.memory_space<vmem>> -> memref<8x24x128xf32, #tpu.memory_space<vmem>>
    %dma_wait3A_680 = arith.constant 0 : i32
    %dma_wait3A_681 = arith.constant 0 : i32
    %dma_wait3A_682 = arith.constant 0 : i32
    %dma_wait3A_683 = tpu.memref_slice %dma_wait3A_679[%dma_wait3A_680, %dma_wait3A_681, %dma_wait3A_682] : memref<8x24x128xf32, #tpu.memory_space<vmem>> -> memref<8x19x128xf32, #tpu.memory_space<vmem>>
    %dma_wait3A_684 = arith.constant 0 : i32
    %dma_wait3A_685 = arith.constant 0 : i32
    %dma_wait3A_686 = tpu.memref_slice %arg2[%add3A_452, %dma_wait3A_684, %dma_wait3A_685] : memref<4096x19x128xf32, #tpu.memory_space<hbm>> -> memref<8x19x128xf32, #tpu.memory_space<hbm>>
    %dma_wait3A_687 = arith.constant 0 : i32
    %dma_wait3A_688 = arith.constant 0 : i32
    %dma_wait3A_689 = arith.constant 0 : i32
    %dma_wait3A_690 = tpu.memref_slice %arg7[%dma_wait3A_674, %dma_wait3A_687, %dma_wait3A_688, %dma_wait3A_689] : memref<3x8x24x128xf32, #tpu.memory_space<vmem>> -> memref<1x8x24x128xf32, #tpu.memory_space<vmem>>
    %dma_wait3A_691 = tpu.memref_squeeze %dma_wait3A_690 : memref<1x8x24x128xf32, #tpu.memory_space<vmem>> -> memref<8x24x128xf32, #tpu.memory_space<vmem>>
    %dma_wait3A_692 = arith.constant 0 : i32
    %dma_wait3A_693 = arith.constant 0 : i32
    %dma_wait3A_694 = arith.constant 0 : i32
    %dma_wait3A_695 = tpu.memref_slice %dma_wait3A_691[%dma_wait3A_692, %dma_wait3A_693, %dma_wait3A_694] : memref<8x24x128xf32, #tpu.memory_space<vmem>> -> memref<8x19x128xf32, #tpu.memory_space<vmem>>
    %dma_wait3A_696 = arith.constant 0 : i32
    %dma_wait3A_697 = arith.constant 0 : i32
    %dma_wait3A_698 = tpu.memref_slice %arg2[%add3A_452, %dma_wait3A_696, %dma_wait3A_697] : memref<4096x19x128xf32, #tpu.memory_space<hbm>> -> memref<8x19x128xf32, #tpu.memory_space<hbm>>
    tpu.wait_dma2 semaphore(%arg8 : memref<!tpu.dma_semaphore, #tpu.memory_space<semaphore_mem>>) src(%dma_wait3A_698 : memref<8x19x128xf32, #tpu.memory_space<hbm>>) dst(%dma_wait3A_695 : memref<8x19x128xf32, #tpu.memory_space<vmem>>)
    %dma_start3A_699 = arith.constant 2 : i32
    %dma_start3A_700 = arith.constant 0 : i32
    %dma_start3A_701 = arith.constant 0 : i32
    %dma_start3A_702 = arith.constant 0 : i32
    %dma_start3A_703 = tpu.memref_slice %arg7[%dma_start3A_699, %dma_start3A_700, %dma_start3A_701, %dma_start3A_702] : memref<3x8x24x128xf32, #tpu.memory_space<vmem>> -> memref<1x8x24x128xf32, #tpu.memory_space<vmem>>
    %dma_start3A_704 = tpu.memref_squeeze %dma_start3A_703 : memref<1x8x24x128xf32, #tpu.memory_space<vmem>> -> memref<8x24x128xf32, #tpu.memory_space<vmem>>
    %dma_start3A_705 = arith.constant 0 : i32
    %dma_start3A_706 = arith.constant 0 : i32
    %dma_start3A_707 = tpu.memref_slice %arg5[%add3A_667, %dma_start3A_705, %dma_start3A_706] : memref<4096x64x128xf32, #tpu.memory_space<hbm>> -> memref<8x24x128xf32, #tpu.memory_space<hbm>>
    %dma_start3A_708 = arith.constant 0 : i32
    %dma_start3A_709 = arith.constant 0 : i32
    %dma_start3A_710 = tpu.memref_slice %arg5[%add3A_667, %dma_start3A_708, %dma_start3A_709] : memref<4096x64x128xf32, #tpu.memory_space<hbm>> -> memref<8x24x128xf32, #tpu.memory_space<hbm>>
    %dma_start3A_711 = arith.constant 0 : i32
    %dma_start3A_712 = arith.constant 0 : i32
    %dma_start3A_713 = arith.constant 0 : i32
    %dma_start3A_714 = tpu.memref_slice %arg7[%dma_start3A_699, %dma_start3A_711, %dma_start3A_712, %dma_start3A_713] : memref<3x8x24x128xf32, #tpu.memory_space<vmem>> -> memref<1x8x24x128xf32, #tpu.memory_space<vmem>>
    %dma_start3A_715 = tpu.memref_squeeze %dma_start3A_714 : memref<1x8x24x128xf32, #tpu.memory_space<vmem>> -> memref<8x24x128xf32, #tpu.memory_space<vmem>>
    tpu.enqueue_dma source(%dma_start3A_715 : memref<8x24x128xf32, #tpu.memory_space<vmem>>) target(%dma_start3A_710 : memref<8x24x128xf32, #tpu.memory_space<hbm>>) target_semaphore(%arg9 : memref<!tpu.dma_semaphore, #tpu.memory_space<semaphore_mem>>)
    %dma_wait3A_716 = arith.constant 2 : i32
    %dma_wait3A_717 = arith.constant 0 : i32
    %dma_wait3A_718 = arith.constant 0 : i32
    %dma_wait3A_719 = arith.constant 0 : i32
    %dma_wait3A_720 = tpu.memref_slice %arg7[%dma_wait3A_716, %dma_wait3A_717, %dma_wait3A_718, %dma_wait3A_719] : memref<3x8x24x128xf32, #tpu.memory_space<vmem>> -> memref<1x8x24x128xf32, #tpu.memory_space<vmem>>
    %dma_wait3A_721 = tpu.memref_squeeze %dma_wait3A_720 : memref<1x8x24x128xf32, #tpu.memory_space<vmem>> -> memref<8x24x128xf32, #tpu.memory_space<vmem>>
    %dma_wait3A_722 = arith.constant 0 : i32
    %dma_wait3A_723 = arith.constant 0 : i32
    %dma_wait3A_724 = tpu.memref_slice %arg5[%add3A_667, %dma_wait3A_722, %dma_wait3A_723] : memref<4096x64x128xf32, #tpu.memory_space<hbm>> -> memref<8x24x128xf32, #tpu.memory_space<hbm>>
    %dma_wait3A_725 = arith.constant 0 : i32
    %dma_wait3A_726 = arith.constant 0 : i32
    %dma_wait3A_727 = tpu.memref_slice %arg5[%add3A_667, %dma_wait3A_725, %dma_wait3A_726] : memref<4096x64x128xf32, #tpu.memory_space<hbm>> -> memref<8x24x128xf32, #tpu.memory_space<hbm>>
    %dma_wait3A_728 = arith.constant 0 : i32
    %dma_wait3A_729 = arith.constant 0 : i32
    %dma_wait3A_730 = arith.constant 0 : i32
    %dma_wait3A_731 = tpu.memref_slice %arg7[%dma_wait3A_716, %dma_wait3A_728, %dma_wait3A_729, %dma_wait3A_730] : memref<3x8x24x128xf32, #tpu.memory_space<vmem>> -> memref<1x8x24x128xf32, #tpu.memory_space<vmem>>
    %dma_wait3A_732 = tpu.memref_squeeze %dma_wait3A_731 : memref<1x8x24x128xf32, #tpu.memory_space<vmem>> -> memref<8x24x128xf32, #tpu.memory_space<vmem>>
    tpu.wait_dma2 semaphore(%arg9 : memref<!tpu.dma_semaphore, #tpu.memory_space<semaphore_mem>>) src(%dma_wait3A_732 : memref<8x24x128xf32, #tpu.memory_space<vmem>>) dst(%dma_wait3A_727 : memref<8x24x128xf32, #tpu.memory_space<hbm>>)
    %add3A_733 = arith.constant 64 : i32
    %add3A_734 = arith.addi %mul3A_2, %add3A_733 : i32
    %dma_start3A_735 = arith.constant 2 : i32
    %dma_start3A_736 = arith.constant 0 : i32
    %dma_start3A_737 = arith.constant 0 : i32
    %dma_start3A_738 = arith.constant 0 : i32
    %dma_start3A_739 = tpu.memref_slice %arg7[%dma_start3A_735, %dma_start3A_736, %dma_start3A_737, %dma_start3A_738] : memref<3x8x24x128xf32, #tpu.memory_space<vmem>> -> memref<1x8x24x128xf32, #tpu.memory_space<vmem>>
    %dma_start3A_740 = tpu.memref_squeeze %dma_start3A_739 : memref<1x8x24x128xf32, #tpu.memory_space<vmem>> -> memref<8x24x128xf32, #tpu.memory_space<vmem>>
    %dma_start3A_741 = arith.constant 0 : i32
    %dma_start3A_742 = arith.constant 0 : i32
    %dma_start3A_743 = arith.constant 0 : i32
    %dma_start3A_744 = tpu.memref_slice %dma_start3A_740[%dma_start3A_741, %dma_start3A_742, %dma_start3A_743] : memref<8x24x128xf32, #tpu.memory_space<vmem>> -> memref<8x19x128xf32, #tpu.memory_space<vmem>>
    %dma_start3A_745 = arith.constant 0 : i32
    %dma_start3A_746 = arith.constant 0 : i32
    %dma_start3A_747 = tpu.memref_slice %arg2[%add3A_734, %dma_start3A_745, %dma_start3A_746] : memref<4096x19x128xf32, #tpu.memory_space<hbm>> -> memref<8x19x128xf32, #tpu.memory_space<hbm>>
    %dma_start3A_748 = arith.constant 0 : i32
    %dma_start3A_749 = arith.constant 0 : i32
    %dma_start3A_750 = arith.constant 0 : i32
    %dma_start3A_751 = tpu.memref_slice %arg7[%dma_start3A_735, %dma_start3A_748, %dma_start3A_749, %dma_start3A_750] : memref<3x8x24x128xf32, #tpu.memory_space<vmem>> -> memref<1x8x24x128xf32, #tpu.memory_space<vmem>>
    %dma_start3A_752 = tpu.memref_squeeze %dma_start3A_751 : memref<1x8x24x128xf32, #tpu.memory_space<vmem>> -> memref<8x24x128xf32, #tpu.memory_space<vmem>>
    %dma_start3A_753 = arith.constant 0 : i32
    %dma_start3A_754 = arith.constant 0 : i32
    %dma_start3A_755 = arith.constant 0 : i32
    %dma_start3A_756 = tpu.memref_slice %dma_start3A_752[%dma_start3A_753, %dma_start3A_754, %dma_start3A_755] : memref<8x24x128xf32, #tpu.memory_space<vmem>> -> memref<8x19x128xf32, #tpu.memory_space<vmem>>
    %dma_start3A_757 = arith.constant 0 : i32
    %dma_start3A_758 = arith.constant 0 : i32
    %dma_start3A_759 = tpu.memref_slice %arg2[%add3A_734, %dma_start3A_757, %dma_start3A_758] : memref<4096x19x128xf32, #tpu.memory_space<hbm>> -> memref<8x19x128xf32, #tpu.memory_space<hbm>>
    tpu.enqueue_dma source(%dma_start3A_759 : memref<8x19x128xf32, #tpu.memory_space<hbm>>) target(%dma_start3A_756 : memref<8x19x128xf32, #tpu.memory_space<vmem>>) target_semaphore(%arg8 : memref<!tpu.dma_semaphore, #tpu.memory_space<semaphore_mem>>)
    %add3A_760 = arith.constant 48 : i32
    %add3A_761 = arith.addi %mul3A_2, %add3A_760 : i32
    %dma_start3A_762 = arith.constant 24 : i32
    %dma_start3A_763 = arith.constant 0 : i32
    %dma_start3A_764 = tpu.memref_slice %arg5[%add3A_761, %dma_start3A_762, %dma_start3A_763] : memref<4096x64x128xf32, #tpu.memory_space<hbm>> -> memref<8x40x128xf32, #tpu.memory_space<hbm>>
    %dma_start3A_765 = arith.constant 24 : i32
    %dma_start3A_766 = arith.constant 0 : i32
    %dma_start3A_767 = tpu.memref_slice %arg5[%add3A_761, %dma_start3A_765, %dma_start3A_766] : memref<4096x64x128xf32, #tpu.memory_space<hbm>> -> memref<8x40x128xf32, #tpu.memory_space<hbm>>
    tpu.enqueue_dma source(%arg6 : memref<8x40x128xf32, #tpu.memory_space<vmem>>) target(%dma_start3A_767 : memref<8x40x128xf32, #tpu.memory_space<hbm>>) target_semaphore(%arg10 : memref<!tpu.dma_semaphore, #tpu.memory_space<semaphore_mem>>)
    %dma_wait3A_768 = arith.constant 0 : i32
    %dma_wait3A_769 = arith.constant 0 : i32
    %dma_wait3A_770 = arith.constant 0 : i32
    %dma_wait3A_771 = arith.constant 0 : i32
    %dma_wait3A_772 = tpu.memref_slice %arg7[%dma_wait3A_768, %dma_wait3A_769, %dma_wait3A_770, %dma_wait3A_771] : memref<3x8x24x128xf32, #tpu.memory_space<vmem>> -> memref<1x8x24x128xf32, #tpu.memory_space<vmem>>
    %dma_wait3A_773 = tpu.memref_squeeze %dma_wait3A_772 : memref<1x8x24x128xf32, #tpu.memory_space<vmem>> -> memref<8x24x128xf32, #tpu.memory_space<vmem>>
    %dma_wait3A_774 = arith.constant 0 : i32
    %dma_wait3A_775 = arith.constant 0 : i32
    %dma_wait3A_776 = arith.constant 0 : i32
    %dma_wait3A_777 = tpu.memref_slice %dma_wait3A_773[%dma_wait3A_774, %dma_wait3A_775, %dma_wait3A_776] : memref<8x24x128xf32, #tpu.memory_space<vmem>> -> memref<8x19x128xf32, #tpu.memory_space<vmem>>
    %dma_wait3A_778 = arith.constant 0 : i32
    %dma_wait3A_779 = arith.constant 0 : i32
    %dma_wait3A_780 = tpu.memref_slice %arg2[%add3A_546, %dma_wait3A_778, %dma_wait3A_779] : memref<4096x19x128xf32, #tpu.memory_space<hbm>> -> memref<8x19x128xf32, #tpu.memory_space<hbm>>
    %dma_wait3A_781 = arith.constant 0 : i32
    %dma_wait3A_782 = arith.constant 0 : i32
    %dma_wait3A_783 = arith.constant 0 : i32
    %dma_wait3A_784 = tpu.memref_slice %arg7[%dma_wait3A_768, %dma_wait3A_781, %dma_wait3A_782, %dma_wait3A_783] : memref<3x8x24x128xf32, #tpu.memory_space<vmem>> -> memref<1x8x24x128xf32, #tpu.memory_space<vmem>>
    %dma_wait3A_785 = tpu.memref_squeeze %dma_wait3A_784 : memref<1x8x24x128xf32, #tpu.memory_space<vmem>> -> memref<8x24x128xf32, #tpu.memory_space<vmem>>
    %dma_wait3A_786 = arith.constant 0 : i32
    %dma_wait3A_787 = arith.constant 0 : i32
    %dma_wait3A_788 = arith.constant 0 : i32
    %dma_wait3A_789 = tpu.memref_slice %dma_wait3A_785[%dma_wait3A_786, %dma_wait3A_787, %dma_wait3A_788] : memref<8x24x128xf32, #tpu.memory_space<vmem>> -> memref<8x19x128xf32, #tpu.memory_space<vmem>>
    %dma_wait3A_790 = arith.constant 0 : i32
    %dma_wait3A_791 = arith.constant 0 : i32
    %dma_wait3A_792 = tpu.memref_slice %arg2[%add3A_546, %dma_wait3A_790, %dma_wait3A_791] : memref<4096x19x128xf32, #tpu.memory_space<hbm>> -> memref<8x19x128xf32, #tpu.memory_space<hbm>>
    tpu.wait_dma2 semaphore(%arg8 : memref<!tpu.dma_semaphore, #tpu.memory_space<semaphore_mem>>) src(%dma_wait3A_792 : memref<8x19x128xf32, #tpu.memory_space<hbm>>) dst(%dma_wait3A_789 : memref<8x19x128xf32, #tpu.memory_space<vmem>>)
    %dma_start3A_793 = arith.constant 0 : i32
    %dma_start3A_794 = arith.constant 0 : i32
    %dma_start3A_795 = arith.constant 0 : i32
    %dma_start3A_796 = arith.constant 0 : i32
    %dma_start3A_797 = tpu.memref_slice %arg7[%dma_start3A_793, %dma_start3A_794, %dma_start3A_795, %dma_start3A_796] : memref<3x8x24x128xf32, #tpu.memory_space<vmem>> -> memref<1x8x24x128xf32, #tpu.memory_space<vmem>>
    %dma_start3A_798 = tpu.memref_squeeze %dma_start3A_797 : memref<1x8x24x128xf32, #tpu.memory_space<vmem>> -> memref<8x24x128xf32, #tpu.memory_space<vmem>>
    %dma_start3A_799 = arith.constant 0 : i32
    %dma_start3A_800 = arith.constant 0 : i32
    %dma_start3A_801 = tpu.memref_slice %arg5[%add3A_761, %dma_start3A_799, %dma_start3A_800] : memref<4096x64x128xf32, #tpu.memory_space<hbm>> -> memref<8x24x128xf32, #tpu.memory_space<hbm>>
    %dma_start3A_802 = arith.constant 0 : i32
    %dma_start3A_803 = arith.constant 0 : i32
    %dma_start3A_804 = tpu.memref_slice %arg5[%add3A_761, %dma_start3A_802, %dma_start3A_803] : memref<4096x64x128xf32, #tpu.memory_space<hbm>> -> memref<8x24x128xf32, #tpu.memory_space<hbm>>
    %dma_start3A_805 = arith.constant 0 : i32
    %dma_start3A_806 = arith.constant 0 : i32
    %dma_start3A_807 = arith.constant 0 : i32
    %dma_start3A_808 = tpu.memref_slice %arg7[%dma_start3A_793, %dma_start3A_805, %dma_start3A_806, %dma_start3A_807] : memref<3x8x24x128xf32, #tpu.memory_space<vmem>> -> memref<1x8x24x128xf32, #tpu.memory_space<vmem>>
    %dma_start3A_809 = tpu.memref_squeeze %dma_start3A_808 : memref<1x8x24x128xf32, #tpu.memory_space<vmem>> -> memref<8x24x128xf32, #tpu.memory_space<vmem>>
    tpu.enqueue_dma source(%dma_start3A_809 : memref<8x24x128xf32, #tpu.memory_space<vmem>>) target(%dma_start3A_804 : memref<8x24x128xf32, #tpu.memory_space<hbm>>) target_semaphore(%arg9 : memref<!tpu.dma_semaphore, #tpu.memory_space<semaphore_mem>>)
    %dma_wait3A_810 = arith.constant 0 : i32
    %dma_wait3A_811 = arith.constant 0 : i32
    %dma_wait3A_812 = arith.constant 0 : i32
    %dma_wait3A_813 = arith.constant 0 : i32
    %dma_wait3A_814 = tpu.memref_slice %arg7[%dma_wait3A_810, %dma_wait3A_811, %dma_wait3A_812, %dma_wait3A_813] : memref<3x8x24x128xf32, #tpu.memory_space<vmem>> -> memref<1x8x24x128xf32, #tpu.memory_space<vmem>>
    %dma_wait3A_815 = tpu.memref_squeeze %dma_wait3A_814 : memref<1x8x24x128xf32, #tpu.memory_space<vmem>> -> memref<8x24x128xf32, #tpu.memory_space<vmem>>
    %dma_wait3A_816 = arith.constant 0 : i32
    %dma_wait3A_817 = arith.constant 0 : i32
    %dma_wait3A_818 = tpu.memref_slice %arg5[%add3A_761, %dma_wait3A_816, %dma_wait3A_817] : memref<4096x64x128xf32, #tpu.memory_space<hbm>> -> memref<8x24x128xf32, #tpu.memory_space<hbm>>
    %dma_wait3A_819 = arith.constant 0 : i32
    %dma_wait3A_820 = arith.constant 0 : i32
    %dma_wait3A_821 = tpu.memref_slice %arg5[%add3A_761, %dma_wait3A_819, %dma_wait3A_820] : memref<4096x64x128xf32, #tpu.memory_space<hbm>> -> memref<8x24x128xf32, #tpu.memory_space<hbm>>
    %dma_wait3A_822 = arith.constant 0 : i32
    %dma_wait3A_823 = arith.constant 0 : i32
    %dma_wait3A_824 = arith.constant 0 : i32
    %dma_wait3A_825 = tpu.memref_slice %arg7[%dma_wait3A_810, %dma_wait3A_822, %dma_wait3A_823, %dma_wait3A_824] : memref<3x8x24x128xf32, #tpu.memory_space<vmem>> -> memref<1x8x24x128xf32, #tpu.memory_space<vmem>>
    %dma_wait3A_826 = tpu.memref_squeeze %dma_wait3A_825 : memref<1x8x24x128xf32, #tpu.memory_space<vmem>> -> memref<8x24x128xf32, #tpu.memory_space<vmem>>
    tpu.wait_dma2 semaphore(%arg9 : memref<!tpu.dma_semaphore, #tpu.memory_space<semaphore_mem>>) src(%dma_wait3A_826 : memref<8x24x128xf32, #tpu.memory_space<vmem>>) dst(%dma_wait3A_821 : memref<8x24x128xf32, #tpu.memory_space<hbm>>)
    %add3A_827 = arith.constant 72 : i32
    %add3A_828 = arith.addi %mul3A_2, %add3A_827 : i32
    %dma_start3A_829 = arith.constant 0 : i32
    %dma_start3A_830 = arith.constant 0 : i32
    %dma_start3A_831 = arith.constant 0 : i32
    %dma_start3A_832 = arith.constant 0 : i32
    %dma_start3A_833 = tpu.memref_slice %arg7[%dma_start3A_829, %dma_start3A_830, %dma_start3A_831, %dma_start3A_832] : memref<3x8x24x128xf32, #tpu.memory_space<vmem>> -> memref<1x8x24x128xf32, #tpu.memory_space<vmem>>
    %dma_start3A_834 = tpu.memref_squeeze %dma_start3A_833 : memref<1x8x24x128xf32, #tpu.memory_space<vmem>> -> memref<8x24x128xf32, #tpu.memory_space<vmem>>
    %dma_start3A_835 = arith.constant 0 : i32
    %dma_start3A_836 = arith.constant 0 : i32
    %dma_start3A_837 = arith.constant 0 : i32
    %dma_start3A_838 = tpu.memref_slice %dma_start3A_834[%dma_start3A_835, %dma_start3A_836, %dma_start3A_837] : memref<8x24x128xf32, #tpu.memory_space<vmem>> -> memref<8x19x128xf32, #tpu.memory_space<vmem>>
    %dma_start3A_839 = arith.constant 0 : i32
    %dma_start3A_840 = arith.constant 0 : i32
    %dma_start3A_841 = tpu.memref_slice %arg2[%add3A_828, %dma_start3A_839, %dma_start3A_840] : memref<4096x19x128xf32, #tpu.memory_space<hbm>> -> memref<8x19x128xf32, #tpu.memory_space<hbm>>
    %dma_start3A_842 = arith.constant 0 : i32
    %dma_start3A_843 = arith.constant 0 : i32
    %dma_start3A_844 = arith.constant 0 : i32
    %dma_start3A_845 = tpu.memref_slice %arg7[%dma_start3A_829, %dma_start3A_842, %dma_start3A_843, %dma_start3A_844] : memref<3x8x24x128xf32, #tpu.memory_space<vmem>> -> memref<1x8x24x128xf32, #tpu.memory_space<vmem>>
    %dma_start3A_846 = tpu.memref_squeeze %dma_start3A_845 : memref<1x8x24x128xf32, #tpu.memory_space<vmem>> -> memref<8x24x128xf32, #tpu.memory_space<vmem>>
    %dma_start3A_847 = arith.constant 0 : i32
    %dma_start3A_848 = arith.constant 0 : i32
    %dma_start3A_849 = arith.constant 0 : i32
    %dma_start3A_850 = tpu.memref_slice %dma_start3A_846[%dma_start3A_847, %dma_start3A_848, %dma_start3A_849] : memref<8x24x128xf32, #tpu.memory_space<vmem>> -> memref<8x19x128xf32, #tpu.memory_space<vmem>>
    %dma_start3A_851 = arith.constant 0 : i32
    %dma_start3A_852 = arith.constant 0 : i32
    %dma_start3A_853 = tpu.memref_slice %arg2[%add3A_828, %dma_start3A_851, %dma_start3A_852] : memref<4096x19x128xf32, #tpu.memory_space<hbm>> -> memref<8x19x128xf32, #tpu.memory_space<hbm>>
    tpu.enqueue_dma source(%dma_start3A_853 : memref<8x19x128xf32, #tpu.memory_space<hbm>>) target(%dma_start3A_850 : memref<8x19x128xf32, #tpu.memory_space<vmem>>) target_semaphore(%arg8 : memref<!tpu.dma_semaphore, #tpu.memory_space<semaphore_mem>>)
    %add3A_854 = arith.constant 56 : i32
    %add3A_855 = arith.addi %mul3A_2, %add3A_854 : i32
    %dma_start3A_856 = arith.constant 24 : i32
    %dma_start3A_857 = arith.constant 0 : i32
    %dma_start3A_858 = tpu.memref_slice %arg5[%add3A_855, %dma_start3A_856, %dma_start3A_857] : memref<4096x64x128xf32, #tpu.memory_space<hbm>> -> memref<8x40x128xf32, #tpu.memory_space<hbm>>
    %dma_start3A_859 = arith.constant 24 : i32
    %dma_start3A_860 = arith.constant 0 : i32
    %dma_start3A_861 = tpu.memref_slice %arg5[%add3A_855, %dma_start3A_859, %dma_start3A_860] : memref<4096x64x128xf32, #tpu.memory_space<hbm>> -> memref<8x40x128xf32, #tpu.memory_space<hbm>>
    tpu.enqueue_dma source(%arg6 : memref<8x40x128xf32, #tpu.memory_space<vmem>>) target(%dma_start3A_861 : memref<8x40x128xf32, #tpu.memory_space<hbm>>) target_semaphore(%arg10 : memref<!tpu.dma_semaphore, #tpu.memory_space<semaphore_mem>>)
    %dma_wait3A_862 = arith.constant 1 : i32
    %dma_wait3A_863 = arith.constant 0 : i32
    %dma_wait3A_864 = arith.constant 0 : i32
    %dma_wait3A_865 = arith.constant 0 : i32
    %dma_wait3A_866 = tpu.memref_slice %arg7[%dma_wait3A_862, %dma_wait3A_863, %dma_wait3A_864, %dma_wait3A_865] : memref<3x8x24x128xf32, #tpu.memory_space<vmem>> -> memref<1x8x24x128xf32, #tpu.memory_space<vmem>>
    %dma_wait3A_867 = tpu.memref_squeeze %dma_wait3A_866 : memref<1x8x24x128xf32, #tpu.memory_space<vmem>> -> memref<8x24x128xf32, #tpu.memory_space<vmem>>
    %dma_wait3A_868 = arith.constant 0 : i32
    %dma_wait3A_869 = arith.constant 0 : i32
    %dma_wait3A_870 = arith.constant 0 : i32
    %dma_wait3A_871 = tpu.memref_slice %dma_wait3A_867[%dma_wait3A_868, %dma_wait3A_869, %dma_wait3A_870] : memref<8x24x128xf32, #tpu.memory_space<vmem>> -> memref<8x19x128xf32, #tpu.memory_space<vmem>>
    %dma_wait3A_872 = arith.constant 0 : i32
    %dma_wait3A_873 = arith.constant 0 : i32
    %dma_wait3A_874 = tpu.memref_slice %arg2[%add3A_640, %dma_wait3A_872, %dma_wait3A_873] : memref<4096x19x128xf32, #tpu.memory_space<hbm>> -> memref<8x19x128xf32, #tpu.memory_space<hbm>>
    %dma_wait3A_875 = arith.constant 0 : i32
    %dma_wait3A_876 = arith.constant 0 : i32
    %dma_wait3A_877 = arith.constant 0 : i32
    %dma_wait3A_878 = tpu.memref_slice %arg7[%dma_wait3A_862, %dma_wait3A_875, %dma_wait3A_876, %dma_wait3A_877] : memref<3x8x24x128xf32, #tpu.memory_space<vmem>> -> memref<1x8x24x128xf32, #tpu.memory_space<vmem>>
    %dma_wait3A_879 = tpu.memref_squeeze %dma_wait3A_878 : memref<1x8x24x128xf32, #tpu.memory_space<vmem>> -> memref<8x24x128xf32, #tpu.memory_space<vmem>>
    %dma_wait3A_880 = arith.constant 0 : i32
    %dma_wait3A_881 = arith.constant 0 : i32
    %dma_wait3A_882 = arith.constant 0 : i32
    %dma_wait3A_883 = tpu.memref_slice %dma_wait3A_879[%dma_wait3A_880, %dma_wait3A_881, %dma_wait3A_882] : memref<8x24x128xf32, #tpu.memory_space<vmem>> -> memref<8x19x128xf32, #tpu.memory_space<vmem>>
    %dma_wait3A_884 = arith.constant 0 : i32
    %dma_wait3A_885 = arith.constant 0 : i32
    %dma_wait3A_886 = tpu.memref_slice %arg2[%add3A_640, %dma_wait3A_884, %dma_wait3A_885] : memref<4096x19x128xf32, #tpu.memory_space<hbm>> -> memref<8x19x128xf32, #tpu.memory_space<hbm>>
    tpu.wait_dma2 semaphore(%arg8 : memref<!tpu.dma_semaphore, #tpu.memory_space<semaphore_mem>>) src(%dma_wait3A_886 : memref<8x19x128xf32, #tpu.memory_space<hbm>>) dst(%dma_wait3A_883 : memref<8x19x128xf32, #tpu.memory_space<vmem>>)
    %dma_start3A_887 = arith.constant 1 : i32
    %dma_start3A_888 = arith.constant 0 : i32
    %dma_start3A_889 = arith.constant 0 : i32
    %dma_start3A_890 = arith.constant 0 : i32
    %dma_start3A_891 = tpu.memref_slice %arg7[%dma_start3A_887, %dma_start3A_888, %dma_start3A_889, %dma_start3A_890] : memref<3x8x24x128xf32, #tpu.memory_space<vmem>> -> memref<1x8x24x128xf32, #tpu.memory_space<vmem>>
    %dma_start3A_892 = tpu.memref_squeeze %dma_start3A_891 : memref<1x8x24x128xf32, #tpu.memory_space<vmem>> -> memref<8x24x128xf32, #tpu.memory_space<vmem>>
    %dma_start3A_893 = arith.constant 0 : i32
    %dma_start3A_894 = arith.constant 0 : i32
    %dma_start3A_895 = tpu.memref_slice %arg5[%add3A_855, %dma_start3A_893, %dma_start3A_894] : memref<4096x64x128xf32, #tpu.memory_space<hbm>> -> memref<8x24x128xf32, #tpu.memory_space<hbm>>
    %dma_start3A_896 = arith.constant 0 : i32
    %dma_start3A_897 = arith.constant 0 : i32
    %dma_start3A_898 = tpu.memref_slice %arg5[%add3A_855, %dma_start3A_896, %dma_start3A_897] : memref<4096x64x128xf32, #tpu.memory_space<hbm>> -> memref<8x24x128xf32, #tpu.memory_space<hbm>>
    %dma_start3A_899 = arith.constant 0 : i32
    %dma_start3A_900 = arith.constant 0 : i32
    %dma_start3A_901 = arith.constant 0 : i32
    %dma_start3A_902 = tpu.memref_slice %arg7[%dma_start3A_887, %dma_start3A_899, %dma_start3A_900, %dma_start3A_901] : memref<3x8x24x128xf32, #tpu.memory_space<vmem>> -> memref<1x8x24x128xf32, #tpu.memory_space<vmem>>
    %dma_start3A_903 = tpu.memref_squeeze %dma_start3A_902 : memref<1x8x24x128xf32, #tpu.memory_space<vmem>> -> memref<8x24x128xf32, #tpu.memory_space<vmem>>
    tpu.enqueue_dma source(%dma_start3A_903 : memref<8x24x128xf32, #tpu.memory_space<vmem>>) target(%dma_start3A_898 : memref<8x24x128xf32, #tpu.memory_space<hbm>>) target_semaphore(%arg9 : memref<!tpu.dma_semaphore, #tpu.memory_space<semaphore_mem>>)
    %dma_wait3A_904 = arith.constant 1 : i32
    %dma_wait3A_905 = arith.constant 0 : i32
    %dma_wait3A_906 = arith.constant 0 : i32
    %dma_wait3A_907 = arith.constant 0 : i32
    %dma_wait3A_908 = tpu.memref_slice %arg7[%dma_wait3A_904, %dma_wait3A_905, %dma_wait3A_906, %dma_wait3A_907] : memref<3x8x24x128xf32, #tpu.memory_space<vmem>> -> memref<1x8x24x128xf32, #tpu.memory_space<vmem>>
    %dma_wait3A_909 = tpu.memref_squeeze %dma_wait3A_908 : memref<1x8x24x128xf32, #tpu.memory_space<vmem>> -> memref<8x24x128xf32, #tpu.memory_space<vmem>>
    %dma_wait3A_910 = arith.constant 0 : i32
    %dma_wait3A_911 = arith.constant 0 : i32
    %dma_wait3A_912 = tpu.memref_slice %arg5[%add3A_855, %dma_wait3A_910, %dma_wait3A_911] : memref<4096x64x128xf32, #tpu.memory_space<hbm>> -> memref<8x24x128xf32, #tpu.memory_space<hbm>>
    %dma_wait3A_913 = arith.constant 0 : i32
    %dma_wait3A_914 = arith.constant 0 : i32
    %dma_wait3A_915 = tpu.memref_slice %arg5[%add3A_855, %dma_wait3A_913, %dma_wait3A_914] : memref<4096x64x128xf32, #tpu.memory_space<hbm>> -> memref<8x24x128xf32, #tpu.memory_space<hbm>>
    %dma_wait3A_916 = arith.constant 0 : i32
    %dma_wait3A_917 = arith.constant 0 : i32
    %dma_wait3A_918 = arith.constant 0 : i32
    %dma_wait3A_919 = tpu.memref_slice %arg7[%dma_wait3A_904, %dma_wait3A_916, %dma_wait3A_917, %dma_wait3A_918] : memref<3x8x24x128xf32, #tpu.memory_space<vmem>> -> memref<1x8x24x128xf32, #tpu.memory_space<vmem>>
    %dma_wait3A_920 = tpu.memref_squeeze %dma_wait3A_919 : memref<1x8x24x128xf32, #tpu.memory_space<vmem>> -> memref<8x24x128xf32, #tpu.memory_space<vmem>>
    tpu.wait_dma2 semaphore(%arg9 : memref<!tpu.dma_semaphore, #tpu.memory_space<semaphore_mem>>) src(%dma_wait3A_920 : memref<8x24x128xf32, #tpu.memory_space<vmem>>) dst(%dma_wait3A_915 : memref<8x24x128xf32, #tpu.memory_space<hbm>>)
    %add3A_921 = arith.constant 80 : i32
    %add3A_922 = arith.addi %mul3A_2, %add3A_921 : i32
    %dma_start3A_923 = arith.constant 1 : i32
    %dma_start3A_924 = arith.constant 0 : i32
    %dma_start3A_925 = arith.constant 0 : i32
    %dma_start3A_926 = arith.constant 0 : i32
    %dma_start3A_927 = tpu.memref_slice %arg7[%dma_start3A_923, %dma_start3A_924, %dma_start3A_925, %dma_start3A_926] : memref<3x8x24x128xf32, #tpu.memory_space<vmem>> -> memref<1x8x24x128xf32, #tpu.memory_space<vmem>>
    %dma_start3A_928 = tpu.memref_squeeze %dma_start3A_927 : memref<1x8x24x128xf32, #tpu.memory_space<vmem>> -> memref<8x24x128xf32, #tpu.memory_space<vmem>>
    %dma_start3A_929 = arith.constant 0 : i32
    %dma_start3A_930 = arith.constant 0 : i32
    %dma_start3A_931 = arith.constant 0 : i32
    %dma_start3A_932 = tpu.memref_slice %dma_start3A_928[%dma_start3A_929, %dma_start3A_930, %dma_start3A_931] : memref<8x24x128xf32, #tpu.memory_space<vmem>> -> memref<8x19x128xf32, #tpu.memory_space<vmem>>
    %dma_start3A_933 = arith.constant 0 : i32
    %dma_start3A_934 = arith.constant 0 : i32
    %dma_start3A_935 = tpu.memref_slice %arg2[%add3A_922, %dma_start3A_933, %dma_start3A_934] : memref<4096x19x128xf32, #tpu.memory_space<hbm>> -> memref<8x19x128xf32, #tpu.memory_space<hbm>>
    %dma_start3A_936 = arith.constant 0 : i32
    %dma_start3A_937 = arith.constant 0 : i32
    %dma_start3A_938 = arith.constant 0 : i32
    %dma_start3A_939 = tpu.memref_slice %arg7[%dma_start3A_923, %dma_start3A_936, %dma_start3A_937, %dma_start3A_938] : memref<3x8x24x128xf32, #tpu.memory_space<vmem>> -> memref<1x8x24x128xf32, #tpu.memory_space<vmem>>
    %dma_start3A_940 = tpu.memref_squeeze %dma_start3A_939 : memref<1x8x24x128xf32, #tpu.memory_space<vmem>> -> memref<8x24x128xf32, #tpu.memory_space<vmem>>
    %dma_start3A_941 = arith.constant 0 : i32
    %dma_start3A_942 = arith.constant 0 : i32
    %dma_start3A_943 = arith.constant 0 : i32
    %dma_start3A_944 = tpu.memref_slice %dma_start3A_940[%dma_start3A_941, %dma_start3A_942, %dma_start3A_943] : memref<8x24x128xf32, #tpu.memory_space<vmem>> -> memref<8x19x128xf32, #tpu.memory_space<vmem>>
    %dma_start3A_945 = arith.constant 0 : i32
    %dma_start3A_946 = arith.constant 0 : i32
    %dma_start3A_947 = tpu.memref_slice %arg2[%add3A_922, %dma_start3A_945, %dma_start3A_946] : memref<4096x19x128xf32, #tpu.memory_space<hbm>> -> memref<8x19x128xf32, #tpu.memory_space<hbm>>
    tpu.enqueue_dma source(%dma_start3A_947 : memref<8x19x128xf32, #tpu.memory_space<hbm>>) target(%dma_start3A_944 : memref<8x19x128xf32, #tpu.memory_space<vmem>>) target_semaphore(%arg8 : memref<!tpu.dma_semaphore, #tpu.memory_space<semaphore_mem>>)
    %add3A_948 = arith.constant 64 : i32
    %add3A_949 = arith.addi %mul3A_2, %add3A_948 : i32
    %dma_start3A_950 = arith.constant 24 : i32
    %dma_start3A_951 = arith.constant 0 : i32
    %dma_start3A_952 = tpu.memref_slice %arg5[%add3A_949, %dma_start3A_950, %dma_start3A_951] : memref<4096x64x128xf32, #tpu.memory_space<hbm>> -> memref<8x40x128xf32, #tpu.memory_space<hbm>>
    %dma_start3A_953 = arith.constant 24 : i32
    %dma_start3A_954 = arith.constant 0 : i32
    %dma_start3A_955 = tpu.memref_slice %arg5[%add3A_949, %dma_start3A_953, %dma_start3A_954] : memref<4096x64x128xf32, #tpu.memory_space<hbm>> -> memref<8x40x128xf32, #tpu.memory_space<hbm>>
    tpu.enqueue_dma source(%arg6 : memref<8x40x128xf32, #tpu.memory_space<vmem>>) target(%dma_start3A_955 : memref<8x40x128xf32, #tpu.memory_space<hbm>>) target_semaphore(%arg10 : memref<!tpu.dma_semaphore, #tpu.memory_space<semaphore_mem>>)
    %dma_wait3A_956 = arith.constant 2 : i32
    %dma_wait3A_957 = arith.constant 0 : i32
    %dma_wait3A_958 = arith.constant 0 : i32
    %dma_wait3A_959 = arith.constant 0 : i32
    %dma_wait3A_960 = tpu.memref_slice %arg7[%dma_wait3A_956, %dma_wait3A_957, %dma_wait3A_958, %dma_wait3A_959] : memref<3x8x24x128xf32, #tpu.memory_space<vmem>> -> memref<1x8x24x128xf32, #tpu.memory_space<vmem>>
    %dma_wait3A_961 = tpu.memref_squeeze %dma_wait3A_960 : memref<1x8x24x128xf32, #tpu.memory_space<vmem>> -> memref<8x24x128xf32, #tpu.memory_space<vmem>>
    %dma_wait3A_962 = arith.constant 0 : i32
    %dma_wait3A_963 = arith.constant 0 : i32
    %dma_wait3A_964 = arith.constant 0 : i32
    %dma_wait3A_965 = tpu.memref_slice %dma_wait3A_961[%dma_wait3A_962, %dma_wait3A_963, %dma_wait3A_964] : memref<8x24x128xf32, #tpu.memory_space<vmem>> -> memref<8x19x128xf32, #tpu.memory_space<vmem>>
    %dma_wait3A_966 = arith.constant 0 : i32
    %dma_wait3A_967 = arith.constant 0 : i32
    %dma_wait3A_968 = tpu.memref_slice %arg2[%add3A_734, %dma_wait3A_966, %dma_wait3A_967] : memref<4096x19x128xf32, #tpu.memory_space<hbm>> -> memref<8x19x128xf32, #tpu.memory_space<hbm>>
    %dma_wait3A_969 = arith.constant 0 : i32
    %dma_wait3A_970 = arith.constant 0 : i32
    %dma_wait3A_971 = arith.constant 0 : i32
    %dma_wait3A_972 = tpu.memref_slice %arg7[%dma_wait3A_956, %dma_wait3A_969, %dma_wait3A_970, %dma_wait3A_971] : memref<3x8x24x128xf32, #tpu.memory_space<vmem>> -> memref<1x8x24x128xf32, #tpu.memory_space<vmem>>
    %dma_wait3A_973 = tpu.memref_squeeze %dma_wait3A_972 : memref<1x8x24x128xf32, #tpu.memory_space<vmem>> -> memref<8x24x128xf32, #tpu.memory_space<vmem>>
    %dma_wait3A_974 = arith.constant 0 : i32
    %dma_wait3A_975 = arith.constant 0 : i32
    %dma_wait3A_976 = arith.constant 0 : i32
    %dma_wait3A_977 = tpu.memref_slice %dma_wait3A_973[%dma_wait3A_974, %dma_wait3A_975, %dma_wait3A_976] : memref<8x24x128xf32, #tpu.memory_space<vmem>> -> memref<8x19x128xf32, #tpu.memory_space<vmem>>
    %dma_wait3A_978 = arith.constant 0 : i32
    %dma_wait3A_979 = arith.constant 0 : i32
    %dma_wait3A_980 = tpu.memref_slice %arg2[%add3A_734, %dma_wait3A_978, %dma_wait3A_979] : memref<4096x19x128xf32, #tpu.memory_space<hbm>> -> memref<8x19x128xf32, #tpu.memory_space<hbm>>
    tpu.wait_dma2 semaphore(%arg8 : memref<!tpu.dma_semaphore, #tpu.memory_space<semaphore_mem>>) src(%dma_wait3A_980 : memref<8x19x128xf32, #tpu.memory_space<hbm>>) dst(%dma_wait3A_977 : memref<8x19x128xf32, #tpu.memory_space<vmem>>)
    %dma_start3A_981 = arith.constant 2 : i32
    %dma_start3A_982 = arith.constant 0 : i32
    %dma_start3A_983 = arith.constant 0 : i32
    %dma_start3A_984 = arith.constant 0 : i32
    %dma_start3A_985 = tpu.memref_slice %arg7[%dma_start3A_981, %dma_start3A_982, %dma_start3A_983, %dma_start3A_984] : memref<3x8x24x128xf32, #tpu.memory_space<vmem>> -> memref<1x8x24x128xf32, #tpu.memory_space<vmem>>
    %dma_start3A_986 = tpu.memref_squeeze %dma_start3A_985 : memref<1x8x24x128xf32, #tpu.memory_space<vmem>> -> memref<8x24x128xf32, #tpu.memory_space<vmem>>
    %dma_start3A_987 = arith.constant 0 : i32
    %dma_start3A_988 = arith.constant 0 : i32
    %dma_start3A_989 = tpu.memref_slice %arg5[%add3A_949, %dma_start3A_987, %dma_start3A_988] : memref<4096x64x128xf32, #tpu.memory_space<hbm>> -> memref<8x24x128xf32, #tpu.memory_space<hbm>>
    %dma_start3A_990 = arith.constant 0 : i32
    %dma_start3A_991 = arith.constant 0 : i32
    %dma_start3A_992 = tpu.memref_slice %arg5[%add3A_949, %dma_start3A_990, %dma_start3A_991] : memref<4096x64x128xf32, #tpu.memory_space<hbm>> -> memref<8x24x128xf32, #tpu.memory_space<hbm>>
    %dma_start3A_993 = arith.constant 0 : i32
    %dma_start3A_994 = arith.constant 0 : i32
    %dma_start3A_995 = arith.constant 0 : i32
    %dma_start3A_996 = tpu.memref_slice %arg7[%dma_start3A_981, %dma_start3A_993, %dma_start3A_994, %dma_start3A_995] : memref<3x8x24x128xf32, #tpu.memory_space<vmem>> -> memref<1x8x24x128xf32, #tpu.memory_space<vmem>>
    %dma_start3A_997 = tpu.memref_squeeze %dma_start3A_996 : memref<1x8x24x128xf32, #tpu.memory_space<vmem>> -> memref<8x24x128xf32, #tpu.memory_space<vmem>>
    tpu.enqueue_dma source(%dma_start3A_997 : memref<8x24x128xf32, #tpu.memory_space<vmem>>) target(%dma_start3A_992 : memref<8x24x128xf32, #tpu.memory_space<hbm>>) target_semaphore(%arg9 : memref<!tpu.dma_semaphore, #tpu.memory_space<semaphore_mem>>)
    %dma_wait3A_998 = arith.constant 2 : i32
    %dma_wait3A_999 = arith.constant 0 : i32
    %dma_wait3A_1000 = arith.constant 0 : i32
    %dma_wait3A_1001 = arith.constant 0 : i32
    %dma_wait3A_1002 = tpu.memref_slice %arg7[%dma_wait3A_998, %dma_wait3A_999, %dma_wait3A_1000, %dma_wait3A_1001] : memref<3x8x24x128xf32, #tpu.memory_space<vmem>> -> memref<1x8x24x128xf32, #tpu.memory_space<vmem>>
    %dma_wait3A_1003 = tpu.memref_squeeze %dma_wait3A_1002 : memref<1x8x24x128xf32, #tpu.memory_space<vmem>> -> memref<8x24x128xf32, #tpu.memory_space<vmem>>
    %dma_wait3A_1004 = arith.constant 0 : i32
    %dma_wait3A_1005 = arith.constant 0 : i32
    %dma_wait3A_1006 = tpu.memref_slice %arg5[%add3A_949, %dma_wait3A_1004, %dma_wait3A_1005] : memref<4096x64x128xf32, #tpu.memory_space<hbm>> -> memref<8x24x128xf32, #tpu.memory_space<hbm>>
    %dma_wait3A_1007 = arith.constant 0 : i32
    %dma_wait3A_1008 = arith.constant 0 : i32
    %dma_wait3A_1009 = tpu.memref_slice %arg5[%add3A_949, %dma_wait3A_1007, %dma_wait3A_1008] : memref<4096x64x128xf32, #tpu.memory_space<hbm>> -> memref<8x24x128xf32, #tpu.memory_space<hbm>>
    %dma_wait3A_1010 = arith.constant 0 : i32
    %dma_wait3A_1011 = arith.constant 0 : i32
    %dma_wait3A_1012 = arith.constant 0 : i32
    %dma_wait3A_1013 = tpu.memref_slice %arg7[%dma_wait3A_998, %dma_wait3A_1010, %dma_wait3A_1011, %dma_wait3A_1012] : memref<3x8x24x128xf32, #tpu.memory_space<vmem>> -> memref<1x8x24x128xf32, #tpu.memory_space<vmem>>
    %dma_wait3A_1014 = tpu.memref_squeeze %dma_wait3A_1013 : memref<1x8x24x128xf32, #tpu.memory_space<vmem>> -> memref<8x24x128xf32, #tpu.memory_space<vmem>>
    tpu.wait_dma2 semaphore(%arg9 : memref<!tpu.dma_semaphore, #tpu.memory_space<semaphore_mem>>) src(%dma_wait3A_1014 : memref<8x24x128xf32, #tpu.memory_space<vmem>>) dst(%dma_wait3A_1009 : memref<8x24x128xf32, #tpu.memory_space<hbm>>)
    %add3A_1015 = arith.constant 88 : i32
    %add3A_1016 = arith.addi %mul3A_2, %add3A_1015 : i32
    %dma_start3A_1017 = arith.constant 2 : i32
    %dma_start3A_1018 = arith.constant 0 : i32
    %dma_start3A_1019 = arith.constant 0 : i32
    %dma_start3A_1020 = arith.constant 0 : i32
    %dma_start3A_1021 = tpu.memref_slice %arg7[%dma_start3A_1017, %dma_start3A_1018, %dma_start3A_1019, %dma_start3A_1020] : memref<3x8x24x128xf32, #tpu.memory_space<vmem>> -> memref<1x8x24x128xf32, #tpu.memory_space<vmem>>
    %dma_start3A_1022 = tpu.memref_squeeze %dma_start3A_1021 : memref<1x8x24x128xf32, #tpu.memory_space<vmem>> -> memref<8x24x128xf32, #tpu.memory_space<vmem>>
    %dma_start3A_1023 = arith.constant 0 : i32
    %dma_start3A_1024 = arith.constant 0 : i32
    %dma_start3A_1025 = arith.constant 0 : i32
    %dma_start3A_1026 = tpu.memref_slice %dma_start3A_1022[%dma_start3A_1023, %dma_start3A_1024, %dma_start3A_1025] : memref<8x24x128xf32, #tpu.memory_space<vmem>> -> memref<8x19x128xf32, #tpu.memory_space<vmem>>
    %dma_start3A_1027 = arith.constant 0 : i32
    %dma_start3A_1028 = arith.constant 0 : i32
    %dma_start3A_1029 = tpu.memref_slice %arg2[%add3A_1016, %dma_start3A_1027, %dma_start3A_1028] : memref<4096x19x128xf32, #tpu.memory_space<hbm>> -> memref<8x19x128xf32, #tpu.memory_space<hbm>>
    %dma_start3A_1030 = arith.constant 0 : i32
    %dma_start3A_1031 = arith.constant 0 : i32
    %dma_start3A_1032 = arith.constant 0 : i32
    %dma_start3A_1033 = tpu.memref_slice %arg7[%dma_start3A_1017, %dma_start3A_1030, %dma_start3A_1031, %dma_start3A_1032] : memref<3x8x24x128xf32, #tpu.memory_space<vmem>> -> memref<1x8x24x128xf32, #tpu.memory_space<vmem>>
    %dma_start3A_1034 = tpu.memref_squeeze %dma_start3A_1033 : memref<1x8x24x128xf32, #tpu.memory_space<vmem>> -> memref<8x24x128xf32, #tpu.memory_space<vmem>>
    %dma_start3A_1035 = arith.constant 0 : i32
    %dma_start3A_1036 = arith.constant 0 : i32
    %dma_start3A_1037 = arith.constant 0 : i32
    %dma_start3A_1038 = tpu.memref_slice %dma_start3A_1034[%dma_start3A_1035, %dma_start3A_1036, %dma_start3A_1037] : memref<8x24x128xf32, #tpu.memory_space<vmem>> -> memref<8x19x128xf32, #tpu.memory_space<vmem>>
    %dma_start3A_1039 = arith.constant 0 : i32
    %dma_start3A_1040 = arith.constant 0 : i32
    %dma_start3A_1041 = tpu.memref_slice %arg2[%add3A_1016, %dma_start3A_1039, %dma_start3A_1040] : memref<4096x19x128xf32, #tpu.memory_space<hbm>> -> memref<8x19x128xf32, #tpu.memory_space<hbm>>
    tpu.enqueue_dma source(%dma_start3A_1041 : memref<8x19x128xf32, #tpu.memory_space<hbm>>) target(%dma_start3A_1038 : memref<8x19x128xf32, #tpu.memory_space<vmem>>) target_semaphore(%arg8 : memref<!tpu.dma_semaphore, #tpu.memory_space<semaphore_mem>>)
    %add3A_1042 = arith.constant 72 : i32
    %add3A_1043 = arith.addi %mul3A_2, %add3A_1042 : i32
    %dma_start3A_1044 = arith.constant 24 : i32
    %dma_start3A_1045 = arith.constant 0 : i32
    %dma_start3A_1046 = tpu.memref_slice %arg5[%add3A_1043, %dma_start3A_1044, %dma_start3A_1045] : memref<4096x64x128xf32, #tpu.memory_space<hbm>> -> memref<8x40x128xf32, #tpu.memory_space<hbm>>
    %dma_start3A_1047 = arith.constant 24 : i32
    %dma_start3A_1048 = arith.constant 0 : i32
    %dma_start3A_1049 = tpu.memref_slice %arg5[%add3A_1043, %dma_start3A_1047, %dma_start3A_1048] : memref<4096x64x128xf32, #tpu.memory_space<hbm>> -> memref<8x40x128xf32, #tpu.memory_space<hbm>>
    tpu.enqueue_dma source(%arg6 : memref<8x40x128xf32, #tpu.memory_space<vmem>>) target(%dma_start3A_1049 : memref<8x40x128xf32, #tpu.memory_space<hbm>>) target_semaphore(%arg10 : memref<!tpu.dma_semaphore, #tpu.memory_space<semaphore_mem>>)
    %dma_wait3A_1050 = arith.constant 0 : i32
    %dma_wait3A_1051 = arith.constant 0 : i32
    %dma_wait3A_1052 = arith.constant 0 : i32
    %dma_wait3A_1053 = arith.constant 0 : i32
    %dma_wait3A_1054 = tpu.memref_slice %arg7[%dma_wait3A_1050, %dma_wait3A_1051, %dma_wait3A_1052, %dma_wait3A_1053] : memref<3x8x24x128xf32, #tpu.memory_space<vmem>> -> memref<1x8x24x128xf32, #tpu.memory_space<vmem>>
    %dma_wait3A_1055 = tpu.memref_squeeze %dma_wait3A_1054 : memref<1x8x24x128xf32, #tpu.memory_space<vmem>> -> memref<8x24x128xf32, #tpu.memory_space<vmem>>
    %dma_wait3A_1056 = arith.constant 0 : i32
    %dma_wait3A_1057 = arith.constant 0 : i32
    %dma_wait3A_1058 = arith.constant 0 : i32
    %dma_wait3A_1059 = tpu.memref_slice %dma_wait3A_1055[%dma_wait3A_1056, %dma_wait3A_1057, %dma_wait3A_1058] : memref<8x24x128xf32, #tpu.memory_space<vmem>> -> memref<8x19x128xf32, #tpu.memory_space<vmem>>
    %dma_wait3A_1060 = arith.constant 0 : i32
    %dma_wait3A_1061 = arith.constant 0 : i32
    %dma_wait3A_1062 = tpu.memref_slice %arg2[%add3A_828, %dma_wait3A_1060, %dma_wait3A_1061] : memref<4096x19x128xf32, #tpu.memory_space<hbm>> -> memref<8x19x128xf32, #tpu.memory_space<hbm>>
    %dma_wait3A_1063 = arith.constant 0 : i32
    %dma_wait3A_1064 = arith.constant 0 : i32
    %dma_wait3A_1065 = arith.constant 0 : i32
    %dma_wait3A_1066 = tpu.memref_slice %arg7[%dma_wait3A_1050, %dma_wait3A_1063, %dma_wait3A_1064, %dma_wait3A_1065] : memref<3x8x24x128xf32, #tpu.memory_space<vmem>> -> memref<1x8x24x128xf32, #tpu.memory_space<vmem>>
    %dma_wait3A_1067 = tpu.memref_squeeze %dma_wait3A_1066 : memref<1x8x24x128xf32, #tpu.memory_space<vmem>> -> memref<8x24x128xf32, #tpu.memory_space<vmem>>
    %dma_wait3A_1068 = arith.constant 0 : i32
    %dma_wait3A_1069 = arith.constant 0 : i32
    %dma_wait3A_1070 = arith.constant 0 : i32
    %dma_wait3A_1071 = tpu.memref_slice %dma_wait3A_1067[%dma_wait3A_1068, %dma_wait3A_1069, %dma_wait3A_1070] : memref<8x24x128xf32, #tpu.memory_space<vmem>> -> memref<8x19x128xf32, #tpu.memory_space<vmem>>
    %dma_wait3A_1072 = arith.constant 0 : i32
    %dma_wait3A_1073 = arith.constant 0 : i32
    %dma_wait3A_1074 = tpu.memref_slice %arg2[%add3A_828, %dma_wait3A_1072, %dma_wait3A_1073] : memref<4096x19x128xf32, #tpu.memory_space<hbm>> -> memref<8x19x128xf32, #tpu.memory_space<hbm>>
    tpu.wait_dma2 semaphore(%arg8 : memref<!tpu.dma_semaphore, #tpu.memory_space<semaphore_mem>>) src(%dma_wait3A_1074 : memref<8x19x128xf32, #tpu.memory_space<hbm>>) dst(%dma_wait3A_1071 : memref<8x19x128xf32, #tpu.memory_space<vmem>>)
    %dma_start3A_1075 = arith.constant 0 : i32
    %dma_start3A_1076 = arith.constant 0 : i32
    %dma_start3A_1077 = arith.constant 0 : i32
    %dma_start3A_1078 = arith.constant 0 : i32
    %dma_start3A_1079 = tpu.memref_slice %arg7[%dma_start3A_1075, %dma_start3A_1076, %dma_start3A_1077, %dma_start3A_1078] : memref<3x8x24x128xf32, #tpu.memory_space<vmem>> -> memref<1x8x24x128xf32, #tpu.memory_space<vmem>>
    %dma_start3A_1080 = tpu.memref_squeeze %dma_start3A_1079 : memref<1x8x24x128xf32, #tpu.memory_space<vmem>> -> memref<8x24x128xf32, #tpu.memory_space<vmem>>
    %dma_start3A_1081 = arith.constant 0 : i32
    %dma_start3A_1082 = arith.constant 0 : i32
    %dma_start3A_1083 = tpu.memref_slice %arg5[%add3A_1043, %dma_start3A_1081, %dma_start3A_1082] : memref<4096x64x128xf32, #tpu.memory_space<hbm>> -> memref<8x24x128xf32, #tpu.memory_space<hbm>>
    %dma_start3A_1084 = arith.constant 0 : i32
    %dma_start3A_1085 = arith.constant 0 : i32
    %dma_start3A_1086 = tpu.memref_slice %arg5[%add3A_1043, %dma_start3A_1084, %dma_start3A_1085] : memref<4096x64x128xf32, #tpu.memory_space<hbm>> -> memref<8x24x128xf32, #tpu.memory_space<hbm>>
    %dma_start3A_1087 = arith.constant 0 : i32
    %dma_start3A_1088 = arith.constant 0 : i32
    %dma_start3A_1089 = arith.constant 0 : i32
    %dma_start3A_1090 = tpu.memref_slice %arg7[%dma_start3A_1075, %dma_start3A_1087, %dma_start3A_1088, %dma_start3A_1089] : memref<3x8x24x128xf32, #tpu.memory_space<vmem>> -> memref<1x8x24x128xf32, #tpu.memory_space<vmem>>
    %dma_start3A_1091 = tpu.memref_squeeze %dma_start3A_1090 : memref<1x8x24x128xf32, #tpu.memory_space<vmem>> -> memref<8x24x128xf32, #tpu.memory_space<vmem>>
    tpu.enqueue_dma source(%dma_start3A_1091 : memref<8x24x128xf32, #tpu.memory_space<vmem>>) target(%dma_start3A_1086 : memref<8x24x128xf32, #tpu.memory_space<hbm>>) target_semaphore(%arg9 : memref<!tpu.dma_semaphore, #tpu.memory_space<semaphore_mem>>)
    %dma_wait3A_1092 = arith.constant 0 : i32
    %dma_wait3A_1093 = arith.constant 0 : i32
    %dma_wait3A_1094 = arith.constant 0 : i32
    %dma_wait3A_1095 = arith.constant 0 : i32
    %dma_wait3A_1096 = tpu.memref_slice %arg7[%dma_wait3A_1092, %dma_wait3A_1093, %dma_wait3A_1094, %dma_wait3A_1095] : memref<3x8x24x128xf32, #tpu.memory_space<vmem>> -> memref<1x8x24x128xf32, #tpu.memory_space<vmem>>
    %dma_wait3A_1097 = tpu.memref_squeeze %dma_wait3A_1096 : memref<1x8x24x128xf32, #tpu.memory_space<vmem>> -> memref<8x24x128xf32, #tpu.memory_space<vmem>>
    %dma_wait3A_1098 = arith.constant 0 : i32
    %dma_wait3A_1099 = arith.constant 0 : i32
    %dma_wait3A_1100 = tpu.memref_slice %arg5[%add3A_1043, %dma_wait3A_1098, %dma_wait3A_1099] : memref<4096x64x128xf32, #tpu.memory_space<hbm>> -> memref<8x24x128xf32, #tpu.memory_space<hbm>>
    %dma_wait3A_1101 = arith.constant 0 : i32
    %dma_wait3A_1102 = arith.constant 0 : i32
    %dma_wait3A_1103 = tpu.memref_slice %arg5[%add3A_1043, %dma_wait3A_1101, %dma_wait3A_1102] : memref<4096x64x128xf32, #tpu.memory_space<hbm>> -> memref<8x24x128xf32, #tpu.memory_space<hbm>>
    %dma_wait3A_1104 = arith.constant 0 : i32
    %dma_wait3A_1105 = arith.constant 0 : i32
    %dma_wait3A_1106 = arith.constant 0 : i32
    %dma_wait3A_1107 = tpu.memref_slice %arg7[%dma_wait3A_1092, %dma_wait3A_1104, %dma_wait3A_1105, %dma_wait3A_1106] : memref<3x8x24x128xf32, #tpu.memory_space<vmem>> -> memref<1x8x24x128xf32, #tpu.memory_space<vmem>>
    %dma_wait3A_1108 = tpu.memref_squeeze %dma_wait3A_1107 : memref<1x8x24x128xf32, #tpu.memory_space<vmem>> -> memref<8x24x128xf32, #tpu.memory_space<vmem>>
    tpu.wait_dma2 semaphore(%arg9 : memref<!tpu.dma_semaphore, #tpu.memory_space<semaphore_mem>>) src(%dma_wait3A_1108 : memref<8x24x128xf32, #tpu.memory_space<vmem>>) dst(%dma_wait3A_1103 : memref<8x24x128xf32, #tpu.memory_space<hbm>>)
    %add3A_1109 = arith.constant 96 : i32
    %add3A_1110 = arith.addi %mul3A_2, %add3A_1109 : i32
    %dma_start3A_1111 = arith.constant 0 : i32
    %dma_start3A_1112 = arith.constant 0 : i32
    %dma_start3A_1113 = arith.constant 0 : i32
    %dma_start3A_1114 = arith.constant 0 : i32
    %dma_start3A_1115 = tpu.memref_slice %arg7[%dma_start3A_1111, %dma_start3A_1112, %dma_start3A_1113, %dma_start3A_1114] : memref<3x8x24x128xf32, #tpu.memory_space<vmem>> -> memref<1x8x24x128xf32, #tpu.memory_space<vmem>>
    %dma_start3A_1116 = tpu.memref_squeeze %dma_start3A_1115 : memref<1x8x24x128xf32, #tpu.memory_space<vmem>> -> memref<8x24x128xf32, #tpu.memory_space<vmem>>
    %dma_start3A_1117 = arith.constant 0 : i32
    %dma_start3A_1118 = arith.constant 0 : i32
    %dma_start3A_1119 = arith.constant 0 : i32
    %dma_start3A_1120 = tpu.memref_slice %dma_start3A_1116[%dma_start3A_1117, %dma_start3A_1118, %dma_start3A_1119] : memref<8x24x128xf32, #tpu.memory_space<vmem>> -> memref<8x19x128xf32, #tpu.memory_space<vmem>>
    %dma_start3A_1121 = arith.constant 0 : i32
    %dma_start3A_1122 = arith.constant 0 : i32
    %dma_start3A_1123 = tpu.memref_slice %arg2[%add3A_1110, %dma_start3A_1121, %dma_start3A_1122] : memref<4096x19x128xf32, #tpu.memory_space<hbm>> -> memref<8x19x128xf32, #tpu.memory_space<hbm>>
    %dma_start3A_1124 = arith.constant 0 : i32
    %dma_start3A_1125 = arith.constant 0 : i32
    %dma_start3A_1126 = arith.constant 0 : i32
    %dma_start3A_1127 = tpu.memref_slice %arg7[%dma_start3A_1111, %dma_start3A_1124, %dma_start3A_1125, %dma_start3A_1126] : memref<3x8x24x128xf32, #tpu.memory_space<vmem>> -> memref<1x8x24x128xf32, #tpu.memory_space<vmem>>
    %dma_start3A_1128 = tpu.memref_squeeze %dma_start3A_1127 : memref<1x8x24x128xf32, #tpu.memory_space<vmem>> -> memref<8x24x128xf32, #tpu.memory_space<vmem>>
    %dma_start3A_1129 = arith.constant 0 : i32
    %dma_start3A_1130 = arith.constant 0 : i32
    %dma_start3A_1131 = arith.constant 0 : i32
    %dma_start3A_1132 = tpu.memref_slice %dma_start3A_1128[%dma_start3A_1129, %dma_start3A_1130, %dma_start3A_1131] : memref<8x24x128xf32, #tpu.memory_space<vmem>> -> memref<8x19x128xf32, #tpu.memory_space<vmem>>
    %dma_start3A_1133 = arith.constant 0 : i32
    %dma_start3A_1134 = arith.constant 0 : i32
    %dma_start3A_1135 = tpu.memref_slice %arg2[%add3A_1110, %dma_start3A_1133, %dma_start3A_1134] : memref<4096x19x128xf32, #tpu.memory_space<hbm>> -> memref<8x19x128xf32, #tpu.memory_space<hbm>>
    tpu.enqueue_dma source(%dma_start3A_1135 : memref<8x19x128xf32, #tpu.memory_space<hbm>>) target(%dma_start3A_1132 : memref<8x19x128xf32, #tpu.memory_space<vmem>>) target_semaphore(%arg8 : memref<!tpu.dma_semaphore, #tpu.memory_space<semaphore_mem>>)
    %add3A_1136 = arith.constant 80 : i32
    %add3A_1137 = arith.addi %mul3A_2, %add3A_1136 : i32
    %dma_start3A_1138 = arith.constant 24 : i32
    %dma_start3A_1139 = arith.constant 0 : i32
    %dma_start3A_1140 = tpu.memref_slice %arg5[%add3A_1137, %dma_start3A_1138, %dma_start3A_1139] : memref<4096x64x128xf32, #tpu.memory_space<hbm>> -> memref<8x40x128xf32, #tpu.memory_space<hbm>>
    %dma_start3A_1141 = arith.constant 24 : i32
    %dma_start3A_1142 = arith.constant 0 : i32
    %dma_start3A_1143 = tpu.memref_slice %arg5[%add3A_1137, %dma_start3A_1141, %dma_start3A_1142] : memref<4096x64x128xf32, #tpu.memory_space<hbm>> -> memref<8x40x128xf32, #tpu.memory_space<hbm>>
    tpu.enqueue_dma source(%arg6 : memref<8x40x128xf32, #tpu.memory_space<vmem>>) target(%dma_start3A_1143 : memref<8x40x128xf32, #tpu.memory_space<hbm>>) target_semaphore(%arg10 : memref<!tpu.dma_semaphore, #tpu.memory_space<semaphore_mem>>)
    %dma_wait3A_1144 = arith.constant 1 : i32
    %dma_wait3A_1145 = arith.constant 0 : i32
    %dma_wait3A_1146 = arith.constant 0 : i32
    %dma_wait3A_1147 = arith.constant 0 : i32
    %dma_wait3A_1148 = tpu.memref_slice %arg7[%dma_wait3A_1144, %dma_wait3A_1145, %dma_wait3A_1146, %dma_wait3A_1147] : memref<3x8x24x128xf32, #tpu.memory_space<vmem>> -> memref<1x8x24x128xf32, #tpu.memory_space<vmem>>
    %dma_wait3A_1149 = tpu.memref_squeeze %dma_wait3A_1148 : memref<1x8x24x128xf32, #tpu.memory_space<vmem>> -> memref<8x24x128xf32, #tpu.memory_space<vmem>>
    %dma_wait3A_1150 = arith.constant 0 : i32
    %dma_wait3A_1151 = arith.constant 0 : i32
    %dma_wait3A_1152 = arith.constant 0 : i32
    %dma_wait3A_1153 = tpu.memref_slice %dma_wait3A_1149[%dma_wait3A_1150, %dma_wait3A_1151, %dma_wait3A_1152] : memref<8x24x128xf32, #tpu.memory_space<vmem>> -> memref<8x19x128xf32, #tpu.memory_space<vmem>>
    %dma_wait3A_1154 = arith.constant 0 : i32
    %dma_wait3A_1155 = arith.constant 0 : i32
    %dma_wait3A_1156 = tpu.memref_slice %arg2[%add3A_922, %dma_wait3A_1154, %dma_wait3A_1155] : memref<4096x19x128xf32, #tpu.memory_space<hbm>> -> memref<8x19x128xf32, #tpu.memory_space<hbm>>
    %dma_wait3A_1157 = arith.constant 0 : i32
    %dma_wait3A_1158 = arith.constant 0 : i32
    %dma_wait3A_1159 = arith.constant 0 : i32
    %dma_wait3A_1160 = tpu.memref_slice %arg7[%dma_wait3A_1144, %dma_wait3A_1157, %dma_wait3A_1158, %dma_wait3A_1159] : memref<3x8x24x128xf32, #tpu.memory_space<vmem>> -> memref<1x8x24x128xf32, #tpu.memory_space<vmem>>
    %dma_wait3A_1161 = tpu.memref_squeeze %dma_wait3A_1160 : memref<1x8x24x128xf32, #tpu.memory_space<vmem>> -> memref<8x24x128xf32, #tpu.memory_space<vmem>>
    %dma_wait3A_1162 = arith.constant 0 : i32
    %dma_wait3A_1163 = arith.constant 0 : i32
    %dma_wait3A_1164 = arith.constant 0 : i32
    %dma_wait3A_1165 = tpu.memref_slice %dma_wait3A_1161[%dma_wait3A_1162, %dma_wait3A_1163, %dma_wait3A_1164] : memref<8x24x128xf32, #tpu.memory_space<vmem>> -> memref<8x19x128xf32, #tpu.memory_space<vmem>>
    %dma_wait3A_1166 = arith.constant 0 : i32
    %dma_wait3A_1167 = arith.constant 0 : i32
    %dma_wait3A_1168 = tpu.memref_slice %arg2[%add3A_922, %dma_wait3A_1166, %dma_wait3A_1167] : memref<4096x19x128xf32, #tpu.memory_space<hbm>> -> memref<8x19x128xf32, #tpu.memory_space<hbm>>
    tpu.wait_dma2 semaphore(%arg8 : memref<!tpu.dma_semaphore, #tpu.memory_space<semaphore_mem>>) src(%dma_wait3A_1168 : memref<8x19x128xf32, #tpu.memory_space<hbm>>) dst(%dma_wait3A_1165 : memref<8x19x128xf32, #tpu.memory_space<vmem>>)
    %dma_start3A_1169 = arith.constant 1 : i32
    %dma_start3A_1170 = arith.constant 0 : i32
    %dma_start3A_1171 = arith.constant 0 : i32
    %dma_start3A_1172 = arith.constant 0 : i32
    %dma_start3A_1173 = tpu.memref_slice %arg7[%dma_start3A_1169, %dma_start3A_1170, %dma_start3A_1171, %dma_start3A_1172] : memref<3x8x24x128xf32, #tpu.memory_space<vmem>> -> memref<1x8x24x128xf32, #tpu.memory_space<vmem>>
    %dma_start3A_1174 = tpu.memref_squeeze %dma_start3A_1173 : memref<1x8x24x128xf32, #tpu.memory_space<vmem>> -> memref<8x24x128xf32, #tpu.memory_space<vmem>>
    %dma_start3A_1175 = arith.constant 0 : i32
    %dma_start3A_1176 = arith.constant 0 : i32
    %dma_start3A_1177 = tpu.memref_slice %arg5[%add3A_1137, %dma_start3A_1175, %dma_start3A_1176] : memref<4096x64x128xf32, #tpu.memory_space<hbm>> -> memref<8x24x128xf32, #tpu.memory_space<hbm>>
    %dma_start3A_1178 = arith.constant 0 : i32
    %dma_start3A_1179 = arith.constant 0 : i32
    %dma_start3A_1180 = tpu.memref_slice %arg5[%add3A_1137, %dma_start3A_1178, %dma_start3A_1179] : memref<4096x64x128xf32, #tpu.memory_space<hbm>> -> memref<8x24x128xf32, #tpu.memory_space<hbm>>
    %dma_start3A_1181 = arith.constant 0 : i32
    %dma_start3A_1182 = arith.constant 0 : i32
    %dma_start3A_1183 = arith.constant 0 : i32
    %dma_start3A_1184 = tpu.memref_slice %arg7[%dma_start3A_1169, %dma_start3A_1181, %dma_start3A_1182, %dma_start3A_1183] : memref<3x8x24x128xf32, #tpu.memory_space<vmem>> -> memref<1x8x24x128xf32, #tpu.memory_space<vmem>>
    %dma_start3A_1185 = tpu.memref_squeeze %dma_start3A_1184 : memref<1x8x24x128xf32, #tpu.memory_space<vmem>> -> memref<8x24x128xf32, #tpu.memory_space<vmem>>
    tpu.enqueue_dma source(%dma_start3A_1185 : memref<8x24x128xf32, #tpu.memory_space<vmem>>) target(%dma_start3A_1180 : memref<8x24x128xf32, #tpu.memory_space<hbm>>) target_semaphore(%arg9 : memref<!tpu.dma_semaphore, #tpu.memory_space<semaphore_mem>>)
    %dma_wait3A_1186 = arith.constant 1 : i32
    %dma_wait3A_1187 = arith.constant 0 : i32
    %dma_wait3A_1188 = arith.constant 0 : i32
    %dma_wait3A_1189 = arith.constant 0 : i32
    %dma_wait3A_1190 = tpu.memref_slice %arg7[%dma_wait3A_1186, %dma_wait3A_1187, %dma_wait3A_1188, %dma_wait3A_1189] : memref<3x8x24x128xf32, #tpu.memory_space<vmem>> -> memref<1x8x24x128xf32, #tpu.memory_space<vmem>>
    %dma_wait3A_1191 = tpu.memref_squeeze %dma_wait3A_1190 : memref<1x8x24x128xf32, #tpu.memory_space<vmem>> -> memref<8x24x128xf32, #tpu.memory_space<vmem>>
    %dma_wait3A_1192 = arith.constant 0 : i32
    %dma_wait3A_1193 = arith.constant 0 : i32
    %dma_wait3A_1194 = tpu.memref_slice %arg5[%add3A_1137, %dma_wait3A_1192, %dma_wait3A_1193] : memref<4096x64x128xf32, #tpu.memory_space<hbm>> -> memref<8x24x128xf32, #tpu.memory_space<hbm>>
    %dma_wait3A_1195 = arith.constant 0 : i32
    %dma_wait3A_1196 = arith.constant 0 : i32
    %dma_wait3A_1197 = tpu.memref_slice %arg5[%add3A_1137, %dma_wait3A_1195, %dma_wait3A_1196] : memref<4096x64x128xf32, #tpu.memory_space<hbm>> -> memref<8x24x128xf32, #tpu.memory_space<hbm>>
    %dma_wait3A_1198 = arith.constant 0 : i32
    %dma_wait3A_1199 = arith.constant 0 : i32
    %dma_wait3A_1200 = arith.constant 0 : i32
    %dma_wait3A_1201 = tpu.memref_slice %arg7[%dma_wait3A_1186, %dma_wait3A_1198, %dma_wait3A_1199, %dma_wait3A_1200] : memref<3x8x24x128xf32, #tpu.memory_space<vmem>> -> memref<1x8x24x128xf32, #tpu.memory_space<vmem>>
    %dma_wait3A_1202 = tpu.memref_squeeze %dma_wait3A_1201 : memref<1x8x24x128xf32, #tpu.memory_space<vmem>> -> memref<8x24x128xf32, #tpu.memory_space<vmem>>
    tpu.wait_dma2 semaphore(%arg9 : memref<!tpu.dma_semaphore, #tpu.memory_space<semaphore_mem>>) src(%dma_wait3A_1202 : memref<8x24x128xf32, #tpu.memory_space<vmem>>) dst(%dma_wait3A_1197 : memref<8x24x128xf32, #tpu.memory_space<hbm>>)
    %add3A_1203 = arith.constant 104 : i32
    %add3A_1204 = arith.addi %mul3A_2, %add3A_1203 : i32
    %dma_start3A_1205 = arith.constant 1 : i32
    %dma_start3A_1206 = arith.constant 0 : i32
    %dma_start3A_1207 = arith.constant 0 : i32
    %dma_start3A_1208 = arith.constant 0 : i32
    %dma_start3A_1209 = tpu.memref_slice %arg7[%dma_start3A_1205, %dma_start3A_1206, %dma_start3A_1207, %dma_start3A_1208] : memref<3x8x24x128xf32, #tpu.memory_space<vmem>> -> memref<1x8x24x128xf32, #tpu.memory_space<vmem>>
    %dma_start3A_1210 = tpu.memref_squeeze %dma_start3A_1209 : memref<1x8x24x128xf32, #tpu.memory_space<vmem>> -> memref<8x24x128xf32, #tpu.memory_space<vmem>>
    %dma_start3A_1211 = arith.constant 0 : i32
    %dma_start3A_1212 = arith.constant 0 : i32
    %dma_start3A_1213 = arith.constant 0 : i32
    %dma_start3A_1214 = tpu.memref_slice %dma_start3A_1210[%dma_start3A_1211, %dma_start3A_1212, %dma_start3A_1213] : memref<8x24x128xf32, #tpu.memory_space<vmem>> -> memref<8x19x128xf32, #tpu.memory_space<vmem>>
    %dma_start3A_1215 = arith.constant 0 : i32
    %dma_start3A_1216 = arith.constant 0 : i32
    %dma_start3A_1217 = tpu.memref_slice %arg2[%add3A_1204, %dma_start3A_1215, %dma_start3A_1216] : memref<4096x19x128xf32, #tpu.memory_space<hbm>> -> memref<8x19x128xf32, #tpu.memory_space<hbm>>
    %dma_start3A_1218 = arith.constant 0 : i32
    %dma_start3A_1219 = arith.constant 0 : i32
    %dma_start3A_1220 = arith.constant 0 : i32
    %dma_start3A_1221 = tpu.memref_slice %arg7[%dma_start3A_1205, %dma_start3A_1218, %dma_start3A_1219, %dma_start3A_1220] : memref<3x8x24x128xf32, #tpu.memory_space<vmem>> -> memref<1x8x24x128xf32, #tpu.memory_space<vmem>>
    %dma_start3A_1222 = tpu.memref_squeeze %dma_start3A_1221 : memref<1x8x24x128xf32, #tpu.memory_space<vmem>> -> memref<8x24x128xf32, #tpu.memory_space<vmem>>
    %dma_start3A_1223 = arith.constant 0 : i32
    %dma_start3A_1224 = arith.constant 0 : i32
    %dma_start3A_1225 = arith.constant 0 : i32
    %dma_start3A_1226 = tpu.memref_slice %dma_start3A_1222[%dma_start3A_1223, %dma_start3A_1224, %dma_start3A_1225] : memref<8x24x128xf32, #tpu.memory_space<vmem>> -> memref<8x19x128xf32, #tpu.memory_space<vmem>>
    %dma_start3A_1227 = arith.constant 0 : i32
    %dma_start3A_1228 = arith.constant 0 : i32
    %dma_start3A_1229 = tpu.memref_slice %arg2[%add3A_1204, %dma_start3A_1227, %dma_start3A_1228] : memref<4096x19x128xf32, #tpu.memory_space<hbm>> -> memref<8x19x128xf32, #tpu.memory_space<hbm>>
    tpu.enqueue_dma source(%dma_start3A_1229 : memref<8x19x128xf32, #tpu.memory_space<hbm>>) target(%dma_start3A_1226 : memref<8x19x128xf32, #tpu.memory_space<vmem>>) target_semaphore(%arg8 : memref<!tpu.dma_semaphore, #tpu.memory_space<semaphore_mem>>)
    %add3A_1230 = arith.constant 88 : i32
    %add3A_1231 = arith.addi %mul3A_2, %add3A_1230 : i32
    %dma_start3A_1232 = arith.constant 24 : i32
    %dma_start3A_1233 = arith.constant 0 : i32
    %dma_start3A_1234 = tpu.memref_slice %arg5[%add3A_1231, %dma_start3A_1232, %dma_start3A_1233] : memref<4096x64x128xf32, #tpu.memory_space<hbm>> -> memref<8x40x128xf32, #tpu.memory_space<hbm>>
    %dma_start3A_1235 = arith.constant 24 : i32
    %dma_start3A_1236 = arith.constant 0 : i32
    %dma_start3A_1237 = tpu.memref_slice %arg5[%add3A_1231, %dma_start3A_1235, %dma_start3A_1236] : memref<4096x64x128xf32, #tpu.memory_space<hbm>> -> memref<8x40x128xf32, #tpu.memory_space<hbm>>
    tpu.enqueue_dma source(%arg6 : memref<8x40x128xf32, #tpu.memory_space<vmem>>) target(%dma_start3A_1237 : memref<8x40x128xf32, #tpu.memory_space<hbm>>) target_semaphore(%arg10 : memref<!tpu.dma_semaphore, #tpu.memory_space<semaphore_mem>>)
    %dma_wait3A_1238 = arith.constant 2 : i32
    %dma_wait3A_1239 = arith.constant 0 : i32
    %dma_wait3A_1240 = arith.constant 0 : i32
    %dma_wait3A_1241 = arith.constant 0 : i32
    %dma_wait3A_1242 = tpu.memref_slice %arg7[%dma_wait3A_1238, %dma_wait3A_1239, %dma_wait3A_1240, %dma_wait3A_1241] : memref<3x8x24x128xf32, #tpu.memory_space<vmem>> -> memref<1x8x24x128xf32, #tpu.memory_space<vmem>>
    %dma_wait3A_1243 = tpu.memref_squeeze %dma_wait3A_1242 : memref<1x8x24x128xf32, #tpu.memory_space<vmem>> -> memref<8x24x128xf32, #tpu.memory_space<vmem>>
    %dma_wait3A_1244 = arith.constant 0 : i32
    %dma_wait3A_1245 = arith.constant 0 : i32
    %dma_wait3A_1246 = arith.constant 0 : i32
    %dma_wait3A_1247 = tpu.memref_slice %dma_wait3A_1243[%dma_wait3A_1244, %dma_wait3A_1245, %dma_wait3A_1246] : memref<8x24x128xf32, #tpu.memory_space<vmem>> -> memref<8x19x128xf32, #tpu.memory_space<vmem>>
    %dma_wait3A_1248 = arith.constant 0 : i32
    %dma_wait3A_1249 = arith.constant 0 : i32
    %dma_wait3A_1250 = tpu.memref_slice %arg2[%add3A_1016, %dma_wait3A_1248, %dma_wait3A_1249] : memref<4096x19x128xf32, #tpu.memory_space<hbm>> -> memref<8x19x128xf32, #tpu.memory_space<hbm>>
    %dma_wait3A_1251 = arith.constant 0 : i32
    %dma_wait3A_1252 = arith.constant 0 : i32
    %dma_wait3A_1253 = arith.constant 0 : i32
    %dma_wait3A_1254 = tpu.memref_slice %arg7[%dma_wait3A_1238, %dma_wait3A_1251, %dma_wait3A_1252, %dma_wait3A_1253] : memref<3x8x24x128xf32, #tpu.memory_space<vmem>> -> memref<1x8x24x128xf32, #tpu.memory_space<vmem>>
    %dma_wait3A_1255 = tpu.memref_squeeze %dma_wait3A_1254 : memref<1x8x24x128xf32, #tpu.memory_space<vmem>> -> memref<8x24x128xf32, #tpu.memory_space<vmem>>
    %dma_wait3A_1256 = arith.constant 0 : i32
    %dma_wait3A_1257 = arith.constant 0 : i32
    %dma_wait3A_1258 = arith.constant 0 : i32
    %dma_wait3A_1259 = tpu.memref_slice %dma_wait3A_1255[%dma_wait3A_1256, %dma_wait3A_1257, %dma_wait3A_1258] : memref<8x24x128xf32, #tpu.memory_space<vmem>> -> memref<8x19x128xf32, #tpu.memory_space<vmem>>
    %dma_wait3A_1260 = arith.constant 0 : i32
    %dma_wait3A_1261 = arith.constant 0 : i32
    %dma_wait3A_1262 = tpu.memref_slice %arg2[%add3A_1016, %dma_wait3A_1260, %dma_wait3A_1261] : memref<4096x19x128xf32, #tpu.memory_space<hbm>> -> memref<8x19x128xf32, #tpu.memory_space<hbm>>
    tpu.wait_dma2 semaphore(%arg8 : memref<!tpu.dma_semaphore, #tpu.memory_space<semaphore_mem>>) src(%dma_wait3A_1262 : memref<8x19x128xf32, #tpu.memory_space<hbm>>) dst(%dma_wait3A_1259 : memref<8x19x128xf32, #tpu.memory_space<vmem>>)
    %dma_start3A_1263 = arith.constant 2 : i32
    %dma_start3A_1264 = arith.constant 0 : i32
    %dma_start3A_1265 = arith.constant 0 : i32
    %dma_start3A_1266 = arith.constant 0 : i32
    %dma_start3A_1267 = tpu.memref_slice %arg7[%dma_start3A_1263, %dma_start3A_1264, %dma_start3A_1265, %dma_start3A_1266] : memref<3x8x24x128xf32, #tpu.memory_space<vmem>> -> memref<1x8x24x128xf32, #tpu.memory_space<vmem>>
    %dma_start3A_1268 = tpu.memref_squeeze %dma_start3A_1267 : memref<1x8x24x128xf32, #tpu.memory_space<vmem>> -> memref<8x24x128xf32, #tpu.memory_space<vmem>>
    %dma_start3A_1269 = arith.constant 0 : i32
    %dma_start3A_1270 = arith.constant 0 : i32
    %dma_start3A_1271 = tpu.memref_slice %arg5[%add3A_1231, %dma_start3A_1269, %dma_start3A_1270] : memref<4096x64x128xf32, #tpu.memory_space<hbm>> -> memref<8x24x128xf32, #tpu.memory_space<hbm>>
    %dma_start3A_1272 = arith.constant 0 : i32
    %dma_start3A_1273 = arith.constant 0 : i32
    %dma_start3A_1274 = tpu.memref_slice %arg5[%add3A_1231, %dma_start3A_1272, %dma_start3A_1273] : memref<4096x64x128xf32, #tpu.memory_space<hbm>> -> memref<8x24x128xf32, #tpu.memory_space<hbm>>
    %dma_start3A_1275 = arith.constant 0 : i32
    %dma_start3A_1276 = arith.constant 0 : i32
    %dma_start3A_1277 = arith.constant 0 : i32
    %dma_start3A_1278 = tpu.memref_slice %arg7[%dma_start3A_1263, %dma_start3A_1275, %dma_start3A_1276, %dma_start3A_1277] : memref<3x8x24x128xf32, #tpu.memory_space<vmem>> -> memref<1x8x24x128xf32, #tpu.memory_space<vmem>>
    %dma_start3A_1279 = tpu.memref_squeeze %dma_start3A_1278 : memref<1x8x24x128xf32, #tpu.memory_space<vmem>> -> memref<8x24x128xf32, #tpu.memory_space<vmem>>
    tpu.enqueue_dma source(%dma_start3A_1279 : memref<8x24x128xf32, #tpu.memory_space<vmem>>) target(%dma_start3A_1274 : memref<8x24x128xf32, #tpu.memory_space<hbm>>) target_semaphore(%arg9 : memref<!tpu.dma_semaphore, #tpu.memory_space<semaphore_mem>>)
    %dma_wait3A_1280 = arith.constant 2 : i32
    %dma_wait3A_1281 = arith.constant 0 : i32
    %dma_wait3A_1282 = arith.constant 0 : i32
    %dma_wait3A_1283 = arith.constant 0 : i32
    %dma_wait3A_1284 = tpu.memref_slice %arg7[%dma_wait3A_1280, %dma_wait3A_1281, %dma_wait3A_1282, %dma_wait3A_1283] : memref<3x8x24x128xf32, #tpu.memory_space<vmem>> -> memref<1x8x24x128xf32, #tpu.memory_space<vmem>>
    %dma_wait3A_1285 = tpu.memref_squeeze %dma_wait3A_1284 : memref<1x8x24x128xf32, #tpu.memory_space<vmem>> -> memref<8x24x128xf32, #tpu.memory_space<vmem>>
    %dma_wait3A_1286 = arith.constant 0 : i32
    %dma_wait3A_1287 = arith.constant 0 : i32
    %dma_wait3A_1288 = tpu.memref_slice %arg5[%add3A_1231, %dma_wait3A_1286, %dma_wait3A_1287] : memref<4096x64x128xf32, #tpu.memory_space<hbm>> -> memref<8x24x128xf32, #tpu.memory_space<hbm>>
    %dma_wait3A_1289 = arith.constant 0 : i32
    %dma_wait3A_1290 = arith.constant 0 : i32
    %dma_wait3A_1291 = tpu.memref_slice %arg5[%add3A_1231, %dma_wait3A_1289, %dma_wait3A_1290] : memref<4096x64x128xf32, #tpu.memory_space<hbm>> -> memref<8x24x128xf32, #tpu.memory_space<hbm>>
    %dma_wait3A_1292 = arith.constant 0 : i32
    %dma_wait3A_1293 = arith.constant 0 : i32
    %dma_wait3A_1294 = arith.constant 0 : i32
    %dma_wait3A_1295 = tpu.memref_slice %arg7[%dma_wait3A_1280, %dma_wait3A_1292, %dma_wait3A_1293, %dma_wait3A_1294] : memref<3x8x24x128xf32, #tpu.memory_space<vmem>> -> memref<1x8x24x128xf32, #tpu.memory_space<vmem>>
    %dma_wait3A_1296 = tpu.memref_squeeze %dma_wait3A_1295 : memref<1x8x24x128xf32, #tpu.memory_space<vmem>> -> memref<8x24x128xf32, #tpu.memory_space<vmem>>
    tpu.wait_dma2 semaphore(%arg9 : memref<!tpu.dma_semaphore, #tpu.memory_space<semaphore_mem>>) src(%dma_wait3A_1296 : memref<8x24x128xf32, #tpu.memory_space<vmem>>) dst(%dma_wait3A_1291 : memref<8x24x128xf32, #tpu.memory_space<hbm>>)
    %add3A_1297 = arith.constant 112 : i32
    %add3A_1298 = arith.addi %mul3A_2, %add3A_1297 : i32
    %dma_start3A_1299 = arith.constant 2 : i32
    %dma_start3A_1300 = arith.constant 0 : i32
    %dma_start3A_1301 = arith.constant 0 : i32
    %dma_start3A_1302 = arith.constant 0 : i32
    %dma_start3A_1303 = tpu.memref_slice %arg7[%dma_start3A_1299, %dma_start3A_1300, %dma_start3A_1301, %dma_start3A_1302] : memref<3x8x24x128xf32, #tpu.memory_space<vmem>> -> memref<1x8x24x128xf32, #tpu.memory_space<vmem>>
    %dma_start3A_1304 = tpu.memref_squeeze %dma_start3A_1303 : memref<1x8x24x128xf32, #tpu.memory_space<vmem>> -> memref<8x24x128xf32, #tpu.memory_space<vmem>>
    %dma_start3A_1305 = arith.constant 0 : i32
    %dma_start3A_1306 = arith.constant 0 : i32
    %dma_start3A_1307 = arith.constant 0 : i32
    %dma_start3A_1308 = tpu.memref_slice %dma_start3A_1304[%dma_start3A_1305, %dma_start3A_1306, %dma_start3A_1307] : memref<8x24x128xf32, #tpu.memory_space<vmem>> -> memref<8x19x128xf32, #tpu.memory_space<vmem>>
    %dma_start3A_1309 = arith.constant 0 : i32
    %dma_start3A_1310 = arith.constant 0 : i32
    %dma_start3A_1311 = tpu.memref_slice %arg2[%add3A_1298, %dma_start3A_1309, %dma_start3A_1310] : memref<4096x19x128xf32, #tpu.memory_space<hbm>> -> memref<8x19x128xf32, #tpu.memory_space<hbm>>
    %dma_start3A_1312 = arith.constant 0 : i32
    %dma_start3A_1313 = arith.constant 0 : i32
    %dma_start3A_1314 = arith.constant 0 : i32
    %dma_start3A_1315 = tpu.memref_slice %arg7[%dma_start3A_1299, %dma_start3A_1312, %dma_start3A_1313, %dma_start3A_1314] : memref<3x8x24x128xf32, #tpu.memory_space<vmem>> -> memref<1x8x24x128xf32, #tpu.memory_space<vmem>>
    %dma_start3A_1316 = tpu.memref_squeeze %dma_start3A_1315 : memref<1x8x24x128xf32, #tpu.memory_space<vmem>> -> memref<8x24x128xf32, #tpu.memory_space<vmem>>
    %dma_start3A_1317 = arith.constant 0 : i32
    %dma_start3A_1318 = arith.constant 0 : i32
    %dma_start3A_1319 = arith.constant 0 : i32
    %dma_start3A_1320 = tpu.memref_slice %dma_start3A_1316[%dma_start3A_1317, %dma_start3A_1318, %dma_start3A_1319] : memref<8x24x128xf32, #tpu.memory_space<vmem>> -> memref<8x19x128xf32, #tpu.memory_space<vmem>>
    %dma_start3A_1321 = arith.constant 0 : i32
    %dma_start3A_1322 = arith.constant 0 : i32
    %dma_start3A_1323 = tpu.memref_slice %arg2[%add3A_1298, %dma_start3A_1321, %dma_start3A_1322] : memref<4096x19x128xf32, #tpu.memory_space<hbm>> -> memref<8x19x128xf32, #tpu.memory_space<hbm>>
    tpu.enqueue_dma source(%dma_start3A_1323 : memref<8x19x128xf32, #tpu.memory_space<hbm>>) target(%dma_start3A_1320 : memref<8x19x128xf32, #tpu.memory_space<vmem>>) target_semaphore(%arg8 : memref<!tpu.dma_semaphore, #tpu.memory_space<semaphore_mem>>)
    %add3A_1324 = arith.constant 96 : i32
    %add3A_1325 = arith.addi %mul3A_2, %add3A_1324 : i32
    %dma_start3A_1326 = arith.constant 24 : i32
    %dma_start3A_1327 = arith.constant 0 : i32
    %dma_start3A_1328 = tpu.memref_slice %arg5[%add3A_1325, %dma_start3A_1326, %dma_start3A_1327] : memref<4096x64x128xf32, #tpu.memory_space<hbm>> -> memref<8x40x128xf32, #tpu.memory_space<hbm>>
    %dma_start3A_1329 = arith.constant 24 : i32
    %dma_start3A_1330 = arith.constant 0 : i32
    %dma_start3A_1331 = tpu.memref_slice %arg5[%add3A_1325, %dma_start3A_1329, %dma_start3A_1330] : memref<4096x64x128xf32, #tpu.memory_space<hbm>> -> memref<8x40x128xf32, #tpu.memory_space<hbm>>
    tpu.enqueue_dma source(%arg6 : memref<8x40x128xf32, #tpu.memory_space<vmem>>) target(%dma_start3A_1331 : memref<8x40x128xf32, #tpu.memory_space<hbm>>) target_semaphore(%arg10 : memref<!tpu.dma_semaphore, #tpu.memory_space<semaphore_mem>>)
    %dma_wait3A_1332 = arith.constant 0 : i32
    %dma_wait3A_1333 = arith.constant 0 : i32
    %dma_wait3A_1334 = arith.constant 0 : i32
    %dma_wait3A_1335 = arith.constant 0 : i32
    %dma_wait3A_1336 = tpu.memref_slice %arg7[%dma_wait3A_1332, %dma_wait3A_1333, %dma_wait3A_1334, %dma_wait3A_1335] : memref<3x8x24x128xf32, #tpu.memory_space<vmem>> -> memref<1x8x24x128xf32, #tpu.memory_space<vmem>>
    %dma_wait3A_1337 = tpu.memref_squeeze %dma_wait3A_1336 : memref<1x8x24x128xf32, #tpu.memory_space<vmem>> -> memref<8x24x128xf32, #tpu.memory_space<vmem>>
    %dma_wait3A_1338 = arith.constant 0 : i32
    %dma_wait3A_1339 = arith.constant 0 : i32
    %dma_wait3A_1340 = arith.constant 0 : i32
    %dma_wait3A_1341 = tpu.memref_slice %dma_wait3A_1337[%dma_wait3A_1338, %dma_wait3A_1339, %dma_wait3A_1340] : memref<8x24x128xf32, #tpu.memory_space<vmem>> -> memref<8x19x128xf32, #tpu.memory_space<vmem>>
    %dma_wait3A_1342 = arith.constant 0 : i32
    %dma_wait3A_1343 = arith.constant 0 : i32
    %dma_wait3A_1344 = tpu.memref_slice %arg2[%add3A_1110, %dma_wait3A_1342, %dma_wait3A_1343] : memref<4096x19x128xf32, #tpu.memory_space<hbm>> -> memref<8x19x128xf32, #tpu.memory_space<hbm>>
    %dma_wait3A_1345 = arith.constant 0 : i32
    %dma_wait3A_1346 = arith.constant 0 : i32
    %dma_wait3A_1347 = arith.constant 0 : i32
    %dma_wait3A_1348 = tpu.memref_slice %arg7[%dma_wait3A_1332, %dma_wait3A_1345, %dma_wait3A_1346, %dma_wait3A_1347] : memref<3x8x24x128xf32, #tpu.memory_space<vmem>> -> memref<1x8x24x128xf32, #tpu.memory_space<vmem>>
    %dma_wait3A_1349 = tpu.memref_squeeze %dma_wait3A_1348 : memref<1x8x24x128xf32, #tpu.memory_space<vmem>> -> memref<8x24x128xf32, #tpu.memory_space<vmem>>
    %dma_wait3A_1350 = arith.constant 0 : i32
    %dma_wait3A_1351 = arith.constant 0 : i32
    %dma_wait3A_1352 = arith.constant 0 : i32
    %dma_wait3A_1353 = tpu.memref_slice %dma_wait3A_1349[%dma_wait3A_1350, %dma_wait3A_1351, %dma_wait3A_1352] : memref<8x24x128xf32, #tpu.memory_space<vmem>> -> memref<8x19x128xf32, #tpu.memory_space<vmem>>
    %dma_wait3A_1354 = arith.constant 0 : i32
    %dma_wait3A_1355 = arith.constant 0 : i32
    %dma_wait3A_1356 = tpu.memref_slice %arg2[%add3A_1110, %dma_wait3A_1354, %dma_wait3A_1355] : memref<4096x19x128xf32, #tpu.memory_space<hbm>> -> memref<8x19x128xf32, #tpu.memory_space<hbm>>
    tpu.wait_dma2 semaphore(%arg8 : memref<!tpu.dma_semaphore, #tpu.memory_space<semaphore_mem>>) src(%dma_wait3A_1356 : memref<8x19x128xf32, #tpu.memory_space<hbm>>) dst(%dma_wait3A_1353 : memref<8x19x128xf32, #tpu.memory_space<vmem>>)
    %dma_start3A_1357 = arith.constant 0 : i32
    %dma_start3A_1358 = arith.constant 0 : i32
    %dma_start3A_1359 = arith.constant 0 : i32
    %dma_start3A_1360 = arith.constant 0 : i32
    %dma_start3A_1361 = tpu.memref_slice %arg7[%dma_start3A_1357, %dma_start3A_1358, %dma_start3A_1359, %dma_start3A_1360] : memref<3x8x24x128xf32, #tpu.memory_space<vmem>> -> memref<1x8x24x128xf32, #tpu.memory_space<vmem>>
    %dma_start3A_1362 = tpu.memref_squeeze %dma_start3A_1361 : memref<1x8x24x128xf32, #tpu.memory_space<vmem>> -> memref<8x24x128xf32, #tpu.memory_space<vmem>>
    %dma_start3A_1363 = arith.constant 0 : i32
    %dma_start3A_1364 = arith.constant 0 : i32
    %dma_start3A_1365 = tpu.memref_slice %arg5[%add3A_1325, %dma_start3A_1363, %dma_start3A_1364] : memref<4096x64x128xf32, #tpu.memory_space<hbm>> -> memref<8x24x128xf32, #tpu.memory_space<hbm>>
    %dma_start3A_1366 = arith.constant 0 : i32
    %dma_start3A_1367 = arith.constant 0 : i32
    %dma_start3A_1368 = tpu.memref_slice %arg5[%add3A_1325, %dma_start3A_1366, %dma_start3A_1367] : memref<4096x64x128xf32, #tpu.memory_space<hbm>> -> memref<8x24x128xf32, #tpu.memory_space<hbm>>
    %dma_start3A_1369 = arith.constant 0 : i32
    %dma_start3A_1370 = arith.constant 0 : i32
    %dma_start3A_1371 = arith.constant 0 : i32
    %dma_start3A_1372 = tpu.memref_slice %arg7[%dma_start3A_1357, %dma_start3A_1369, %dma_start3A_1370, %dma_start3A_1371] : memref<3x8x24x128xf32, #tpu.memory_space<vmem>> -> memref<1x8x24x128xf32, #tpu.memory_space<vmem>>
    %dma_start3A_1373 = tpu.memref_squeeze %dma_start3A_1372 : memref<1x8x24x128xf32, #tpu.memory_space<vmem>> -> memref<8x24x128xf32, #tpu.memory_space<vmem>>
    tpu.enqueue_dma source(%dma_start3A_1373 : memref<8x24x128xf32, #tpu.memory_space<vmem>>) target(%dma_start3A_1368 : memref<8x24x128xf32, #tpu.memory_space<hbm>>) target_semaphore(%arg9 : memref<!tpu.dma_semaphore, #tpu.memory_space<semaphore_mem>>)
    %dma_wait3A_1374 = arith.constant 0 : i32
    %dma_wait3A_1375 = arith.constant 0 : i32
    %dma_wait3A_1376 = arith.constant 0 : i32
    %dma_wait3A_1377 = arith.constant 0 : i32
    %dma_wait3A_1378 = tpu.memref_slice %arg7[%dma_wait3A_1374, %dma_wait3A_1375, %dma_wait3A_1376, %dma_wait3A_1377] : memref<3x8x24x128xf32, #tpu.memory_space<vmem>> -> memref<1x8x24x128xf32, #tpu.memory_space<vmem>>
    %dma_wait3A_1379 = tpu.memref_squeeze %dma_wait3A_1378 : memref<1x8x24x128xf32, #tpu.memory_space<vmem>> -> memref<8x24x128xf32, #tpu.memory_space<vmem>>
    %dma_wait3A_1380 = arith.constant 0 : i32
    %dma_wait3A_1381 = arith.constant 0 : i32
    %dma_wait3A_1382 = tpu.memref_slice %arg5[%add3A_1325, %dma_wait3A_1380, %dma_wait3A_1381] : memref<4096x64x128xf32, #tpu.memory_space<hbm>> -> memref<8x24x128xf32, #tpu.memory_space<hbm>>
    %dma_wait3A_1383 = arith.constant 0 : i32
    %dma_wait3A_1384 = arith.constant 0 : i32
    %dma_wait3A_1385 = tpu.memref_slice %arg5[%add3A_1325, %dma_wait3A_1383, %dma_wait3A_1384] : memref<4096x64x128xf32, #tpu.memory_space<hbm>> -> memref<8x24x128xf32, #tpu.memory_space<hbm>>
    %dma_wait3A_1386 = arith.constant 0 : i32
    %dma_wait3A_1387 = arith.constant 0 : i32
    %dma_wait3A_1388 = arith.constant 0 : i32
    %dma_wait3A_1389 = tpu.memref_slice %arg7[%dma_wait3A_1374, %dma_wait3A_1386, %dma_wait3A_1387, %dma_wait3A_1388] : memref<3x8x24x128xf32, #tpu.memory_space<vmem>> -> memref<1x8x24x128xf32, #tpu.memory_space<vmem>>
    %dma_wait3A_1390 = tpu.memref_squeeze %dma_wait3A_1389 : memref<1x8x24x128xf32, #tpu.memory_space<vmem>> -> memref<8x24x128xf32, #tpu.memory_space<vmem>>
    tpu.wait_dma2 semaphore(%arg9 : memref<!tpu.dma_semaphore, #tpu.memory_space<semaphore_mem>>) src(%dma_wait3A_1390 : memref<8x24x128xf32, #tpu.memory_space<vmem>>) dst(%dma_wait3A_1385 : memref<8x24x128xf32, #tpu.memory_space<hbm>>)
    %add3A_1391 = arith.constant 120 : i32
    %add3A_1392 = arith.addi %mul3A_2, %add3A_1391 : i32
    %dma_start3A_1393 = arith.constant 0 : i32
    %dma_start3A_1394 = arith.constant 0 : i32
    %dma_start3A_1395 = arith.constant 0 : i32
    %dma_start3A_1396 = arith.constant 0 : i32
    %dma_start3A_1397 = tpu.memref_slice %arg7[%dma_start3A_1393, %dma_start3A_1394, %dma_start3A_1395, %dma_start3A_1396] : memref<3x8x24x128xf32, #tpu.memory_space<vmem>> -> memref<1x8x24x128xf32, #tpu.memory_space<vmem>>
    %dma_start3A_1398 = tpu.memref_squeeze %dma_start3A_1397 : memref<1x8x24x128xf32, #tpu.memory_space<vmem>> -> memref<8x24x128xf32, #tpu.memory_space<vmem>>
    %dma_start3A_1399 = arith.constant 0 : i32
    %dma_start3A_1400 = arith.constant 0 : i32
    %dma_start3A_1401 = arith.constant 0 : i32
    %dma_start3A_1402 = tpu.memref_slice %dma_start3A_1398[%dma_start3A_1399, %dma_start3A_1400, %dma_start3A_1401] : memref<8x24x128xf32, #tpu.memory_space<vmem>> -> memref<8x19x128xf32, #tpu.memory_space<vmem>>
    %dma_start3A_1403 = arith.constant 0 : i32
    %dma_start3A_1404 = arith.constant 0 : i32
    %dma_start3A_1405 = tpu.memref_slice %arg2[%add3A_1392, %dma_start3A_1403, %dma_start3A_1404] : memref<4096x19x128xf32, #tpu.memory_space<hbm>> -> memref<8x19x128xf32, #tpu.memory_space<hbm>>
    %dma_start3A_1406 = arith.constant 0 : i32
    %dma_start3A_1407 = arith.constant 0 : i32
    %dma_start3A_1408 = arith.constant 0 : i32
    %dma_start3A_1409 = tpu.memref_slice %arg7[%dma_start3A_1393, %dma_start3A_1406, %dma_start3A_1407, %dma_start3A_1408] : memref<3x8x24x128xf32, #tpu.memory_space<vmem>> -> memref<1x8x24x128xf32, #tpu.memory_space<vmem>>
    %dma_start3A_1410 = tpu.memref_squeeze %dma_start3A_1409 : memref<1x8x24x128xf32, #tpu.memory_space<vmem>> -> memref<8x24x128xf32, #tpu.memory_space<vmem>>
    %dma_start3A_1411 = arith.constant 0 : i32
    %dma_start3A_1412 = arith.constant 0 : i32
    %dma_start3A_1413 = arith.constant 0 : i32
    %dma_start3A_1414 = tpu.memref_slice %dma_start3A_1410[%dma_start3A_1411, %dma_start3A_1412, %dma_start3A_1413] : memref<8x24x128xf32, #tpu.memory_space<vmem>> -> memref<8x19x128xf32, #tpu.memory_space<vmem>>
    %dma_start3A_1415 = arith.constant 0 : i32
    %dma_start3A_1416 = arith.constant 0 : i32
    %dma_start3A_1417 = tpu.memref_slice %arg2[%add3A_1392, %dma_start3A_1415, %dma_start3A_1416] : memref<4096x19x128xf32, #tpu.memory_space<hbm>> -> memref<8x19x128xf32, #tpu.memory_space<hbm>>
    tpu.enqueue_dma source(%dma_start3A_1417 : memref<8x19x128xf32, #tpu.memory_space<hbm>>) target(%dma_start3A_1414 : memref<8x19x128xf32, #tpu.memory_space<vmem>>) target_semaphore(%arg8 : memref<!tpu.dma_semaphore, #tpu.memory_space<semaphore_mem>>)
    %add3A_1418 = arith.constant 104 : i32
    %add3A_1419 = arith.addi %mul3A_2, %add3A_1418 : i32
    %dma_start3A_1420 = arith.constant 24 : i32
    %dma_start3A_1421 = arith.constant 0 : i32
    %dma_start3A_1422 = tpu.memref_slice %arg5[%add3A_1419, %dma_start3A_1420, %dma_start3A_1421] : memref<4096x64x128xf32, #tpu.memory_space<hbm>> -> memref<8x40x128xf32, #tpu.memory_space<hbm>>
    %dma_start3A_1423 = arith.constant 24 : i32
    %dma_start3A_1424 = arith.constant 0 : i32
    %dma_start3A_1425 = tpu.memref_slice %arg5[%add3A_1419, %dma_start3A_1423, %dma_start3A_1424] : memref<4096x64x128xf32, #tpu.memory_space<hbm>> -> memref<8x40x128xf32, #tpu.memory_space<hbm>>
    tpu.enqueue_dma source(%arg6 : memref<8x40x128xf32, #tpu.memory_space<vmem>>) target(%dma_start3A_1425 : memref<8x40x128xf32, #tpu.memory_space<hbm>>) target_semaphore(%arg10 : memref<!tpu.dma_semaphore, #tpu.memory_space<semaphore_mem>>)
    %dma_wait3A_1426 = arith.constant 1 : i32
    %dma_wait3A_1427 = arith.constant 0 : i32
    %dma_wait3A_1428 = arith.constant 0 : i32
    %dma_wait3A_1429 = arith.constant 0 : i32
    %dma_wait3A_1430 = tpu.memref_slice %arg7[%dma_wait3A_1426, %dma_wait3A_1427, %dma_wait3A_1428, %dma_wait3A_1429] : memref<3x8x24x128xf32, #tpu.memory_space<vmem>> -> memref<1x8x24x128xf32, #tpu.memory_space<vmem>>
    %dma_wait3A_1431 = tpu.memref_squeeze %dma_wait3A_1430 : memref<1x8x24x128xf32, #tpu.memory_space<vmem>> -> memref<8x24x128xf32, #tpu.memory_space<vmem>>
    %dma_wait3A_1432 = arith.constant 0 : i32
    %dma_wait3A_1433 = arith.constant 0 : i32
    %dma_wait3A_1434 = arith.constant 0 : i32
    %dma_wait3A_1435 = tpu.memref_slice %dma_wait3A_1431[%dma_wait3A_1432, %dma_wait3A_1433, %dma_wait3A_1434] : memref<8x24x128xf32, #tpu.memory_space<vmem>> -> memref<8x19x128xf32, #tpu.memory_space<vmem>>
    %dma_wait3A_1436 = arith.constant 0 : i32
    %dma_wait3A_1437 = arith.constant 0 : i32
    %dma_wait3A_1438 = tpu.memref_slice %arg2[%add3A_1204, %dma_wait3A_1436, %dma_wait3A_1437] : memref<4096x19x128xf32, #tpu.memory_space<hbm>> -> memref<8x19x128xf32, #tpu.memory_space<hbm>>
    %dma_wait3A_1439 = arith.constant 0 : i32
    %dma_wait3A_1440 = arith.constant 0 : i32
    %dma_wait3A_1441 = arith.constant 0 : i32
    %dma_wait3A_1442 = tpu.memref_slice %arg7[%dma_wait3A_1426, %dma_wait3A_1439, %dma_wait3A_1440, %dma_wait3A_1441] : memref<3x8x24x128xf32, #tpu.memory_space<vmem>> -> memref<1x8x24x128xf32, #tpu.memory_space<vmem>>
    %dma_wait3A_1443 = tpu.memref_squeeze %dma_wait3A_1442 : memref<1x8x24x128xf32, #tpu.memory_space<vmem>> -> memref<8x24x128xf32, #tpu.memory_space<vmem>>
    %dma_wait3A_1444 = arith.constant 0 : i32
    %dma_wait3A_1445 = arith.constant 0 : i32
    %dma_wait3A_1446 = arith.constant 0 : i32
    %dma_wait3A_1447 = tpu.memref_slice %dma_wait3A_1443[%dma_wait3A_1444, %dma_wait3A_1445, %dma_wait3A_1446] : memref<8x24x128xf32, #tpu.memory_space<vmem>> -> memref<8x19x128xf32, #tpu.memory_space<vmem>>
    %dma_wait3A_1448 = arith.constant 0 : i32
    %dma_wait3A_1449 = arith.constant 0 : i32
    %dma_wait3A_1450 = tpu.memref_slice %arg2[%add3A_1204, %dma_wait3A_1448, %dma_wait3A_1449] : memref<4096x19x128xf32, #tpu.memory_space<hbm>> -> memref<8x19x128xf32, #tpu.memory_space<hbm>>
    tpu.wait_dma2 semaphore(%arg8 : memref<!tpu.dma_semaphore, #tpu.memory_space<semaphore_mem>>) src(%dma_wait3A_1450 : memref<8x19x128xf32, #tpu.memory_space<hbm>>) dst(%dma_wait3A_1447 : memref<8x19x128xf32, #tpu.memory_space<vmem>>)
    %dma_start3A_1451 = arith.constant 1 : i32
    %dma_start3A_1452 = arith.constant 0 : i32
    %dma_start3A_1453 = arith.constant 0 : i32
    %dma_start3A_1454 = arith.constant 0 : i32
    %dma_start3A_1455 = tpu.memref_slice %arg7[%dma_start3A_1451, %dma_start3A_1452, %dma_start3A_1453, %dma_start3A_1454] : memref<3x8x24x128xf32, #tpu.memory_space<vmem>> -> memref<1x8x24x128xf32, #tpu.memory_space<vmem>>
    %dma_start3A_1456 = tpu.memref_squeeze %dma_start3A_1455 : memref<1x8x24x128xf32, #tpu.memory_space<vmem>> -> memref<8x24x128xf32, #tpu.memory_space<vmem>>
    %dma_start3A_1457 = arith.constant 0 : i32
    %dma_start3A_1458 = arith.constant 0 : i32
    %dma_start3A_1459 = tpu.memref_slice %arg5[%add3A_1419, %dma_start3A_1457, %dma_start3A_1458] : memref<4096x64x128xf32, #tpu.memory_space<hbm>> -> memref<8x24x128xf32, #tpu.memory_space<hbm>>
    %dma_start3A_1460 = arith.constant 0 : i32
    %dma_start3A_1461 = arith.constant 0 : i32
    %dma_start3A_1462 = tpu.memref_slice %arg5[%add3A_1419, %dma_start3A_1460, %dma_start3A_1461] : memref<4096x64x128xf32, #tpu.memory_space<hbm>> -> memref<8x24x128xf32, #tpu.memory_space<hbm>>
    %dma_start3A_1463 = arith.constant 0 : i32
    %dma_start3A_1464 = arith.constant 0 : i32
    %dma_start3A_1465 = arith.constant 0 : i32
    %dma_start3A_1466 = tpu.memref_slice %arg7[%dma_start3A_1451, %dma_start3A_1463, %dma_start3A_1464, %dma_start3A_1465] : memref<3x8x24x128xf32, #tpu.memory_space<vmem>> -> memref<1x8x24x128xf32, #tpu.memory_space<vmem>>
    %dma_start3A_1467 = tpu.memref_squeeze %dma_start3A_1466 : memref<1x8x24x128xf32, #tpu.memory_space<vmem>> -> memref<8x24x128xf32, #tpu.memory_space<vmem>>
    tpu.enqueue_dma source(%dma_start3A_1467 : memref<8x24x128xf32, #tpu.memory_space<vmem>>) target(%dma_start3A_1462 : memref<8x24x128xf32, #tpu.memory_space<hbm>>) target_semaphore(%arg9 : memref<!tpu.dma_semaphore, #tpu.memory_space<semaphore_mem>>)
    %add3A_1468 = arith.constant 112 : i32
    %add3A_1469 = arith.addi %mul3A_2, %add3A_1468 : i32
    %dma_start3A_1470 = arith.constant 24 : i32
    %dma_start3A_1471 = arith.constant 0 : i32
    %dma_start3A_1472 = tpu.memref_slice %arg5[%add3A_1469, %dma_start3A_1470, %dma_start3A_1471] : memref<4096x64x128xf32, #tpu.memory_space<hbm>> -> memref<8x40x128xf32, #tpu.memory_space<hbm>>
    %dma_start3A_1473 = arith.constant 24 : i32
    %dma_start3A_1474 = arith.constant 0 : i32
    %dma_start3A_1475 = tpu.memref_slice %arg5[%add3A_1469, %dma_start3A_1473, %dma_start3A_1474] : memref<4096x64x128xf32, #tpu.memory_space<hbm>> -> memref<8x40x128xf32, #tpu.memory_space<hbm>>
    tpu.enqueue_dma source(%arg6 : memref<8x40x128xf32, #tpu.memory_space<vmem>>) target(%dma_start3A_1475 : memref<8x40x128xf32, #tpu.memory_space<hbm>>) target_semaphore(%arg10 : memref<!tpu.dma_semaphore, #tpu.memory_space<semaphore_mem>>)
    %dma_wait3A_1476 = arith.constant 2 : i32
    %dma_wait3A_1477 = arith.constant 0 : i32
    %dma_wait3A_1478 = arith.constant 0 : i32
    %dma_wait3A_1479 = arith.constant 0 : i32
    %dma_wait3A_1480 = tpu.memref_slice %arg7[%dma_wait3A_1476, %dma_wait3A_1477, %dma_wait3A_1478, %dma_wait3A_1479] : memref<3x8x24x128xf32, #tpu.memory_space<vmem>> -> memref<1x8x24x128xf32, #tpu.memory_space<vmem>>
    %dma_wait3A_1481 = tpu.memref_squeeze %dma_wait3A_1480 : memref<1x8x24x128xf32, #tpu.memory_space<vmem>> -> memref<8x24x128xf32, #tpu.memory_space<vmem>>
    %dma_wait3A_1482 = arith.constant 0 : i32
    %dma_wait3A_1483 = arith.constant 0 : i32
    %dma_wait3A_1484 = arith.constant 0 : i32
    %dma_wait3A_1485 = tpu.memref_slice %dma_wait3A_1481[%dma_wait3A_1482, %dma_wait3A_1483, %dma_wait3A_1484] : memref<8x24x128xf32, #tpu.memory_space<vmem>> -> memref<8x19x128xf32, #tpu.memory_space<vmem>>
    %dma_wait3A_1486 = arith.constant 0 : i32
    %dma_wait3A_1487 = arith.constant 0 : i32
    %dma_wait3A_1488 = tpu.memref_slice %arg2[%add3A_1298, %dma_wait3A_1486, %dma_wait3A_1487] : memref<4096x19x128xf32, #tpu.memory_space<hbm>> -> memref<8x19x128xf32, #tpu.memory_space<hbm>>
    %dma_wait3A_1489 = arith.constant 0 : i32
    %dma_wait3A_1490 = arith.constant 0 : i32
    %dma_wait3A_1491 = arith.constant 0 : i32
    %dma_wait3A_1492 = tpu.memref_slice %arg7[%dma_wait3A_1476, %dma_wait3A_1489, %dma_wait3A_1490, %dma_wait3A_1491] : memref<3x8x24x128xf32, #tpu.memory_space<vmem>> -> memref<1x8x24x128xf32, #tpu.memory_space<vmem>>
    %dma_wait3A_1493 = tpu.memref_squeeze %dma_wait3A_1492 : memref<1x8x24x128xf32, #tpu.memory_space<vmem>> -> memref<8x24x128xf32, #tpu.memory_space<vmem>>
    %dma_wait3A_1494 = arith.constant 0 : i32
    %dma_wait3A_1495 = arith.constant 0 : i32
    %dma_wait3A_1496 = arith.constant 0 : i32
    %dma_wait3A_1497 = tpu.memref_slice %dma_wait3A_1493[%dma_wait3A_1494, %dma_wait3A_1495, %dma_wait3A_1496] : memref<8x24x128xf32, #tpu.memory_space<vmem>> -> memref<8x19x128xf32, #tpu.memory_space<vmem>>
    %dma_wait3A_1498 = arith.constant 0 : i32
    %dma_wait3A_1499 = arith.constant 0 : i32
    %dma_wait3A_1500 = tpu.memref_slice %arg2[%add3A_1298, %dma_wait3A_1498, %dma_wait3A_1499] : memref<4096x19x128xf32, #tpu.memory_space<hbm>> -> memref<8x19x128xf32, #tpu.memory_space<hbm>>
    tpu.wait_dma2 semaphore(%arg8 : memref<!tpu.dma_semaphore, #tpu.memory_space<semaphore_mem>>) src(%dma_wait3A_1500 : memref<8x19x128xf32, #tpu.memory_space<hbm>>) dst(%dma_wait3A_1497 : memref<8x19x128xf32, #tpu.memory_space<vmem>>)
    %dma_start3A_1501 = arith.constant 2 : i32
    %dma_start3A_1502 = arith.constant 0 : i32
    %dma_start3A_1503 = arith.constant 0 : i32
    %dma_start3A_1504 = arith.constant 0 : i32
    %dma_start3A_1505 = tpu.memref_slice %arg7[%dma_start3A_1501, %dma_start3A_1502, %dma_start3A_1503, %dma_start3A_1504] : memref<3x8x24x128xf32, #tpu.memory_space<vmem>> -> memref<1x8x24x128xf32, #tpu.memory_space<vmem>>
    %dma_start3A_1506 = tpu.memref_squeeze %dma_start3A_1505 : memref<1x8x24x128xf32, #tpu.memory_space<vmem>> -> memref<8x24x128xf32, #tpu.memory_space<vmem>>
    %dma_start3A_1507 = arith.constant 0 : i32
    %dma_start3A_1508 = arith.constant 0 : i32
    %dma_start3A_1509 = tpu.memref_slice %arg5[%add3A_1469, %dma_start3A_1507, %dma_start3A_1508] : memref<4096x64x128xf32, #tpu.memory_space<hbm>> -> memref<8x24x128xf32, #tpu.memory_space<hbm>>
    %dma_start3A_1510 = arith.constant 0 : i32
    %dma_start3A_1511 = arith.constant 0 : i32
    %dma_start3A_1512 = tpu.memref_slice %arg5[%add3A_1469, %dma_start3A_1510, %dma_start3A_1511] : memref<4096x64x128xf32, #tpu.memory_space<hbm>> -> memref<8x24x128xf32, #tpu.memory_space<hbm>>
    %dma_start3A_1513 = arith.constant 0 : i32
    %dma_start3A_1514 = arith.constant 0 : i32
    %dma_start3A_1515 = arith.constant 0 : i32
    %dma_start3A_1516 = tpu.memref_slice %arg7[%dma_start3A_1501, %dma_start3A_1513, %dma_start3A_1514, %dma_start3A_1515] : memref<3x8x24x128xf32, #tpu.memory_space<vmem>> -> memref<1x8x24x128xf32, #tpu.memory_space<vmem>>
    %dma_start3A_1517 = tpu.memref_squeeze %dma_start3A_1516 : memref<1x8x24x128xf32, #tpu.memory_space<vmem>> -> memref<8x24x128xf32, #tpu.memory_space<vmem>>
    tpu.enqueue_dma source(%dma_start3A_1517 : memref<8x24x128xf32, #tpu.memory_space<vmem>>) target(%dma_start3A_1512 : memref<8x24x128xf32, #tpu.memory_space<hbm>>) target_semaphore(%arg9 : memref<!tpu.dma_semaphore, #tpu.memory_space<semaphore_mem>>)
    %add3A_1518 = arith.constant 120 : i32
    %add3A_1519 = arith.addi %mul3A_2, %add3A_1518 : i32
    %dma_start3A_1520 = arith.constant 24 : i32
    %dma_start3A_1521 = arith.constant 0 : i32
    %dma_start3A_1522 = tpu.memref_slice %arg5[%add3A_1519, %dma_start3A_1520, %dma_start3A_1521] : memref<4096x64x128xf32, #tpu.memory_space<hbm>> -> memref<8x40x128xf32, #tpu.memory_space<hbm>>
    %dma_start3A_1523 = arith.constant 24 : i32
    %dma_start3A_1524 = arith.constant 0 : i32
    %dma_start3A_1525 = tpu.memref_slice %arg5[%add3A_1519, %dma_start3A_1523, %dma_start3A_1524] : memref<4096x64x128xf32, #tpu.memory_space<hbm>> -> memref<8x40x128xf32, #tpu.memory_space<hbm>>
    tpu.enqueue_dma source(%arg6 : memref<8x40x128xf32, #tpu.memory_space<vmem>>) target(%dma_start3A_1525 : memref<8x40x128xf32, #tpu.memory_space<hbm>>) target_semaphore(%arg10 : memref<!tpu.dma_semaphore, #tpu.memory_space<semaphore_mem>>)
    %dma_wait3A_1526 = arith.constant 0 : i32
    %dma_wait3A_1527 = arith.constant 0 : i32
    %dma_wait3A_1528 = arith.constant 0 : i32
    %dma_wait3A_1529 = arith.constant 0 : i32
    %dma_wait3A_1530 = tpu.memref_slice %arg7[%dma_wait3A_1526, %dma_wait3A_1527, %dma_wait3A_1528, %dma_wait3A_1529] : memref<3x8x24x128xf32, #tpu.memory_space<vmem>> -> memref<1x8x24x128xf32, #tpu.memory_space<vmem>>
    %dma_wait3A_1531 = tpu.memref_squeeze %dma_wait3A_1530 : memref<1x8x24x128xf32, #tpu.memory_space<vmem>> -> memref<8x24x128xf32, #tpu.memory_space<vmem>>
    %dma_wait3A_1532 = arith.constant 0 : i32
    %dma_wait3A_1533 = arith.constant 0 : i32
    %dma_wait3A_1534 = arith.constant 0 : i32
    %dma_wait3A_1535 = tpu.memref_slice %dma_wait3A_1531[%dma_wait3A_1532, %dma_wait3A_1533, %dma_wait3A_1534] : memref<8x24x128xf32, #tpu.memory_space<vmem>> -> memref<8x19x128xf32, #tpu.memory_space<vmem>>
    %dma_wait3A_1536 = arith.constant 0 : i32
    %dma_wait3A_1537 = arith.constant 0 : i32
    %dma_wait3A_1538 = tpu.memref_slice %arg2[%add3A_1392, %dma_wait3A_1536, %dma_wait3A_1537] : memref<4096x19x128xf32, #tpu.memory_space<hbm>> -> memref<8x19x128xf32, #tpu.memory_space<hbm>>
    %dma_wait3A_1539 = arith.constant 0 : i32
    %dma_wait3A_1540 = arith.constant 0 : i32
    %dma_wait3A_1541 = arith.constant 0 : i32
    %dma_wait3A_1542 = tpu.memref_slice %arg7[%dma_wait3A_1526, %dma_wait3A_1539, %dma_wait3A_1540, %dma_wait3A_1541] : memref<3x8x24x128xf32, #tpu.memory_space<vmem>> -> memref<1x8x24x128xf32, #tpu.memory_space<vmem>>
    %dma_wait3A_1543 = tpu.memref_squeeze %dma_wait3A_1542 : memref<1x8x24x128xf32, #tpu.memory_space<vmem>> -> memref<8x24x128xf32, #tpu.memory_space<vmem>>
    %dma_wait3A_1544 = arith.constant 0 : i32
    %dma_wait3A_1545 = arith.constant 0 : i32
    %dma_wait3A_1546 = arith.constant 0 : i32
    %dma_wait3A_1547 = tpu.memref_slice %dma_wait3A_1543[%dma_wait3A_1544, %dma_wait3A_1545, %dma_wait3A_1546] : memref<8x24x128xf32, #tpu.memory_space<vmem>> -> memref<8x19x128xf32, #tpu.memory_space<vmem>>
    %dma_wait3A_1548 = arith.constant 0 : i32
    %dma_wait3A_1549 = arith.constant 0 : i32
    %dma_wait3A_1550 = tpu.memref_slice %arg2[%add3A_1392, %dma_wait3A_1548, %dma_wait3A_1549] : memref<4096x19x128xf32, #tpu.memory_space<hbm>> -> memref<8x19x128xf32, #tpu.memory_space<hbm>>
    tpu.wait_dma2 semaphore(%arg8 : memref<!tpu.dma_semaphore, #tpu.memory_space<semaphore_mem>>) src(%dma_wait3A_1550 : memref<8x19x128xf32, #tpu.memory_space<hbm>>) dst(%dma_wait3A_1547 : memref<8x19x128xf32, #tpu.memory_space<vmem>>)
    %dma_start3A_1551 = arith.constant 0 : i32
    %dma_start3A_1552 = arith.constant 0 : i32
    %dma_start3A_1553 = arith.constant 0 : i32
    %dma_start3A_1554 = arith.constant 0 : i32
    %dma_start3A_1555 = tpu.memref_slice %arg7[%dma_start3A_1551, %dma_start3A_1552, %dma_start3A_1553, %dma_start3A_1554] : memref<3x8x24x128xf32, #tpu.memory_space<vmem>> -> memref<1x8x24x128xf32, #tpu.memory_space<vmem>>
    %dma_start3A_1556 = tpu.memref_squeeze %dma_start3A_1555 : memref<1x8x24x128xf32, #tpu.memory_space<vmem>> -> memref<8x24x128xf32, #tpu.memory_space<vmem>>
    %dma_start3A_1557 = arith.constant 0 : i32
    %dma_start3A_1558 = arith.constant 0 : i32
    %dma_start3A_1559 = tpu.memref_slice %arg5[%add3A_1519, %dma_start3A_1557, %dma_start3A_1558] : memref<4096x64x128xf32, #tpu.memory_space<hbm>> -> memref<8x24x128xf32, #tpu.memory_space<hbm>>
    %dma_start3A_1560 = arith.constant 0 : i32
    %dma_start3A_1561 = arith.constant 0 : i32
    %dma_start3A_1562 = tpu.memref_slice %arg5[%add3A_1519, %dma_start3A_1560, %dma_start3A_1561] : memref<4096x64x128xf32, #tpu.memory_space<hbm>> -> memref<8x24x128xf32, #tpu.memory_space<hbm>>
    %dma_start3A_1563 = arith.constant 0 : i32
    %dma_start3A_1564 = arith.constant 0 : i32
    %dma_start3A_1565 = arith.constant 0 : i32
    %dma_start3A_1566 = tpu.memref_slice %arg7[%dma_start3A_1551, %dma_start3A_1563, %dma_start3A_1564, %dma_start3A_1565] : memref<3x8x24x128xf32, #tpu.memory_space<vmem>> -> memref<1x8x24x128xf32, #tpu.memory_space<vmem>>
    %dma_start3A_1567 = tpu.memref_squeeze %dma_start3A_1566 : memref<1x8x24x128xf32, #tpu.memory_space<vmem>> -> memref<8x24x128xf32, #tpu.memory_space<vmem>>
    tpu.enqueue_dma source(%dma_start3A_1567 : memref<8x24x128xf32, #tpu.memory_space<vmem>>) target(%dma_start3A_1562 : memref<8x24x128xf32, #tpu.memory_space<hbm>>) target_semaphore(%arg9 : memref<!tpu.dma_semaphore, #tpu.memory_space<semaphore_mem>>)
    %dma_wait3A_1568 = arith.constant 1 : i32
    %dma_wait3A_1569 = arith.constant 0 : i32
    %dma_wait3A_1570 = arith.constant 0 : i32
    %dma_wait3A_1571 = arith.constant 0 : i32
    %dma_wait3A_1572 = tpu.memref_slice %arg7[%dma_wait3A_1568, %dma_wait3A_1569, %dma_wait3A_1570, %dma_wait3A_1571] : memref<3x8x24x128xf32, #tpu.memory_space<vmem>> -> memref<1x8x24x128xf32, #tpu.memory_space<vmem>>
    %dma_wait3A_1573 = tpu.memref_squeeze %dma_wait3A_1572 : memref<1x8x24x128xf32, #tpu.memory_space<vmem>> -> memref<8x24x128xf32, #tpu.memory_space<vmem>>
    %dma_wait3A_1574 = arith.constant 0 : i32
    %dma_wait3A_1575 = arith.constant 0 : i32
    %dma_wait3A_1576 = tpu.memref_slice %arg5[%add3A_1419, %dma_wait3A_1574, %dma_wait3A_1575] : memref<4096x64x128xf32, #tpu.memory_space<hbm>> -> memref<8x24x128xf32, #tpu.memory_space<hbm>>
    %dma_wait3A_1577 = arith.constant 0 : i32
    %dma_wait3A_1578 = arith.constant 0 : i32
    %dma_wait3A_1579 = tpu.memref_slice %arg5[%add3A_1419, %dma_wait3A_1577, %dma_wait3A_1578] : memref<4096x64x128xf32, #tpu.memory_space<hbm>> -> memref<8x24x128xf32, #tpu.memory_space<hbm>>
    %dma_wait3A_1580 = arith.constant 0 : i32
    %dma_wait3A_1581 = arith.constant 0 : i32
    %dma_wait3A_1582 = arith.constant 0 : i32
    %dma_wait3A_1583 = tpu.memref_slice %arg7[%dma_wait3A_1568, %dma_wait3A_1580, %dma_wait3A_1581, %dma_wait3A_1582] : memref<3x8x24x128xf32, #tpu.memory_space<vmem>> -> memref<1x8x24x128xf32, #tpu.memory_space<vmem>>
    %dma_wait3A_1584 = tpu.memref_squeeze %dma_wait3A_1583 : memref<1x8x24x128xf32, #tpu.memory_space<vmem>> -> memref<8x24x128xf32, #tpu.memory_space<vmem>>
    tpu.wait_dma2 semaphore(%arg9 : memref<!tpu.dma_semaphore, #tpu.memory_space<semaphore_mem>>) src(%dma_wait3A_1584 : memref<8x24x128xf32, #tpu.memory_space<vmem>>) dst(%dma_wait3A_1579 : memref<8x24x128xf32, #tpu.memory_space<hbm>>)
    %dma_wait3A_1585 = arith.constant 2 : i32
    %dma_wait3A_1586 = arith.constant 0 : i32
    %dma_wait3A_1587 = arith.constant 0 : i32
    %dma_wait3A_1588 = arith.constant 0 : i32
    %dma_wait3A_1589 = tpu.memref_slice %arg7[%dma_wait3A_1585, %dma_wait3A_1586, %dma_wait3A_1587, %dma_wait3A_1588] : memref<3x8x24x128xf32, #tpu.memory_space<vmem>> -> memref<1x8x24x128xf32, #tpu.memory_space<vmem>>
    %dma_wait3A_1590 = tpu.memref_squeeze %dma_wait3A_1589 : memref<1x8x24x128xf32, #tpu.memory_space<vmem>> -> memref<8x24x128xf32, #tpu.memory_space<vmem>>
    %dma_wait3A_1591 = arith.constant 0 : i32
    %dma_wait3A_1592 = arith.constant 0 : i32
    %dma_wait3A_1593 = tpu.memref_slice %arg5[%add3A_1469, %dma_wait3A_1591, %dma_wait3A_1592] : memref<4096x64x128xf32, #tpu.memory_space<hbm>> -> memref<8x24x128xf32, #tpu.memory_space<hbm>>
    %dma_wait3A_1594 = arith.constant 0 : i32
    %dma_wait3A_1595 = arith.constant 0 : i32
    %dma_wait3A_1596 = tpu.memref_slice %arg5[%add3A_1469, %dma_wait3A_1594, %dma_wait3A_1595] : memref<4096x64x128xf32, #tpu.memory_space<hbm>> -> memref<8x24x128xf32, #tpu.memory_space<hbm>>
    %dma_wait3A_1597 = arith.constant 0 : i32
    %dma_wait3A_1598 = arith.constant 0 : i32
    %dma_wait3A_1599 = arith.constant 0 : i32
    %dma_wait3A_1600 = tpu.memref_slice %arg7[%dma_wait3A_1585, %dma_wait3A_1597, %dma_wait3A_1598, %dma_wait3A_1599] : memref<3x8x24x128xf32, #tpu.memory_space<vmem>> -> memref<1x8x24x128xf32, #tpu.memory_space<vmem>>
    %dma_wait3A_1601 = tpu.memref_squeeze %dma_wait3A_1600 : memref<1x8x24x128xf32, #tpu.memory_space<vmem>> -> memref<8x24x128xf32, #tpu.memory_space<vmem>>
    tpu.wait_dma2 semaphore(%arg9 : memref<!tpu.dma_semaphore, #tpu.memory_space<semaphore_mem>>) src(%dma_wait3A_1601 : memref<8x24x128xf32, #tpu.memory_space<vmem>>) dst(%dma_wait3A_1596 : memref<8x24x128xf32, #tpu.memory_space<hbm>>)
    %dma_wait3A_1602 = arith.constant 0 : i32
    %dma_wait3A_1603 = arith.constant 0 : i32
    %dma_wait3A_1604 = arith.constant 0 : i32
    %dma_wait3A_1605 = arith.constant 0 : i32
    %dma_wait3A_1606 = tpu.memref_slice %arg7[%dma_wait3A_1602, %dma_wait3A_1603, %dma_wait3A_1604, %dma_wait3A_1605] : memref<3x8x24x128xf32, #tpu.memory_space<vmem>> -> memref<1x8x24x128xf32, #tpu.memory_space<vmem>>
    %dma_wait3A_1607 = tpu.memref_squeeze %dma_wait3A_1606 : memref<1x8x24x128xf32, #tpu.memory_space<vmem>> -> memref<8x24x128xf32, #tpu.memory_space<vmem>>
    %dma_wait3A_1608 = arith.constant 0 : i32
    %dma_wait3A_1609 = arith.constant 0 : i32
    %dma_wait3A_1610 = tpu.memref_slice %arg5[%add3A_1519, %dma_wait3A_1608, %dma_wait3A_1609] : memref<4096x64x128xf32, #tpu.memory_space<hbm>> -> memref<8x24x128xf32, #tpu.memory_space<hbm>>
    %dma_wait3A_1611 = arith.constant 0 : i32
    %dma_wait3A_1612 = arith.constant 0 : i32
    %dma_wait3A_1613 = tpu.memref_slice %arg5[%add3A_1519, %dma_wait3A_1611, %dma_wait3A_1612] : memref<4096x64x128xf32, #tpu.memory_space<hbm>> -> memref<8x24x128xf32, #tpu.memory_space<hbm>>
    %dma_wait3A_1614 = arith.constant 0 : i32
    %dma_wait3A_1615 = arith.constant 0 : i32
    %dma_wait3A_1616 = arith.constant 0 : i32
    %dma_wait3A_1617 = tpu.memref_slice %arg7[%dma_wait3A_1602, %dma_wait3A_1614, %dma_wait3A_1615, %dma_wait3A_1616] : memref<3x8x24x128xf32, #tpu.memory_space<vmem>> -> memref<1x8x24x128xf32, #tpu.memory_space<vmem>>
    %dma_wait3A_1618 = tpu.memref_squeeze %dma_wait3A_1617 : memref<1x8x24x128xf32, #tpu.memory_space<vmem>> -> memref<8x24x128xf32, #tpu.memory_space<vmem>>
    tpu.wait_dma2 semaphore(%arg9 : memref<!tpu.dma_semaphore, #tpu.memory_space<semaphore_mem>>) src(%dma_wait3A_1618 : memref<8x24x128xf32, #tpu.memory_space<vmem>>) dst(%dma_wait3A_1613 : memref<8x24x128xf32, #tpu.memory_space<hbm>>)
    %dma_wait3A_1619 = arith.constant 24 : i32
    %dma_wait3A_1620 = arith.constant 0 : i32
    %dma_wait3A_1621 = tpu.memref_slice %arg5[%add3A_197, %dma_wait3A_1619, %dma_wait3A_1620] : memref<4096x64x128xf32, #tpu.memory_space<hbm>> -> memref<8x40x128xf32, #tpu.memory_space<hbm>>
    %dma_wait3A_1622 = arith.constant 24 : i32
    %dma_wait3A_1623 = arith.constant 0 : i32
    %dma_wait3A_1624 = tpu.memref_slice %arg5[%add3A_197, %dma_wait3A_1622, %dma_wait3A_1623] : memref<4096x64x128xf32, #tpu.memory_space<hbm>> -> memref<8x40x128xf32, #tpu.memory_space<hbm>>
    tpu.wait_dma2 semaphore(%arg10 : memref<!tpu.dma_semaphore, #tpu.memory_space<semaphore_mem>>) src(%arg6 : memref<8x40x128xf32, #tpu.memory_space<vmem>>) dst(%dma_wait3A_1624 : memref<8x40x128xf32, #tpu.memory_space<hbm>>)
    %dma_wait3A_1625 = arith.constant 24 : i32
    %dma_wait3A_1626 = arith.constant 0 : i32
    %dma_wait3A_1627 = tpu.memref_slice %arg5[%add3A_291, %dma_wait3A_1625, %dma_wait3A_1626] : memref<4096x64x128xf32, #tpu.memory_space<hbm>> -> memref<8x40x128xf32, #tpu.memory_space<hbm>>
    %dma_wait3A_1628 = arith.constant 24 : i32
    %dma_wait3A_1629 = arith.constant 0 : i32
    %dma_wait3A_1630 = tpu.memref_slice %arg5[%add3A_291, %dma_wait3A_1628, %dma_wait3A_1629] : memref<4096x64x128xf32, #tpu.memory_space<hbm>> -> memref<8x40x128xf32, #tpu.memory_space<hbm>>
    tpu.wait_dma2 semaphore(%arg10 : memref<!tpu.dma_semaphore, #tpu.memory_space<semaphore_mem>>) src(%arg6 : memref<8x40x128xf32, #tpu.memory_space<vmem>>) dst(%dma_wait3A_1630 : memref<8x40x128xf32, #tpu.memory_space<hbm>>)
    %dma_wait3A_1631 = arith.constant 24 : i32
    %dma_wait3A_1632 = arith.constant 0 : i32
    %dma_wait3A_1633 = tpu.memref_slice %arg5[%add3A_385, %dma_wait3A_1631, %dma_wait3A_1632] : memref<4096x64x128xf32, #tpu.memory_space<hbm>> -> memref<8x40x128xf32, #tpu.memory_space<hbm>>
    %dma_wait3A_1634 = arith.constant 24 : i32
    %dma_wait3A_1635 = arith.constant 0 : i32
    %dma_wait3A_1636 = tpu.memref_slice %arg5[%add3A_385, %dma_wait3A_1634, %dma_wait3A_1635] : memref<4096x64x128xf32, #tpu.memory_space<hbm>> -> memref<8x40x128xf32, #tpu.memory_space<hbm>>
    tpu.wait_dma2 semaphore(%arg10 : memref<!tpu.dma_semaphore, #tpu.memory_space<semaphore_mem>>) src(%arg6 : memref<8x40x128xf32, #tpu.memory_space<vmem>>) dst(%dma_wait3A_1636 : memref<8x40x128xf32, #tpu.memory_space<hbm>>)
    %dma_wait3A_1637 = arith.constant 24 : i32
    %dma_wait3A_1638 = arith.constant 0 : i32
    %dma_wait3A_1639 = tpu.memref_slice %arg5[%add3A_479, %dma_wait3A_1637, %dma_wait3A_1638] : memref<4096x64x128xf32, #tpu.memory_space<hbm>> -> memref<8x40x128xf32, #tpu.memory_space<hbm>>
    %dma_wait3A_1640 = arith.constant 24 : i32
    %dma_wait3A_1641 = arith.constant 0 : i32
    %dma_wait3A_1642 = tpu.memref_slice %arg5[%add3A_479, %dma_wait3A_1640, %dma_wait3A_1641] : memref<4096x64x128xf32, #tpu.memory_space<hbm>> -> memref<8x40x128xf32, #tpu.memory_space<hbm>>
    tpu.wait_dma2 semaphore(%arg10 : memref<!tpu.dma_semaphore, #tpu.memory_space<semaphore_mem>>) src(%arg6 : memref<8x40x128xf32, #tpu.memory_space<vmem>>) dst(%dma_wait3A_1642 : memref<8x40x128xf32, #tpu.memory_space<hbm>>)
    %dma_wait3A_1643 = arith.constant 24 : i32
    %dma_wait3A_1644 = arith.constant 0 : i32
    %dma_wait3A_1645 = tpu.memref_slice %arg5[%add3A_573, %dma_wait3A_1643, %dma_wait3A_1644] : memref<4096x64x128xf32, #tpu.memory_space<hbm>> -> memref<8x40x128xf32, #tpu.memory_space<hbm>>
    %dma_wait3A_1646 = arith.constant 24 : i32
    %dma_wait3A_1647 = arith.constant 0 : i32
    %dma_wait3A_1648 = tpu.memref_slice %arg5[%add3A_573, %dma_wait3A_1646, %dma_wait3A_1647] : memref<4096x64x128xf32, #tpu.memory_space<hbm>> -> memref<8x40x128xf32, #tpu.memory_space<hbm>>
    tpu.wait_dma2 semaphore(%arg10 : memref<!tpu.dma_semaphore, #tpu.memory_space<semaphore_mem>>) src(%arg6 : memref<8x40x128xf32, #tpu.memory_space<vmem>>) dst(%dma_wait3A_1648 : memref<8x40x128xf32, #tpu.memory_space<hbm>>)
    %dma_wait3A_1649 = arith.constant 24 : i32
    %dma_wait3A_1650 = arith.constant 0 : i32
    %dma_wait3A_1651 = tpu.memref_slice %arg5[%add3A_667, %dma_wait3A_1649, %dma_wait3A_1650] : memref<4096x64x128xf32, #tpu.memory_space<hbm>> -> memref<8x40x128xf32, #tpu.memory_space<hbm>>
    %dma_wait3A_1652 = arith.constant 24 : i32
    %dma_wait3A_1653 = arith.constant 0 : i32
    %dma_wait3A_1654 = tpu.memref_slice %arg5[%add3A_667, %dma_wait3A_1652, %dma_wait3A_1653] : memref<4096x64x128xf32, #tpu.memory_space<hbm>> -> memref<8x40x128xf32, #tpu.memory_space<hbm>>
    tpu.wait_dma2 semaphore(%arg10 : memref<!tpu.dma_semaphore, #tpu.memory_space<semaphore_mem>>) src(%arg6 : memref<8x40x128xf32, #tpu.memory_space<vmem>>) dst(%dma_wait3A_1654 : memref<8x40x128xf32, #tpu.memory_space<hbm>>)
    %dma_wait3A_1655 = arith.constant 24 : i32
    %dma_wait3A_1656 = arith.constant 0 : i32
    %dma_wait3A_1657 = tpu.memref_slice %arg5[%add3A_761, %dma_wait3A_1655, %dma_wait3A_1656] : memref<4096x64x128xf32, #tpu.memory_space<hbm>> -> memref<8x40x128xf32, #tpu.memory_space<hbm>>
    %dma_wait3A_1658 = arith.constant 24 : i32
    %dma_wait3A_1659 = arith.constant 0 : i32
    %dma_wait3A_1660 = tpu.memref_slice %arg5[%add3A_761, %dma_wait3A_1658, %dma_wait3A_1659] : memref<4096x64x128xf32, #tpu.memory_space<hbm>> -> memref<8x40x128xf32, #tpu.memory_space<hbm>>
    tpu.wait_dma2 semaphore(%arg10 : memref<!tpu.dma_semaphore, #tpu.memory_space<semaphore_mem>>) src(%arg6 : memref<8x40x128xf32, #tpu.memory_space<vmem>>) dst(%dma_wait3A_1660 : memref<8x40x128xf32, #tpu.memory_space<hbm>>)
    %dma_wait3A_1661 = arith.constant 24 : i32
    %dma_wait3A_1662 = arith.constant 0 : i32
    %dma_wait3A_1663 = tpu.memref_slice %arg5[%add3A_855, %dma_wait3A_1661, %dma_wait3A_1662] : memref<4096x64x128xf32, #tpu.memory_space<hbm>> -> memref<8x40x128xf32, #tpu.memory_space<hbm>>
    %dma_wait3A_1664 = arith.constant 24 : i32
    %dma_wait3A_1665 = arith.constant 0 : i32
    %dma_wait3A_1666 = tpu.memref_slice %arg5[%add3A_855, %dma_wait3A_1664, %dma_wait3A_1665] : memref<4096x64x128xf32, #tpu.memory_space<hbm>> -> memref<8x40x128xf32, #tpu.memory_space<hbm>>
    tpu.wait_dma2 semaphore(%arg10 : memref<!tpu.dma_semaphore, #tpu.memory_space<semaphore_mem>>) src(%arg6 : memref<8x40x128xf32, #tpu.memory_space<vmem>>) dst(%dma_wait3A_1666 : memref<8x40x128xf32, #tpu.memory_space<hbm>>)
    %dma_wait3A_1667 = arith.constant 24 : i32
    %dma_wait3A_1668 = arith.constant 0 : i32
    %dma_wait3A_1669 = tpu.memref_slice %arg5[%add3A_949, %dma_wait3A_1667, %dma_wait3A_1668] : memref<4096x64x128xf32, #tpu.memory_space<hbm>> -> memref<8x40x128xf32, #tpu.memory_space<hbm>>
    %dma_wait3A_1670 = arith.constant 24 : i32
    %dma_wait3A_1671 = arith.constant 0 : i32
    %dma_wait3A_1672 = tpu.memref_slice %arg5[%add3A_949, %dma_wait3A_1670, %dma_wait3A_1671] : memref<4096x64x128xf32, #tpu.memory_space<hbm>> -> memref<8x40x128xf32, #tpu.memory_space<hbm>>
    tpu.wait_dma2 semaphore(%arg10 : memref<!tpu.dma_semaphore, #tpu.memory_space<semaphore_mem>>) src(%arg6 : memref<8x40x128xf32, #tpu.memory_space<vmem>>) dst(%dma_wait3A_1672 : memref<8x40x128xf32, #tpu.memory_space<hbm>>)
    %dma_wait3A_1673 = arith.constant 24 : i32
    %dma_wait3A_1674 = arith.constant 0 : i32
    %dma_wait3A_1675 = tpu.memref_slice %arg5[%add3A_1043, %dma_wait3A_1673, %dma_wait3A_1674] : memref<4096x64x128xf32, #tpu.memory_space<hbm>> -> memref<8x40x128xf32, #tpu.memory_space<hbm>>
    %dma_wait3A_1676 = arith.constant 24 : i32
    %dma_wait3A_1677 = arith.constant 0 : i32
    %dma_wait3A_1678 = tpu.memref_slice %arg5[%add3A_1043, %dma_wait3A_1676, %dma_wait3A_1677] : memref<4096x64x128xf32, #tpu.memory_space<hbm>> -> memref<8x40x128xf32, #tpu.memory_space<hbm>>
    tpu.wait_dma2 semaphore(%arg10 : memref<!tpu.dma_semaphore, #tpu.memory_space<semaphore_mem>>) src(%arg6 : memref<8x40x128xf32, #tpu.memory_space<vmem>>) dst(%dma_wait3A_1678 : memref<8x40x128xf32, #tpu.memory_space<hbm>>)
    %dma_wait3A_1679 = arith.constant 24 : i32
    %dma_wait3A_1680 = arith.constant 0 : i32
    %dma_wait3A_1681 = tpu.memref_slice %arg5[%add3A_1137, %dma_wait3A_1679, %dma_wait3A_1680] : memref<4096x64x128xf32, #tpu.memory_space<hbm>> -> memref<8x40x128xf32, #tpu.memory_space<hbm>>
    %dma_wait3A_1682 = arith.constant 24 : i32
    %dma_wait3A_1683 = arith.constant 0 : i32
    %dma_wait3A_1684 = tpu.memref_slice %arg5[%add3A_1137, %dma_wait3A_1682, %dma_wait3A_1683] : memref<4096x64x128xf32, #tpu.memory_space<hbm>> -> memref<8x40x128xf32, #tpu.memory_space<hbm>>
    tpu.wait_dma2 semaphore(%arg10 : memref<!tpu.dma_semaphore, #tpu.memory_space<semaphore_mem>>) src(%arg6 : memref<8x40x128xf32, #tpu.memory_space<vmem>>) dst(%dma_wait3A_1684 : memref<8x40x128xf32, #tpu.memory_space<hbm>>)
    %dma_wait3A_1685 = arith.constant 24 : i32
    %dma_wait3A_1686 = arith.constant 0 : i32
    %dma_wait3A_1687 = tpu.memref_slice %arg5[%add3A_1231, %dma_wait3A_1685, %dma_wait3A_1686] : memref<4096x64x128xf32, #tpu.memory_space<hbm>> -> memref<8x40x128xf32, #tpu.memory_space<hbm>>
    %dma_wait3A_1688 = arith.constant 24 : i32
    %dma_wait3A_1689 = arith.constant 0 : i32
    %dma_wait3A_1690 = tpu.memref_slice %arg5[%add3A_1231, %dma_wait3A_1688, %dma_wait3A_1689] : memref<4096x64x128xf32, #tpu.memory_space<hbm>> -> memref<8x40x128xf32, #tpu.memory_space<hbm>>
    tpu.wait_dma2 semaphore(%arg10 : memref<!tpu.dma_semaphore, #tpu.memory_space<semaphore_mem>>) src(%arg6 : memref<8x40x128xf32, #tpu.memory_space<vmem>>) dst(%dma_wait3A_1690 : memref<8x40x128xf32, #tpu.memory_space<hbm>>)
    %dma_wait3A_1691 = arith.constant 24 : i32
    %dma_wait3A_1692 = arith.constant 0 : i32
    %dma_wait3A_1693 = tpu.memref_slice %arg5[%add3A_1325, %dma_wait3A_1691, %dma_wait3A_1692] : memref<4096x64x128xf32, #tpu.memory_space<hbm>> -> memref<8x40x128xf32, #tpu.memory_space<hbm>>
    %dma_wait3A_1694 = arith.constant 24 : i32
    %dma_wait3A_1695 = arith.constant 0 : i32
    %dma_wait3A_1696 = tpu.memref_slice %arg5[%add3A_1325, %dma_wait3A_1694, %dma_wait3A_1695] : memref<4096x64x128xf32, #tpu.memory_space<hbm>> -> memref<8x40x128xf32, #tpu.memory_space<hbm>>
    tpu.wait_dma2 semaphore(%arg10 : memref<!tpu.dma_semaphore, #tpu.memory_space<semaphore_mem>>) src(%arg6 : memref<8x40x128xf32, #tpu.memory_space<vmem>>) dst(%dma_wait3A_1696 : memref<8x40x128xf32, #tpu.memory_space<hbm>>)
    %dma_wait3A_1697 = arith.constant 24 : i32
    %dma_wait3A_1698 = arith.constant 0 : i32
    %dma_wait3A_1699 = tpu.memref_slice %arg5[%add3A_1419, %dma_wait3A_1697, %dma_wait3A_1698] : memref<4096x64x128xf32, #tpu.memory_space<hbm>> -> memref<8x40x128xf32, #tpu.memory_space<hbm>>
    %dma_wait3A_1700 = arith.constant 24 : i32
    %dma_wait3A_1701 = arith.constant 0 : i32
    %dma_wait3A_1702 = tpu.memref_slice %arg5[%add3A_1419, %dma_wait3A_1700, %dma_wait3A_1701] : memref<4096x64x128xf32, #tpu.memory_space<hbm>> -> memref<8x40x128xf32, #tpu.memory_space<hbm>>
    tpu.wait_dma2 semaphore(%arg10 : memref<!tpu.dma_semaphore, #tpu.memory_space<semaphore_mem>>) src(%arg6 : memref<8x40x128xf32, #tpu.memory_space<vmem>>) dst(%dma_wait3A_1702 : memref<8x40x128xf32, #tpu.memory_space<hbm>>)
    %dma_wait3A_1703 = arith.constant 24 : i32
    %dma_wait3A_1704 = arith.constant 0 : i32
    %dma_wait3A_1705 = tpu.memref_slice %arg5[%add3A_1469, %dma_wait3A_1703, %dma_wait3A_1704] : memref<4096x64x128xf32, #tpu.memory_space<hbm>> -> memref<8x40x128xf32, #tpu.memory_space<hbm>>
    %dma_wait3A_1706 = arith.constant 24 : i32
    %dma_wait3A_1707 = arith.constant 0 : i32
    %dma_wait3A_1708 = tpu.memref_slice %arg5[%add3A_1469, %dma_wait3A_1706, %dma_wait3A_1707] : memref<4096x64x128xf32, #tpu.memory_space<hbm>> -> memref<8x40x128xf32, #tpu.memory_space<hbm>>
    tpu.wait_dma2 semaphore(%arg10 : memref<!tpu.dma_semaphore, #tpu.memory_space<semaphore_mem>>) src(%arg6 : memref<8x40x128xf32, #tpu.memory_space<vmem>>) dst(%dma_wait3A_1708 : memref<8x40x128xf32, #tpu.memory_space<hbm>>)
    %dma_wait3A_1709 = arith.constant 24 : i32
    %dma_wait3A_1710 = arith.constant 0 : i32
    %dma_wait3A_1711 = tpu.memref_slice %arg5[%add3A_1519, %dma_wait3A_1709, %dma_wait3A_1710] : memref<4096x64x128xf32, #tpu.memory_space<hbm>> -> memref<8x40x128xf32, #tpu.memory_space<hbm>>
    %dma_wait3A_1712 = arith.constant 24 : i32
    %dma_wait3A_1713 = arith.constant 0 : i32
    %dma_wait3A_1714 = tpu.memref_slice %arg5[%add3A_1519, %dma_wait3A_1712, %dma_wait3A_1713] : memref<4096x64x128xf32, #tpu.memory_space<hbm>> -> memref<8x40x128xf32, #tpu.memory_space<hbm>>
    tpu.wait_dma2 semaphore(%arg10 : memref<!tpu.dma_semaphore, #tpu.memory_space<semaphore_mem>>) src(%arg6 : memref<8x40x128xf32, #tpu.memory_space<vmem>>) dst(%dma_wait3A_1714 : memref<8x40x128xf32, #tpu.memory_space<hbm>>)
    return
  }
}

</mosaic_0001>

<sc_bundles>
// kernel: kernel.3.cloned.1.call-start
scs
__scs_entry_jumppad:
0x0: {  	(pc) =	sbr.rel $0x88, $3  }
0x1: {  	(tag) =	ssettag $0x0;
	lr =	simm.s32 $0x1  }
0x2: {  	[smem:$0x3F9F] =	sst lr;
	_ =	strace $0xD0000000  }
0x3: {  	_ = 	snop  }
0x4: {  	_ = 	snop  }
0x5: {  	_ = 	snop  }
0x6: {  	_ = 	snop  }
0x7: {  	_ = 	snop  }
__scs_overlays_trampoline_lowered:
0x8: {  	[smem:$0x3FAE] =	sst s0  }
0x9: {  	[smem:$0x3FAF] =	sst s1  }
0xa: {  	[smem:$0x3FB0] =	sst s2  }
0xb: {  	[smem:$0x3FB1] =	sst s3  }
0xc: {  	[smem:$0x3FB2] =	sst s4  }
0xd: {  	[smem:$0x3FB3] =	sst s5  }
0xe: {  	[smem:$0x3FB4] =	sst s6  }
0xf: {  	[smem:$0x3FB5] =	sst s7  }
0x10: {  	[smem:$0x3FB6] =	sst s8  }
0x11: {  	[smem:$0x3FB7] =	sst s9;
	s0 =	simm.s32 @!p0 $0x0  }
0x12: {  	s1 =	sld [smem:$0x3F9D];
	s0 =	simm.s32 @p0 $0x1  }
0x13: {  	[smem:$0x3FB8] =	sst s0;
	s0 =	simm.s32 @!p1 $0x0  }
0x14: {  	s2 =	sld [smem:$0x3F9C];
	s0 =	simm.s32 @p1 $0x1  }
0x15: {  	[smem:$0x3FB9] =	sst s0;
	s0 =	simm.s32 @!p2 $0x0  }
0x16: {  	s3 =	sld [smem:$0x3FDB];
	s0 =	simm.s32 @p2 $0x1  }
0x17: {  	s4 =	simm.s32 $0x1BF5;
	[smem:$0x3FBB] =	sst s0  }
0x18: {  	s0 =	sld [smem:$0x3F9E];
	_ =	swait.ge [sflag:s4], $0x0  }
0x19: {  	s7 =	sld [smem:$0x3F9F]  }
0x1a: {  	s8 =	sadd.s32 $0xFFFFE003, lr  }
0x1b: {  	s9 =	sadd.s32 $0xFFFFFEF7, lr;
	s5 =	simm.s32 $0xFFFFFFFF;
	p2 =	slt.u32 s8, $0xFFFFF086  }
0x1c: {  	p1 =	slt.u32 s9, $0xF7A;
	s5 =	simm.s32 @!p2 $0x0  }
0x1d: {  	s5 =	simm.s32 @p1 $0x1;
	p0 =	seq.s32 s7, s2  }
0x1e: {  	s7 =	smul.u32 @!p0 $0xF7A, s2;
	p2 =	seq.s32 @!p0 s5, $0x0  }
0x1f: {  	s9 =	smul.u32 $0xF7A, s1;
	s8 =	simm.s32 @!p0 $0x1BF5;
	p2 =	por !p2, p0  }
0x20: {  	[sflag:s8] =	ssyncset.s32 @!p0 $0xFFFFF086;
	s6 =	sadd.s32 @!p0 s3, s7;
	s7 =	simm.s32 @!p0 $0x108  }
0x21: {  	s3 =	sadd.s32 s3, s9;
	s6 =	sadd.s32 @!p0 $0x88, s6;
	s7 =	simm.s32 @p2 $0x1082  }
0x22: {  	[simem:s7], [sflag:s8] =	dma.local @!p0 [hbm:s6], $0xF7A  }
0x23: {  	s9 =	sor.u32 $0xD0000000, s2;
	s6 =	simm.s32 $0x108;
	_ =	swait.ge @!p0 [sflag:s8], $0x0  }
0x24: {  	s3 =	sadd.s32 $0x88, s3;
	s6 =	simm.s32 @!p1 $0x1082;
	[sflag:s4] =	ssyncset.s32 $0xFFFFF086  }
0x25: {  	[simem:s6], [sflag:s4] =	dma.local [hbm:s3], $0xF7A  }
0x26: {  	[smem:$0x3F9F] =	sst s1;
	(tag) =	ssettag s2;
	_ =	strace s9  }
0x27: {  	s1 =	sld [smem:$0x3FAF]  }
0x28: {  	s2 =	sld [smem:$0x3FB0]  }
0x29: {  	s4 =	sld [smem:$0x3FB2]  }
0x2a: {  	p0 =	seq.s32 s5, $0x0;
	s5 =	sld [smem:$0x3FB3]  }
0x2b: {  	s6 =	sld [smem:$0x3FB4]  }
0x2c: {  	s7 =	sld [smem:$0x3FB5]  }
0x2d: {  	s3 =	simm.s32 $0x108;
	s8 =	sld [smem:$0x3FB6]  }
0x2e: {  	s3 =	simm.s32 @!p0 $0x1082;
	s9 =	sld [smem:$0x3FB7]  }
0x2f: {  	lr =	sadd.s32 s0, s3;
	s0 =	sld [smem:$0x3FAE]  }
0x30: {  	s3 =	sld [smem:$0x3FB1]  }
0x31: {  	[smem:$0x3FBA] =	sst s10  }
0x32: {  	s10 =	sld [smem:$0x3FB8];
	_ =	sdelay $0x3  }
0x33: {  	p0 =	seq.s32 s10, $0x1;
	s10 =	sld [smem:$0x3FBA];
	_ =	sdelay $0x3  }
0x34: {  	[smem:$0x3FBA] =	sst s10  }
0x35: {  	s10 =	sld [smem:$0x3FB9];
	_ =	sdelay $0x3  }
0x36: {  	p1 =	seq.s32 s10, $0x1;
	s10 =	sld [smem:$0x3FBA];
	_ =	sdelay $0x3  }
0x37: {  	[smem:$0x3FBA] =	sst s10  }
0x38: {  	s10 =	sld [smem:$0x3FBB]  }
0x39: {  	_ = 	snop;
	(pc) =	sbr.ind lr, $3  }
0x3a: {  	_ = 	snop  }
0x3b: {  	_ = 	snop  }
0x3c: {  	p2 =	seq.s32 s10, $0x1;
	s10 =	sld [smem:$0x3FBA]  }
0x3d: {  	_ =	shalt  }
0x3e: {  	_ =	shalt  }
0x3f: {  	_ =	shalt  }
0x40: {  	_ =	shalt  }
0x41: {  	_ =	shalt  }
0x42: {  	_ =	shalt  }
0x43: {  	_ =	shalt  }
0x44: {  	_ =	shalt  }
0x45: {  	_ =	shalt  }
0x46: {  	_ =	shalt  }
0x47: {  	_ =	shalt  }
0x48: {  	_ =	shalt  }
0x49: {  	_ =	shalt  }
0x4a: {  	_ =	shalt  }
0x4b: {  	_ =	shalt  }
0x4c: {  	_ =	shalt  }
0x4d: {  	_ =	shalt  }
0x4e: {  	_ =	shalt  }
0x4f: {  	_ =	shalt  }
0x50: {  	_ =	shalt  }
0x51: {  	_ =	shalt  }
0x52: {  	_ =	shalt  }
0x53: {  	_ =	shalt  }
0x54: {  	_ =	shalt  }
0x55: {  	_ =	shalt  }
0x56: {  	_ =	shalt  }
0x57: {  	_ =	shalt  }
0x58: {  	_ =	shalt  }
0x59: {  	_ =	shalt  }
0x5a: {  	_ =	shalt  }
0x5b: {  	_ =	shalt  }
0x5c: {  	_ =	shalt  }
0x5d: {  	_ =	shalt  }
0x5e: {  	_ =	shalt  }
0x5f: {  	_ =	shalt  }
0x60: {  	_ =	shalt  }
0x61: {  	_ =	shalt  }
0x62: {  	_ =	shalt  }
0x63: {  	_ =	shalt  }
0x64: {  	_ =	shalt  }
0x65: {  	_ =	shalt  }
0x66: {  	_ =	shalt  }
0x67: {  	_ =	shalt  }
0x68: {  	_ =	shalt  }
0x69: {  	_ =	shalt  }
0x6a: {  	_ =	shalt  }
0x6b: {  	_ =	shalt  }
0x6c: {  	_ =	shalt  }
0x6d: {  	_ =	shalt  }
0x6e: {  	_ =	shalt  }
0x6f: {  	_ =	shalt  }
0x70: {  	_ =	shalt  }
0x71: {  	_ =	shalt  }
0x72: {  	_ =	shalt  }
0x73: {  	_ =	shalt  }
0x74: {  	_ =	shalt  }
0x75: {  	_ =	shalt  }
0x76: {  	_ =	shalt  }
0x77: {  	_ =	shalt  }
0x78: {  	_ =	shalt  }
0x79: {  	_ =	shalt  }
0x7a: {  	_ =	shalt  }
0x7b: {  	_ =	shalt  }
0x7c: {  	_ =	shalt  }
0x7d: {  	_ =	shalt  }
0x7e: {  	_ =	shalt  }
0x7f: {  	_ =	shalt  }
0x80: {  	_ =	shalt  }
0x81: {  	_ =	shalt  }
0x82: {  	_ =	shalt  }
0x83: {  	_ =	shalt  }
0x84: {  	_ =	shalt  }
0x85: {  	_ =	shalt  }
0x86: {  	_ =	shalt  }
0x87: {  	_ =	shalt  }
.Lfunc_end0:
.L_simem_size_0:
called_computation_lowered:
.L_overlay_start_0:
0x88: {  	s2 =	sld [smem:$0x3FD9]  }
0x89: {  	s3 =	sld [smem:$0x3FFE];
	_ =	sdelay $0x1  }
0x8a: {  	s1 =	srdreg.scid  }
0x8b: {  	s0 =	sand.u32 $0x1, s1  }
0x8c: {  	s17 =	sshll.u32 s0, $0xA;
	s2 =	sadd.s32 s3, s2  }
0x8d: {  	s2 =	sadd.s32 s2, s17  }
0x8e: {  	[smem:$0x3FC6] =	sst s2  }
0x8f: {  	_ = 	snop  }
0x90: {  	s2 =	sld [smem:$0x3FD0];
	(tm) =	ssettm $0x1  }
0x91: {  	s18 =	sld [smem:$0x3FFB];
	_ =	sdelay $0x3  }
0x92: {  	_ =	strace s18  }
0x93: {  	s3 =	sld [smem:$0x3FFC];
	_ =	sdelay $0x3  }
0x94: {  	_ =	strace s3  }
0x95: {  	s3 =	sld [smem:$0x3FFD];
	_ =	sdelay $0x3  }
0x96: {  	_ =	strace s3  }
0x97: {  	_ =	strace $0x8FFFFFFF  }
0x98: {  	s19 =	sld [smem:$0x3FDB];
	_ =	sdelay $0x1  }
0x99: {  	s4 =	simm.s32 $_scs_section_size  }
0x9a: {  	s5 =	simm.s32 $_size__tile_overlayer_lowered;
	s6 =	simm.s32 $_tile_overlayer_lowered  }
0x9b: {  	s22 =	simm.s32 $0x1BFF;
	s21 =	sshll.u32 s6, $0x1;
	s3 =	sadd.s32 s4, s19  }
0x9c: {  	s7 =	simm.s32 $0x0;
	s20 =	sshll.u32 s5, $0x1;
	s5 =	sadd.s32 s21, s3  }
0x9d: {  	[timem:s7], [sflag:s22] =	dma.local [hbm:s5], s20  }
0x9e: {  	_ =	swait.ge [sflag:s22], s20  }
0x9f: {  	s4 =	ssub.s32 $0x0, s20;
	[sflag:s22] =	ssyncset.done $0x0  }
0xa0: {  	[sflag:s22] =	ssyncadd.s32 s4;
	_ =	sdelay $0x1  }
0xa1: {  	s23 =	simm.s32 $0x1B8B  }
0xa2: {  	_ =	swait.ge [sflag:s23], $0x1  }
0xa3: {  	[sflag:s23] =	ssyncset.done $0x0  }
0xa4: {  	s25 =	simm.s32 $0x1B8E;
	s24 =	sld [smem:$0x3FFE];
	[sflag:s23] =	ssyncadd.s32 $0xFFFFFFFF  }
0xa5: {  	s26 =	simm.s32 $execute0_lowered;
	[smem:$0x3FD2] =	sst s25  }
0xa6: {  	s5 =	sshll.u32 s26, $0x1;
	_ =	strace $0x80000046;
	[dreg:$0x1] =	wrdreg $0xFFFFFFFF  }
0xa7: {  	s28 =	simm.s32 $_size_execute0_lowered;
	s3 =	sadd.s32 s3, s5;
	[dreg:$0x0] =	wrdreg $0x0  }
0xa8: {  	s5 =	sshll.u32 s28, $0x1;
	[dreg:$0x2] =	wrdreg s3  }
0xa9: {  	[dreg:$0x3] =	wrdreg s5  }
0xaa: {  	[dreg:$0x4] =	wrdreg $0xC0  }
0xab: {  	_ =	task [dreg:s7], $0x5FFFF  }
0xac: {  	[dreg:$0x1] =	wrdreg $0xFFFFFFFF  }
0xad: {  	[dreg:$0x0] =	wrdreg $0x60  }
0xae: {  	[dreg:$0x2] =	wrdreg s24  }
0xaf: {  	[dreg:$0x3] =	wrdreg s2  }
0xb0: {  	[dreg:$0x4] =	wrdreg $0x9  }
0xb1: {  	_ =	task.clear_ibuf [dreg:s7], $0x5FFFF;
	_ =	strace $0x90000046  }
0xb2: {  	s29 =	simm.s32 $0x9;
	_ =	strace $0x80000048  }
0xb3: {  	_ =	swait.ge [sflag:s29], $0x1  }
0xb4: {  	[sflag:s29] =	ssyncadd.s32 $0xFFFFFFFF  }
0xb5: {  	_ =	strace $0x90000048  }
0xb6: {  	_ =	sfence  }
0xb7: {  	s30 =	sld [smem:$0x0];
	_ =	sdelay $0x2  }
0xb8: {  	s31 =	sshll.u32 s1, $0xD;
	s1 =	sshrl.u32 s1, $0x2  }
0xb9: {  	s3 =	sand.u32 $0x4000, s31;
	s1 =	sadd.s32 s1, s30  }
0xba: {  	s0 =	sor.u32 s3, s0;
	s1 =	sshll.u32 s1, $0x11  }
0xbb: {  	s0 =	sor.u32 s1, s0  }
0xbc: {  	s0 =	sadd.s32 $0x8F2B, s0  }
0xbd: {  	[sflag:s0] =	ssyncadd.remote.s32 $0x1  }
0xbe: {  	_ =	sfence.sel $0xFFFF  }
0xbf: {  	[dreg:$0x0] =	wrdreg $0xFFFFFFFF;
	(pc) =	sbr.abs _section_cstart, $3  }
0xc0: {  	[dreg:$0x1] =	wrdreg $0xFFFFFFFF  }
0xc1: {  	_ =	task.clear_ibuf [dreg:s7], $0x2FFFF;
	_ =	strace $0x9FFFFFFF  }
0xc2: {  	(tm) =	ssettm $0x7FFFFFFF  }
0xc3: {  	_ =	shalt  }
tec
execute0_lowered:
.L_overlay_start_1:
0x0: {  	(tag) =	ssettag $0x1  }
0x1: {  	s3 =	rddreg [dreg:$0x0]  }
0x2: {  	s18 =	rddreg [dreg:$0x1];
	s0 =	srdreg.scid;
	s2 =	simm.s32 $0x0  }
0x3: {  	s1 =	stileid.u32;
	s0 =	sand.u32 $0x1, s0;
	[smem:$0x7FF] =	sst s2  }
0x4: {  	s1 =	sshll.u32 s1, $0x8;
	s5 =	sadd.s32 $0x180A00, s3;
	s4 =	sshll.u32 s0, $0x7  }
0x5: {  	s21 =	sadd.s32 $0x180, s18;
	_ =	strace $0x80000047;
	s9 =	sor.u32 s4, s1  }
0x6: {  	[dreg:$0x3] =	wrdreg s5;
	s1 =	sshll.u32 s9, $0xA;
	s20 =	smul.u32 $0x180, s9  }
0x7: {  	s19 =	sor.u32 $0x8, s9;
	s17 =	sor.u32 $0x10, s9;
	s26 =	sadd.s32 s1, s21  }
0x8: {  	s1 =	sadd.s32 s18, s1;
	s29 =	sshll.u32 s19, $0xA;
	[dreg:$0x4] =	wrdreg s26  }
0x9: {  	s10 =	sor.u32 $0x18, s9;
	[dreg:$0x5] =	wrdreg s1;
	s31 =	sadd.s32 s29, s21  }
0xa: {  	s6 =	sshll.u32 s17, $0xA;
	s5 =	sadd.s32 s18, s29;
	[dreg:$0x6] =	wrdreg s31  }
0xb: {  	s8 =	sshll.u32 s10, $0xA;
	s7 =	sadd.s32 s6, s21;
	[dreg:$0x7] =	wrdreg s5  }
0xc: {  	s19 =	smul.u32 $0x180, s19;
	s4 =	sadd.s32 s18, s6;
	[dreg:$0x8] =	wrdreg s7  }
0xd: {  	s1 =	sor.u32 $0x20, s9;
	s11 =	sadd.s32 s8, s21;
	[dreg:$0x9] =	wrdreg s4  }
0xe: {  	s12 =	sadd.s32 s18, s8;
	[dreg:$0xa] =	wrdreg s11;
	s13 =	sshll.u32 s1, $0xA  }
0xf: {  	s11 =	sor.u32 $0x28, s9;
	[dreg:$0xb] =	wrdreg s12;
	s14 =	sadd.s32 s13, s21  }
0x10: {  	s5 =	sadd.s32 s18, s13;
	s6 =	sshll.u32 s11, $0xA;
	[dreg:$0xc] =	wrdreg s14  }
0x11: {  	s4 =	sor.u32 $0x30, s9;
	[dreg:$0xd] =	wrdreg s5;
	s15 =	sadd.s32 s6, s21  }
0x12: {  	s22 =	sshll.u32 s4, $0xA;
	s16 =	sadd.s32 s18, s6;
	[dreg:$0xe] =	wrdreg s15  }
0x13: {  	s12 =	sor.u32 $0x38, s9;
	s23 =	sadd.s32 s22, s21;
	[dreg:$0xf] =	wrdreg s16  }
0x14: {  	s7 =	sshll.u32 s12, $0xA;
	s6 =	sadd.s32 s18, s22;
	[dreg:$0x10] =	wrdreg s23  }
0x15: {  	s13 =	sor.u32 $0x48, s9;
	s24 =	sadd.s32 s7, s21;
	[dreg:$0x11] =	wrdreg s6  }
0x16: {  	s25 =	sadd.s32 s18, s7;
	s8 =	sshll.u32 s13, $0xA;
	[dreg:$0x12] =	wrdreg s24  }
0x17: {  	s5 =	sor.u32 $0x40, s9;
	[dreg:$0x13] =	wrdreg s25;
	s31 =	sadd.s32 s8, s21  }
0x18: {  	s26 =	sshll.u32 s5, $0xA;
	s8 =	sadd.s32 s18, s8;
	[dreg:$0x16] =	wrdreg s31  }
0x19: {  	s6 =	sor.u32 $0x50, s9;
	s29 =	sadd.s32 s26, s21;
	[dreg:$0x17] =	wrdreg s8  }
0x1a: {  	s7 =	sadd.s32 s18, s26;
	s15 =	sshll.u32 s6, $0xA;
	[dreg:$0x14] =	wrdreg s29  }
0x1b: {  	s14 =	sor.u32 $0x58, s9;
	[dreg:$0x15] =	wrdreg s7;
	s16 =	sadd.s32 s15, s21  }
0x1c: {  	s8 =	sadd.s32 s18, s15;
	s15 =	sshll.u32 s14, $0xA;
	[dreg:$0x18] =	wrdreg s16  }
0x1d: {  	s7 =	sor.u32 $0x60, s9;
	[dreg:$0x19] =	wrdreg s8;
	s22 =	sadd.s32 s15, s21  }
0x1e: {  	s23 =	sadd.s32 s18, s15;
	s16 =	sshll.u32 s7, $0xA;
	[dreg:$0x1a] =	wrdreg s22  }
0x1f: {  	s15 =	sor.u32 $0x68, s9;
	[dreg:$0x1b] =	wrdreg s23;
	s24 =	sadd.s32 s16, s21  }
0x20: {  	s16 =	sadd.s32 s18, s16;
	s22 =	sshll.u32 s15, $0xA;
	[dreg:$0x1c] =	wrdreg s24  }
0x21: {  	s8 =	sor.u32 $0x70, s9;
	[dreg:$0x1d] =	wrdreg s16;
	s25 =	sadd.s32 s22, s21  }
0x22: {  	s23 =	sshll.u32 s8, $0xA;
	s22 =	sadd.s32 s18, s22;
	[dreg:$0x1e] =	wrdreg s25  }
0x23: {  	s16 =	sor.u32 $0x78, s9;
	s26 =	sadd.s32 s23, s21;
	[dreg:$0x1f] =	wrdreg s22  }
0x24: {  	s29 =	sadd.s32 s18, s23;
	s9 =	sadd.s32 $0x600, s3;
	[smem:$0x7BE] =	sst s26  }
0x25: {  	s1 =	smul.u32 $0x180, s1;
	[smem:$0x7BF] =	sst s29;
	s20 =	sadd.s32 s9, s20  }
0x26: {  	s19 =	sadd.s32 s9, s19;
	[smem:$0x7C8] =	sst s20  }
0x27: {  	s31 =	sshll.u32 s16, $0xA;
	s1 =	sadd.s32 s9, s1;
	[smem:$0x7D0] =	sst s19  }
0x28: {  	s21 =	sadd.s32 s31, s21;
	[smem:$0x7DA] =	sst s1  }
0x29: {  	s18 =	sadd.s32 s18, s31;
	[smem:$0x7C0] =	sst s21  }
0x2a: {  	s24 =	sadd.s32 $0x180, s20;
	[smem:$0x7C1] =	sst s18  }
0x2b: {  	s25 =	sadd.s32 $0x300, s20;
	[smem:$0x7C2] =	sst s24  }
0x2c: {  	s26 =	sadd.s32 $0x480, s20;
	[smem:$0x7C3] =	sst s25  }
0x2d: {  	s29 =	sadd.s32 $0x600, s20;
	[smem:$0x7C4] =	sst s26  }
0x2e: {  	s31 =	sadd.s32 $0x780, s20;
	[smem:$0x7C5] =	sst s29  }
0x2f: {  	s22 =	sadd.s32 $0xA80, s20;
	[smem:$0x7C6] =	sst s31  }
0x30: {  	s23 =	sadd.s32 $0x180, s19;
	[smem:$0x7C9] =	sst s22  }
0x31: {  	s21 =	sadd.s32 $0x900, s20;
	[smem:$0x7CA] =	sst s23  }
0x32: {  	s24 =	sadd.s32 $0x300, s19;
	[smem:$0x7C7] =	sst s21  }
0x33: {  	s25 =	sadd.s32 $0x480, s19;
	[smem:$0x7CB] =	sst s24  }
0x34: {  	s26 =	sadd.s32 $0x600, s19;
	[smem:$0x7CC] =	sst s25  }
0x35: {  	s29 =	sadd.s32 $0x780, s19;
	[smem:$0x7CD] =	sst s26  }
0x36: {  	s17 =	smul.u32 $0x180, s17;
	s31 =	sadd.s32 $0x900, s19;
	[smem:$0x7CE] =	sst s29  }
0x37: {  	s19 =	sadd.s32 $0xA80, s19;
	[smem:$0x7CF] =	sst s31  }
0x38: {  	s20 =	sadd.s32 s9, s17;
	[smem:$0x7D1] =	sst s19  }
0x39: {  	s21 =	sadd.s32 $0x180, s20;
	[smem:$0x7D9] =	sst s20  }
0x3a: {  	s24 =	sadd.s32 $0x300, s20;
	[smem:$0x7D2] =	sst s21  }
0x3b: {  	s26 =	sadd.s32 $0x480, s20;
	[smem:$0x7D3] =	sst s24  }
0x3c: {  	s29 =	sadd.s32 $0x600, s20;
	[smem:$0x7D4] =	sst s26  }
0x3d: {  	s0 =	ssub.s32 $0x2, s0;
	s17 =	sadd.s32 $0x780, s20;
	[smem:$0x7D6] =	sst s29  }
0x3e: {  	s11 =	smul.u32 $0x180, s11;
	s18 =	sadd.s32 $0x900, s20;
	[smem:$0x7D7] =	sst s17  }
0x3f: {  	s22 =	sshrl.u32 s0, $0x1;
	s19 =	sadd.s32 $0xA80, s20;
	[smem:$0x7D8] =	sst s18  }
0x40: {  	s25 =	smul.u32 $0x180, s10;
	s20 =	simm.s32 $0xA980;
	[smem:$0x7DB] =	sst s19  }
0x41: {  	s10 =	ssub.s32 s0, s22;
	s22 =	simm.s32 $0xB580;
	[smem:$0x7DD] =	sst s20  }
0x42: {  	s21 =	sadd.s32 s9, s11;
	[smem:$0x7DE] =	sst s22  }
0x43: {  	s29 =	simm.s32 $0xCD80;
	[smem:$0x7DC] =	sst s21  }
0x44: {  	s11 =	simm.s32 $0xE580;
	[smem:$0x7E1] =	sst s29  }
0x45: {  	s17 =	simm.s32 $0xF180;
	[smem:$0x7E4] =	sst s11  }
0x46: {  	s19 =	simm.s32 $0xFD80;
	[smem:$0x7E5] =	sst s17  }
0x47: {  	s20 =	simm.s32 $0x10980;
	[smem:$0x7E7] =	sst s19  }
0x48: {  	s18 =	smul.u32 $0x180, s13;
	s22 =	simm.s32 $0x11580;
	[smem:$0x7E9] =	sst s20  }
0x49: {  	s13 =	smul.u32 $0x180, s15;
	s15 =	simm.s32 $0x16980;
	[smem:$0x7EA] =	sst s22  }
0x4a: {  	p0 =	por $0x0, $0x0;
	s31 =	sadd.s32 s9, s25;
	[smem:$0x7F5] =	sst s15  }
0x4b: {  	s28 =	sadd.s32 $0x180680, s3;
	s25 =	simm.s32 $0xC180;
	[smem:$0x7D5] =	sst s31  }
0x4c: {  	s30 =	sadd.s32 $0x180880, s3;
	s29 =	simm.s32 $0x12D80;
	[smem:$0x7DF] =	sst s25  }
0x4d: {  	s24 =	smul.u32 $0x180, s4;
	s20 =	simm.s32 $0x18180;
	[smem:$0x7ED] =	sst s29  }
0x4e: {  	s26 =	smul.u32 $0x180, s12;
	s22 =	simm.s32 $0x18D80;
	[smem:$0x7F7] =	sst s20  }
0x4f: {  	s23 =	sadd.s32 $0x180600, s3;
	s1 =	sadd.s32 s9, s24;
	[smem:$0x7F9] =	sst s22  }
0x50: {  	s12 =	smul.u32 $0x180, s5;
	s4 =	sadd.s32 s9, s26;
	[smem:$0x7E0] =	sst s1  }
0x51: {  	s11 =	smul.u32 $0x180, s7;
	s31 =	simm.s32 $0xD980;
	[smem:$0x7E2] =	sst s4  }
0x52: {  	s19 =	smul.u32 $0x180, s8;
	s21 =	sadd.s32 s9, s18;
	[smem:$0x7E3] =	sst s31  }
0x53: {  	s7 =	sadd.s32 $0x180700, s3;
	s25 =	simm.s32 $0x12180;
	[smem:$0x7E8] =	sst s21  }
0x54: {  	s24 =	smul.u32 $0x180, s6;
	s6 =	simm.s32 $0x14580;
	[smem:$0x7EB] =	sst s25  }
0x55: {  	s26 =	smul.u32 $0x180, s14;
	s14 =	simm.s32 $0x15D80;
	[smem:$0x7F0] =	sst s6  }
0x56: {  	s17 =	sadd.s32 s9, s13;
	s18 =	simm.s32 $0x17580;
	[smem:$0x7F3] =	sst s14  }
0x57: {  	s29 =	simm.s32 $0x1BD80;
	s22 =	sadd.s32 $0x180980, s3;
	[smem:$0x7F4] =	sst s17  }
0x58: {  	s20 =	simm.s32 $0xA000;
	s13 =	simm.s32 $0x4;
	[smem:$0x7F6] =	sst s18  }
0x59: {  	s1 =	sadd.s32 s9, s12;
	s31 =	simm.s32 $0x13980;
	[smem:$0x7FD] =	sst s29  }
0x5a: {  	s12 =	simm.s32 $0x15180;
	s21 =	smul.u32 $0x180, s16;
	[smem:$0x7E6] =	sst s1  }
0x5b: {  	s25 =	simm.s32 $0x1A580;
	s16 =	simm.s32 $0x1400;
	[smem:$0x7EF] =	sst s31  }
0x5c: {  	s6 =	simm.s32 $0x2;
	s1 =	sadd.s32 s9, s24;
	[smem:$0x7F1] =	sst s12  }
0x5d: {  	s5 =	sadd.s32 s9, s26;
	s24 =	simm.s32 $0x19980;
	[smem:$0x7FB] =	sst s25  }
0x5e: {  	s26 =	simm.s32 $0x1B180;
	s25 =	sadd.s32 $0x180800, s3;
	[smem:$0x7EC] =	sst s1  }
0x5f: {  	s31 =	smax.u32 s10, $0x1;
	s10 =	simm.s32 $0x2000;
	[smem:$0x7EE] =	sst s5  }
0x60: {  	s12 =	simm.s32 $0x1;
	[smem:$0x7FA] =	sst s24;
	p1 =	sne.s32 s31, $0x1  }
.Ltmp0:
0x61: {  	s1 =	sadd.s32 s9, s11;
	[smem:$0x7FC] =	sst s26;
	(pc) =	sbr.rel @!p1 .LBB2_1-.Ltmp0, $4  }
0x62: {  	s21 =	sadd.s32 s9, s21;
	s11 =	sadd.s32 $0x180780, s3;
	s26 =	sadd.s32 $0x180900, s3  }
0x63: {  	s0 =	sadd.s32 $0xFFFFFFFF, s31;
	s24 =	simm.s32 $0xC00;
	[smem:$0x7F2] =	sst s1  }
0x64: {  	s3 =	simm.s32 $0x3;
	s1 =	sadd.s32 s9, s19;
	s9 =	rddreg [dreg:$0x3]  }
0x65: {  	s19 =	simm.s32 $0x16000;
	[smem:$0x7F8] =	sst s1;
	s1 =	simm.s32 $0x10000  }
0x66: {  	s5 =	sld [smem:$0x7DD]  }
0x67: {  	[tilespmem:s2], [sflag:$0x4] =	stream.linear.gather [hbm4b:s9+s2], $0xA000, $0x38;
	[tilespmem:$0x1C000] =	vst v63  }
0x68: {  	s29 =	sld [smem:$0x7DE]  }
0x69: {  	s31 =	sld [smem:$0x7DF]  }
0x6a: {  	s4 =	sld [smem:$0x7E1]  }
0x6b: {  	s8 =	sld [smem:$0x7E3]  }
0x6c: {  	s13 =	sld [smem:$0x7E4]  }
0x6d: {  	s14 =	sld [smem:$0x7E5]  }
0x6e: {  	s15 =	sld [smem:$0x7E7]  }
0x6f: {  	[tilespmem:s5], [sflag:$0x4] =	stream.linear.gather [hbm4b:s23+s2], $0x280, $0x38;
	[tilespmem:$0x1C000] =	vst v63  }
0x70: {  	s16 =	sld [smem:$0x7E9]  }
0x71: {  	[tilespmem:s29], [sflag:$0x4] =	stream.linear.gather [hbm4b:s28+s2], $0x280, $0x38;
	[tilespmem:$0x1C000] =	vst v63  }
0x72: {  	s17 =	sld [smem:$0x7EA]  }
0x73: {  	[tilespmem:s31], [sflag:$0x4] =	stream.linear.gather [hbm4b:s7+s2], $0x280, $0x38;
	[tilespmem:$0x1C000] =	vst v63  }
0x74: {  	s18 =	sld [smem:$0x7EB]  }
0x75: {  	[tilespmem:s4], [sflag:$0x4] =	stream.linear.gather [hbm4b:s11+s2], $0x280, $0x38;
	[tilespmem:$0x1C000] =	vst v63  }
0x76: {  	s24 =	sld [smem:$0x7ED]  }
0x77: {  	[tilespmem:s8], [sflag:$0x4] =	stream.linear.gather [hbm4b:s25+s2], $0x280, $0x38;
	[tilespmem:$0x1C000] =	vst v63  }
0x78: {  	[smem:$0x7BC] =	sst s0  }
0x79: {  	[tilespmem:s13], [sflag:$0x4] =	stream.linear.gather [hbm4b:s30+s2], $0x280, $0x38;
	[tilespmem:$0x1C000] =	vst v63  }
0x7a: {  	s9 =	sld [smem:$0x7CF]  }
0x7b: {  	[tilespmem:s14], [sflag:$0x4] =	stream.linear.gather [hbm4b:s26+s2], $0x280, $0x38;
	[tilespmem:$0x1C000] =	vst v63  }
0x7c: {  	[smem:$0x759] =	sst s30  }
0x7d: {  	[tilespmem:s15], [sflag:$0x4] =	stream.linear.gather [hbm4b:s22+s2], $0x280, $0x38;
	[tilespmem:$0x1C000] =	vst v63  }
0x7e: {  	[smem:$0x75A] =	sst s11  }
0x7f: {  	[tilespmem:s16], [sflag:$0x4] =	stream.linear.gather [hbm4b:s23+s2], $0x280, $0x38;
	[tilespmem:$0x1C000] =	vst v63  }
0x80: {  	[smem:$0x75B] =	sst s23  }
0x81: {  	[tilespmem:s17], [sflag:$0x4] =	stream.linear.gather [hbm4b:s28+s2], $0x280, $0x38;
	[tilespmem:$0x1C000] =	vst v63  }
0x82: {  	[smem:$0x75C] =	sst s28  }
0x83: {  	[tilespmem:s18], [sflag:$0x4] =	stream.linear.gather [hbm4b:s7+s2], $0x280, $0x38;
	[tilespmem:$0x1C000] =	vst v63  }
0x84: {  	s29 =	sld [smem:$0x7EF]  }
0x85: {  	[tilespmem:s24], [sflag:$0x4] =	stream.linear.gather [hbm4b:s11+s2], $0x280, $0x38;
	[tilespmem:$0x1C000] =	vst v63  }
0x86: {  	s31 =	sld [smem:$0x7F0]  }
0x87: {  	[tilespmem:s29], [sflag:$0x4] =	stream.linear.gather [hbm4b:s25+s2], $0x280, $0x38;
	[tilespmem:$0x1C000] =	vst v63  }
0x88: {  	s4 =	sld [smem:$0x7F1]  }
0x89: {  	[tilespmem:s31], [sflag:$0x4] =	stream.linear.gather [hbm4b:s30+s2], $0x280, $0x38;
	[tilespmem:$0x1C000] =	vst v63  }
0x8a: {  	s8 =	sld [smem:$0x7F3]  }
0x8b: {  	[tilespmem:s4], [sflag:$0x4] =	stream.linear.gather [hbm4b:s26+s2], $0x280, $0x38;
	[tilespmem:$0x1C000] =	vst v63  }
0x8c: {  	s13 =	sld [smem:$0x7F5]  }
0x8d: {  	[tilespmem:s8], [sflag:$0x4] =	stream.linear.gather [hbm4b:s22+s2], $0x280, $0x38;
	[tilespmem:$0x1C000] =	vst v63  }
0x8e: {  	s14 =	sld [smem:$0x7F6]  }
0x8f: {  	[tilespmem:s13], [sflag:$0x4] =	stream.linear.gather [hbm4b:s23+s2], $0x280, $0x38;
	[tilespmem:$0x1C000] =	vst v63  }
0x90: {  	s15 =	sld [smem:$0x7F7]  }
0x91: {  	[tilespmem:s14], [sflag:$0x4] =	stream.linear.gather [hbm4b:s28+s2], $0x280, $0x38;
	[tilespmem:$0x1C000] =	vst v63  }
0x92: {  	s16 =	sld [smem:$0x7F9]  }
0x93: {  	[tilespmem:s15], [sflag:$0x4] =	stream.linear.gather [hbm4b:s7+s2], $0x280, $0x38;
	[tilespmem:$0x1C000] =	vst v63  }
0x94: {  	s17 =	sld [smem:$0x7FA]  }
0x95: {  	[tilespmem:s16], [sflag:$0x4] =	stream.linear.gather [hbm4b:s11+s2], $0x280, $0x38;
	[tilespmem:$0x1C000] =	vst v63  }
0x96: {  	s18 =	sld [smem:$0x7FB]  }
0x97: {  	[tilespmem:s17], [sflag:$0x4] =	stream.linear.gather [hbm4b:s25+s2], $0x280, $0x38;
	[tilespmem:$0x1C000] =	vst v63  }
0x98: {  	s24 =	sld [smem:$0x7FC]  }
0x99: {  	[tilespmem:s18], [sflag:$0x4] =	stream.linear.gather [hbm4b:s30+s2], $0x280, $0x38;
	[tilespmem:$0x1C000] =	vst v63  }
0x9a: {  	s29 =	sld [smem:$0x7FD]  }
0x9b: {  	[tilespmem:s24], [sflag:$0x4] =	stream.linear.gather [hbm4b:s26+s2], $0x280, $0x38;
	[tilespmem:$0x1C000] =	vst v63  }
0x9c: {  	s8 =	sld [smem:$0x7C8]  }
0x9d: {  	[tilespmem:s29], [sflag:$0x4] =	stream.linear.gather [hbm4b:s22+s2], $0x280, $0x38;
	[tilespmem:$0x1C000] =	vst v63  }
0x9e: {  	s31 =	sld [smem:$0x7C2]  }
0x9f: {  	[tilespmem:s20], [sflag:$0x1] =	stream.linear.gather [hbm4b:s8+s2], $0x980, $0x38;
	[tilespmem:$0x1C000] =	vst v63  }
0xa0: {  	s4 =	simm.s32 $0xAC00;
	s13 =	sld [smem:$0x7C3]  }
0xa1: {  	[tilespmem:s4], [sflag:$0x1] =	stream.linear.gather [hbm4b:s31+s2], $0x980, $0x38;
	[tilespmem:$0x1C000] =	vst v63  }
0xa2: {  	s14 =	sld [smem:$0x7C4];
	s8 =	simm.s32 $0xB800  }
0xa3: {  	[tilespmem:s8], [sflag:$0x1] =	stream.linear.gather [hbm4b:s13+s2], $0x980, $0x38;
	[tilespmem:$0x1C000] =	vst v63  }
0xa4: {  	s15 =	sld [smem:$0x7C5];
	s16 =	simm.s32 $0xC400  }
0xa5: {  	[tilespmem:s16], [sflag:$0x1] =	stream.linear.gather [hbm4b:s14+s2], $0x980, $0x38;
	[tilespmem:$0x1C000] =	vst v63  }
0xa6: {  	s17 =	sld [smem:$0x7C6];
	s18 =	simm.s32 $0xD000  }
0xa7: {  	[tilespmem:s18], [sflag:$0x1] =	stream.linear.gather [hbm4b:s15+s2], $0x980, $0x38;
	[tilespmem:$0x1C000] =	vst v63  }
0xa8: {  	s24 =	simm.s32 $0xDC00;
	s20 =	sld [smem:$0x7C7]  }
0xa9: {  	[tilespmem:s24], [sflag:$0x1] =	stream.linear.gather [hbm4b:s17+s2], $0x980, $0x38;
	[tilespmem:$0x1C000] =	vst v63  }
0xaa: {  	s29 =	sld [smem:$0x7C9];
	s31 =	simm.s32 $0xE800  }
0xab: {  	[tilespmem:s31], [sflag:$0x1] =	stream.linear.gather [hbm4b:s20+s2], $0x980, $0x38;
	[tilespmem:$0x1C000] =	vst v63  }
0xac: {  	s14 =	simm.s32 $0xF400;
	s17 =	sld [smem:$0x7D0]  }
0xad: {  	[tilespmem:s14], [sflag:$0x1] =	stream.linear.gather [hbm4b:s29+s2], $0x980, $0x38;
	[tilespmem:$0x1C000] =	vst v63  }
0xae: {  	s15 =	sld [smem:$0x7CA]  }
0xaf: {  	[tilespmem:s1], [sflag:$0x1] =	stream.linear.gather [hbm4b:s17+s2], $0x980, $0x38;
	[tilespmem:$0x1C000] =	vst v63  }
0xb0: {  	s18 =	sld [smem:$0x7CB];
	s20 =	simm.s32 $0x10C00  }
0xb1: {  	[tilespmem:s20], [sflag:$0x1] =	stream.linear.gather [hbm4b:s15+s2], $0x980, $0x38;
	[tilespmem:$0x1C000] =	vst v63  }
0xb2: {  	s31 =	simm.s32 $0x11800;
	s29 =	sld [smem:$0x7CC]  }
0xb3: {  	[tilespmem:s31], [sflag:$0x1] =	stream.linear.gather [hbm4b:s18+s2], $0x980, $0x38;
	[tilespmem:$0x1C000] =	vst v63  }
0xb4: {  	s14 =	sld [smem:$0x7CD];
	s15 =	simm.s32 $0x12400  }
0xb5: {  	[tilespmem:s15], [sflag:$0x1] =	stream.linear.gather [hbm4b:s29+s2], $0x980, $0x38;
	[tilespmem:$0x1C000] =	vst v63  }
0xb6: {  	s20 =	sld [smem:$0x7CE];
	s29 =	simm.s32 $0x13000  }
0xb7: {  	[tilespmem:s29], [sflag:$0x1] =	stream.linear.gather [hbm4b:s14+s2], $0x980, $0x38;
	[tilespmem:$0x1C000] =	vst v63  }
0xb8: {  	[smem:$0x75D] =	sst s7;
	s31 =	simm.s32 $0x13C00  }
0xb9: {  	[tilespmem:s31], [sflag:$0x1] =	stream.linear.gather [hbm4b:s20+s2], $0x980, $0x38;
	[tilespmem:$0x1C000] =	vst v63  }
0xba: {  	s29 =	simm.s32 $0x14800;
	s20 =	sld [smem:$0x7D1]  }
0xbb: {  	[tilespmem:s29], [sflag:$0x1] =	stream.linear.gather [hbm4b:s9+s2], $0x980, $0x38;
	[tilespmem:$0x1C000] =	vst v63  }
0xbc: {  	[smem:$0x75E] =	sst s26;
	s31 =	simm.s32 $0x15400  }
0xbd: {  	[tilespmem:s31], [sflag:$0x1] =	stream.linear.gather [hbm4b:s20+s2], $0x980, $0x38;
	[tilespmem:$0x1C000] =	vst v63  }
0xbe: {  	s20 =	sld [smem:$0x7D9]  }
0xbf: {  	[smem:$0x75F] =	sst s25  }
0xc0: {  	s1 =	sld [smem:$0x7D2]  }
0xc1: {  	[tilespmem:s19], [sflag:$0x1] =	stream.linear.gather [hbm4b:s20+s2], $0x980, $0x38;
	[tilespmem:$0x1C000] =	vst v63  }
0xc2: {  	s29 =	sld [smem:$0x7D3];
	s31 =	simm.s32 $0x16C00  }
0xc3: {  	[tilespmem:s31], [sflag:$0x1] =	stream.linear.gather [hbm4b:s1+s2], $0x980, $0x38;
	[tilespmem:$0x1C000] =	vst v63  }
0xc4: {  	s11 =	sld [smem:$0x7D4];
	s20 =	simm.s32 $0x17800  }
0xc5: {  	[tilespmem:s20], [sflag:$0x1] =	stream.linear.gather [hbm4b:s29+s2], $0x980, $0x38;
	[tilespmem:$0x1C000] =	vst v63  }
0xc6: {  	s31 =	simm.s32 $0x18400;
	s29 =	sld [smem:$0x7D6]  }
0xc7: {  	[tilespmem:s31], [sflag:$0x1] =	stream.linear.gather [hbm4b:s11+s2], $0x980, $0x38;
	[tilespmem:$0x1C000] =	vst v63  }
0xc8: {  	s1 =	sld [smem:$0x7D7];
	s11 =	simm.s32 $0x19000  }
0xc9: {  	[tilespmem:s11], [sflag:$0x1] =	stream.linear.gather [hbm4b:s29+s2], $0x980, $0x38;
	[tilespmem:$0x1C000] =	vst v63  }
0xca: {  	s28 =	simm.s32 $0x19C00;
	s20 =	sld [smem:$0x7D8]  }
0xcb: {  	[tilespmem:s28], [sflag:$0x1] =	stream.linear.gather [hbm4b:s1+s2], $0x980, $0x38;
	[tilespmem:$0x1C000] =	vst v63  }
0xcc: {  	s30 =	simm.s32 $0x1A800;
	s29 =	sld [smem:$0x7DB]  }
0xcd: {  	[tilespmem:s30], [sflag:$0x1] =	stream.linear.gather [hbm4b:s20+s2], $0x980, $0x38;
	[tilespmem:$0x1C000] =	vst v63  }
0xce: {  	s0 =	simm.s32 $0x4;
	[smem:$0x760] =	sst s22;
	s31 =	simm.s32 $0x1B400  }
0xcf: {  	[tilespmem:s31], [sflag:$0x1] =	stream.linear.gather [hbm4b:s29+s2], $0x980, $0x38;
	[tilespmem:$0x1C000] =	vst v63  }
0xd0: {  	_ =	swait.ge [sflag:s0], $0xA000  }
0xd1: {  	[sflag:s0] =	ssyncset.done $0x0  }
0xd2: {  	[sflag:s0] =	ssyncadd.s32 $0xFFFF6000  }
0xd3: {  	_ =	swait.ge [sflag:s0], $0x1400  }
0xd4: {  	[sflag:s0] =	ssyncset.done $0x0  }
0xd5: {  	[sflag:s0] =	ssyncadd.s32 $0xFFFFEC00  }
0xd6: {  	_ =	swait.ge [sflag:s0], $0x1400  }
0xd7: {  	[sflag:s0] =	ssyncset.done $0x0  }
0xd8: {  	[sflag:s0] =	ssyncadd.s32 $0xFFFFEC00  }
0xd9: {  	_ =	swait.ge [sflag:s0], $0x1400  }
0xda: {  	[sflag:s0] =	ssyncset.done $0x0  }
0xdb: {  	s13 =	simm.s32 $0x1400;
	s7 =	rddreg [dreg:$0x4];
	[sflag:s0] =	ssyncadd.s32 $0xFFFFEC00  }
0xdc: {  	[hbm4b:s7+s13] =	stream.strided.scatter [tilespmem:s2], [sflag:$0x3], $0xA000, s10, s13, $0x38;
	[tilespmem:$0x1C000] =	vst v63  }
0xdd: {  	_ =	swait.ge [sflag:s12], $0x4C00  }
0xde: {  	s16 =	simm.s32 $0xC00;
	[sflag:s12] =	ssyncset.done $0x0  }
0xdf: {  	s24 =	simm.s32 $0xA000;
	s9 =	rddreg [dreg:$0x5];
	[sflag:s12] =	ssyncadd.s32 $0xFFFFB400  }
0xe0: {  	[hbm4b:s9+s16] =	stream.strided.scatter [tilespmem:s24], [sflag:$0x2], $0x6000, s10, s16, $0x38;
	[tilespmem:$0x1C000] =	vst v63  }
0xe1: {  	_ =	swait.ge [sflag:s6], $0x6000  }
0xe2: {  	s11 =	sld [smem:$0x7D5]  }
0xe3: {  	[sflag:s6] =	ssyncset.done $0x0  }
0xe4: {  	[sflag:s6] =	ssyncadd.s32 $0xFFFFA000  }
0xe5: {  	[tilespmem:s24], [sflag:$0x1] =	stream.linear.gather [hbm4b:s11+s2], $0x980, $0x38;
	[tilespmem:$0x1C000] =	vst v63  }
0xe6: {  	s4 =	simm.s32 $0xAC00;
	s9 =	rddreg [dreg:$0x6];
	s26 =	sadd.s32 $0x180, s11  }
0xe7: {  	[tilespmem:s4], [sflag:$0x1] =	stream.linear.gather [hbm4b:s26+s2], $0x980, $0x38;
	[tilespmem:$0x1C000] =	vst v63  }
0xe8: {  	s23 =	simm.s32 $0xB800;
	s28 =	sadd.s32 $0x300, s11;
	[smem:$0x761] =	sst s26  }
0xe9: {  	[tilespmem:s23], [sflag:$0x1] =	stream.linear.gather [hbm4b:s28+s2], $0x980, $0x38;
	[tilespmem:$0x1C000] =	vst v63  }
0xea: {  	s25 =	simm.s32 $0xC400;
	s29 =	sadd.s32 $0x480, s11;
	[smem:$0x762] =	sst s28  }
0xeb: {  	[tilespmem:s25], [sflag:$0x1] =	stream.linear.gather [hbm4b:s29+s2], $0x980, $0x38;
	[tilespmem:$0x1C000] =	vst v63  }
0xec: {  	s30 =	sadd.s32 $0x600, s11;
	[smem:$0x763] =	sst s29;
	s26 =	simm.s32 $0xD000  }
0xed: {  	[tilespmem:s26], [sflag:$0x1] =	stream.linear.gather [hbm4b:s30+s2], $0x980, $0x38;
	[tilespmem:$0x1C000] =	vst v63  }
0xee: {  	s31 =	sadd.s32 $0x780, s11;
	[smem:$0x764] =	sst s30;
	s28 =	simm.s32 $0xDC00  }
0xef: {  	[tilespmem:s28], [sflag:$0x1] =	stream.linear.gather [hbm4b:s31+s2], $0x980, $0x38;
	[tilespmem:$0x1C000] =	vst v63  }
0xf0: {  	s1 =	sadd.s32 $0x900, s11;
	[smem:$0x765] =	sst s31;
	s4 =	simm.s32 $0xE800  }
0xf1: {  	[tilespmem:s4], [sflag:$0x1] =	stream.linear.gather [hbm4b:s1+s2], $0x980, $0x38;
	[tilespmem:$0x1C000] =	vst v63  }
0xf2: {  	s7 =	simm.s32 $0xF400;
	s5 =	sadd.s32 $0xA80, s11;
	[smem:$0x766] =	sst s1  }
0xf3: {  	[tilespmem:s7], [sflag:$0x1] =	stream.linear.gather [hbm4b:s5+s2], $0x980, $0x38;
	[tilespmem:$0x1C000] =	vst v63  }
0xf4: {  	[smem:$0x767] =	sst s5  }
0xf5: {  	[hbm4b:s9+s13] =	stream.strided.scatter [tilespmem:s2], [sflag:$0x3], $0xA000, s10, s13, $0x38;
	[tilespmem:$0x1C000] =	vst v63  }
0xf6: {  	_ =	swait.ge [sflag:s12], $0x4C00  }
0xf7: {  	[sflag:s12] =	ssyncset.done $0x0  }
0xf8: {  	s8 =	simm.s32 $0x10000;
	s11 =	rddreg [dreg:$0x7];
	[sflag:s12] =	ssyncadd.s32 $0xFFFFB400  }
0xf9: {  	[hbm4b:s11+s16] =	stream.strided.scatter [tilespmem:s8], [sflag:$0x2], $0x6000, s10, s16, $0x38;
	[tilespmem:$0x1C000] =	vst v63  }
0xfa: {  	_ =	swait.ge [sflag:s6], $0x6000  }
0xfb: {  	s29 =	sld [smem:$0x7DA]  }
0xfc: {  	[sflag:s6] =	ssyncset.done $0x0  }
0xfd: {  	[sflag:s6] =	ssyncadd.s32 $0xFFFFA000  }
0xfe: {  	[tilespmem:s8], [sflag:$0x1] =	stream.linear.gather [hbm4b:s29+s2], $0x980, $0x38;
	[tilespmem:$0x1C000] =	vst v63  }
0xff: {  	s31 =	sadd.s32 $0x180, s29  }
0x100: {  	s17 =	simm.s32 $0x10C00;
	s1 =	sadd.s32 $0x300, s29;
	[smem:$0x768] =	sst s31  }
0x101: {  	[tilespmem:s17], [sflag:$0x1] =	stream.linear.gather [hbm4b:s31+s2], $0x980, $0x38;
	[tilespmem:$0x1C000] =	vst v63  }
0x102: {  	s18 =	simm.s32 $0x11800;
	s9 =	sadd.s32 $0x480, s29;
	[smem:$0x769] =	sst s1  }
0x103: {  	[tilespmem:s18], [sflag:$0x1] =	stream.linear.gather [hbm4b:s1+s2], $0x980, $0x38;
	[tilespmem:$0x1C000] =	vst v63  }
0x104: {  	s15 =	simm.s32 $0x12400;
	s11 =	sadd.s32 $0x600, s29;
	[smem:$0x76A] =	sst s9  }
0x105: {  	[tilespmem:s15], [sflag:$0x1] =	stream.linear.gather [hbm4b:s9+s2], $0x980, $0x38;
	[tilespmem:$0x1C000] =	vst v63  }
0x106: {  	s14 =	simm.s32 $0x13000;
	[smem:$0x76B] =	sst s11  }
0x107: {  	[tilespmem:s14], [sflag:$0x1] =	stream.linear.gather [hbm4b:s11+s2], $0x980, $0x38;
	[tilespmem:$0x1C000] =	vst v63  }
0x108: {  	s17 =	simm.s32 $0x13C00;
	s31 =	rddreg [dreg:$0x8];
	s15 =	sadd.s32 $0x780, s29  }
0x109: {  	[tilespmem:s17], [sflag:$0x1] =	stream.linear.gather [hbm4b:s15+s2], $0x980, $0x38;
	[tilespmem:$0x1C000] =	vst v63  }
0x10a: {  	s18 =	sadd.s32 $0x900, s29;
	[smem:$0x76C] =	sst s15;
	s15 =	simm.s32 $0x14800  }
0x10b: {  	[tilespmem:s15], [sflag:$0x1] =	stream.linear.gather [hbm4b:s18+s2], $0x980, $0x38;
	[tilespmem:$0x1C000] =	vst v63  }
0x10c: {  	[smem:$0x76D] =	sst s18;
	s29 =	sadd.s32 $0xA80, s29;
	s14 =	simm.s32 $0x15400  }
0x10d: {  	[tilespmem:s14], [sflag:$0x1] =	stream.linear.gather [hbm4b:s29+s2], $0x980, $0x38;
	[tilespmem:$0x1C000] =	vst v63  }
0x10e: {  	[smem:$0x76E] =	sst s29  }
0x10f: {  	[hbm4b:s31+s13] =	stream.strided.scatter [tilespmem:s2], [sflag:$0x3], $0xA000, s10, s13, $0x38;
	[tilespmem:$0x1C000] =	vst v63  }
0x110: {  	_ =	swait.ge [sflag:s12], $0x4C00  }
0x111: {  	[sflag:s12] =	ssyncset.done $0x0  }
0x112: {  	s0 =	rddreg [dreg:$0x9];
	[sflag:s12] =	ssyncadd.s32 $0xFFFFB400  }
0x113: {  	[hbm4b:s0+s16] =	stream.strided.scatter [tilespmem:s19], [sflag:$0x2], $0x6000, s10, s16, $0x38;
	[tilespmem:$0x1C000] =	vst v63  }
0x114: {  	_ =	swait.ge [sflag:s6], $0x6000  }
0x115: {  	s5 =	sld [smem:$0x7DC]  }
0x116: {  	[sflag:s6] =	ssyncset.done $0x0  }
0x117: {  	[sflag:s6] =	ssyncadd.s32 $0xFFFFA000  }
0x118: {  	[tilespmem:s19], [sflag:$0x1] =	stream.linear.gather [hbm4b:s5+s2], $0x980, $0x38;
	[tilespmem:$0x1C000] =	vst v63  }
0x119: {  	s1 =	sadd.s32 $0x180, s5  }
0x11a: {  	s18 =	simm.s32 $0x16C00;
	s9 =	sadd.s32 $0x300, s5;
	[smem:$0x76F] =	sst s1  }
0x11b: {  	[tilespmem:s18], [sflag:$0x1] =	stream.linear.gather [hbm4b:s1+s2], $0x980, $0x38;
	[tilespmem:$0x1C000] =	vst v63  }
0x11c: {  	s11 =	sadd.s32 $0x480, s5;
	[smem:$0x770] =	sst s9;
	s1 =	simm.s32 $0x17800  }
0x11d: {  	[tilespmem:s1], [sflag:$0x1] =	stream.linear.gather [hbm4b:s9+s2], $0x980, $0x38;
	[tilespmem:$0x1C000] =	vst v63  }
0x11e: {  	s31 =	simm.s32 $0x18400;
	s19 =	sadd.s32 $0x600, s5;
	[smem:$0x771] =	sst s11  }
0x11f: {  	[tilespmem:s31], [sflag:$0x1] =	stream.linear.gather [hbm4b:s11+s2], $0x980, $0x38;
	[tilespmem:$0x1C000] =	vst v63  }
0x120: {  	s29 =	simm.s32 $0x19000;
	s0 =	sadd.s32 $0xA80, s5;
	[smem:$0x772] =	sst s19  }
0x121: {  	[tilespmem:s29], [sflag:$0x1] =	stream.linear.gather [hbm4b:s19+s2], $0x980, $0x38;
	[tilespmem:$0x1C000] =	vst v63  }
0x122: {  	[smem:$0x775] =	sst s0;
	s9 =	sadd.s32 $0x780, s5;
	s19 =	simm.s32 $0x19C00  }
0x123: {  	[tilespmem:s19], [sflag:$0x1] =	stream.linear.gather [hbm4b:s9+s2], $0x980, $0x38;
	[tilespmem:$0x1C000] =	vst v63  }
0x124: {  	s22 =	simm.s32 $0x1A800;
	[smem:$0x773] =	sst s9;
	s9 =	sadd.s32 $0x900, s5  }
0x125: {  	[tilespmem:s22], [sflag:$0x1] =	stream.linear.gather [hbm4b:s9+s2], $0x980, $0x38;
	[tilespmem:$0x1C000] =	vst v63  }
0x126: {  	s5 =	rddreg [dreg:$0xa];
	s22 =	simm.s32 $0x1B400  }
0x127: {  	[tilespmem:s22], [sflag:$0x1] =	stream.linear.gather [hbm4b:s0+s2], $0x980, $0x38;
	[tilespmem:$0x1C000] =	vst v63  }
0x128: {  	[smem:$0x774] =	sst s9  }
0x129: {  	[hbm4b:s5+s13] =	stream.strided.scatter [tilespmem:s2], [sflag:$0x3], $0xA000, s10, s13, $0x38;
	[tilespmem:$0x1C000] =	vst v63  }
0x12a: {  	_ =	swait.ge [sflag:s12], $0x4C00  }
0x12b: {  	[sflag:s12] =	ssyncset.done $0x0  }
0x12c: {  	s0 =	rddreg [dreg:$0xb];
	[sflag:s12] =	ssyncadd.s32 $0xFFFFB400  }
0x12d: {  	[hbm4b:s0+s16] =	stream.strided.scatter [tilespmem:s24], [sflag:$0x2], $0x6000, s10, s16, $0x38;
	[tilespmem:$0x1C000] =	vst v63  }
0x12e: {  	_ =	swait.ge [sflag:s6], $0x6000  }
0x12f: {  	s5 =	sld [smem:$0x7E0]  }
0x130: {  	[sflag:s6] =	ssyncset.done $0x0  }
0x131: {  	[sflag:s6] =	ssyncadd.s32 $0xFFFFA000  }
0x132: {  	[tilespmem:s24], [sflag:$0x1] =	stream.linear.gather [hbm4b:s5+s2], $0x980, $0x38;
	[tilespmem:$0x1C000] =	vst v63  }
0x133: {  	s20 =	simm.s32 $0xAC00;
	s22 =	sadd.s32 $0x180, s5  }
0x134: {  	[tilespmem:s20], [sflag:$0x1] =	stream.linear.gather [hbm4b:s22+s2], $0x980, $0x38;
	[tilespmem:$0x1C000] =	vst v63  }
0x135: {  	[smem:$0x776] =	sst s22;
	s22 =	sadd.s32 $0x300, s5  }
0x136: {  	s20 =	sadd.s32 $0x600, s5;
	[smem:$0x777] =	sst s22  }
0x137: {  	[tilespmem:s23], [sflag:$0x1] =	stream.linear.gather [hbm4b:s22+s2], $0x980, $0x38;
	[tilespmem:$0x1C000] =	vst v63  }
0x138: {  	[smem:$0x779] =	sst s20;
	s23 =	sadd.s32 $0x480, s5  }
0x139: {  	[tilespmem:s25], [sflag:$0x1] =	stream.linear.gather [hbm4b:s23+s2], $0x980, $0x38;
	[tilespmem:$0x1C000] =	vst v63  }
0x13a: {  	[smem:$0x778] =	sst s23;
	s23 =	sadd.s32 $0x780, s5  }
0x13b: {  	[tilespmem:s26], [sflag:$0x1] =	stream.linear.gather [hbm4b:s20+s2], $0x980, $0x38;
	[tilespmem:$0x1C000] =	vst v63  }
0x13c: {  	s25 =	sadd.s32 $0x900, s5;
	[smem:$0x77A] =	sst s23  }
0x13d: {  	[tilespmem:s28], [sflag:$0x1] =	stream.linear.gather [hbm4b:s23+s2], $0x980, $0x38;
	[tilespmem:$0x1C000] =	vst v63  }
0x13e: {  	[smem:$0x77B] =	sst s25;
	s26 =	sadd.s32 $0xA80, s5  }
0x13f: {  	[tilespmem:s4], [sflag:$0x1] =	stream.linear.gather [hbm4b:s25+s2], $0x980, $0x38;
	[tilespmem:$0x1C000] =	vst v63  }
0x140: {  	[smem:$0x77C] =	sst s26  }
0x141: {  	[tilespmem:s7], [sflag:$0x1] =	stream.linear.gather [hbm4b:s26+s2], $0x980, $0x38;
	[tilespmem:$0x1C000] =	vst v63  }
0x142: {  	s28 =	rddreg [dreg:$0xc]  }
0x143: {  	[hbm4b:s28+s13] =	stream.strided.scatter [tilespmem:s2], [sflag:$0x3], $0xA000, s10, s13, $0x38;
	[tilespmem:$0x1C000] =	vst v63  }
0x144: {  	_ =	swait.ge [sflag:s12], $0x4C00  }
0x145: {  	[sflag:s12] =	ssyncset.done $0x0  }
0x146: {  	s0 =	rddreg [dreg:$0xd];
	[sflag:s12] =	ssyncadd.s32 $0xFFFFB400  }
0x147: {  	[hbm4b:s0+s16] =	stream.strided.scatter [tilespmem:s8], [sflag:$0x2], $0x6000, s10, s16, $0x38;
	[tilespmem:$0x1C000] =	vst v63  }
0x148: {  	_ =	swait.ge [sflag:s6], $0x6000  }
0x149: {  	s5 =	sld [smem:$0x7E2]  }
0x14a: {  	[sflag:s6] =	ssyncset.done $0x0  }
0x14b: {  	[sflag:s6] =	ssyncadd.s32 $0xFFFFA000  }
0x14c: {  	[tilespmem:s8], [sflag:$0x1] =	stream.linear.gather [hbm4b:s5+s2], $0x980, $0x38;
	[tilespmem:$0x1C000] =	vst v63  }
0x14d: {  	s7 =	sadd.s32 $0x180, s5  }
0x14e: {  	s25 =	simm.s32 $0x10C00;
	s26 =	sadd.s32 $0x300, s5;
	[smem:$0x77D] =	sst s7  }
0x14f: {  	[tilespmem:s25], [sflag:$0x1] =	stream.linear.gather [hbm4b:s7+s2], $0x980, $0x38;
	[tilespmem:$0x1C000] =	vst v63  }
0x150: {  	s28 =	simm.s32 $0x11800;
	[smem:$0x77E] =	sst s26;
	s25 =	sadd.s32 $0x480, s5  }
0x151: {  	[tilespmem:s28], [sflag:$0x1] =	stream.linear.gather [hbm4b:s26+s2], $0x980, $0x38;
	[tilespmem:$0x1C000] =	vst v63  }
0x152: {  	s7 =	sadd.s32 $0x780, s5;
	[smem:$0x77F] =	sst s25;
	s26 =	simm.s32 $0x12400  }
0x153: {  	[tilespmem:s26], [sflag:$0x1] =	stream.linear.gather [hbm4b:s25+s2], $0x980, $0x38;
	[tilespmem:$0x1C000] =	vst v63  }
0x154: {  	s30 =	simm.s32 $0x13000;
	[smem:$0x781] =	sst s7;
	s28 =	sadd.s32 $0x600, s5  }
0x155: {  	[tilespmem:s30], [sflag:$0x1] =	stream.linear.gather [hbm4b:s28+s2], $0x980, $0x38;
	[tilespmem:$0x1C000] =	vst v63  }
0x156: {  	[smem:$0x780] =	sst s28;
	s26 =	sadd.s32 $0x900, s5  }
0x157: {  	[tilespmem:s17], [sflag:$0x1] =	stream.linear.gather [hbm4b:s7+s2], $0x980, $0x38;
	[tilespmem:$0x1C000] =	vst v63  }
0x158: {  	[smem:$0x782] =	sst s26  }
0x159: {  	[tilespmem:s15], [sflag:$0x1] =	stream.linear.gather [hbm4b:s26+s2], $0x980, $0x38;
	[tilespmem:$0x1C000] =	vst v63  }
0x15a: {  	s28 =	sadd.s32 $0xA80, s5;
	s30 =	rddreg [dreg:$0xe]  }
0x15b: {  	[tilespmem:s14], [sflag:$0x1] =	stream.linear.gather [hbm4b:s28+s2], $0x980, $0x38;
	[tilespmem:$0x1C000] =	vst v63  }
0x15c: {  	[smem:$0x783] =	sst s28  }
0x15d: {  	[hbm4b:s30+s13] =	stream.strided.scatter [tilespmem:s2], [sflag:$0x3], $0xA000, s10, s13, $0x38;
	[tilespmem:$0x1C000] =	vst v63  }
0x15e: {  	_ =	swait.ge [sflag:s12], $0x4C00  }
0x15f: {  	[sflag:s12] =	ssyncset.done $0x0  }
0x160: {  	s11 =	simm.s32 $0x16000;
	s15 =	rddreg [dreg:$0xf];
	[sflag:s12] =	ssyncadd.s32 $0xFFFFB400  }
0x161: {  	[hbm4b:s15+s16] =	stream.strided.scatter [tilespmem:s11], [sflag:$0x2], $0x6000, s10, s16, $0x38;
	[tilespmem:$0x1C000] =	vst v63  }
0x162: {  	_ =	swait.ge [sflag:s6], $0x6000  }
0x163: {  	s5 =	sld [smem:$0x7E6]  }
0x164: {  	[sflag:s6] =	ssyncset.done $0x0  }
0x165: {  	[sflag:s6] =	ssyncadd.s32 $0xFFFFA000  }
0x166: {  	[tilespmem:s11], [sflag:$0x1] =	stream.linear.gather [hbm4b:s5+s2], $0x980, $0x38;
	[tilespmem:$0x1C000] =	vst v63  }
0x167: {  	s17 =	sadd.s32 $0x180, s5  }
0x168: {  	s28 =	sadd.s32 $0x300, s5;
	[smem:$0x784] =	sst s17  }
0x169: {  	[tilespmem:s18], [sflag:$0x1] =	stream.linear.gather [hbm4b:s17+s2], $0x980, $0x38;
	[tilespmem:$0x1C000] =	vst v63  }
0x16a: {  	s30 =	sadd.s32 $0x480, s5;
	[smem:$0x785] =	sst s28  }
0x16b: {  	[tilespmem:s1], [sflag:$0x1] =	stream.linear.gather [hbm4b:s28+s2], $0x980, $0x38;
	[tilespmem:$0x1C000] =	vst v63  }
0x16c: {  	[smem:$0x786] =	sst s30;
	s17 =	sadd.s32 $0x780, s5  }
0x16d: {  	[tilespmem:s31], [sflag:$0x1] =	stream.linear.gather [hbm4b:s30+s2], $0x980, $0x38;
	[tilespmem:$0x1C000] =	vst v63  }
0x16e: {  	s18 =	sadd.s32 $0x900, s5;
	[smem:$0x788] =	sst s17;
	s31 =	sadd.s32 $0x600, s5  }
0x16f: {  	[tilespmem:s29], [sflag:$0x1] =	stream.linear.gather [hbm4b:s31+s2], $0x980, $0x38;
	[tilespmem:$0x1C000] =	vst v63  }
0x170: {  	[smem:$0x789] =	sst s18  }
0x171: {  	[tilespmem:s19], [sflag:$0x1] =	stream.linear.gather [hbm4b:s17+s2], $0x980, $0x38;
	[tilespmem:$0x1C000] =	vst v63  }
0x172: {  	s9 =	simm.s32 $0x1A800;
	[smem:$0x787] =	sst s31  }
0x173: {  	[tilespmem:s9], [sflag:$0x1] =	stream.linear.gather [hbm4b:s18+s2], $0x980, $0x38;
	[tilespmem:$0x1C000] =	vst v63  }
0x174: {  	s29 =	rddreg [dreg:$0x10];
	s31 =	simm.s32 $0x1B400;
	s19 =	sadd.s32 $0xA80, s5  }
0x175: {  	[tilespmem:s31], [sflag:$0x1] =	stream.linear.gather [hbm4b:s19+s2], $0x980, $0x38;
	[tilespmem:$0x1C000] =	vst v63  }
0x176: {  	[smem:$0x78A] =	sst s19  }
0x177: {  	[hbm4b:s29+s13] =	stream.strided.scatter [tilespmem:s2], [sflag:$0x3], $0xA000, s10, s13, $0x38;
	[tilespmem:$0x1C000] =	vst v63  }
0x178: {  	_ =	swait.ge [sflag:s12], $0x4C00  }
0x179: {  	[sflag:s12] =	ssyncset.done $0x0  }
0x17a: {  	s0 =	rddreg [dreg:$0x11];
	[sflag:s12] =	ssyncadd.s32 $0xFFFFB400  }
0x17b: {  	[hbm4b:s0+s16] =	stream.strided.scatter [tilespmem:s24], [sflag:$0x2], $0x6000, s10, s16, $0x38;
	[tilespmem:$0x1C000] =	vst v63  }
0x17c: {  	_ =	swait.ge [sflag:s6], $0x6000  }
0x17d: {  	s5 =	sld [smem:$0x7E8]  }
0x17e: {  	[sflag:s6] =	ssyncset.done $0x0  }
0x17f: {  	[sflag:s6] =	ssyncadd.s32 $0xFFFFA000  }
0x180: {  	[tilespmem:s24], [sflag:$0x1] =	stream.linear.gather [hbm4b:s5+s2], $0x980, $0x38;
	[tilespmem:$0x1C000] =	vst v63  }
0x181: {  	s17 =	simm.s32 $0xAC00;
	s9 =	sadd.s32 $0x180, s5  }
0x182: {  	[tilespmem:s17], [sflag:$0x1] =	stream.linear.gather [hbm4b:s9+s2], $0x980, $0x38;
	[tilespmem:$0x1C000] =	vst v63  }
0x183: {  	s19 =	simm.s32 $0xB800;
	s18 =	sadd.s32 $0x300, s5;
	[smem:$0x78B] =	sst s9  }
0x184: {  	[tilespmem:s19], [sflag:$0x1] =	stream.linear.gather [hbm4b:s18+s2], $0x980, $0x38;
	[tilespmem:$0x1C000] =	vst v63  }
0x185: {  	s22 =	simm.s32 $0xC400;
	s29 =	sadd.s32 $0x480, s5;
	[smem:$0x78C] =	sst s18  }
0x186: {  	[tilespmem:s22], [sflag:$0x1] =	stream.linear.gather [hbm4b:s29+s2], $0x980, $0x38;
	[tilespmem:$0x1C000] =	vst v63  }
0x187: {  	s20 =	simm.s32 $0xD000;
	[smem:$0x78D] =	sst s29;
	s18 =	sadd.s32 $0x600, s5  }
0x188: {  	[tilespmem:s20], [sflag:$0x1] =	stream.linear.gather [hbm4b:s18+s2], $0x980, $0x38;
	[tilespmem:$0x1C000] =	vst v63  }
0x189: {  	s23 =	simm.s32 $0xDC00;
	[smem:$0x78E] =	sst s18;
	s22 =	sadd.s32 $0x780, s5  }
0x18a: {  	[tilespmem:s23], [sflag:$0x1] =	stream.linear.gather [hbm4b:s22+s2], $0x980, $0x38;
	[tilespmem:$0x1C000] =	vst v63  }
0x18b: {  	[smem:$0x78F] =	sst s22;
	s23 =	sadd.s32 $0x900, s5  }
0x18c: {  	s29 =	simm.s32 $0xE800;
	s22 =	sadd.s32 $0xA80, s5;
	[smem:$0x790] =	sst s23  }
0x18d: {  	[tilespmem:s29], [sflag:$0x1] =	stream.linear.gather [hbm4b:s23+s2], $0x980, $0x38;
	[tilespmem:$0x1C000] =	vst v63  }
0x18e: {  	s4 =	simm.s32 $0xF400;
	[smem:$0x791] =	sst s22  }
0x18f: {  	[tilespmem:s4], [sflag:$0x1] =	stream.linear.gather [hbm4b:s22+s2], $0x980, $0x38;
	[tilespmem:$0x1C000] =	vst v63  }
0x190: {  	s29 =	rddreg [dreg:$0x12]  }
0x191: {  	[hbm4b:s29+s13] =	stream.strided.scatter [tilespmem:s2], [sflag:$0x3], $0xA000, s10, s13, $0x38;
	[tilespmem:$0x1C000] =	vst v63  }
0x192: {  	_ =	swait.ge [sflag:s12], $0x4C00  }
0x193: {  	[sflag:s12] =	ssyncset.done $0x0  }
0x194: {  	s0 =	rddreg [dreg:$0x13];
	[sflag:s12] =	ssyncadd.s32 $0xFFFFB400  }
0x195: {  	[hbm4b:s0+s16] =	stream.strided.scatter [tilespmem:s8], [sflag:$0x2], $0x6000, s10, s16, $0x38;
	[tilespmem:$0x1C000] =	vst v63  }
0x196: {  	_ =	swait.ge [sflag:s6], $0x6000  }
0x197: {  	s5 =	sld [smem:$0x7EC]  }
0x198: {  	[sflag:s6] =	ssyncset.done $0x0  }
0x199: {  	[sflag:s6] =	ssyncadd.s32 $0xFFFFA000  }
0x19a: {  	[tilespmem:s8], [sflag:$0x1] =	stream.linear.gather [hbm4b:s5+s2], $0x980, $0x38;
	[tilespmem:$0x1C000] =	vst v63  }
0x19b: {  	s29 =	simm.s32 $0x10C00;
	s22 =	sadd.s32 $0x180, s5  }
0x19c: {  	[tilespmem:s29], [sflag:$0x1] =	stream.linear.gather [hbm4b:s22+s2], $0x980, $0x38;
	[tilespmem:$0x1C000] =	vst v63  }
0x19d: {  	[smem:$0x792] =	sst s22;
	s22 =	sadd.s32 $0x300, s5;
	s29 =	simm.s32 $0x11800  }
0x19e: {  	[tilespmem:s29], [sflag:$0x1] =	stream.linear.gather [hbm4b:s22+s2], $0x980, $0x38;
	[tilespmem:$0x1C000] =	vst v63  }
0x19f: {  	[smem:$0x793] =	sst s22;
	s22 =	sadd.s32 $0x480, s5;
	s29 =	simm.s32 $0x12400  }
0x1a0: {  	[tilespmem:s29], [sflag:$0x1] =	stream.linear.gather [hbm4b:s22+s2], $0x980, $0x38;
	[tilespmem:$0x1C000] =	vst v63  }
0x1a1: {  	s25 =	simm.s32 $0x13000;
	[smem:$0x794] =	sst s22;
	s22 =	sadd.s32 $0x600, s5  }
0x1a2: {  	[tilespmem:s25], [sflag:$0x1] =	stream.linear.gather [hbm4b:s22+s2], $0x980, $0x38;
	[tilespmem:$0x1C000] =	vst v63  }
0x1a3: {  	s7 =	simm.s32 $0x13C00;
	[smem:$0x795] =	sst s22;
	s25 =	sadd.s32 $0x780, s5  }
0x1a4: {  	[tilespmem:s7], [sflag:$0x1] =	stream.linear.gather [hbm4b:s25+s2], $0x980, $0x38;
	[tilespmem:$0x1C000] =	vst v63  }
0x1a5: {  	[smem:$0x796] =	sst s25;
	s7 =	sadd.s32 $0x900, s5  }
0x1a6: {  	s22 =	simm.s32 $0x14800;
	[smem:$0x797] =	sst s7  }
0x1a7: {  	[tilespmem:s22], [sflag:$0x1] =	stream.linear.gather [hbm4b:s7+s2], $0x980, $0x38;
	[tilespmem:$0x1C000] =	vst v63  }
0x1a8: {  	s26 =	simm.s32 $0x15400;
	s7 =	sadd.s32 $0xA80, s5;
	s22 =	rddreg [dreg:$0x14]  }
0x1a9: {  	[tilespmem:s26], [sflag:$0x1] =	stream.linear.gather [hbm4b:s7+s2], $0x980, $0x38;
	[tilespmem:$0x1C000] =	vst v63  }
0x1aa: {  	[smem:$0x798] =	sst s7  }
0x1ab: {  	[hbm4b:s22+s13] =	stream.strided.scatter [tilespmem:s2], [sflag:$0x3], $0xA000, s10, s13, $0x38;
	[tilespmem:$0x1C000] =	vst v63  }
0x1ac: {  	_ =	swait.ge [sflag:s12], $0x4C00  }
0x1ad: {  	[sflag:s12] =	ssyncset.done $0x0  }
0x1ae: {  	s7 =	rddreg [dreg:$0x15];
	[sflag:s12] =	ssyncadd.s32 $0xFFFFB400  }
0x1af: {  	[hbm4b:s7+s16] =	stream.strided.scatter [tilespmem:s11], [sflag:$0x2], $0x6000, s10, s16, $0x38;
	[tilespmem:$0x1C000] =	vst v63  }
0x1b0: {  	_ =	swait.ge [sflag:s6], $0x6000  }
0x1b1: {  	s5 =	sld [smem:$0x7EE]  }
0x1b2: {  	[sflag:s6] =	ssyncset.done $0x0  }
0x1b3: {  	[sflag:s6] =	ssyncadd.s32 $0xFFFFA000  }
0x1b4: {  	[tilespmem:s11], [sflag:$0x1] =	stream.linear.gather [hbm4b:s5+s2], $0x980, $0x38;
	[tilespmem:$0x1C000] =	vst v63  }
0x1b5: {  	s15 =	simm.s32 $0x16C00;
	s22 =	sadd.s32 $0x180, s5  }
0x1b6: {  	[tilespmem:s15], [sflag:$0x1] =	stream.linear.gather [hbm4b:s22+s2], $0x980, $0x38;
	[tilespmem:$0x1C000] =	vst v63  }
0x1b7: {  	s14 =	simm.s32 $0x17800;
	s7 =	sadd.s32 $0x300, s5;
	[smem:$0x799] =	sst s22  }
0x1b8: {  	[tilespmem:s14], [sflag:$0x1] =	stream.linear.gather [hbm4b:s7+s2], $0x980, $0x38;
	[tilespmem:$0x1C000] =	vst v63  }
0x1b9: {  	[smem:$0x79A] =	sst s7;
	s14 =	sadd.s32 $0x480, s5  }
0x1ba: {  	s1 =	simm.s32 $0x18400;
	s7 =	sadd.s32 $0x780, s5;
	[smem:$0x79B] =	sst s14  }
0x1bb: {  	[tilespmem:s1], [sflag:$0x1] =	stream.linear.gather [hbm4b:s14+s2], $0x980, $0x38;
	[tilespmem:$0x1C000] =	vst v63  }
0x1bc: {  	s30 =	simm.s32 $0x19000;
	[smem:$0x79D] =	sst s7;
	s1 =	sadd.s32 $0x600, s5  }
0x1bd: {  	[tilespmem:s30], [sflag:$0x1] =	stream.linear.gather [hbm4b:s1+s2], $0x980, $0x38;
	[tilespmem:$0x1C000] =	vst v63  }
0x1be: {  	s28 =	simm.s32 $0x19C00;
	[smem:$0x79C] =	sst s1;
	s1 =	sadd.s32 $0x900, s5  }
0x1bf: {  	[tilespmem:s28], [sflag:$0x1] =	stream.linear.gather [hbm4b:s7+s2], $0x980, $0x38;
	[tilespmem:$0x1C000] =	vst v63  }
0x1c0: {  	s5 =	sadd.s32 $0xA80, s5;
	[smem:$0x79E] =	sst s1;
	s28 =	simm.s32 $0x1A800  }
0x1c1: {  	[tilespmem:s28], [sflag:$0x1] =	stream.linear.gather [hbm4b:s1+s2], $0x980, $0x38;
	[tilespmem:$0x1C000] =	vst v63  }
0x1c2: {  	s31 =	simm.s32 $0x1B400;
	[smem:$0x79F] =	sst s5  }
0x1c3: {  	[tilespmem:s31], [sflag:$0x1] =	stream.linear.gather [hbm4b:s5+s2], $0x980, $0x38;
	[tilespmem:$0x1C000] =	vst v63  }
0x1c4: {  	s28 =	rddreg [dreg:$0x16]  }
0x1c5: {  	[hbm4b:s28+s13] =	stream.strided.scatter [tilespmem:s2], [sflag:$0x3], $0xA000, s10, s13, $0x38;
	[tilespmem:$0x1C000] =	vst v63  }
0x1c6: {  	_ =	swait.ge [sflag:s12], $0x4C00  }
0x1c7: {  	[sflag:s12] =	ssyncset.done $0x0  }
0x1c8: {  	s1 =	rddreg [dreg:$0x17];
	[sflag:s12] =	ssyncadd.s32 $0xFFFFB400  }
0x1c9: {  	[hbm4b:s1+s16] =	stream.strided.scatter [tilespmem:s24], [sflag:$0x2], $0x6000, s10, s16, $0x38;
	[tilespmem:$0x1C000] =	vst v63  }
0x1ca: {  	_ =	swait.ge [sflag:s6], $0x6000  }
0x1cb: {  	s5 =	sld [smem:$0x7F2]  }
0x1cc: {  	[sflag:s6] =	ssyncset.done $0x0  }
0x1cd: {  	[sflag:s6] =	ssyncadd.s32 $0xFFFFA000  }
0x1ce: {  	[tilespmem:s24], [sflag:$0x1] =	stream.linear.gather [hbm4b:s5+s2], $0x980, $0x38;
	[tilespmem:$0x1C000] =	vst v63  }
0x1cf: {  	s17 =	simm.s32 $0xAC00;
	s28 =	sadd.s32 $0x180, s5  }
0x1d0: {  	[tilespmem:s17], [sflag:$0x1] =	stream.linear.gather [hbm4b:s28+s2], $0x980, $0x38;
	[tilespmem:$0x1C000] =	vst v63  }
0x1d1: {  	s9 =	simm.s32 $0xB800;
	s1 =	sadd.s32 $0x300, s5;
	[smem:$0x7A0] =	sst s28  }
0x1d2: {  	[tilespmem:s9], [sflag:$0x1] =	stream.linear.gather [hbm4b:s1+s2], $0x980, $0x38;
	[tilespmem:$0x1C000] =	vst v63  }
0x1d3: {  	[smem:$0x7A1] =	sst s1;
	s9 =	sadd.s32 $0x480, s5  }
0x1d4: {  	s19 =	simm.s32 $0xC400;
	s1 =	sadd.s32 $0x600, s5;
	[smem:$0x7A2] =	sst s9  }
0x1d5: {  	[tilespmem:s19], [sflag:$0x1] =	stream.linear.gather [hbm4b:s9+s2], $0x980, $0x38;
	[tilespmem:$0x1C000] =	vst v63  }
0x1d6: {  	s18 =	simm.s32 $0xD000;
	[smem:$0x7A3] =	sst s1  }
0x1d7: {  	[tilespmem:s18], [sflag:$0x1] =	stream.linear.gather [hbm4b:s1+s2], $0x980, $0x38;
	[tilespmem:$0x1C000] =	vst v63  }
0x1d8: {  	s20 =	simm.s32 $0xDC00;
	s18 =	sadd.s32 $0x780, s5;
	s1 =	rddreg [dreg:$0x18]  }
0x1d9: {  	[tilespmem:s20], [sflag:$0x1] =	stream.linear.gather [hbm4b:s18+s2], $0x980, $0x38;
	[tilespmem:$0x1C000] =	vst v63  }
0x1da: {  	s23 =	simm.s32 $0xE800;
	[smem:$0x7A4] =	sst s18;
	s20 =	sadd.s32 $0x900, s5  }
0x1db: {  	[tilespmem:s23], [sflag:$0x1] =	stream.linear.gather [hbm4b:s20+s2], $0x980, $0x38;
	[tilespmem:$0x1C000] =	vst v63  }
0x1dc: {  	s4 =	simm.s32 $0xF400;
	[smem:$0x7A5] =	sst s20;
	s23 =	sadd.s32 $0xA80, s5  }
0x1dd: {  	[tilespmem:s4], [sflag:$0x1] =	stream.linear.gather [hbm4b:s23+s2], $0x980, $0x38;
	[tilespmem:$0x1C000] =	vst v63  }
0x1de: {  	[smem:$0x7A6] =	sst s23  }
0x1df: {  	[hbm4b:s1+s13] =	stream.strided.scatter [tilespmem:s2], [sflag:$0x3], $0xA000, s10, s13, $0x38;
	[tilespmem:$0x1C000] =	vst v63  }
0x1e0: {  	_ =	swait.ge [sflag:s12], $0x4C00  }
0x1e1: {  	[sflag:s12] =	ssyncset.done $0x0  }
0x1e2: {  	s1 =	rddreg [dreg:$0x19];
	[sflag:s12] =	ssyncadd.s32 $0xFFFFB400  }
0x1e3: {  	[hbm4b:s1+s16] =	stream.strided.scatter [tilespmem:s8], [sflag:$0x2], $0x6000, s10, s16, $0x38;
	[tilespmem:$0x1C000] =	vst v63  }
0x1e4: {  	_ =	swait.ge [sflag:s6], $0x6000  }
0x1e5: {  	s5 =	sld [smem:$0x7F4]  }
0x1e6: {  	[sflag:s6] =	ssyncset.done $0x0  }
0x1e7: {  	[sflag:s6] =	ssyncadd.s32 $0xFFFFA000  }
0x1e8: {  	[tilespmem:s8], [sflag:$0x1] =	stream.linear.gather [hbm4b:s5+s2], $0x980, $0x38;
	[tilespmem:$0x1C000] =	vst v63  }
0x1e9: {  	s4 =	sadd.s32 $0x180, s5;
	s8 =	simm.s32 $0x10C00  }
0x1ea: {  	[tilespmem:s8], [sflag:$0x1] =	stream.linear.gather [hbm4b:s4+s2], $0x980, $0x38;
	[tilespmem:$0x1C000] =	vst v63  }
0x1eb: {  	[smem:$0x7A7] =	sst s4;
	s4 =	sadd.s32 $0x300, s5;
	s8 =	simm.s32 $0x11800  }
0x1ec: {  	[tilespmem:s8], [sflag:$0x1] =	stream.linear.gather [hbm4b:s4+s2], $0x980, $0x38;
	[tilespmem:$0x1C000] =	vst v63  }
0x1ed: {  	[smem:$0x7A8] =	sst s4;
	s4 =	sadd.s32 $0x480, s5;
	s8 =	simm.s32 $0x12400  }
0x1ee: {  	[tilespmem:s8], [sflag:$0x1] =	stream.linear.gather [hbm4b:s4+s2], $0x980, $0x38;
	[tilespmem:$0x1C000] =	vst v63  }
0x1ef: {  	[smem:$0x7A9] =	sst s4;
	s8 =	sadd.s32 $0x600, s5  }
0x1f0: {  	s29 =	simm.s32 $0x13000;
	s4 =	sadd.s32 $0x900, s5;
	[smem:$0x7AA] =	sst s8  }
0x1f1: {  	[tilespmem:s29], [sflag:$0x1] =	stream.linear.gather [hbm4b:s8+s2], $0x980, $0x38;
	[tilespmem:$0x1C000] =	vst v63  }
0x1f2: {  	s25 =	simm.s32 $0x13C00;
	[smem:$0x7AC] =	sst s4;
	s29 =	sadd.s32 $0x780, s5  }
0x1f3: {  	[tilespmem:s25], [sflag:$0x1] =	stream.linear.gather [hbm4b:s29+s2], $0x980, $0x38;
	[tilespmem:$0x1C000] =	vst v63  }
0x1f4: {  	s8 =	simm.s32 $0x14800;
	[smem:$0x7AB] =	sst s29  }
0x1f5: {  	[tilespmem:s8], [sflag:$0x1] =	stream.linear.gather [hbm4b:s4+s2], $0x980, $0x38;
	[tilespmem:$0x1C000] =	vst v63  }
0x1f6: {  	s26 =	simm.s32 $0x15400;
	s25 =	sadd.s32 $0xA80, s5;
	s29 =	rddreg [dreg:$0x1a]  }
0x1f7: {  	[tilespmem:s26], [sflag:$0x1] =	stream.linear.gather [hbm4b:s25+s2], $0x980, $0x38;
	[tilespmem:$0x1C000] =	vst v63  }
0x1f8: {  	[smem:$0x7AD] =	sst s25  }
0x1f9: {  	[hbm4b:s29+s13] =	stream.strided.scatter [tilespmem:s2], [sflag:$0x3], $0xA000, s10, s13, $0x38;
	[tilespmem:$0x1C000] =	vst v63  }
0x1fa: {  	_ =	swait.ge [sflag:s12], $0x4C00  }
0x1fb: {  	[sflag:s12] =	ssyncset.done $0x0  }
0x1fc: {  	s1 =	rddreg [dreg:$0x1b];
	[sflag:s12] =	ssyncadd.s32 $0xFFFFB400  }
0x1fd: {  	[hbm4b:s1+s16] =	stream.strided.scatter [tilespmem:s11], [sflag:$0x2], $0x6000, s10, s16, $0x38;
	[tilespmem:$0x1C000] =	vst v63  }
0x1fe: {  	_ =	swait.ge [sflag:s6], $0x6000  }
0x1ff: {  	s5 =	sld [smem:$0x7F8]  }
0x200: {  	[sflag:s6] =	ssyncset.done $0x0  }
0x201: {  	[sflag:s6] =	ssyncadd.s32 $0xFFFFA000  }
0x202: {  	[tilespmem:s11], [sflag:$0x1] =	stream.linear.gather [hbm4b:s5+s2], $0x980, $0x38;
	[tilespmem:$0x1C000] =	vst v63  }
0x203: {  	s15 =	simm.s32 $0x16C00;
	s4 =	sadd.s32 $0x180, s5  }
0x204: {  	s22 =	simm.s32 $0x17800;
	s8 =	sadd.s32 $0x300, s5;
	[smem:$0x7AE] =	sst s4  }
0x205: {  	[tilespmem:s15], [sflag:$0x1] =	stream.linear.gather [hbm4b:s4+s2], $0x980, $0x38;
	[tilespmem:$0x1C000] =	vst v63  }
0x206: {  	s14 =	simm.s32 $0x18400;
	s25 =	sadd.s32 $0x780, s5;
	[smem:$0x7AF] =	sst s8  }
0x207: {  	[tilespmem:s22], [sflag:$0x1] =	stream.linear.gather [hbm4b:s8+s2], $0x980, $0x38;
	[tilespmem:$0x1C000] =	vst v63  }
0x208: {  	s26 =	sadd.s32 $0x900, s5;
	[smem:$0x7B2] =	sst s25;
	s15 =	sadd.s32 $0x480, s5  }
0x209: {  	[tilespmem:s14], [sflag:$0x1] =	stream.linear.gather [hbm4b:s15+s2], $0x980, $0x38;
	[tilespmem:$0x1C000] =	vst v63  }
0x20a: {  	s30 =	simm.s32 $0x19000;
	[smem:$0x7B3] =	sst s26;
	s22 =	sadd.s32 $0x600, s5  }
0x20b: {  	[tilespmem:s30], [sflag:$0x1] =	stream.linear.gather [hbm4b:s22+s2], $0x980, $0x38;
	[tilespmem:$0x1C000] =	vst v63  }
0x20c: {  	s7 =	simm.s32 $0x19C00;
	s4 =	rddreg [dreg:$0x1c]  }
0x20d: {  	[tilespmem:s7], [sflag:$0x1] =	stream.linear.gather [hbm4b:s25+s2], $0x980, $0x38;
	[tilespmem:$0x1C000] =	vst v63  }
0x20e: {  	s29 =	simm.s32 $0x1A800;
	[smem:$0x7B0] =	sst s15  }
0x20f: {  	[tilespmem:s29], [sflag:$0x1] =	stream.linear.gather [hbm4b:s26+s2], $0x980, $0x38;
	[tilespmem:$0x1C000] =	vst v63  }
0x210: {  	s31 =	simm.s32 $0x1B400;
	[smem:$0x7B1] =	sst s22;
	s30 =	sadd.s32 $0xA80, s5  }
0x211: {  	[tilespmem:s31], [sflag:$0x1] =	stream.linear.gather [hbm4b:s30+s2], $0x980, $0x38;
	[tilespmem:$0x1C000] =	vst v63  }
0x212: {  	[smem:$0x7B4] =	sst s30  }
0x213: {  	[hbm4b:s4+s13] =	stream.strided.scatter [tilespmem:s2], [sflag:$0x3], $0xA000, s10, s13, $0x38;
	[tilespmem:$0x1C000] =	vst v63  }
0x214: {  	_ =	swait.ge [sflag:s12], $0x4C00  }
0x215: {  	[sflag:s12] =	ssyncset.done $0x0  }
0x216: {  	s7 =	rddreg [dreg:$0x1d];
	[sflag:s12] =	ssyncadd.s32 $0xFFFFB400  }
0x217: {  	[hbm4b:s7+s16] =	stream.strided.scatter [tilespmem:s24], [sflag:$0x2], $0x6000, s10, s16, $0x38;
	[tilespmem:$0x1C000] =	vst v63  }
0x218: {  	_ =	swait.ge [sflag:s6], $0x6000  }
0x219: {  	[sflag:s6] =	ssyncset.done $0x0  }
0x21a: {  	s8 =	sadd.s32 $0x180, s21;
	[sflag:s6] =	ssyncadd.s32 $0xFFFFA000  }
0x21b: {  	[tilespmem:s24], [sflag:$0x1] =	stream.linear.gather [hbm4b:s21+s2], $0x980, $0x38;
	[tilespmem:$0x1C000] =	vst v63  }
0x21c: {  	s28 =	simm.s32 $0xAC00;
	s13 =	sadd.s32 $0x300, s21;
	[smem:$0x7B5] =	sst s8  }
0x21d: {  	[tilespmem:s28], [sflag:$0x1] =	stream.linear.gather [hbm4b:s8+s2], $0x980, $0x38;
	[tilespmem:$0x1C000] =	vst v63  }
0x21e: {  	s17 =	simm.s32 $0xB800;
	s14 =	sadd.s32 $0x480, s21;
	[smem:$0x7B6] =	sst s13  }
0x21f: {  	[tilespmem:s17], [sflag:$0x1] =	stream.linear.gather [hbm4b:s13+s2], $0x980, $0x38;
	[tilespmem:$0x1C000] =	vst v63  }
0x220: {  	s9 =	simm.s32 $0xC400;
	s15 =	sadd.s32 $0x600, s21;
	[smem:$0x7B7] =	sst s14  }
0x221: {  	[tilespmem:s9], [sflag:$0x1] =	stream.linear.gather [hbm4b:s14+s2], $0x980, $0x38;
	[tilespmem:$0x1C000] =	vst v63  }
0x222: {  	s19 =	simm.s32 $0xD000;
	s18 =	simm.s32 $0xDC00;
	[smem:$0x7B8] =	sst s15  }
0x223: {  	[tilespmem:s19], [sflag:$0x1] =	stream.linear.gather [hbm4b:s15+s2], $0x980, $0x38;
	[tilespmem:$0x1C000] =	vst v63  }
0x224: {  	s20 =	simm.s32 $0xE800;
	s22 =	rddreg [dreg:$0x1e];
	s17 =	sadd.s32 $0x780, s21  }
0x225: {  	[tilespmem:s18], [sflag:$0x1] =	stream.linear.gather [hbm4b:s17+s2], $0x980, $0x38;
	[tilespmem:$0x1C000] =	vst v63  }
0x226: {  	[smem:$0x7B9] =	sst s17;
	s19 =	sadd.s32 $0xA80, s21;
	s18 =	sadd.s32 $0x900, s21  }
0x227: {  	[tilespmem:s20], [sflag:$0x1] =	stream.linear.gather [hbm4b:s18+s2], $0x980, $0x38;
	[tilespmem:$0x1C000] =	vst v63  }
0x228: {  	s23 =	simm.s32 $0xF400;
	[smem:$0x7BB] =	sst s19  }
0x229: {  	[tilespmem:s23], [sflag:$0x1] =	stream.linear.gather [hbm4b:s19+s2], $0x980, $0x38;
	[tilespmem:$0x1C000] =	vst v63  }
0x22a: {  	s16 =	simm.s32 $0x1400;
	[smem:$0x7BA] =	sst s18  }
0x22b: {  	[hbm4b:s22+s16] =	stream.strided.scatter [tilespmem:s2], [sflag:$0x3], $0xA000, s10, s16, $0x38;
	[tilespmem:$0x1C000] =	vst v63  }
0x22c: {  	_ =	swait.ge [sflag:s12], $0x4C00  }
0x22d: {  	s0 =	simm.s32 $0x10000;
	s25 =	rddreg [dreg:$0x1f];
	[sflag:s12] =	ssyncset.done $0x0  }
0x22e: {  	s24 =	simm.s32 $0xC00;
	s26 =	sld [smem:$0x7BE];
	[sflag:s12] =	ssyncadd.s32 $0xFFFFB400  }
0x22f: {  	[hbm4b:s25+s24] =	stream.strided.scatter [tilespmem:s0], [sflag:$0x2], $0x6000, s10, s24, $0x38;
	[tilespmem:$0x1C000] =	vst v63  }
0x230: {  	_ = 	snop  }
0x231: {  	[hbm4b:s26+s16] =	stream.strided.scatter [tilespmem:s2], [sflag:$0x3], $0xA000, s10, s16, $0x38;
	[tilespmem:$0x1C000] =	vst v63  }
0x232: {  	_ =	swait.ge [sflag:s12], $0x4C00  }
0x233: {  	s28 =	sld [smem:$0x7BF]  }
0x234: {  	[sflag:s12] =	ssyncset.done $0x0  }
0x235: {  	s29 =	sld [smem:$0x7C0];
	[sflag:s12] =	ssyncadd.s32 $0xFFFFB400  }
0x236: {  	[hbm4b:s28+s24] =	stream.strided.scatter [tilespmem:s11], [sflag:$0x2], $0x6000, s10, s24, $0x38;
	[tilespmem:$0x1C000] =	vst v63  }
0x237: {  	_ = 	snop  }
0x238: {  	[hbm4b:s29+s16] =	stream.strided.scatter [tilespmem:s2], [sflag:$0x3], $0xA000, s10, s16, $0x38;
	[tilespmem:$0x1C000] =	vst v63  }
0x239: {  	_ =	swait.ge [sflag:s12], $0x4C00  }
0x23a: {  	s30 =	sld [smem:$0x7C1]  }
0x23b: {  	[sflag:s12] =	ssyncset.done $0x0  }
0x23c: {  	s20 =	simm.s32 $0xA000;
	[sflag:s12] =	ssyncadd.s32 $0xFFFFB400  }
0x23d: {  	[hbm4b:s30+s24] =	stream.strided.scatter [tilespmem:s20], [sflag:$0x2], $0x6000, s10, s24, $0x38;
	[tilespmem:$0x1C000] =	vst v63  }
0x23e: {  	_ =	swait.ge [sflag:s6], $0x6000  }
0x23f: {  	[sflag:s6] =	ssyncset.done $0x0  }
0x240: {  	[sflag:s6] =	ssyncadd.s32 $0xFFFFA000  }
0x241: {  	_ =	swait.ge [sflag:s6], $0x6000  }
0x242: {  	[sflag:s6] =	ssyncset.done $0x0  }
0x243: {  	[sflag:s6] =	ssyncadd.s32 $0xFFFFA000  }
0x244: {  	_ =	swait.ge [sflag:s6], $0x6000  }
0x245: {  	[sflag:s6] =	ssyncset.done $0x0  }
0x246: {  	[sflag:s6] =	ssyncadd.s32 $0xFFFFA000  }
0x247: {  	_ =	swait.ge [sflag:s3], $0xA000  }
0x248: {  	[sflag:s3] =	ssyncset.done $0x0  }
0x249: {  	[sflag:s3] =	ssyncadd.s32 $0xFFFF6000  }
0x24a: {  	_ =	swait.ge [sflag:s3], $0xA000  }
0x24b: {  	[sflag:s3] =	ssyncset.done $0x0  }
0x24c: {  	[sflag:s3] =	ssyncadd.s32 $0xFFFF6000  }
0x24d: {  	_ =	swait.ge [sflag:s3], $0xA000  }
0x24e: {  	[sflag:s3] =	ssyncset.done $0x0  }
0x24f: {  	[sflag:s3] =	ssyncadd.s32 $0xFFFF6000  }
0x250: {  	_ =	swait.ge [sflag:s3], $0xA000  }
0x251: {  	[sflag:s3] =	ssyncset.done $0x0  }
0x252: {  	[sflag:s3] =	ssyncadd.s32 $0xFFFF6000  }
0x253: {  	_ =	swait.ge [sflag:s3], $0xA000  }
0x254: {  	[sflag:s3] =	ssyncset.done $0x0  }
0x255: {  	[sflag:s3] =	ssyncadd.s32 $0xFFFF6000  }
0x256: {  	_ =	swait.ge [sflag:s3], $0xA000  }
0x257: {  	[sflag:s3] =	ssyncset.done $0x0  }
0x258: {  	[sflag:s3] =	ssyncadd.s32 $0xFFFF6000  }
0x259: {  	_ =	swait.ge [sflag:s3], $0xA000  }
0x25a: {  	[sflag:s3] =	ssyncset.done $0x0  }
0x25b: {  	[sflag:s3] =	ssyncadd.s32 $0xFFFF6000  }
0x25c: {  	_ =	swait.ge [sflag:s3], $0xA000  }
0x25d: {  	[sflag:s3] =	ssyncset.done $0x0  }
0x25e: {  	[sflag:s3] =	ssyncadd.s32 $0xFFFF6000  }
0x25f: {  	_ =	swait.ge [sflag:s3], $0xA000  }
0x260: {  	[sflag:s3] =	ssyncset.done $0x0  }
0x261: {  	[sflag:s3] =	ssyncadd.s32 $0xFFFF6000  }
0x262: {  	_ =	swait.ge [sflag:s3], $0xA000  }
0x263: {  	[sflag:s3] =	ssyncset.done $0x0  }
0x264: {  	[sflag:s3] =	ssyncadd.s32 $0xFFFF6000  }
0x265: {  	_ =	swait.ge [sflag:s3], $0xA000  }
0x266: {  	[sflag:s3] =	ssyncset.done $0x0  }
0x267: {  	[sflag:s3] =	ssyncadd.s32 $0xFFFF6000  }
0x268: {  	_ =	swait.ge [sflag:s3], $0xA000  }
0x269: {  	[sflag:s3] =	ssyncset.done $0x0  }
0x26a: {  	[sflag:s3] =	ssyncadd.s32 $0xFFFF6000  }
0x26b: {  	_ =	swait.ge [sflag:s3], $0xA000  }
0x26c: {  	[sflag:s3] =	ssyncset.done $0x0  }
0x26d: {  	[sflag:s3] =	ssyncadd.s32 $0xFFFF6000  }
0x26e: {  	_ =	swait.ge [sflag:s3], $0xA000  }
0x26f: {  	[sflag:s3] =	ssyncset.done $0x0  }
0x270: {  	[sflag:s3] =	ssyncadd.s32 $0xFFFF6000  }
0x271: {  	_ =	swait.ge [sflag:s3], $0xA000  }
0x272: {  	s31 =	sld [smem:$0x7BC];
	_ =	sdelay $0x2  }
0x273: {  	p1 =	sne.s32 s31, $0x1  }
.Ltmp1:
0x274: {  	[sflag:s3] =	ssyncset.done $0x0;
	(pc) =	sbr.rel @!p1 .LBB2_3-.Ltmp1, $4  }
0x275: {  	[sflag:s3] =	ssyncadd.s32 $0xFFFF6000  }
0x276: {  	_ =	swait.ge [sflag:s3], $0xA000  }
0x277: {  	p0 =	por $0x1, $0x1;
	s4 =	simm.s32 $0x16000;
	s9 =	rddreg [dreg:$0x3]  }
0x278: {  	s1 =	sadd.s32 $0xFFFFFFFF, s31;
	[sflag:s3] =	ssyncset.done $0x0;
	[smem:$0x7BD] =	sst s21  }
.LBB2_4:
0x279: {  	s21 =	sld [smem:$0x7DD]  }
0x27a: {  	s14 =	sld [smem:$0x7DE]  }
0x27b: {  	s16 =	sld [smem:$0x75B]  }
0x27c: {  	s15 =	sld [smem:$0x7DF]  }
0x27d: {  	s8 =	sld [smem:$0x75C]  }
0x27e: {  	s17 =	sld [smem:$0x7E1]  }
0x27f: {  	p1 =	sne.s32 s1, $0x1;
	s18 =	sld [smem:$0x7E3]  }
0x280: {  	s13 =	sadd.s32 $0xFFFFFFFF, s1;
	[sflag:s3] =	ssyncadd.s32 $0xFFFF6000;
	s1 =	sld [smem:$0x75A]  }
0x281: {  	[tilespmem:s2], [sflag:$0x4] =	stream.linear.gather [hbm4b:s9+s2], $0xA000, $0x38;
	[tilespmem:$0x1C000] =	vst v63  }
0x282: {  	s19 =	sld [smem:$0x7E4]  }
0x283: {  	[tilespmem:s21], [sflag:$0x4] =	stream.linear.gather [hbm4b:s16+s2], $0x280, $0x38;
	[tilespmem:$0x1C000] =	vst v63  }
0x284: {  	s11 =	sld [smem:$0x75F]  }
0x285: {  	[tilespmem:s14], [sflag:$0x4] =	stream.linear.gather [hbm4b:s8+s2], $0x280, $0x38;
	[tilespmem:$0x1C000] =	vst v63  }
0x286: {  	s14 =	sld [smem:$0x75D]  }
0x287: {  	s22 =	sld [smem:$0x7E5]  }
0x288: {  	s7 =	sld [smem:$0x759]  }
0x289: {  	[tilespmem:s15], [sflag:$0x4] =	stream.linear.gather [hbm4b:s14+s2], $0x280, $0x38;
	[tilespmem:$0x1C000] =	vst v63  }
0x28a: {  	s23 =	sld [smem:$0x7E7]  }
0x28b: {  	[tilespmem:s17], [sflag:$0x4] =	stream.linear.gather [hbm4b:s1+s2], $0x280, $0x38;
	[tilespmem:$0x1C000] =	vst v63  }
0x28c: {  	[smem:$0x758] =	sst s13  }
0x28d: {  	[tilespmem:s18], [sflag:$0x4] =	stream.linear.gather [hbm4b:s11+s2], $0x280, $0x38;
	[tilespmem:$0x1C000] =	vst v63  }
0x28e: {  	s13 =	sld [smem:$0x75E]  }
0x28f: {  	[tilespmem:s19], [sflag:$0x4] =	stream.linear.gather [hbm4b:s7+s2], $0x280, $0x38;
	[tilespmem:$0x1C000] =	vst v63  }
0x290: {  	s15 =	sld [smem:$0x760]  }
0x291: {  	[tilespmem:s22], [sflag:$0x4] =	stream.linear.gather [hbm4b:s13+s2], $0x280, $0x38;
	[tilespmem:$0x1C000] =	vst v63  }
0x292: {  	s24 =	sld [smem:$0x7E9]  }
0x293: {  	[tilespmem:s23], [sflag:$0x4] =	stream.linear.gather [hbm4b:s15+s2], $0x280, $0x38;
	[tilespmem:$0x1C000] =	vst v63  }
0x294: {  	s25 =	sld [smem:$0x7EA]  }
0x295: {  	[tilespmem:s24], [sflag:$0x4] =	stream.linear.gather [hbm4b:s16+s2], $0x280, $0x38;
	[tilespmem:$0x1C000] =	vst v63  }
0x296: {  	s26 =	sld [smem:$0x7EB]  }
0x297: {  	[tilespmem:s25], [sflag:$0x4] =	stream.linear.gather [hbm4b:s8+s2], $0x280, $0x38;
	[tilespmem:$0x1C000] =	vst v63  }
0x298: {  	s28 =	sld [smem:$0x7ED]  }
0x299: {  	[tilespmem:s26], [sflag:$0x4] =	stream.linear.gather [hbm4b:s14+s2], $0x280, $0x38;
	[tilespmem:$0x1C000] =	vst v63  }
0x29a: {  	s29 =	sld [smem:$0x7EF]  }
0x29b: {  	[tilespmem:s28], [sflag:$0x4] =	stream.linear.gather [hbm4b:s1+s2], $0x280, $0x38;
	[tilespmem:$0x1C000] =	vst v63  }
0x29c: {  	s30 =	sld [smem:$0x7F0]  }
0x29d: {  	[tilespmem:s29], [sflag:$0x4] =	stream.linear.gather [hbm4b:s11+s2], $0x280, $0x38;
	[tilespmem:$0x1C000] =	vst v63  }
0x29e: {  	s31 =	sld [smem:$0x7F1]  }
0x29f: {  	[tilespmem:s30], [sflag:$0x4] =	stream.linear.gather [hbm4b:s7+s2], $0x280, $0x38;
	[tilespmem:$0x1C000] =	vst v63  }
0x2a0: {  	s5 =	sld [smem:$0x7F3]  }
0x2a1: {  	[tilespmem:s31], [sflag:$0x4] =	stream.linear.gather [hbm4b:s13+s2], $0x280, $0x38;
	[tilespmem:$0x1C000] =	vst v63  }
0x2a2: {  	s17 =	sld [smem:$0x7F5]  }
0x2a3: {  	[tilespmem:s5], [sflag:$0x4] =	stream.linear.gather [hbm4b:s15+s2], $0x280, $0x38;
	[tilespmem:$0x1C000] =	vst v63  }
0x2a4: {  	s18 =	sld [smem:$0x7F6]  }
0x2a5: {  	[tilespmem:s17], [sflag:$0x4] =	stream.linear.gather [hbm4b:s16+s2], $0x280, $0x38;
	[tilespmem:$0x1C000] =	vst v63  }
0x2a6: {  	s19 =	sld [smem:$0x7F7]  }
0x2a7: {  	[tilespmem:s18], [sflag:$0x4] =	stream.linear.gather [hbm4b:s8+s2], $0x280, $0x38;
	[tilespmem:$0x1C000] =	vst v63  }
0x2a8: {  	s22 =	sld [smem:$0x7F9]  }
0x2a9: {  	[tilespmem:s19], [sflag:$0x4] =	stream.linear.gather [hbm4b:s14+s2], $0x280, $0x38;
	[tilespmem:$0x1C000] =	vst v63  }
0x2aa: {  	s23 =	sld [smem:$0x7FA]  }
0x2ab: {  	[tilespmem:s22], [sflag:$0x4] =	stream.linear.gather [hbm4b:s1+s2], $0x280, $0x38;
	[tilespmem:$0x1C000] =	vst v63  }
0x2ac: {  	s24 =	sld [smem:$0x7FB]  }
0x2ad: {  	[tilespmem:s23], [sflag:$0x4] =	stream.linear.gather [hbm4b:s11+s2], $0x280, $0x38;
	[tilespmem:$0x1C000] =	vst v63  }
0x2ae: {  	s25 =	sld [smem:$0x7FC]  }
0x2af: {  	[tilespmem:s24], [sflag:$0x4] =	stream.linear.gather [hbm4b:s7+s2], $0x280, $0x38;
	[tilespmem:$0x1C000] =	vst v63  }
0x2b0: {  	s26 =	sld [smem:$0x7FD]  }
0x2b1: {  	[tilespmem:s25], [sflag:$0x4] =	stream.linear.gather [hbm4b:s13+s2], $0x280, $0x38;
	[tilespmem:$0x1C000] =	vst v63  }
0x2b2: {  	s29 =	sld [smem:$0x7C8]  }
0x2b3: {  	[tilespmem:s26], [sflag:$0x4] =	stream.linear.gather [hbm4b:s15+s2], $0x280, $0x38;
	[tilespmem:$0x1C000] =	vst v63  }
0x2b4: {  	s28 =	sld [smem:$0x7C2]  }
0x2b5: {  	[tilespmem:s20], [sflag:$0x1] =	stream.linear.gather [hbm4b:s29+s2], $0x980, $0x38;
	[tilespmem:$0x1C000] =	vst v63  }
0x2b6: {  	s30 =	sld [smem:$0x7C3];
	s31 =	simm.s32 $0xAC00  }
0x2b7: {  	[tilespmem:s31], [sflag:$0x1] =	stream.linear.gather [hbm4b:s28+s2], $0x980, $0x38;
	[tilespmem:$0x1C000] =	vst v63  }
0x2b8: {  	s5 =	sld [smem:$0x7C4];
	s7 =	simm.s32 $0xB800  }
0x2b9: {  	[tilespmem:s7], [sflag:$0x1] =	stream.linear.gather [hbm4b:s30+s2], $0x980, $0x38;
	[tilespmem:$0x1C000] =	vst v63  }
0x2ba: {  	s8 =	sld [smem:$0x7C5];
	s11 =	simm.s32 $0xC400  }
0x2bb: {  	[tilespmem:s11], [sflag:$0x1] =	stream.linear.gather [hbm4b:s5+s2], $0x980, $0x38;
	[tilespmem:$0x1C000] =	vst v63  }
0x2bc: {  	s14 =	simm.s32 $0xD000;
	s13 =	sld [smem:$0x7C6]  }
0x2bd: {  	[tilespmem:s14], [sflag:$0x1] =	stream.linear.gather [hbm4b:s8+s2], $0x980, $0x38;
	[tilespmem:$0x1C000] =	vst v63  }
0x2be: {  	s16 =	simm.s32 $0xDC00;
	s15 =	sld [smem:$0x7C7]  }
0x2bf: {  	[tilespmem:s16], [sflag:$0x1] =	stream.linear.gather [hbm4b:s13+s2], $0x980, $0x38;
	[tilespmem:$0x1C000] =	vst v63  }
0x2c0: {  	s17 =	sld [smem:$0x7C9];
	s18 =	simm.s32 $0xE800  }
0x2c1: {  	[tilespmem:s18], [sflag:$0x1] =	stream.linear.gather [hbm4b:s15+s2], $0x980, $0x38;
	[tilespmem:$0x1C000] =	vst v63  }
0x2c2: {  	s19 =	simm.s32 $0xF400;
	s22 =	sld [smem:$0x7D0]  }
0x2c3: {  	[tilespmem:s19], [sflag:$0x1] =	stream.linear.gather [hbm4b:s17+s2], $0x980, $0x38;
	[tilespmem:$0x1C000] =	vst v63  }
0x2c4: {  	s20 =	sld [smem:$0x7CA]  }
0x2c5: {  	[tilespmem:s0], [sflag:$0x1] =	stream.linear.gather [hbm4b:s22+s2], $0x980, $0x38;
	[tilespmem:$0x1C000] =	vst v63  }
0x2c6: {  	s23 =	sld [smem:$0x7CB];
	s25 =	simm.s32 $0x10C00  }
0x2c7: {  	[tilespmem:s25], [sflag:$0x1] =	stream.linear.gather [hbm4b:s20+s2], $0x980, $0x38;
	[tilespmem:$0x1C000] =	vst v63  }
0x2c8: {  	s26 =	sld [smem:$0x7CC];
	s28 =	simm.s32 $0x11800  }
0x2c9: {  	[tilespmem:s28], [sflag:$0x1] =	stream.linear.gather [hbm4b:s23+s2], $0x980, $0x38;
	[tilespmem:$0x1C000] =	vst v63  }
0x2ca: {  	s29 =	sld [smem:$0x7CD];
	s30 =	simm.s32 $0x12400  }
0x2cb: {  	[tilespmem:s30], [sflag:$0x1] =	stream.linear.gather [hbm4b:s26+s2], $0x980, $0x38;
	[tilespmem:$0x1C000] =	vst v63  }
0x2cc: {  	s1 =	simm.s32 $0x13000;
	s31 =	sld [smem:$0x7CE]  }
0x2cd: {  	[tilespmem:s1], [sflag:$0x1] =	stream.linear.gather [hbm4b:s29+s2], $0x980, $0x38;
	[tilespmem:$0x1C000] =	vst v63  }
0x2ce: {  	s7 =	simm.s32 $0x13C00;
	s5 =	sld [smem:$0x7CF]  }
0x2cf: {  	[tilespmem:s7], [sflag:$0x1] =	stream.linear.gather [hbm4b:s31+s2], $0x980, $0x38;
	[tilespmem:$0x1C000] =	vst v63  }
0x2d0: {  	s11 =	simm.s32 $0x14800;
	s8 =	sld [smem:$0x7D1]  }
0x2d1: {  	[tilespmem:s11], [sflag:$0x1] =	stream.linear.gather [hbm4b:s5+s2], $0x980, $0x38;
	[tilespmem:$0x1C000] =	vst v63  }
0x2d2: {  	s14 =	simm.s32 $0x15400;
	s17 =	sld [smem:$0x7D9]  }
0x2d3: {  	[tilespmem:s14], [sflag:$0x1] =	stream.linear.gather [hbm4b:s8+s2], $0x980, $0x38;
	[tilespmem:$0x1C000] =	vst v63  }
0x2d4: {  	s15 =	sld [smem:$0x7D2]  }
0x2d5: {  	[tilespmem:s4], [sflag:$0x1] =	stream.linear.gather [hbm4b:s17+s2], $0x980, $0x38;
	[tilespmem:$0x1C000] =	vst v63  }
0x2d6: {  	s18 =	sld [smem:$0x7D3];
	s19 =	simm.s32 $0x16C00  }
0x2d7: {  	[tilespmem:s19], [sflag:$0x1] =	stream.linear.gather [hbm4b:s15+s2], $0x980, $0x38;
	[tilespmem:$0x1C000] =	vst v63  }
0x2d8: {  	s22 =	simm.s32 $0x17800;
	s20 =	sld [smem:$0x7D4]  }
0x2d9: {  	[tilespmem:s22], [sflag:$0x1] =	stream.linear.gather [hbm4b:s18+s2], $0x980, $0x38;
	[tilespmem:$0x1C000] =	vst v63  }
0x2da: {  	s25 =	simm.s32 $0x18400;
	s23 =	sld [smem:$0x7D6]  }
0x2db: {  	[tilespmem:s25], [sflag:$0x1] =	stream.linear.gather [hbm4b:s20+s2], $0x980, $0x38;
	[tilespmem:$0x1C000] =	vst v63  }
0x2dc: {  	s28 =	simm.s32 $0x19000;
	s26 =	sld [smem:$0x7D7]  }
0x2dd: {  	[tilespmem:s28], [sflag:$0x1] =	stream.linear.gather [hbm4b:s23+s2], $0x980, $0x38;
	[tilespmem:$0x1C000] =	vst v63  }
0x2de: {  	s30 =	simm.s32 $0x19C00;
	s29 =	sld [smem:$0x7D8]  }
0x2df: {  	[tilespmem:s30], [sflag:$0x1] =	stream.linear.gather [hbm4b:s26+s2], $0x980, $0x38;
	[tilespmem:$0x1C000] =	vst v63  }
0x2e0: {  	s1 =	simm.s32 $0x1A800;
	s31 =	sld [smem:$0x7DB]  }
0x2e1: {  	[tilespmem:s1], [sflag:$0x1] =	stream.linear.gather [hbm4b:s29+s2], $0x980, $0x38;
	[tilespmem:$0x1C000] =	vst v63  }
0x2e2: {  	s5 =	simm.s32 $0x4;
	s4 =	simm.s32 $0x1B400  }
0x2e3: {  	[tilespmem:s4], [sflag:$0x1] =	stream.linear.gather [hbm4b:s31+s2], $0x980, $0x38;
	[tilespmem:$0x1C000] =	vst v63  }
0x2e4: {  	_ =	swait.ge [sflag:s5], $0xA000  }
0x2e5: {  	[sflag:s5] =	ssyncset.done $0x0  }
0x2e6: {  	[sflag:s5] =	ssyncadd.s32 $0xFFFF6000  }
0x2e7: {  	_ =	swait.ge [sflag:s5], $0x1400  }
0x2e8: {  	[sflag:s5] =	ssyncset.done $0x0  }
0x2e9: {  	[sflag:s5] =	ssyncadd.s32 $0xFFFFEC00  }
0x2ea: {  	_ =	swait.ge [sflag:s5], $0x1400  }
0x2eb: {  	[sflag:s5] =	ssyncset.done $0x0  }
0x2ec: {  	[sflag:s5] =	ssyncadd.s32 $0xFFFFEC00  }
0x2ed: {  	_ =	swait.ge [sflag:s5], $0x1400  }
0x2ee: {  	[sflag:s5] =	ssyncset.done $0x0  }
0x2ef: {  	s13 =	simm.s32 $0x1400;
	s7 =	rddreg [dreg:$0x4];
	[sflag:s5] =	ssyncadd.s32 $0xFFFFEC00  }
0x2f0: {  	[hbm4b:s7+s13] =	stream.strided.scatter [tilespmem:s2], [sflag:$0x3], $0xA000, s10, s13, $0x38;
	[tilespmem:$0x1C000] =	vst v63  }
0x2f1: {  	_ =	swait.ge [sflag:s12], $0x4C00  }
0x2f2: {  	s24 =	simm.s32 $0xA000;
	[sflag:s12] =	ssyncset.done $0x0  }
0x2f3: {  	s16 =	simm.s32 $0xC00;
	s8 =	rddreg [dreg:$0x5];
	[sflag:s12] =	ssyncadd.s32 $0xFFFFB400  }
0x2f4: {  	[hbm4b:s8+s16] =	stream.strided.scatter [tilespmem:s24], [sflag:$0x2], $0x6000, s10, s16, $0x38;
	[tilespmem:$0x1C000] =	vst v63  }
0x2f5: {  	_ =	swait.ge [sflag:s6], $0x6000  }
0x2f6: {  	s11 =	sld [smem:$0x7D5]  }
0x2f7: {  	[sflag:s6] =	ssyncset.done $0x0  }
0x2f8: {  	s14 =	sld [smem:$0x761];
	[sflag:s6] =	ssyncadd.s32 $0xFFFFA000  }
0x2f9: {  	[tilespmem:s24], [sflag:$0x1] =	stream.linear.gather [hbm4b:s11+s2], $0x980, $0x38;
	[tilespmem:$0x1C000] =	vst v63  }
0x2fa: {  	s17 =	sld [smem:$0x762];
	s11 =	simm.s32 $0xAC00  }
0x2fb: {  	[tilespmem:s11], [sflag:$0x1] =	stream.linear.gather [hbm4b:s14+s2], $0x980, $0x38;
	[tilespmem:$0x1C000] =	vst v63  }
0x2fc: {  	s5 =	simm.s32 $0xB800;
	s18 =	sld [smem:$0x763]  }
0x2fd: {  	[tilespmem:s5], [sflag:$0x1] =	stream.linear.gather [hbm4b:s17+s2], $0x980, $0x38;
	[tilespmem:$0x1C000] =	vst v63  }
0x2fe: {  	s26 =	simm.s32 $0xC400;
	s19 =	sld [smem:$0x764]  }
0x2ff: {  	[tilespmem:s26], [sflag:$0x1] =	stream.linear.gather [hbm4b:s18+s2], $0x980, $0x38;
	[tilespmem:$0x1C000] =	vst v63  }
0x300: {  	s28 =	simm.s32 $0xD000;
	s20 =	sld [smem:$0x765]  }
0x301: {  	[tilespmem:s28], [sflag:$0x1] =	stream.linear.gather [hbm4b:s19+s2], $0x980, $0x38;
	[tilespmem:$0x1C000] =	vst v63  }
0x302: {  	s25 =	simm.s32 $0xDC00;
	s22 =	sld [smem:$0x766]  }
0x303: {  	[tilespmem:s25], [sflag:$0x1] =	stream.linear.gather [hbm4b:s20+s2], $0x980, $0x38;
	[tilespmem:$0x1C000] =	vst v63  }
0x304: {  	s23 =	simm.s32 $0xE800;
	s30 =	sld [smem:$0x767]  }
0x305: {  	[tilespmem:s23], [sflag:$0x1] =	stream.linear.gather [hbm4b:s22+s2], $0x980, $0x38;
	[tilespmem:$0x1C000] =	vst v63  }
0x306: {  	s31 =	simm.s32 $0xF400  }
0x307: {  	[tilespmem:s31], [sflag:$0x1] =	stream.linear.gather [hbm4b:s30+s2], $0x980, $0x38;
	[tilespmem:$0x1C000] =	vst v63  }
0x308: {  	s29 =	rddreg [dreg:$0x6]  }
0x309: {  	[hbm4b:s29+s13] =	stream.strided.scatter [tilespmem:s2], [sflag:$0x3], $0xA000, s10, s13, $0x38;
	[tilespmem:$0x1C000] =	vst v63  }
0x30a: {  	_ =	swait.ge [sflag:s12], $0x4C00  }
0x30b: {  	[sflag:s12] =	ssyncset.done $0x0  }
0x30c: {  	s4 =	simm.s32 $0x10000;
	s1 =	rddreg [dreg:$0x7];
	[sflag:s12] =	ssyncadd.s32 $0xFFFFB400  }
0x30d: {  	[hbm4b:s1+s16] =	stream.strided.scatter [tilespmem:s4], [sflag:$0x2], $0x6000, s10, s16, $0x38;
	[tilespmem:$0x1C000] =	vst v63  }
0x30e: {  	_ =	swait.ge [sflag:s6], $0x6000  }
0x30f: {  	s7 =	sld [smem:$0x7DA]  }
0x310: {  	[sflag:s6] =	ssyncset.done $0x0  }
0x311: {  	s8 =	simm.s32 $0x10000;
	s9 =	sld [smem:$0x768];
	[sflag:s6] =	ssyncadd.s32 $0xFFFFA000  }
0x312: {  	[tilespmem:s8], [sflag:$0x1] =	stream.linear.gather [hbm4b:s7+s2], $0x980, $0x38;
	[tilespmem:$0x1C000] =	vst v63  }
0x313: {  	s17 =	simm.s32 $0x10C00;
	s10 =	sld [smem:$0x769]  }
0x314: {  	[tilespmem:s17], [sflag:$0x1] =	stream.linear.gather [hbm4b:s9+s2], $0x980, $0x38;
	[tilespmem:$0x1C000] =	vst v63  }
0x315: {  	s29 =	simm.s32 $0x11800;
	s14 =	sld [smem:$0x76A]  }
0x316: {  	[tilespmem:s29], [sflag:$0x1] =	stream.linear.gather [hbm4b:s10+s2], $0x980, $0x38;
	[tilespmem:$0x1C000] =	vst v63  }
0x317: {  	s4 =	simm.s32 $0x12400;
	s18 =	sld [smem:$0x76B]  }
0x318: {  	[tilespmem:s4], [sflag:$0x1] =	stream.linear.gather [hbm4b:s14+s2], $0x980, $0x38;
	[tilespmem:$0x1C000] =	vst v63  }
0x319: {  	s19 =	sld [smem:$0x76C];
	s7 =	simm.s32 $0x13000  }
0x31a: {  	[tilespmem:s7], [sflag:$0x1] =	stream.linear.gather [hbm4b:s18+s2], $0x980, $0x38;
	[tilespmem:$0x1C000] =	vst v63  }
0x31b: {  	s20 =	sld [smem:$0x76D];
	s8 =	simm.s32 $0x13C00  }
0x31c: {  	[tilespmem:s8], [sflag:$0x1] =	stream.linear.gather [hbm4b:s19+s2], $0x980, $0x38;
	[tilespmem:$0x1C000] =	vst v63  }
0x31d: {  	s30 =	sld [smem:$0x76E];
	s14 =	simm.s32 $0x14800  }
0x31e: {  	[tilespmem:s14], [sflag:$0x1] =	stream.linear.gather [hbm4b:s20+s2], $0x980, $0x38;
	[tilespmem:$0x1C000] =	vst v63  }
0x31f: {  	s10 =	simm.s32 $0x15400  }
0x320: {  	[tilespmem:s10], [sflag:$0x1] =	stream.linear.gather [hbm4b:s30+s2], $0x980, $0x38;
	[tilespmem:$0x1C000] =	vst v63  }
0x321: {  	s1 =	simm.s32 $0x2000;
	s22 =	rddreg [dreg:$0x8]  }
0x322: {  	[hbm4b:s22+s13] =	stream.strided.scatter [tilespmem:s2], [sflag:$0x3], $0xA000, s1, s13, $0x38;
	[tilespmem:$0x1C000] =	vst v63  }
0x323: {  	_ =	swait.ge [sflag:s12], $0x4C00  }
0x324: {  	[sflag:s12] =	ssyncset.done $0x0  }
0x325: {  	s15 =	simm.s32 $0x16000;
	s0 =	rddreg [dreg:$0x9];
	[sflag:s12] =	ssyncadd.s32 $0xFFFFB400  }
0x326: {  	[hbm4b:s0+s16] =	stream.strided.scatter [tilespmem:s15], [sflag:$0x2], $0x6000, s1, s16, $0x38;
	[tilespmem:$0x1C000] =	vst v63  }
0x327: {  	_ =	swait.ge [sflag:s6], $0x6000  }
0x328: {  	s18 =	sld [smem:$0x7DC]  }
0x329: {  	[sflag:s6] =	ssyncset.done $0x0  }
0x32a: {  	s19 =	sld [smem:$0x76F];
	[sflag:s6] =	ssyncadd.s32 $0xFFFFA000  }
0x32b: {  	[tilespmem:s15], [sflag:$0x1] =	stream.linear.gather [hbm4b:s18+s2], $0x980, $0x38;
	[tilespmem:$0x1C000] =	vst v63  }
0x32c: {  	s22 =	simm.s32 $0x16C00;
	s20 =	sld [smem:$0x770]  }
0x32d: {  	[tilespmem:s22], [sflag:$0x1] =	stream.linear.gather [hbm4b:s19+s2], $0x980, $0x38;
	[tilespmem:$0x1C000] =	vst v63  }
0x32e: {  	s30 =	simm.s32 $0x17800;
	s9 =	sld [smem:$0x771]  }
0x32f: {  	[tilespmem:s30], [sflag:$0x1] =	stream.linear.gather [hbm4b:s20+s2], $0x980, $0x38;
	[tilespmem:$0x1C000] =	vst v63  }
0x330: {  	s18 =	sld [smem:$0x772];
	s20 =	simm.s32 $0x18400  }
0x331: {  	[tilespmem:s20], [sflag:$0x1] =	stream.linear.gather [hbm4b:s9+s2], $0x980, $0x38;
	[tilespmem:$0x1C000] =	vst v63  }
0x332: {  	s19 =	simm.s32 $0x19000;
	s9 =	sld [smem:$0x773]  }
0x333: {  	[tilespmem:s19], [sflag:$0x1] =	stream.linear.gather [hbm4b:s18+s2], $0x980, $0x38;
	[tilespmem:$0x1C000] =	vst v63  }
0x334: {  	s18 =	simm.s32 $0x19C00  }
0x335: {  	[tilespmem:s18], [sflag:$0x1] =	stream.linear.gather [hbm4b:s9+s2], $0x980, $0x38;
	[tilespmem:$0x1C000] =	vst v63  }
0x336: {  	s9 =	sld [smem:$0x774];
	_ =	sdelay $0x1  }
0x337: {  	s21 =	simm.s32 $0x1A800;
	s0 =	sld [smem:$0x775]  }
0x338: {  	[tilespmem:s21], [sflag:$0x1] =	stream.linear.gather [hbm4b:s9+s2], $0x980, $0x38;
	[tilespmem:$0x1C000] =	vst v63  }
0x339: {  	s21 =	simm.s32 $0x1B400  }
0x33a: {  	[tilespmem:s21], [sflag:$0x1] =	stream.linear.gather [hbm4b:s0+s2], $0x980, $0x38;
	[tilespmem:$0x1C000] =	vst v63  }
0x33b: {  	s9 =	rddreg [dreg:$0xa]  }
0x33c: {  	[hbm4b:s9+s13] =	stream.strided.scatter [tilespmem:s2], [sflag:$0x3], $0xA000, s1, s13, $0x38;
	[tilespmem:$0x1C000] =	vst v63  }
0x33d: {  	_ =	swait.ge [sflag:s12], $0x4C00  }
0x33e: {  	[sflag:s12] =	ssyncset.done $0x0  }
0x33f: {  	s21 =	rddreg [dreg:$0xb];
	[sflag:s12] =	ssyncadd.s32 $0xFFFFB400  }
0x340: {  	[hbm4b:s21+s16] =	stream.strided.scatter [tilespmem:s24], [sflag:$0x2], $0x6000, s1, s16, $0x38;
	[tilespmem:$0x1C000] =	vst v63  }
0x341: {  	_ =	swait.ge [sflag:s6], $0x6000  }
0x342: {  	s0 =	sld [smem:$0x7E0]  }
0x343: {  	[sflag:s6] =	ssyncset.done $0x0  }
0x344: {  	s9 =	sld [smem:$0x776];
	[sflag:s6] =	ssyncadd.s32 $0xFFFFA000  }
0x345: {  	[tilespmem:s24], [sflag:$0x1] =	stream.linear.gather [hbm4b:s0+s2], $0x980, $0x38;
	[tilespmem:$0x1C000] =	vst v63  }
0x346: {  	_ = 	snop  }
0x347: {  	[tilespmem:s11], [sflag:$0x1] =	stream.linear.gather [hbm4b:s9+s2], $0x980, $0x38;
	[tilespmem:$0x1C000] =	vst v63  }
0x348: {  	s11 =	sld [smem:$0x777];
	_ =	sdelay $0x1  }
0x349: {  	s21 =	sld [smem:$0x778]  }
0x34a: {  	[tilespmem:s5], [sflag:$0x1] =	stream.linear.gather [hbm4b:s11+s2], $0x980, $0x38;
	[tilespmem:$0x1C000] =	vst v63  }
0x34b: {  	_ = 	snop  }
0x34c: {  	[tilespmem:s26], [sflag:$0x1] =	stream.linear.gather [hbm4b:s21+s2], $0x980, $0x38;
	[tilespmem:$0x1C000] =	vst v63  }
0x34d: {  	s26 =	sld [smem:$0x779];
	_ =	sdelay $0x2  }
0x34e: {  	[tilespmem:s28], [sflag:$0x1] =	stream.linear.gather [hbm4b:s26+s2], $0x980, $0x38;
	[tilespmem:$0x1C000] =	vst v63  }
0x34f: {  	s28 =	sld [smem:$0x77A];
	_ =	sdelay $0x1  }
0x350: {  	s9 =	sld [smem:$0x77B]  }
0x351: {  	[tilespmem:s25], [sflag:$0x1] =	stream.linear.gather [hbm4b:s28+s2], $0x980, $0x38;
	[tilespmem:$0x1C000] =	vst v63  }
0x352: {  	s21 =	sld [smem:$0x77C]  }
0x353: {  	[tilespmem:s23], [sflag:$0x1] =	stream.linear.gather [hbm4b:s9+s2], $0x980, $0x38;
	[tilespmem:$0x1C000] =	vst v63  }
0x354: {  	_ = 	snop  }
0x355: {  	[tilespmem:s31], [sflag:$0x1] =	stream.linear.gather [hbm4b:s21+s2], $0x980, $0x38;
	[tilespmem:$0x1C000] =	vst v63  }
0x356: {  	s11 =	rddreg [dreg:$0xc]  }
0x357: {  	[hbm4b:s11+s13] =	stream.strided.scatter [tilespmem:s2], [sflag:$0x3], $0xA000, s1, s13, $0x38;
	[tilespmem:$0x1C000] =	vst v63  }
0x358: {  	_ =	swait.ge [sflag:s12], $0x4C00  }
0x359: {  	[sflag:s12] =	ssyncset.done $0x0  }
0x35a: {  	s25 =	simm.s32 $0x10000;
	s23 =	rddreg [dreg:$0xd];
	[sflag:s12] =	ssyncadd.s32 $0xFFFFB400  }
0x35b: {  	[hbm4b:s23+s16] =	stream.strided.scatter [tilespmem:s25], [sflag:$0x2], $0x6000, s1, s16, $0x38;
	[tilespmem:$0x1C000] =	vst v63  }
0x35c: {  	_ =	swait.ge [sflag:s6], $0x6000  }
0x35d: {  	s26 =	sld [smem:$0x7E2]  }
0x35e: {  	[sflag:s6] =	ssyncset.done $0x0  }
0x35f: {  	s28 =	simm.s32 $0x10000;
	s31 =	sld [smem:$0x77D];
	[sflag:s6] =	ssyncadd.s32 $0xFFFFA000  }
0x360: {  	[tilespmem:s28], [sflag:$0x1] =	stream.linear.gather [hbm4b:s26+s2], $0x980, $0x38;
	[tilespmem:$0x1C000] =	vst v63  }
0x361: {  	s1 =	sld [smem:$0x77E]  }
0x362: {  	[tilespmem:s17], [sflag:$0x1] =	stream.linear.gather [hbm4b:s31+s2], $0x980, $0x38;
	[tilespmem:$0x1C000] =	vst v63  }
0x363: {  	s9 =	sld [smem:$0x77F]  }
0x364: {  	[tilespmem:s29], [sflag:$0x1] =	stream.linear.gather [hbm4b:s1+s2], $0x980, $0x38;
	[tilespmem:$0x1C000] =	vst v63  }
0x365: {  	s11 =	sld [smem:$0x780]  }
0x366: {  	[tilespmem:s4], [sflag:$0x1] =	stream.linear.gather [hbm4b:s9+s2], $0x980, $0x38;
	[tilespmem:$0x1C000] =	vst v63  }
0x367: {  	s21 =	sld [smem:$0x781]  }
0x368: {  	[tilespmem:s7], [sflag:$0x1] =	stream.linear.gather [hbm4b:s11+s2], $0x980, $0x38;
	[tilespmem:$0x1C000] =	vst v63  }
0x369: {  	s23 =	sld [smem:$0x782]  }
0x36a: {  	[tilespmem:s8], [sflag:$0x1] =	stream.linear.gather [hbm4b:s21+s2], $0x980, $0x38;
	[tilespmem:$0x1C000] =	vst v63  }
0x36b: {  	s28 =	sld [smem:$0x783]  }
0x36c: {  	[tilespmem:s14], [sflag:$0x1] =	stream.linear.gather [hbm4b:s23+s2], $0x980, $0x38;
	[tilespmem:$0x1C000] =	vst v63  }
0x36d: {  	_ = 	snop  }
0x36e: {  	[tilespmem:s10], [sflag:$0x1] =	stream.linear.gather [hbm4b:s28+s2], $0x980, $0x38;
	[tilespmem:$0x1C000] =	vst v63  }
0x36f: {  	s25 =	rddreg [dreg:$0xe];
	s10 =	simm.s32 $0x2000  }
0x370: {  	[hbm4b:s25+s13] =	stream.strided.scatter [tilespmem:s2], [sflag:$0x3], $0xA000, s10, s13, $0x38;
	[tilespmem:$0x1C000] =	vst v63  }
0x371: {  	_ =	swait.ge [sflag:s12], $0x4C00  }
0x372: {  	[sflag:s12] =	ssyncset.done $0x0  }
0x373: {  	s31 =	rddreg [dreg:$0xf];
	[sflag:s12] =	ssyncadd.s32 $0xFFFFB400  }
0x374: {  	[hbm4b:s31+s16] =	stream.strided.scatter [tilespmem:s15], [sflag:$0x2], $0x6000, s10, s16, $0x38;
	[tilespmem:$0x1C000] =	vst v63  }
0x375: {  	_ =	swait.ge [sflag:s6], $0x6000  }
0x376: {  	s0 =	sld [smem:$0x7E6]  }
0x377: {  	[sflag:s6] =	ssyncset.done $0x0  }
0x378: {  	s1 =	sld [smem:$0x784];
	[sflag:s6] =	ssyncadd.s32 $0xFFFFA000  }
0x379: {  	[tilespmem:s15], [sflag:$0x1] =	stream.linear.gather [hbm4b:s0+s2], $0x980, $0x38;
	[tilespmem:$0x1C000] =	vst v63  }
0x37a: {  	s4 =	sld [smem:$0x785]  }
0x37b: {  	[tilespmem:s22], [sflag:$0x1] =	stream.linear.gather [hbm4b:s1+s2], $0x980, $0x38;
	[tilespmem:$0x1C000] =	vst v63  }
0x37c: {  	s7 =	sld [smem:$0x786]  }
0x37d: {  	[tilespmem:s30], [sflag:$0x1] =	stream.linear.gather [hbm4b:s4+s2], $0x980, $0x38;
	[tilespmem:$0x1C000] =	vst v63  }
0x37e: {  	s8 =	sld [smem:$0x787]  }
0x37f: {  	[tilespmem:s20], [sflag:$0x1] =	stream.linear.gather [hbm4b:s7+s2], $0x980, $0x38;
	[tilespmem:$0x1C000] =	vst v63  }
0x380: {  	s9 =	sld [smem:$0x788]  }
0x381: {  	[tilespmem:s19], [sflag:$0x1] =	stream.linear.gather [hbm4b:s8+s2], $0x980, $0x38;
	[tilespmem:$0x1C000] =	vst v63  }
0x382: {  	s11 =	sld [smem:$0x789]  }
0x383: {  	[tilespmem:s18], [sflag:$0x1] =	stream.linear.gather [hbm4b:s9+s2], $0x980, $0x38;
	[tilespmem:$0x1C000] =	vst v63  }
0x384: {  	s1 =	simm.s32 $0x1A800;
	s18 =	sld [smem:$0x78A]  }
0x385: {  	[tilespmem:s1], [sflag:$0x1] =	stream.linear.gather [hbm4b:s11+s2], $0x980, $0x38;
	[tilespmem:$0x1C000] =	vst v63  }
0x386: {  	s11 =	simm.s32 $0x1B400  }
0x387: {  	[tilespmem:s11], [sflag:$0x1] =	stream.linear.gather [hbm4b:s18+s2], $0x980, $0x38;
	[tilespmem:$0x1C000] =	vst v63  }
0x388: {  	s14 =	rddreg [dreg:$0x10]  }
0x389: {  	[hbm4b:s14+s13] =	stream.strided.scatter [tilespmem:s2], [sflag:$0x3], $0xA000, s10, s13, $0x38;
	[tilespmem:$0x1C000] =	vst v63  }
0x38a: {  	_ =	swait.ge [sflag:s12], $0x4C00  }
0x38b: {  	[sflag:s12] =	ssyncset.done $0x0  }
0x38c: {  	s19 =	rddreg [dreg:$0x11];
	[sflag:s12] =	ssyncadd.s32 $0xFFFFB400  }
0x38d: {  	[hbm4b:s19+s16] =	stream.strided.scatter [tilespmem:s24], [sflag:$0x2], $0x6000, s10, s16, $0x38;
	[tilespmem:$0x1C000] =	vst v63  }
0x38e: {  	_ =	swait.ge [sflag:s6], $0x6000  }
0x38f: {  	s22 =	sld [smem:$0x7E8]  }
0x390: {  	[sflag:s6] =	ssyncset.done $0x0  }
0x391: {  	s30 =	sld [smem:$0x78B];
	[sflag:s6] =	ssyncadd.s32 $0xFFFFA000  }
0x392: {  	[tilespmem:s24], [sflag:$0x1] =	stream.linear.gather [hbm4b:s22+s2], $0x980, $0x38;
	[tilespmem:$0x1C000] =	vst v63  }
0x393: {  	s14 =	simm.s32 $0xAC00;
	s31 =	sld [smem:$0x78C]  }
0x394: {  	[tilespmem:s14], [sflag:$0x1] =	stream.linear.gather [hbm4b:s30+s2], $0x980, $0x38;
	[tilespmem:$0x1C000] =	vst v63  }
0x395: {  	s18 =	simm.s32 $0xB800;
	s4 =	sld [smem:$0x78D]  }
0x396: {  	[tilespmem:s18], [sflag:$0x1] =	stream.linear.gather [hbm4b:s31+s2], $0x980, $0x38;
	[tilespmem:$0x1C000] =	vst v63  }
0x397: {  	s5 =	simm.s32 $0xC400;
	s7 =	sld [smem:$0x78E]  }
0x398: {  	[tilespmem:s5], [sflag:$0x1] =	stream.linear.gather [hbm4b:s4+s2], $0x980, $0x38;
	[tilespmem:$0x1C000] =	vst v63  }
0x399: {  	s9 =	sld [smem:$0x78F];
	s4 =	simm.s32 $0xD000  }
0x39a: {  	[tilespmem:s4], [sflag:$0x1] =	stream.linear.gather [hbm4b:s7+s2], $0x980, $0x38;
	[tilespmem:$0x1C000] =	vst v63  }
0x39b: {  	s19 =	sld [smem:$0x790];
	s5 =	simm.s32 $0xDC00  }
0x39c: {  	[tilespmem:s5], [sflag:$0x1] =	stream.linear.gather [hbm4b:s9+s2], $0x980, $0x38;
	[tilespmem:$0x1C000] =	vst v63  }
0x39d: {  	s30 =	sld [smem:$0x791];
	s31 =	simm.s32 $0xE800  }
0x39e: {  	[tilespmem:s31], [sflag:$0x1] =	stream.linear.gather [hbm4b:s19+s2], $0x980, $0x38;
	[tilespmem:$0x1C000] =	vst v63  }
0x39f: {  	s7 =	simm.s32 $0xF400  }
0x3a0: {  	[tilespmem:s7], [sflag:$0x1] =	stream.linear.gather [hbm4b:s30+s2], $0x980, $0x38;
	[tilespmem:$0x1C000] =	vst v63  }
0x3a1: {  	s22 =	rddreg [dreg:$0x12]  }
0x3a2: {  	[hbm4b:s22+s13] =	stream.strided.scatter [tilespmem:s2], [sflag:$0x3], $0xA000, s10, s13, $0x38;
	[tilespmem:$0x1C000] =	vst v63  }
0x3a3: {  	_ =	swait.ge [sflag:s12], $0x4C00  }
0x3a4: {  	[sflag:s12] =	ssyncset.done $0x0  }
0x3a5: {  	s19 =	simm.s32 $0x10000;
	s0 =	rddreg [dreg:$0x13];
	[sflag:s12] =	ssyncadd.s32 $0xFFFFB400  }
0x3a6: {  	[hbm4b:s0+s16] =	stream.strided.scatter [tilespmem:s19], [sflag:$0x2], $0x6000, s10, s16, $0x38;
	[tilespmem:$0x1C000] =	vst v63  }
0x3a7: {  	_ =	swait.ge [sflag:s6], $0x6000  }
0x3a8: {  	s22 =	sld [smem:$0x7EC]  }
0x3a9: {  	[sflag:s6] =	ssyncset.done $0x0  }
0x3aa: {  	s30 =	simm.s32 $0x10000;
	s19 =	sld [smem:$0x792];
	[sflag:s6] =	ssyncadd.s32 $0xFFFFA000  }
0x3ab: {  	[tilespmem:s30], [sflag:$0x1] =	stream.linear.gather [hbm4b:s22+s2], $0x980, $0x38;
	[tilespmem:$0x1C000] =	vst v63  }
0x3ac: {  	s26 =	simm.s32 $0x10C00;
	s22 =	sld [smem:$0x793]  }
0x3ad: {  	[tilespmem:s26], [sflag:$0x1] =	stream.linear.gather [hbm4b:s19+s2], $0x980, $0x38;
	[tilespmem:$0x1C000] =	vst v63  }
0x3ae: {  	s9 =	sld [smem:$0x794];
	s30 =	simm.s32 $0x11800  }
0x3af: {  	[tilespmem:s30], [sflag:$0x1] =	stream.linear.gather [hbm4b:s22+s2], $0x980, $0x38;
	[tilespmem:$0x1C000] =	vst v63  }
0x3b0: {  	s17 =	simm.s32 $0x12400  }
0x3b1: {  	[tilespmem:s17], [sflag:$0x1] =	stream.linear.gather [hbm4b:s9+s2], $0x980, $0x38;
	[tilespmem:$0x1C000] =	vst v63  }
0x3b2: {  	s17 =	sld [smem:$0x795];
	_ =	sdelay $0x1  }
0x3b3: {  	s29 =	simm.s32 $0x13000;
	s22 =	sld [smem:$0x796]  }
0x3b4: {  	[tilespmem:s29], [sflag:$0x1] =	stream.linear.gather [hbm4b:s17+s2], $0x980, $0x38;
	[tilespmem:$0x1C000] =	vst v63  }
0x3b5: {  	s21 =	simm.s32 $0x13C00;
	s9 =	sld [smem:$0x797]  }
0x3b6: {  	[tilespmem:s21], [sflag:$0x1] =	stream.linear.gather [hbm4b:s22+s2], $0x980, $0x38;
	[tilespmem:$0x1C000] =	vst v63  }
0x3b7: {  	s17 =	simm.s32 $0x14800  }
0x3b8: {  	[tilespmem:s17], [sflag:$0x1] =	stream.linear.gather [hbm4b:s9+s2], $0x980, $0x38;
	[tilespmem:$0x1C000] =	vst v63  }
0x3b9: {  	s17 =	sld [smem:$0x798];
	_ =	sdelay $0x1  }
0x3ba: {  	s28 =	simm.s32 $0x15400  }
0x3bb: {  	[tilespmem:s28], [sflag:$0x1] =	stream.linear.gather [hbm4b:s17+s2], $0x980, $0x38;
	[tilespmem:$0x1C000] =	vst v63  }
0x3bc: {  	s21 =	rddreg [dreg:$0x14]  }
0x3bd: {  	[hbm4b:s21+s13] =	stream.strided.scatter [tilespmem:s2], [sflag:$0x3], $0xA000, s10, s13, $0x38;
	[tilespmem:$0x1C000] =	vst v63  }
0x3be: {  	_ =	swait.ge [sflag:s12], $0x4C00  }
0x3bf: {  	[sflag:s12] =	ssyncset.done $0x0  }
0x3c0: {  	s21 =	rddreg [dreg:$0x15];
	[sflag:s12] =	ssyncadd.s32 $0xFFFFB400  }
0x3c1: {  	[hbm4b:s21+s16] =	stream.strided.scatter [tilespmem:s15], [sflag:$0x2], $0x6000, s10, s16, $0x38;
	[tilespmem:$0x1C000] =	vst v63  }
0x3c2: {  	_ =	swait.ge [sflag:s6], $0x6000  }
0x3c3: {  	s0 =	sld [smem:$0x7EE]  }
0x3c4: {  	[sflag:s6] =	ssyncset.done $0x0  }
0x3c5: {  	s17 =	sld [smem:$0x799];
	[sflag:s6] =	ssyncadd.s32 $0xFFFFA000  }
0x3c6: {  	[tilespmem:s15], [sflag:$0x1] =	stream.linear.gather [hbm4b:s0+s2], $0x980, $0x38;
	[tilespmem:$0x1C000] =	vst v63  }
0x3c7: {  	s25 =	simm.s32 $0x16C00;
	s21 =	sld [smem:$0x79A]  }
0x3c8: {  	[tilespmem:s25], [sflag:$0x1] =	stream.linear.gather [hbm4b:s17+s2], $0x980, $0x38;
	[tilespmem:$0x1C000] =	vst v63  }
0x3c9: {  	s23 =	simm.s32 $0x17800;
	s9 =	sld [smem:$0x79B]  }
0x3ca: {  	[tilespmem:s23], [sflag:$0x1] =	stream.linear.gather [hbm4b:s21+s2], $0x980, $0x38;
	[tilespmem:$0x1C000] =	vst v63  }
0x3cb: {  	s17 =	simm.s32 $0x18400;
	s21 =	sld [smem:$0x79C]  }
0x3cc: {  	[tilespmem:s17], [sflag:$0x1] =	stream.linear.gather [hbm4b:s9+s2], $0x980, $0x38;
	[tilespmem:$0x1C000] =	vst v63  }
0x3cd: {  	s20 =	simm.s32 $0x19000;
	s9 =	sld [smem:$0x79D]  }
0x3ce: {  	[tilespmem:s20], [sflag:$0x1] =	stream.linear.gather [hbm4b:s21+s2], $0x980, $0x38;
	[tilespmem:$0x1C000] =	vst v63  }
0x3cf: {  	s8 =	simm.s32 $0x19C00;
	s17 =	sld [smem:$0x79E]  }
0x3d0: {  	[tilespmem:s8], [sflag:$0x1] =	stream.linear.gather [hbm4b:s9+s2], $0x980, $0x38;
	[tilespmem:$0x1C000] =	vst v63  }
0x3d1: {  	_ = 	snop  }
0x3d2: {  	[tilespmem:s1], [sflag:$0x1] =	stream.linear.gather [hbm4b:s17+s2], $0x980, $0x38;
	[tilespmem:$0x1C000] =	vst v63  }
0x3d3: {  	s17 =	sld [smem:$0x79F];
	_ =	sdelay $0x2  }
0x3d4: {  	[tilespmem:s11], [sflag:$0x1] =	stream.linear.gather [hbm4b:s17+s2], $0x980, $0x38;
	[tilespmem:$0x1C000] =	vst v63  }
0x3d5: {  	s1 =	rddreg [dreg:$0x16]  }
0x3d6: {  	[hbm4b:s1+s13] =	stream.strided.scatter [tilespmem:s2], [sflag:$0x3], $0xA000, s10, s13, $0x38;
	[tilespmem:$0x1C000] =	vst v63  }
0x3d7: {  	_ =	swait.ge [sflag:s12], $0x4C00  }
0x3d8: {  	[sflag:s12] =	ssyncset.done $0x0  }
0x3d9: {  	s0 =	rddreg [dreg:$0x17];
	[sflag:s12] =	ssyncadd.s32 $0xFFFFB400  }
0x3da: {  	[hbm4b:s0+s16] =	stream.strided.scatter [tilespmem:s24], [sflag:$0x2], $0x6000, s10, s16, $0x38;
	[tilespmem:$0x1C000] =	vst v63  }
0x3db: {  	_ =	swait.ge [sflag:s6], $0x6000  }
0x3dc: {  	s1 =	sld [smem:$0x7F2]  }
0x3dd: {  	[sflag:s6] =	ssyncset.done $0x0  }
0x3de: {  	s17 =	sld [smem:$0x7A0];
	[sflag:s6] =	ssyncadd.s32 $0xFFFFA000  }
0x3df: {  	[tilespmem:s24], [sflag:$0x1] =	stream.linear.gather [hbm4b:s1+s2], $0x980, $0x38;
	[tilespmem:$0x1C000] =	vst v63  }
0x3e0: {  	s1 =	sld [smem:$0x7A1]  }
0x3e1: {  	[tilespmem:s14], [sflag:$0x1] =	stream.linear.gather [hbm4b:s17+s2], $0x980, $0x38;
	[tilespmem:$0x1C000] =	vst v63  }
0x3e2: {  	s9 =	sld [smem:$0x7A2]  }
0x3e3: {  	[tilespmem:s18], [sflag:$0x1] =	stream.linear.gather [hbm4b:s1+s2], $0x980, $0x38;
	[tilespmem:$0x1C000] =	vst v63  }
0x3e4: {  	s17 =	simm.s32 $0xC400;
	s1 =	sld [smem:$0x7A3]  }
0x3e5: {  	[tilespmem:s17], [sflag:$0x1] =	stream.linear.gather [hbm4b:s9+s2], $0x980, $0x38;
	[tilespmem:$0x1C000] =	vst v63  }
0x3e6: {  	_ = 	snop  }
0x3e7: {  	[tilespmem:s4], [sflag:$0x1] =	stream.linear.gather [hbm4b:s1+s2], $0x980, $0x38;
	[tilespmem:$0x1C000] =	vst v63  }
0x3e8: {  	s4 =	sld [smem:$0x7A4];
	_ =	sdelay $0x1  }
0x3e9: {  	s9 =	sld [smem:$0x7A5]  }
0x3ea: {  	[tilespmem:s5], [sflag:$0x1] =	stream.linear.gather [hbm4b:s4+s2], $0x980, $0x38;
	[tilespmem:$0x1C000] =	vst v63  }
0x3eb: {  	s4 =	sld [smem:$0x7A6]  }
0x3ec: {  	[tilespmem:s31], [sflag:$0x1] =	stream.linear.gather [hbm4b:s9+s2], $0x980, $0x38;
	[tilespmem:$0x1C000] =	vst v63  }
0x3ed: {  	_ = 	snop  }
0x3ee: {  	[tilespmem:s7], [sflag:$0x1] =	stream.linear.gather [hbm4b:s4+s2], $0x980, $0x38;
	[tilespmem:$0x1C000] =	vst v63  }
0x3ef: {  	s1 =	rddreg [dreg:$0x18]  }
0x3f0: {  	[hbm4b:s1+s13] =	stream.strided.scatter [tilespmem:s2], [sflag:$0x3], $0xA000, s10, s13, $0x38;
	[tilespmem:$0x1C000] =	vst v63  }
0x3f1: {  	_ =	swait.ge [sflag:s12], $0x4C00  }
0x3f2: {  	[sflag:s12] =	ssyncset.done $0x0  }
0x3f3: {  	s4 =	simm.s32 $0x10000;
	s1 =	rddreg [dreg:$0x19];
	[sflag:s12] =	ssyncadd.s32 $0xFFFFB400  }
0x3f4: {  	[hbm4b:s1+s16] =	stream.strided.scatter [tilespmem:s4], [sflag:$0x2], $0x6000, s10, s16, $0x38;
	[tilespmem:$0x1C000] =	vst v63  }
0x3f5: {  	_ =	swait.ge [sflag:s6], $0x6000  }
0x3f6: {  	s1 =	sld [smem:$0x7F4]  }
0x3f7: {  	[sflag:s6] =	ssyncset.done $0x0  }
0x3f8: {  	s4 =	simm.s32 $0x10000;
	s9 =	sld [smem:$0x7A7];
	[sflag:s6] =	ssyncadd.s32 $0xFFFFA000  }
0x3f9: {  	[tilespmem:s4], [sflag:$0x1] =	stream.linear.gather [hbm4b:s1+s2], $0x980, $0x38;
	[tilespmem:$0x1C000] =	vst v63  }
0x3fa: {  	s26 =	simm.s32 $0x10C00  }
0x3fb: {  	[tilespmem:s26], [sflag:$0x1] =	stream.linear.gather [hbm4b:s9+s2], $0x980, $0x38;
	[tilespmem:$0x1C000] =	vst v63  }
0x3fc: {  	s26 =	sld [smem:$0x7A8];
	_ =	sdelay $0x1  }
0x3fd: {  	s30 =	simm.s32 $0x11800;
	s4 =	sld [smem:$0x7A9]  }
0x3fe: {  	[tilespmem:s30], [sflag:$0x1] =	stream.linear.gather [hbm4b:s26+s2], $0x980, $0x38;
	[tilespmem:$0x1C000] =	vst v63  }
0x3ff: {  	s19 =	simm.s32 $0x12400;
	s9 =	sld [smem:$0x7AA]  }
0x400: {  	[tilespmem:s19], [sflag:$0x1] =	stream.linear.gather [hbm4b:s4+s2], $0x980, $0x38;
	[tilespmem:$0x1C000] =	vst v63  }
0x401: {  	s29 =	simm.s32 $0x13000;
	s19 =	sld [smem:$0x7AB]  }
0x402: {  	[tilespmem:s29], [sflag:$0x1] =	stream.linear.gather [hbm4b:s9+s2], $0x980, $0x38;
	[tilespmem:$0x1C000] =	vst v63  }
0x403: {  	s22 =	simm.s32 $0x13C00  }
0x404: {  	[tilespmem:s22], [sflag:$0x1] =	stream.linear.gather [hbm4b:s19+s2], $0x980, $0x38;
	[tilespmem:$0x1C000] =	vst v63  }
0x405: {  	s22 =	sld [smem:$0x7AC];
	_ =	sdelay $0x1  }
0x406: {  	s26 =	simm.s32 $0x14800;
	s30 =	sld [smem:$0x7AD]  }
0x407: {  	[tilespmem:s26], [sflag:$0x1] =	stream.linear.gather [hbm4b:s22+s2], $0x980, $0x38;
	[tilespmem:$0x1C000] =	vst v63  }
0x408: {  	s28 =	simm.s32 $0x15400  }
0x409: {  	[tilespmem:s28], [sflag:$0x1] =	stream.linear.gather [hbm4b:s30+s2], $0x980, $0x38;
	[tilespmem:$0x1C000] =	vst v63  }
0x40a: {  	s29 =	rddreg [dreg:$0x1a]  }
0x40b: {  	[hbm4b:s29+s13] =	stream.strided.scatter [tilespmem:s2], [sflag:$0x3], $0xA000, s10, s13, $0x38;
	[tilespmem:$0x1C000] =	vst v63  }
0x40c: {  	_ =	swait.ge [sflag:s12], $0x4C00  }
0x40d: {  	[sflag:s12] =	ssyncset.done $0x0  }
0x40e: {  	s1 =	rddreg [dreg:$0x1b];
	[sflag:s12] =	ssyncadd.s32 $0xFFFFB400  }
0x40f: {  	[hbm4b:s1+s16] =	stream.strided.scatter [tilespmem:s15], [sflag:$0x2], $0x6000, s10, s16, $0x38;
	[tilespmem:$0x1C000] =	vst v63  }
0x410: {  	_ =	swait.ge [sflag:s6], $0x6000  }
0x411: {  	s4 =	sld [smem:$0x7F8]  }
0x412: {  	[sflag:s6] =	ssyncset.done $0x0  }
0x413: {  	[sflag:s6] =	ssyncadd.s32 $0xFFFFA000  }
0x414: {  	[tilespmem:s15], [sflag:$0x1] =	stream.linear.gather [hbm4b:s4+s2], $0x980, $0x38;
	[tilespmem:$0x1C000] =	vst v63  }
0x415: {  	s15 =	sld [smem:$0x7AE];
	_ =	sdelay $0x1  }
0x416: {  	s25 =	simm.s32 $0x16C00;
	s19 =	sld [smem:$0x7AF]  }
0x417: {  	[tilespmem:s25], [sflag:$0x1] =	stream.linear.gather [hbm4b:s15+s2], $0x980, $0x38;
	[tilespmem:$0x1C000] =	vst v63  }
0x418: {  	s23 =	simm.s32 $0x17800;
	s22 =	sld [smem:$0x7B0]  }
0x419: {  	[tilespmem:s23], [sflag:$0x1] =	stream.linear.gather [hbm4b:s19+s2], $0x980, $0x38;
	[tilespmem:$0x1C000] =	vst v63  }
0x41a: {  	s25 =	sld [smem:$0x7B1];
	s23 =	simm.s32 $0x18400  }
0x41b: {  	[tilespmem:s23], [sflag:$0x1] =	stream.linear.gather [hbm4b:s22+s2], $0x980, $0x38;
	[tilespmem:$0x1C000] =	vst v63  }
0x41c: {  	s21 =	simm.s32 $0x19000;
	s26 =	sld [smem:$0x7B2]  }
0x41d: {  	[tilespmem:s21], [sflag:$0x1] =	stream.linear.gather [hbm4b:s25+s2], $0x980, $0x38;
	[tilespmem:$0x1C000] =	vst v63  }
0x41e: {  	s20 =	simm.s32 $0x19C00;
	s28 =	sld [smem:$0x7B3]  }
0x41f: {  	[tilespmem:s20], [sflag:$0x1] =	stream.linear.gather [hbm4b:s26+s2], $0x980, $0x38;
	[tilespmem:$0x1C000] =	vst v63  }
0x420: {  	s8 =	simm.s32 $0x1A800;
	s30 =	sld [smem:$0x7B4]  }
0x421: {  	[tilespmem:s8], [sflag:$0x1] =	stream.linear.gather [hbm4b:s28+s2], $0x980, $0x38;
	[tilespmem:$0x1C000] =	vst v63  }
0x422: {  	s11 =	simm.s32 $0x1B400  }
0x423: {  	[tilespmem:s11], [sflag:$0x1] =	stream.linear.gather [hbm4b:s30+s2], $0x980, $0x38;
	[tilespmem:$0x1C000] =	vst v63  }
0x424: {  	s29 =	rddreg [dreg:$0x1c]  }
0x425: {  	[hbm4b:s29+s13] =	stream.strided.scatter [tilespmem:s2], [sflag:$0x3], $0xA000, s10, s13, $0x38;
	[tilespmem:$0x1C000] =	vst v63  }
0x426: {  	_ =	swait.ge [sflag:s12], $0x4C00  }
0x427: {  	[sflag:s12] =	ssyncset.done $0x0  }
0x428: {  	s8 =	rddreg [dreg:$0x1d];
	[sflag:s12] =	ssyncadd.s32 $0xFFFFB400  }
0x429: {  	[hbm4b:s8+s16] =	stream.strided.scatter [tilespmem:s24], [sflag:$0x2], $0x6000, s10, s16, $0x38;
	[tilespmem:$0x1C000] =	vst v63  }
0x42a: {  	_ =	swait.ge [sflag:s6], $0x6000  }
0x42b: {  	s11 =	sld [smem:$0x7BD]  }
0x42c: {  	[sflag:s6] =	ssyncset.done $0x0  }
0x42d: {  	s13 =	sld [smem:$0x7B5];
	[sflag:s6] =	ssyncadd.s32 $0xFFFFA000  }
0x42e: {  	[tilespmem:s24], [sflag:$0x1] =	stream.linear.gather [hbm4b:s11+s2], $0x980, $0x38;
	[tilespmem:$0x1C000] =	vst v63  }
0x42f: {  	s14 =	simm.s32 $0xAC00;
	s15 =	sld [smem:$0x7B6]  }
0x430: {  	[tilespmem:s14], [sflag:$0x1] =	stream.linear.gather [hbm4b:s13+s2], $0x980, $0x38;
	[tilespmem:$0x1C000] =	vst v63  }
0x431: {  	s18 =	simm.s32 $0xB800  }
0x432: {  	[tilespmem:s18], [sflag:$0x1] =	stream.linear.gather [hbm4b:s15+s2], $0x980, $0x38;
	[tilespmem:$0x1C000] =	vst v63  }
0x433: {  	s18 =	sld [smem:$0x7B7];
	_ =	sdelay $0x1  }
0x434: {  	s19 =	simm.s32 $0xC400;
	s20 =	sld [smem:$0x7B8]  }
0x435: {  	[tilespmem:s19], [sflag:$0x1] =	stream.linear.gather [hbm4b:s18+s2], $0x980, $0x38;
	[tilespmem:$0x1C000] =	vst v63  }
0x436: {  	s17 =	simm.s32 $0xD000;
	s21 =	sld [smem:$0x7B9]  }
0x437: {  	[tilespmem:s17], [sflag:$0x1] =	stream.linear.gather [hbm4b:s20+s2], $0x980, $0x38;
	[tilespmem:$0x1C000] =	vst v63  }
0x438: {  	s5 =	simm.s32 $0xDC00;
	s22 =	sld [smem:$0x7BA]  }
0x439: {  	[tilespmem:s5], [sflag:$0x1] =	stream.linear.gather [hbm4b:s21+s2], $0x980, $0x38;
	[tilespmem:$0x1C000] =	vst v63  }
0x43a: {  	s31 =	simm.s32 $0xE800;
	s25 =	sld [smem:$0x7BB]  }
0x43b: {  	[tilespmem:s31], [sflag:$0x1] =	stream.linear.gather [hbm4b:s22+s2], $0x980, $0x38;
	[tilespmem:$0x1C000] =	vst v63  }
0x43c: {  	s7 =	simm.s32 $0xF400  }
0x43d: {  	[tilespmem:s7], [sflag:$0x1] =	stream.linear.gather [hbm4b:s25+s2], $0x980, $0x38;
	[tilespmem:$0x1C000] =	vst v63  }
0x43e: {  	s16 =	simm.s32 $0x1400;
	s23 =	rddreg [dreg:$0x1e]  }
0x43f: {  	[hbm4b:s23+s16] =	stream.strided.scatter [tilespmem:s2], [sflag:$0x3], $0xA000, s10, s16, $0x38;
	[tilespmem:$0x1C000] =	vst v63  }
0x440: {  	s1 =	sld [smem:$0x758];
	_ =	swait.ge [sflag:s12], $0x4C00  }
0x441: {  	s0 =	simm.s32 $0x10000;
	s26 =	rddreg [dreg:$0x1f];
	[sflag:s12] =	ssyncset.done $0x0  }
0x442: {  	s24 =	simm.s32 $0xC00;
	s28 =	sld [smem:$0x7BE];
	[sflag:s12] =	ssyncadd.s32 $0xFFFFB400  }
0x443: {  	[hbm4b:s26+s24] =	stream.strided.scatter [tilespmem:s0], [sflag:$0x2], $0x6000, s10, s24, $0x38;
	[tilespmem:$0x1C000] =	vst v63  }
0x444: {  	_ = 	snop  }
0x445: {  	[hbm4b:s28+s16] =	stream.strided.scatter [tilespmem:s2], [sflag:$0x3], $0xA000, s10, s16, $0x38;
	[tilespmem:$0x1C000] =	vst v63  }
0x446: {  	_ =	swait.ge [sflag:s12], $0x4C00  }
0x447: {  	s29 =	sld [smem:$0x7BF]  }
0x448: {  	[sflag:s12] =	ssyncset.done $0x0  }
0x449: {  	s4 =	simm.s32 $0x16000;
	s30 =	sld [smem:$0x7C0];
	[sflag:s12] =	ssyncadd.s32 $0xFFFFB400  }
0x44a: {  	[hbm4b:s29+s24] =	stream.strided.scatter [tilespmem:s4], [sflag:$0x2], $0x6000, s10, s24, $0x38;
	[tilespmem:$0x1C000] =	vst v63  }
0x44b: {  	_ = 	snop  }
0x44c: {  	[hbm4b:s30+s16] =	stream.strided.scatter [tilespmem:s2], [sflag:$0x3], $0xA000, s10, s16, $0x38;
	[tilespmem:$0x1C000] =	vst v63  }
0x44d: {  	_ =	swait.ge [sflag:s12], $0x4C00  }
0x44e: {  	s31 =	sld [smem:$0x7C1]  }
0x44f: {  	[sflag:s12] =	ssyncset.done $0x0  }
0x450: {  	s20 =	simm.s32 $0xA000;
	[sflag:s12] =	ssyncadd.s32 $0xFFFFB400  }
0x451: {  	[hbm4b:s31+s24] =	stream.strided.scatter [tilespmem:s20], [sflag:$0x2], $0x6000, s10, s24, $0x38;
	[tilespmem:$0x1C000] =	vst v63  }
0x452: {  	_ =	swait.ge [sflag:s6], $0x6000  }
0x453: {  	[sflag:s6] =	ssyncset.done $0x0  }
0x454: {  	[sflag:s6] =	ssyncadd.s32 $0xFFFFA000  }
0x455: {  	_ =	swait.ge [sflag:s6], $0x6000  }
0x456: {  	[sflag:s6] =	ssyncset.done $0x0  }
0x457: {  	[sflag:s6] =	ssyncadd.s32 $0xFFFFA000  }
0x458: {  	_ =	swait.ge [sflag:s6], $0x6000  }
0x459: {  	[sflag:s6] =	ssyncset.done $0x0  }
0x45a: {  	[sflag:s6] =	ssyncadd.s32 $0xFFFFA000  }
0x45b: {  	_ =	swait.ge [sflag:s3], $0xA000  }
0x45c: {  	[sflag:s3] =	ssyncset.done $0x0  }
0x45d: {  	[sflag:s3] =	ssyncadd.s32 $0xFFFF6000  }
0x45e: {  	_ =	swait.ge [sflag:s3], $0xA000  }
0x45f: {  	[sflag:s3] =	ssyncset.done $0x0  }
0x460: {  	[sflag:s3] =	ssyncadd.s32 $0xFFFF6000  }
0x461: {  	_ =	swait.ge [sflag:s3], $0xA000  }
0x462: {  	[sflag:s3] =	ssyncset.done $0x0  }
0x463: {  	[sflag:s3] =	ssyncadd.s32 $0xFFFF6000  }
0x464: {  	_ =	swait.ge [sflag:s3], $0xA000  }
0x465: {  	[sflag:s3] =	ssyncset.done $0x0  }
0x466: {  	[sflag:s3] =	ssyncadd.s32 $0xFFFF6000  }
0x467: {  	_ =	swait.ge [sflag:s3], $0xA000  }
0x468: {  	[sflag:s3] =	ssyncset.done $0x0  }
0x469: {  	[sflag:s3] =	ssyncadd.s32 $0xFFFF6000  }
0x46a: {  	_ =	swait.ge [sflag:s3], $0xA000  }
0x46b: {  	[sflag:s3] =	ssyncset.done $0x0  }
0x46c: {  	[sflag:s3] =	ssyncadd.s32 $0xFFFF6000  }
0x46d: {  	_ =	swait.ge [sflag:s3], $0xA000  }
0x46e: {  	[sflag:s3] =	ssyncset.done $0x0  }
0x46f: {  	[sflag:s3] =	ssyncadd.s32 $0xFFFF6000  }
0x470: {  	_ =	swait.ge [sflag:s3], $0xA000  }
0x471: {  	[sflag:s3] =	ssyncset.done $0x0  }
0x472: {  	[sflag:s3] =	ssyncadd.s32 $0xFFFF6000  }
0x473: {  	_ =	swait.ge [sflag:s3], $0xA000  }
0x474: {  	[sflag:s3] =	ssyncset.done $0x0  }
0x475: {  	[sflag:s3] =	ssyncadd.s32 $0xFFFF6000  }
0x476: {  	_ =	swait.ge [sflag:s3], $0xA000  }
0x477: {  	[sflag:s3] =	ssyncset.done $0x0  }
0x478: {  	[sflag:s3] =	ssyncadd.s32 $0xFFFF6000  }
0x479: {  	_ =	swait.ge [sflag:s3], $0xA000  }
0x47a: {  	[sflag:s3] =	ssyncset.done $0x0  }
0x47b: {  	[sflag:s3] =	ssyncadd.s32 $0xFFFF6000  }
0x47c: {  	_ =	swait.ge [sflag:s3], $0xA000  }
0x47d: {  	[sflag:s3] =	ssyncset.done $0x0  }
0x47e: {  	[sflag:s3] =	ssyncadd.s32 $0xFFFF6000  }
0x47f: {  	_ =	swait.ge [sflag:s3], $0xA000  }
0x480: {  	[sflag:s3] =	ssyncset.done $0x0  }
0x481: {  	[sflag:s3] =	ssyncadd.s32 $0xFFFF6000  }
0x482: {  	_ =	swait.ge [sflag:s3], $0xA000  }
0x483: {  	[sflag:s3] =	ssyncset.done $0x0  }
0x484: {  	[sflag:s3] =	ssyncadd.s32 $0xFFFF6000  }
.Ltmp2:
0x485: {  	_ =	swait.ge [sflag:s3], $0xA000;
	(pc) =	sbr.rel @p1 .LBB2_4-.Ltmp2, $4  }
0x486: {  	[sflag:s3] =	ssyncset.done $0x0  }
0x487: {  	[sflag:s3] =	ssyncadd.s32 $0xFFFF6000  }
0x488: {  	_ =	swait.ge [sflag:s3], $0xA000  }
0x489: {  	s9 =	rddreg [dreg:$0x3];
	[sflag:s3] =	ssyncset.done $0x0  }
0x48a: {  	s29 =	sld [smem:$0x7D9]  }
0x48b: {  	s14 =	sld [smem:$0x7D0]  }
0x48c: {  	s15 =	sld [smem:$0x7C8]  }
0x48d: {  	s19 =	sld [smem:$0x7D5]  }
0x48e: {  	s18 =	sld [smem:$0x7DA]  }
0x48f: {  	s17 =	sld [smem:$0x7DC]  }
0x490: {  	s21 =	sld [smem:$0x7BD]  }
0x491: {  	s23 =	sld [smem:$0x75B]  }
0x492: {  	s28 =	sld [smem:$0x75C]  }
0x493: {  	s7 =	sld [smem:$0x75D]  }
0x494: {  	s26 =	sld [smem:$0x75E]  }
0x495: {  	s22 =	sld [smem:$0x760]  }
0x496: {  	s25 =	sld [smem:$0x75F]  }
0x497: {  	s30 =	sld [smem:$0x759]  }
0x498: {  	s11 =	sld [smem:$0x75A];
	s13 =	simm.s32 $0x4  }
.LBB2_6:
0x499: {  	[sflag:s3] =	ssyncadd.s32 @p0 $0xFFFF6000;
	s5 =	sld [smem:$0x7DD]  }
0x49a: {  	[tilespmem:s2], [sflag:$0x4] =	stream.linear.gather [hbm4b:s9+s2], $0xA000, $0x38;
	[tilespmem:$0x1C000] =	vst v63  }
0x49b: {  	s31 =	sld [smem:$0x7DE]  }
0x49c: {  	[tilespmem:s5], [sflag:$0x4] =	stream.linear.gather [hbm4b:s23+s2], $0x280, $0x38;
	[tilespmem:$0x1C000] =	vst v63  }
0x49d: {  	s0 =	sld [smem:$0x7DF]  }
0x49e: {  	[tilespmem:s31], [sflag:$0x4] =	stream.linear.gather [hbm4b:s28+s2], $0x280, $0x38;
	[tilespmem:$0x1C000] =	vst v63  }
0x49f: {  	s1 =	sld [smem:$0x7E1]  }
0x4a0: {  	[tilespmem:s0], [sflag:$0x4] =	stream.linear.gather [hbm4b:s7+s2], $0x280, $0x38;
	[tilespmem:$0x1C000] =	vst v63  }
0x4a1: {  	s4 =	sld [smem:$0x7E3]  }
0x4a2: {  	[tilespmem:s1], [sflag:$0x4] =	stream.linear.gather [hbm4b:s11+s2], $0x280, $0x38;
	[tilespmem:$0x1C000] =	vst v63  }
0x4a3: {  	s8 =	sld [smem:$0x7E4]  }
0x4a4: {  	[tilespmem:s4], [sflag:$0x4] =	stream.linear.gather [hbm4b:s25+s2], $0x280, $0x38;
	[tilespmem:$0x1C000] =	vst v63  }
0x4a5: {  	s31 =	sld [smem:$0x7E5]  }
0x4a6: {  	[tilespmem:s8], [sflag:$0x4] =	stream.linear.gather [hbm4b:s30+s2], $0x280, $0x38;
	[tilespmem:$0x1C000] =	vst v63  }
0x4a7: {  	s0 =	sld [smem:$0x7E7]  }
0x4a8: {  	[tilespmem:s31], [sflag:$0x4] =	stream.linear.gather [hbm4b:s26+s2], $0x280, $0x38;
	[tilespmem:$0x1C000] =	vst v63  }
0x4a9: {  	s1 =	sld [smem:$0x7E9]  }
0x4aa: {  	[tilespmem:s0], [sflag:$0x4] =	stream.linear.gather [hbm4b:s22+s2], $0x280, $0x38;
	[tilespmem:$0x1C000] =	vst v63  }
0x4ab: {  	s4 =	sld [smem:$0x7EA]  }
0x4ac: {  	[tilespmem:s1], [sflag:$0x4] =	stream.linear.gather [hbm4b:s23+s2], $0x280, $0x38;
	[tilespmem:$0x1C000] =	vst v63  }
0x4ad: {  	s8 =	sld [smem:$0x7EB]  }
0x4ae: {  	[tilespmem:s4], [sflag:$0x4] =	stream.linear.gather [hbm4b:s28+s2], $0x280, $0x38;
	[tilespmem:$0x1C000] =	vst v63  }
0x4af: {  	s31 =	sld [smem:$0x7ED]  }
0x4b0: {  	[tilespmem:s8], [sflag:$0x4] =	stream.linear.gather [hbm4b:s7+s2], $0x280, $0x38;
	[tilespmem:$0x1C000] =	vst v63  }
0x4b1: {  	s0 =	sld [smem:$0x7EF]  }
0x4b2: {  	[tilespmem:s31], [sflag:$0x4] =	stream.linear.gather [hbm4b:s11+s2], $0x280, $0x38;
	[tilespmem:$0x1C000] =	vst v63  }
0x4b3: {  	s1 =	sld [smem:$0x7F0]  }
0x4b4: {  	[tilespmem:s0], [sflag:$0x4] =	stream.linear.gather [hbm4b:s25+s2], $0x280, $0x38;
	[tilespmem:$0x1C000] =	vst v63  }
0x4b5: {  	s4 =	sld [smem:$0x7F1]  }
0x4b6: {  	[tilespmem:s1], [sflag:$0x4] =	stream.linear.gather [hbm4b:s30+s2], $0x280, $0x38;
	[tilespmem:$0x1C000] =	vst v63  }
0x4b7: {  	s8 =	sld [smem:$0x7F3]  }
0x4b8: {  	[tilespmem:s4], [sflag:$0x4] =	stream.linear.gather [hbm4b:s26+s2], $0x280, $0x38;
	[tilespmem:$0x1C000] =	vst v63  }
0x4b9: {  	s31 =	sld [smem:$0x7F5]  }
0x4ba: {  	[tilespmem:s8], [sflag:$0x4] =	stream.linear.gather [hbm4b:s22+s2], $0x280, $0x38;
	[tilespmem:$0x1C000] =	vst v63  }
0x4bb: {  	s0 =	sld [smem:$0x7F6]  }
0x4bc: {  	[tilespmem:s31], [sflag:$0x4] =	stream.linear.gather [hbm4b:s23+s2], $0x280, $0x38;
	[tilespmem:$0x1C000] =	vst v63  }
0x4bd: {  	s1 =	sld [smem:$0x7F7]  }
0x4be: {  	[tilespmem:s0], [sflag:$0x4] =	stream.linear.gather [hbm4b:s28+s2], $0x280, $0x38;
	[tilespmem:$0x1C000] =	vst v63  }
0x4bf: {  	s4 =	sld [smem:$0x7F9]  }
0x4c0: {  	[tilespmem:s1], [sflag:$0x4] =	stream.linear.gather [hbm4b:s7+s2], $0x280, $0x38;
	[tilespmem:$0x1C000] =	vst v63  }
0x4c1: {  	s8 =	sld [smem:$0x7FA]  }
0x4c2: {  	[tilespmem:s4], [sflag:$0x4] =	stream.linear.gather [hbm4b:s11+s2], $0x280, $0x38;
	[tilespmem:$0x1C000] =	vst v63  }
0x4c3: {  	s23 =	sld [smem:$0x7FB]  }
0x4c4: {  	[tilespmem:s8], [sflag:$0x4] =	stream.linear.gather [hbm4b:s25+s2], $0x280, $0x38;
	[tilespmem:$0x1C000] =	vst v63  }
0x4c5: {  	s0 =	sld [smem:$0x7FC]  }
0x4c6: {  	[tilespmem:s23], [sflag:$0x4] =	stream.linear.gather [hbm4b:s30+s2], $0x280, $0x38;
	[tilespmem:$0x1C000] =	vst v63  }
0x4c7: {  	s1 =	sld [smem:$0x7FD]  }
0x4c8: {  	[tilespmem:s0], [sflag:$0x4] =	stream.linear.gather [hbm4b:s26+s2], $0x280, $0x38;
	[tilespmem:$0x1C000] =	vst v63  }
0x4c9: {  	_ = 	snop  }
0x4ca: {  	[tilespmem:s1], [sflag:$0x4] =	stream.linear.gather [hbm4b:s22+s2], $0x280, $0x38;
	[tilespmem:$0x1C000] =	vst v63  }
0x4cb: {  	s25 =	sld [smem:$0x7C2]  }
0x4cc: {  	[tilespmem:s20], [sflag:$0x1] =	stream.linear.gather [hbm4b:s15+s2], $0x980, $0x38;
	[tilespmem:$0x1C000] =	vst v63  }
0x4cd: {  	s4 =	simm.s32 $0xAC00;
	s26 =	sld [smem:$0x7C3]  }
0x4ce: {  	[tilespmem:s4], [sflag:$0x1] =	stream.linear.gather [hbm4b:s25+s2], $0x980, $0x38;
	[tilespmem:$0x1C000] =	vst v63  }
0x4cf: {  	s28 =	sld [smem:$0x7C4];
	s30 =	simm.s32 $0xB800  }
0x4d0: {  	[tilespmem:s30], [sflag:$0x1] =	stream.linear.gather [hbm4b:s26+s2], $0x980, $0x38;
	[tilespmem:$0x1C000] =	vst v63  }
0x4d1: {  	s5 =	simm.s32 $0xC400;
	s31 =	sld [smem:$0x7C5]  }
0x4d2: {  	[tilespmem:s5], [sflag:$0x1] =	stream.linear.gather [hbm4b:s28+s2], $0x980, $0x38;
	[tilespmem:$0x1C000] =	vst v63  }
0x4d3: {  	s7 =	sld [smem:$0x7C6];
	s22 =	simm.s32 $0xD000  }
0x4d4: {  	[tilespmem:s22], [sflag:$0x1] =	stream.linear.gather [hbm4b:s31+s2], $0x980, $0x38;
	[tilespmem:$0x1C000] =	vst v63  }
0x4d5: {  	s23 =	sld [smem:$0x7C7];
	s25 =	simm.s32 $0xDC00  }
0x4d6: {  	[tilespmem:s25], [sflag:$0x1] =	stream.linear.gather [hbm4b:s7+s2], $0x980, $0x38;
	[tilespmem:$0x1C000] =	vst v63  }
0x4d7: {  	s26 =	sld [smem:$0x7C9];
	s28 =	simm.s32 $0xE800  }
0x4d8: {  	[tilespmem:s28], [sflag:$0x1] =	stream.linear.gather [hbm4b:s23+s2], $0x980, $0x38;
	[tilespmem:$0x1C000] =	vst v63  }
0x4d9: {  	s30 =	simm.s32 $0xF400  }
0x4da: {  	[tilespmem:s30], [sflag:$0x1] =	stream.linear.gather [hbm4b:s26+s2], $0x980, $0x38;
	[tilespmem:$0x1C000] =	vst v63  }
0x4db: {  	s4 =	sld [smem:$0x7CA];
	s5 =	simm.s32 $0x10000  }
0x4dc: {  	[tilespmem:s5], [sflag:$0x1] =	stream.linear.gather [hbm4b:s14+s2], $0x980, $0x38;
	[tilespmem:$0x1C000] =	vst v63  }
0x4dd: {  	s22 =	simm.s32 $0x10C00;
	s14 =	sld [smem:$0x7CB]  }
0x4de: {  	[tilespmem:s22], [sflag:$0x1] =	stream.linear.gather [hbm4b:s4+s2], $0x980, $0x38;
	[tilespmem:$0x1C000] =	vst v63  }
0x4df: {  	s25 =	simm.s32 $0x11800;
	s23 =	sld [smem:$0x7CC]  }
0x4e0: {  	[tilespmem:s25], [sflag:$0x1] =	stream.linear.gather [hbm4b:s14+s2], $0x980, $0x38;
	[tilespmem:$0x1C000] =	vst v63  }
0x4e1: {  	s28 =	simm.s32 $0x12400;
	s26 =	sld [smem:$0x7CD]  }
0x4e2: {  	[tilespmem:s28], [sflag:$0x1] =	stream.linear.gather [hbm4b:s23+s2], $0x980, $0x38;
	[tilespmem:$0x1C000] =	vst v63  }
0x4e3: {  	s30 =	sld [smem:$0x7CE];
	s23 =	simm.s32 $0x13000  }
0x4e4: {  	[tilespmem:s23], [sflag:$0x1] =	stream.linear.gather [hbm4b:s26+s2], $0x980, $0x38;
	[tilespmem:$0x1C000] =	vst v63  }
0x4e5: {  	s25 =	sld [smem:$0x7CF];
	s26 =	simm.s32 $0x13C00  }
0x4e6: {  	[tilespmem:s26], [sflag:$0x1] =	stream.linear.gather [hbm4b:s30+s2], $0x980, $0x38;
	[tilespmem:$0x1C000] =	vst v63  }
0x4e7: {  	s28 =	sld [smem:$0x7D1];
	s30 =	simm.s32 $0x14800  }
0x4e8: {  	[tilespmem:s30], [sflag:$0x1] =	stream.linear.gather [hbm4b:s25+s2], $0x980, $0x38;
	[tilespmem:$0x1C000] =	vst v63  }
0x4e9: {  	s4 =	simm.s32 $0x15400  }
0x4ea: {  	[tilespmem:s4], [sflag:$0x1] =	stream.linear.gather [hbm4b:s28+s2], $0x980, $0x38;
	[tilespmem:$0x1C000] =	vst v63  }
0x4eb: {  	s25 =	sld [smem:$0x7D2];
	s4 =	simm.s32 $0x16000  }
0x4ec: {  	[tilespmem:s4], [sflag:$0x1] =	stream.linear.gather [hbm4b:s29+s2], $0x980, $0x38;
	[tilespmem:$0x1C000] =	vst v63  }
0x4ed: {  	s26 =	sld [smem:$0x7D3];
	s28 =	simm.s32 $0x16C00  }
0x4ee: {  	[tilespmem:s28], [sflag:$0x1] =	stream.linear.gather [hbm4b:s25+s2], $0x980, $0x38;
	[tilespmem:$0x1C000] =	vst v63  }
0x4ef: {  	s30 =	sld [smem:$0x7D4];
	s25 =	simm.s32 $0x17800  }
0x4f0: {  	[tilespmem:s25], [sflag:$0x1] =	stream.linear.gather [hbm4b:s26+s2], $0x980, $0x38;
	[tilespmem:$0x1C000] =	vst v63  }
0x4f1: {  	s28 =	simm.s32 $0x18400;
	s26 =	sld [smem:$0x7D6]  }
0x4f2: {  	[tilespmem:s28], [sflag:$0x1] =	stream.linear.gather [hbm4b:s30+s2], $0x980, $0x38;
	[tilespmem:$0x1C000] =	vst v63  }
0x4f3: {  	s25 =	simm.s32 $0x19000;
	s30 =	sld [smem:$0x7D7]  }
0x4f4: {  	[tilespmem:s25], [sflag:$0x1] =	stream.linear.gather [hbm4b:s26+s2], $0x980, $0x38;
	[tilespmem:$0x1C000] =	vst v63  }
0x4f5: {  	s28 =	simm.s32 $0x19C00;
	s26 =	sld [smem:$0x7D8]  }
0x4f6: {  	[tilespmem:s28], [sflag:$0x1] =	stream.linear.gather [hbm4b:s30+s2], $0x980, $0x38;
	[tilespmem:$0x1C000] =	vst v63  }
0x4f7: {  	s25 =	simm.s32 $0x1A800;
	s30 =	sld [smem:$0x7DB]  }
0x4f8: {  	[tilespmem:s25], [sflag:$0x1] =	stream.linear.gather [hbm4b:s26+s2], $0x980, $0x38;
	[tilespmem:$0x1C000] =	vst v63  }
0x4f9: {  	s26 =	simm.s32 $0x1B400  }
0x4fa: {  	[tilespmem:s26], [sflag:$0x1] =	stream.linear.gather [hbm4b:s30+s2], $0x980, $0x38;
	[tilespmem:$0x1C000] =	vst v63  }
0x4fb: {  	_ =	swait.ge [sflag:s13], $0xA000  }
0x4fc: {  	[sflag:s13] =	ssyncset.done $0x0  }
0x4fd: {  	[sflag:s13] =	ssyncadd.s32 $0xFFFF6000  }
0x4fe: {  	_ =	swait.ge [sflag:s13], $0x1400  }
0x4ff: {  	[sflag:s13] =	ssyncset.done $0x0  }
0x500: {  	[sflag:s13] =	ssyncadd.s32 $0xFFFFEC00  }
0x501: {  	_ =	swait.ge [sflag:s13], $0x1400  }
0x502: {  	[sflag:s13] =	ssyncset.done $0x0  }
0x503: {  	[sflag:s13] =	ssyncadd.s32 $0xFFFFEC00  }
0x504: {  	_ =	swait.ge [sflag:s13], $0x1400  }
0x505: {  	[sflag:s13] =	ssyncset.done $0x0  }
0x506: {  	s28 =	rddreg [dreg:$0x4];
	[sflag:s13] =	ssyncadd.s32 $0xFFFFEC00  }
0x507: {  	[hbm4b:s28+s16] =	stream.strided.scatter [tilespmem:s2], [sflag:$0x3], $0xA000, s10, s16, $0x38;
	[tilespmem:$0x1C000] =	vst v63  }
0x508: {  	_ =	swait.ge [sflag:s12], $0x4C00  }
0x509: {  	[sflag:s12] =	ssyncset.done $0x0  }
0x50a: {  	s30 =	rddreg [dreg:$0x5];
	[sflag:s12] =	ssyncadd.s32 $0xFFFFB400  }
0x50b: {  	[hbm4b:s30+s24] =	stream.strided.scatter [tilespmem:s20], [sflag:$0x2], $0x6000, s10, s24, $0x38;
	[tilespmem:$0x1C000] =	vst v63  }
0x50c: {  	_ =	swait.ge [sflag:s6], $0x6000  }
0x50d: {  	[sflag:s6] =	ssyncset.done $0x0  }
0x50e: {  	[sflag:s6] =	ssyncadd.s32 $0xFFFFA000  }
0x50f: {  	[tilespmem:s20], [sflag:$0x1] =	stream.linear.gather [hbm4b:s19+s2], $0x980, $0x38;
	[tilespmem:$0x1C000] =	vst v63  }
0x510: {  	s8 =	simm.s32 $0xAC00;
	s1 =	sadd.s32 $0x180, s19  }
0x511: {  	[tilespmem:s8], [sflag:$0x1] =	stream.linear.gather [hbm4b:s1+s2], $0x980, $0x38;
	[tilespmem:$0x1C000] =	vst v63  }
0x512: {  	s9 =	simm.s32 $0xB800;
	s8 =	sadd.s32 $0x300, s19  }
0x513: {  	[tilespmem:s9], [sflag:$0x1] =	stream.linear.gather [hbm4b:s8+s2], $0x980, $0x38;
	[tilespmem:$0x1C000] =	vst v63  }
0x514: {  	s11 =	simm.s32 $0xC400;
	s13 =	sadd.s32 $0x480, s19  }
0x515: {  	[tilespmem:s11], [sflag:$0x1] =	stream.linear.gather [hbm4b:s13+s2], $0x980, $0x38;
	[tilespmem:$0x1C000] =	vst v63  }
0x516: {  	s15 =	simm.s32 $0xD000;
	s25 =	sadd.s32 $0x600, s19  }
0x517: {  	[tilespmem:s15], [sflag:$0x1] =	stream.linear.gather [hbm4b:s25+s2], $0x980, $0x38;
	[tilespmem:$0x1C000] =	vst v63  }
0x518: {  	s7 =	simm.s32 $0xDC00;
	s26 =	sadd.s32 $0x780, s19  }
0x519: {  	[tilespmem:s7], [sflag:$0x1] =	stream.linear.gather [hbm4b:s26+s2], $0x980, $0x38;
	[tilespmem:$0x1C000] =	vst v63  }
0x51a: {  	s31 =	simm.s32 $0xE800;
	s28 =	sadd.s32 $0x900, s19  }
0x51b: {  	[tilespmem:s31], [sflag:$0x1] =	stream.linear.gather [hbm4b:s28+s2], $0x980, $0x38;
	[tilespmem:$0x1C000] =	vst v63  }
0x51c: {  	s30 =	sadd.s32 $0xA80, s19;
	s13 =	simm.s32 $0xF400  }
0x51d: {  	[tilespmem:s13], [sflag:$0x1] =	stream.linear.gather [hbm4b:s30+s2], $0x980, $0x38;
	[tilespmem:$0x1C000] =	vst v63  }
0x51e: {  	s31 =	rddreg [dreg:$0x6]  }
0x51f: {  	[hbm4b:s31+s16] =	stream.strided.scatter [tilespmem:s2], [sflag:$0x3], $0xA000, s10, s16, $0x38;
	[tilespmem:$0x1C000] =	vst v63  }
0x520: {  	_ =	swait.ge [sflag:s12], $0x4C00  }
0x521: {  	[sflag:s12] =	ssyncset.done $0x0  }
0x522: {  	s1 =	rddreg [dreg:$0x7];
	[sflag:s12] =	ssyncadd.s32 $0xFFFFB400  }
0x523: {  	[hbm4b:s1+s24] =	stream.strided.scatter [tilespmem:s5], [sflag:$0x2], $0x6000, s10, s24, $0x38;
	[tilespmem:$0x1C000] =	vst v63  }
0x524: {  	_ =	swait.ge [sflag:s6], $0x6000  }
0x525: {  	[sflag:s6] =	ssyncset.done $0x0  }
0x526: {  	[sflag:s6] =	ssyncadd.s32 $0xFFFFA000  }
0x527: {  	[tilespmem:s5], [sflag:$0x1] =	stream.linear.gather [hbm4b:s18+s2], $0x980, $0x38;
	[tilespmem:$0x1C000] =	vst v63  }
0x528: {  	s22 =	simm.s32 $0x10C00;
	s7 =	sadd.s32 $0x180, s18  }
0x529: {  	[tilespmem:s22], [sflag:$0x1] =	stream.linear.gather [hbm4b:s7+s2], $0x980, $0x38;
	[tilespmem:$0x1C000] =	vst v63  }
0x52a: {  	s14 =	simm.s32 $0x11800;
	s8 =	sadd.s32 $0x300, s18  }
0x52b: {  	[tilespmem:s14], [sflag:$0x1] =	stream.linear.gather [hbm4b:s8+s2], $0x980, $0x38;
	[tilespmem:$0x1C000] =	vst v63  }
0x52c: {  	s9 =	sadd.s32 $0x480, s18;
	s26 =	simm.s32 $0x12400  }
0x52d: {  	[tilespmem:s26], [sflag:$0x1] =	stream.linear.gather [hbm4b:s9+s2], $0x980, $0x38;
	[tilespmem:$0x1C000] =	vst v63  }
0x52e: {  	s11 =	sadd.s32 $0x600, s18;
	s25 =	simm.s32 $0x13000  }
0x52f: {  	[tilespmem:s25], [sflag:$0x1] =	stream.linear.gather [hbm4b:s11+s2], $0x980, $0x38;
	[tilespmem:$0x1C000] =	vst v63  }
0x530: {  	s23 =	simm.s32 $0x13C00;
	s14 =	sadd.s32 $0x780, s18  }
0x531: {  	[tilespmem:s23], [sflag:$0x1] =	stream.linear.gather [hbm4b:s14+s2], $0x980, $0x38;
	[tilespmem:$0x1C000] =	vst v63  }
0x532: {  	s15 =	sadd.s32 $0x900, s18;
	s28 =	simm.s32 $0x14800  }
0x533: {  	[tilespmem:s28], [sflag:$0x1] =	stream.linear.gather [hbm4b:s15+s2], $0x980, $0x38;
	[tilespmem:$0x1C000] =	vst v63  }
0x534: {  	s18 =	sadd.s32 $0xA80, s18;
	s23 =	simm.s32 $0x15400  }
0x535: {  	[tilespmem:s23], [sflag:$0x1] =	stream.linear.gather [hbm4b:s18+s2], $0x980, $0x38;
	[tilespmem:$0x1C000] =	vst v63  }
0x536: {  	s19 =	rddreg [dreg:$0x8]  }
0x537: {  	[hbm4b:s19+s16] =	stream.strided.scatter [tilespmem:s2], [sflag:$0x3], $0xA000, s10, s16, $0x38;
	[tilespmem:$0x1C000] =	vst v63  }
0x538: {  	_ =	swait.ge [sflag:s12], $0x4C00  }
0x539: {  	[sflag:s12] =	ssyncset.done $0x0  }
0x53a: {  	s22 =	rddreg [dreg:$0x9];
	[sflag:s12] =	ssyncadd.s32 $0xFFFFB400  }
0x53b: {  	[hbm4b:s22+s24] =	stream.strided.scatter [tilespmem:s4], [sflag:$0x2], $0x6000, s10, s24, $0x38;
	[tilespmem:$0x1C000] =	vst v63  }
0x53c: {  	_ =	swait.ge [sflag:s6], $0x6000  }
0x53d: {  	[sflag:s6] =	ssyncset.done $0x0  }
0x53e: {  	[sflag:s6] =	ssyncadd.s32 $0xFFFFA000  }
0x53f: {  	[tilespmem:s4], [sflag:$0x1] =	stream.linear.gather [hbm4b:s17+s2], $0x980, $0x38;
	[tilespmem:$0x1C000] =	vst v63  }
0x540: {  	s30 =	sadd.s32 $0x180, s17;
	s22 =	simm.s32 $0x16C00  }
0x541: {  	[tilespmem:s22], [sflag:$0x1] =	stream.linear.gather [hbm4b:s30+s2], $0x980, $0x38;
	[tilespmem:$0x1C000] =	vst v63  }
0x542: {  	s31 =	sadd.s32 $0x300, s17;
	s14 =	simm.s32 $0x17800  }
0x543: {  	[tilespmem:s14], [sflag:$0x1] =	stream.linear.gather [hbm4b:s31+s2], $0x980, $0x38;
	[tilespmem:$0x1C000] =	vst v63  }
0x544: {  	s1 =	sadd.s32 $0x480, s17;
	s8 =	simm.s32 $0x18400  }
0x545: {  	[tilespmem:s8], [sflag:$0x1] =	stream.linear.gather [hbm4b:s1+s2], $0x980, $0x38;
	[tilespmem:$0x1C000] =	vst v63  }
0x546: {  	s7 =	sadd.s32 $0x600, s17;
	s9 =	simm.s32 $0x19000  }
0x547: {  	[tilespmem:s9], [sflag:$0x1] =	stream.linear.gather [hbm4b:s7+s2], $0x980, $0x38;
	[tilespmem:$0x1C000] =	vst v63  }
0x548: {  	s11 =	sadd.s32 $0x780, s17;
	s19 =	simm.s32 $0x19C00  }
0x549: {  	[tilespmem:s19], [sflag:$0x1] =	stream.linear.gather [hbm4b:s11+s2], $0x980, $0x38;
	[tilespmem:$0x1C000] =	vst v63  }
0x54a: {  	s15 =	sadd.s32 $0x900, s17;
	s18 =	simm.s32 $0x1A800  }
0x54b: {  	[tilespmem:s18], [sflag:$0x1] =	stream.linear.gather [hbm4b:s15+s2], $0x980, $0x38;
	[tilespmem:$0x1C000] =	vst v63  }
0x54c: {  	s29 =	simm.s32 $0x1B400;
	s30 =	sadd.s32 $0xA80, s17  }
0x54d: {  	[tilespmem:s29], [sflag:$0x1] =	stream.linear.gather [hbm4b:s30+s2], $0x980, $0x38;
	[tilespmem:$0x1C000] =	vst v63  }
0x54e: {  	s31 =	rddreg [dreg:$0xa]  }
0x54f: {  	[hbm4b:s31+s16] =	stream.strided.scatter [tilespmem:s2], [sflag:$0x3], $0xA000, s10, s16, $0x38;
	[tilespmem:$0x1C000] =	vst v63  }
0x550: {  	_ =	swait.ge [sflag:s12], $0x4C00  }
0x551: {  	[sflag:s12] =	ssyncset.done $0x0  }
0x552: {  	s7 =	rddreg [dreg:$0xb];
	[sflag:s12] =	ssyncadd.s32 $0xFFFFB400  }
0x553: {  	[hbm4b:s7+s24] =	stream.strided.scatter [tilespmem:s20], [sflag:$0x2], $0x6000, s10, s24, $0x38;
	[tilespmem:$0x1C000] =	vst v63  }
0x554: {  	_ =	swait.ge [sflag:s6], $0x6000  }
0x555: {  	s31 =	sld [smem:$0x7E0]  }
0x556: {  	[sflag:s6] =	ssyncset.done $0x0  }
0x557: {  	[sflag:s6] =	ssyncadd.s32 $0xFFFFA000  }
0x558: {  	[tilespmem:s20], [sflag:$0x1] =	stream.linear.gather [hbm4b:s31+s2], $0x980, $0x38;
	[tilespmem:$0x1C000] =	vst v63  }
0x559: {  	s7 =	simm.s32 $0xAC00;
	s9 =	sadd.s32 $0x180, s31  }
0x55a: {  	[tilespmem:s7], [sflag:$0x1] =	stream.linear.gather [hbm4b:s9+s2], $0x980, $0x38;
	[tilespmem:$0x1C000] =	vst v63  }
0x55b: {  	s17 =	simm.s32 $0xB800;
	s11 =	sadd.s32 $0x300, s31  }
0x55c: {  	[tilespmem:s17], [sflag:$0x1] =	stream.linear.gather [hbm4b:s11+s2], $0x980, $0x38;
	[tilespmem:$0x1C000] =	vst v63  }
0x55d: {  	s15 =	sadd.s32 $0x480, s31;
	s11 =	simm.s32 $0xC400  }
0x55e: {  	[tilespmem:s11], [sflag:$0x1] =	stream.linear.gather [hbm4b:s15+s2], $0x980, $0x38;
	[tilespmem:$0x1C000] =	vst v63  }
0x55f: {  	s29 =	sadd.s32 $0x600, s31;
	s15 =	simm.s32 $0xD000  }
0x560: {  	[tilespmem:s15], [sflag:$0x1] =	stream.linear.gather [hbm4b:s29+s2], $0x980, $0x38;
	[tilespmem:$0x1C000] =	vst v63  }
0x561: {  	s30 =	sadd.s32 $0x780, s31;
	s29 =	simm.s32 $0xDC00  }
0x562: {  	[tilespmem:s29], [sflag:$0x1] =	stream.linear.gather [hbm4b:s30+s2], $0x980, $0x38;
	[tilespmem:$0x1C000] =	vst v63  }
0x563: {  	s1 =	sadd.s32 $0x900, s31;
	s9 =	simm.s32 $0xE800  }
0x564: {  	[tilespmem:s9], [sflag:$0x1] =	stream.linear.gather [hbm4b:s1+s2], $0x980, $0x38;
	[tilespmem:$0x1C000] =	vst v63  }
0x565: {  	s30 =	sadd.s32 $0xA80, s31  }
0x566: {  	[tilespmem:s13], [sflag:$0x1] =	stream.linear.gather [hbm4b:s30+s2], $0x980, $0x38;
	[tilespmem:$0x1C000] =	vst v63  }
0x567: {  	s31 =	rddreg [dreg:$0xc]  }
0x568: {  	[hbm4b:s31+s16] =	stream.strided.scatter [tilespmem:s2], [sflag:$0x3], $0xA000, s10, s16, $0x38;
	[tilespmem:$0x1C000] =	vst v63  }
0x569: {  	_ =	swait.ge [sflag:s12], $0x4C00  }
0x56a: {  	[sflag:s12] =	ssyncset.done $0x0  }
0x56b: {  	s1 =	rddreg [dreg:$0xd];
	[sflag:s12] =	ssyncadd.s32 $0xFFFFB400  }
0x56c: {  	[hbm4b:s1+s24] =	stream.strided.scatter [tilespmem:s5], [sflag:$0x2], $0x6000, s10, s24, $0x38;
	[tilespmem:$0x1C000] =	vst v63  }
0x56d: {  	_ =	swait.ge [sflag:s6], $0x6000  }
0x56e: {  	s31 =	sld [smem:$0x7E2]  }
0x56f: {  	[sflag:s6] =	ssyncset.done $0x0  }
0x570: {  	[sflag:s6] =	ssyncadd.s32 $0xFFFFA000  }
0x571: {  	[tilespmem:s5], [sflag:$0x1] =	stream.linear.gather [hbm4b:s31+s2], $0x980, $0x38;
	[tilespmem:$0x1C000] =	vst v63  }
0x572: {  	s30 =	simm.s32 $0x10C00;
	s13 =	sadd.s32 $0x180, s31  }
0x573: {  	[tilespmem:s30], [sflag:$0x1] =	stream.linear.gather [hbm4b:s13+s2], $0x980, $0x38;
	[tilespmem:$0x1C000] =	vst v63  }
0x574: {  	s1 =	sadd.s32 $0x300, s31;
	s13 =	simm.s32 $0x11800  }
0x575: {  	[tilespmem:s13], [sflag:$0x1] =	stream.linear.gather [hbm4b:s1+s2], $0x980, $0x38;
	[tilespmem:$0x1C000] =	vst v63  }
0x576: {  	s1 =	sadd.s32 $0x480, s31  }
0x577: {  	[tilespmem:s26], [sflag:$0x1] =	stream.linear.gather [hbm4b:s1+s2], $0x980, $0x38;
	[tilespmem:$0x1C000] =	vst v63  }
0x578: {  	s26 =	sadd.s32 $0x600, s31  }
0x579: {  	[tilespmem:s25], [sflag:$0x1] =	stream.linear.gather [hbm4b:s26+s2], $0x980, $0x38;
	[tilespmem:$0x1C000] =	vst v63  }
0x57a: {  	s1 =	sadd.s32 $0x780, s31;
	s25 =	simm.s32 $0x13C00  }
0x57b: {  	[tilespmem:s25], [sflag:$0x1] =	stream.linear.gather [hbm4b:s1+s2], $0x980, $0x38;
	[tilespmem:$0x1C000] =	vst v63  }
0x57c: {  	s26 =	sadd.s32 $0x900, s31  }
0x57d: {  	[tilespmem:s28], [sflag:$0x1] =	stream.linear.gather [hbm4b:s26+s2], $0x980, $0x38;
	[tilespmem:$0x1C000] =	vst v63  }
0x57e: {  	s28 =	sadd.s32 $0xA80, s31  }
0x57f: {  	[tilespmem:s23], [sflag:$0x1] =	stream.linear.gather [hbm4b:s28+s2], $0x980, $0x38;
	[tilespmem:$0x1C000] =	vst v63  }
0x580: {  	s31 =	rddreg [dreg:$0xe]  }
0x581: {  	[hbm4b:s31+s16] =	stream.strided.scatter [tilespmem:s2], [sflag:$0x3], $0xA000, s10, s16, $0x38;
	[tilespmem:$0x1C000] =	vst v63  }
0x582: {  	_ =	swait.ge [sflag:s12], $0x4C00  }
0x583: {  	[sflag:s12] =	ssyncset.done $0x0  }
0x584: {  	s1 =	rddreg [dreg:$0xf];
	[sflag:s12] =	ssyncadd.s32 $0xFFFFB400  }
0x585: {  	[hbm4b:s1+s24] =	stream.strided.scatter [tilespmem:s4], [sflag:$0x2], $0x6000, s10, s24, $0x38;
	[tilespmem:$0x1C000] =	vst v63  }
0x586: {  	_ =	swait.ge [sflag:s6], $0x6000  }
0x587: {  	s31 =	sld [smem:$0x7E6]  }
0x588: {  	[sflag:s6] =	ssyncset.done $0x0  }
0x589: {  	[sflag:s6] =	ssyncadd.s32 $0xFFFFA000  }
0x58a: {  	[tilespmem:s4], [sflag:$0x1] =	stream.linear.gather [hbm4b:s31+s2], $0x980, $0x38;
	[tilespmem:$0x1C000] =	vst v63  }
0x58b: {  	s23 =	sadd.s32 $0x180, s31  }
0x58c: {  	[tilespmem:s22], [sflag:$0x1] =	stream.linear.gather [hbm4b:s23+s2], $0x980, $0x38;
	[tilespmem:$0x1C000] =	vst v63  }
0x58d: {  	s26 =	sadd.s32 $0x300, s31  }
0x58e: {  	[tilespmem:s14], [sflag:$0x1] =	stream.linear.gather [hbm4b:s26+s2], $0x980, $0x38;
	[tilespmem:$0x1C000] =	vst v63  }
0x58f: {  	s1 =	sadd.s32 $0x480, s31  }
0x590: {  	[tilespmem:s8], [sflag:$0x1] =	stream.linear.gather [hbm4b:s1+s2], $0x980, $0x38;
	[tilespmem:$0x1C000] =	vst v63  }
0x591: {  	s23 =	sadd.s32 $0x600, s31;
	s26 =	simm.s32 $0x19000  }
0x592: {  	[tilespmem:s26], [sflag:$0x1] =	stream.linear.gather [hbm4b:s23+s2], $0x980, $0x38;
	[tilespmem:$0x1C000] =	vst v63  }
0x593: {  	s23 =	sadd.s32 $0x780, s31  }
0x594: {  	[tilespmem:s19], [sflag:$0x1] =	stream.linear.gather [hbm4b:s23+s2], $0x980, $0x38;
	[tilespmem:$0x1C000] =	vst v63  }
0x595: {  	s1 =	sadd.s32 $0x900, s31  }
0x596: {  	[tilespmem:s18], [sflag:$0x1] =	stream.linear.gather [hbm4b:s1+s2], $0x980, $0x38;
	[tilespmem:$0x1C000] =	vst v63  }
0x597: {  	s19 =	sadd.s32 $0xA80, s31;
	s31 =	simm.s32 $0x1B400  }
0x598: {  	[tilespmem:s31], [sflag:$0x1] =	stream.linear.gather [hbm4b:s19+s2], $0x980, $0x38;
	[tilespmem:$0x1C000] =	vst v63  }
0x599: {  	s23 =	rddreg [dreg:$0x10]  }
0x59a: {  	[hbm4b:s23+s16] =	stream.strided.scatter [tilespmem:s2], [sflag:$0x3], $0xA000, s10, s16, $0x38;
	[tilespmem:$0x1C000] =	vst v63  }
0x59b: {  	_ =	swait.ge [sflag:s12], $0x4C00  }
0x59c: {  	[sflag:s12] =	ssyncset.done $0x0  }
0x59d: {  	s18 =	rddreg [dreg:$0x11];
	[sflag:s12] =	ssyncadd.s32 $0xFFFFB400  }
0x59e: {  	[hbm4b:s18+s24] =	stream.strided.scatter [tilespmem:s20], [sflag:$0x2], $0x6000, s10, s24, $0x38;
	[tilespmem:$0x1C000] =	vst v63  }
0x59f: {  	_ =	swait.ge [sflag:s6], $0x6000  }
0x5a0: {  	s31 =	sld [smem:$0x7E8]  }
0x5a1: {  	[sflag:s6] =	ssyncset.done $0x0  }
0x5a2: {  	[sflag:s6] =	ssyncadd.s32 $0xFFFFA000  }
0x5a3: {  	[tilespmem:s20], [sflag:$0x1] =	stream.linear.gather [hbm4b:s31+s2], $0x980, $0x38;
	[tilespmem:$0x1C000] =	vst v63  }
0x5a4: {  	s19 =	sadd.s32 $0x180, s31  }
0x5a5: {  	[tilespmem:s7], [sflag:$0x1] =	stream.linear.gather [hbm4b:s19+s2], $0x980, $0x38;
	[tilespmem:$0x1C000] =	vst v63  }
0x5a6: {  	s23 =	sadd.s32 $0x300, s31  }
0x5a7: {  	[tilespmem:s17], [sflag:$0x1] =	stream.linear.gather [hbm4b:s23+s2], $0x980, $0x38;
	[tilespmem:$0x1C000] =	vst v63  }
0x5a8: {  	s1 =	sadd.s32 $0x480, s31  }
0x5a9: {  	[tilespmem:s11], [sflag:$0x1] =	stream.linear.gather [hbm4b:s1+s2], $0x980, $0x38;
	[tilespmem:$0x1C000] =	vst v63  }
0x5aa: {  	s7 =	sadd.s32 $0x600, s31  }
0x5ab: {  	[tilespmem:s15], [sflag:$0x1] =	stream.linear.gather [hbm4b:s7+s2], $0x980, $0x38;
	[tilespmem:$0x1C000] =	vst v63  }
0x5ac: {  	s11 =	sadd.s32 $0x780, s31  }
0x5ad: {  	[tilespmem:s29], [sflag:$0x1] =	stream.linear.gather [hbm4b:s11+s2], $0x980, $0x38;
	[tilespmem:$0x1C000] =	vst v63  }
0x5ae: {  	s15 =	sadd.s32 $0x900, s31  }
0x5af: {  	[tilespmem:s9], [sflag:$0x1] =	stream.linear.gather [hbm4b:s15+s2], $0x980, $0x38;
	[tilespmem:$0x1C000] =	vst v63  }
0x5b0: {  	s23 =	sadd.s32 $0xA80, s31;
	s31 =	simm.s32 $0xF400  }
0x5b1: {  	[tilespmem:s31], [sflag:$0x1] =	stream.linear.gather [hbm4b:s23+s2], $0x980, $0x38;
	[tilespmem:$0x1C000] =	vst v63  }
0x5b2: {  	s29 =	rddreg [dreg:$0x12]  }
0x5b3: {  	[hbm4b:s29+s16] =	stream.strided.scatter [tilespmem:s2], [sflag:$0x3], $0xA000, s10, s16, $0x38;
	[tilespmem:$0x1C000] =	vst v63  }
0x5b4: {  	_ =	swait.ge [sflag:s12], $0x4C00  }
0x5b5: {  	[sflag:s12] =	ssyncset.done $0x0  }
0x5b6: {  	s1 =	rddreg [dreg:$0x13];
	[sflag:s12] =	ssyncadd.s32 $0xFFFFB400  }
0x5b7: {  	[hbm4b:s1+s24] =	stream.strided.scatter [tilespmem:s5], [sflag:$0x2], $0x6000, s10, s24, $0x38;
	[tilespmem:$0x1C000] =	vst v63  }
0x5b8: {  	_ =	swait.ge [sflag:s6], $0x6000  }
0x5b9: {  	s31 =	sld [smem:$0x7EC]  }
0x5ba: {  	[sflag:s6] =	ssyncset.done $0x0  }
0x5bb: {  	[sflag:s6] =	ssyncadd.s32 $0xFFFFA000  }
0x5bc: {  	[tilespmem:s5], [sflag:$0x1] =	stream.linear.gather [hbm4b:s31+s2], $0x980, $0x38;
	[tilespmem:$0x1C000] =	vst v63  }
0x5bd: {  	s5 =	sadd.s32 $0x180, s31  }
0x5be: {  	[tilespmem:s30], [sflag:$0x1] =	stream.linear.gather [hbm4b:s5+s2], $0x980, $0x38;
	[tilespmem:$0x1C000] =	vst v63  }
0x5bf: {  	s7 =	sadd.s32 $0x300, s31  }
0x5c0: {  	[tilespmem:s13], [sflag:$0x1] =	stream.linear.gather [hbm4b:s7+s2], $0x980, $0x38;
	[tilespmem:$0x1C000] =	vst v63  }
0x5c1: {  	s11 =	simm.s32 $0x12400;
	s9 =	sadd.s32 $0x480, s31  }
0x5c2: {  	[tilespmem:s11], [sflag:$0x1] =	stream.linear.gather [hbm4b:s9+s2], $0x980, $0x38;
	[tilespmem:$0x1C000] =	vst v63  }
0x5c3: {  	s29 =	simm.s32 $0x13000;
	s15 =	sadd.s32 $0x600, s31  }
0x5c4: {  	[tilespmem:s29], [sflag:$0x1] =	stream.linear.gather [hbm4b:s15+s2], $0x980, $0x38;
	[tilespmem:$0x1C000] =	vst v63  }
0x5c5: {  	s30 =	sadd.s32 $0x780, s31  }
0x5c6: {  	[tilespmem:s25], [sflag:$0x1] =	stream.linear.gather [hbm4b:s30+s2], $0x980, $0x38;
	[tilespmem:$0x1C000] =	vst v63  }
0x5c7: {  	s1 =	sadd.s32 $0x900, s31;
	s5 =	simm.s32 $0x14800  }
0x5c8: {  	[tilespmem:s5], [sflag:$0x1] =	stream.linear.gather [hbm4b:s1+s2], $0x980, $0x38;
	[tilespmem:$0x1C000] =	vst v63  }
0x5c9: {  	s28 =	simm.s32 $0x15400;
	s7 =	sadd.s32 $0xA80, s31  }
0x5ca: {  	[tilespmem:s28], [sflag:$0x1] =	stream.linear.gather [hbm4b:s7+s2], $0x980, $0x38;
	[tilespmem:$0x1C000] =	vst v63  }
0x5cb: {  	s9 =	rddreg [dreg:$0x14]  }
0x5cc: {  	[hbm4b:s9+s16] =	stream.strided.scatter [tilespmem:s2], [sflag:$0x3], $0xA000, s10, s16, $0x38;
	[tilespmem:$0x1C000] =	vst v63  }
0x5cd: {  	_ =	swait.ge [sflag:s12], $0x4C00  }
0x5ce: {  	[sflag:s12] =	ssyncset.done $0x0  }
0x5cf: {  	s15 =	rddreg [dreg:$0x15];
	[sflag:s12] =	ssyncadd.s32 $0xFFFFB400  }
0x5d0: {  	[hbm4b:s15+s24] =	stream.strided.scatter [tilespmem:s4], [sflag:$0x2], $0x6000, s10, s24, $0x38;
	[tilespmem:$0x1C000] =	vst v63  }
0x5d1: {  	_ =	swait.ge [sflag:s6], $0x6000  }
0x5d2: {  	s28 =	sld [smem:$0x7EE]  }
0x5d3: {  	[sflag:s6] =	ssyncset.done $0x0  }
0x5d4: {  	[sflag:s6] =	ssyncadd.s32 $0xFFFFA000  }
0x5d5: {  	[tilespmem:s4], [sflag:$0x1] =	stream.linear.gather [hbm4b:s28+s2], $0x980, $0x38;
	[tilespmem:$0x1C000] =	vst v63  }
0x5d6: {  	s22 =	simm.s32 $0x16C00;
	s1 =	sadd.s32 $0x180, s28  }
0x5d7: {  	[tilespmem:s22], [sflag:$0x1] =	stream.linear.gather [hbm4b:s1+s2], $0x980, $0x38;
	[tilespmem:$0x1C000] =	vst v63  }
0x5d8: {  	s14 =	simm.s32 $0x17800;
	s4 =	sadd.s32 $0x300, s28  }
0x5d9: {  	[tilespmem:s14], [sflag:$0x1] =	stream.linear.gather [hbm4b:s4+s2], $0x980, $0x38;
	[tilespmem:$0x1C000] =	vst v63  }
0x5da: {  	s8 =	simm.s32 $0x18400;
	s5 =	sadd.s32 $0x480, s28  }
0x5db: {  	[tilespmem:s8], [sflag:$0x1] =	stream.linear.gather [hbm4b:s5+s2], $0x980, $0x38;
	[tilespmem:$0x1C000] =	vst v63  }
0x5dc: {  	s26 =	simm.s32 $0x19000;
	s9 =	sadd.s32 $0x600, s28  }
0x5dd: {  	[tilespmem:s26], [sflag:$0x1] =	stream.linear.gather [hbm4b:s9+s2], $0x980, $0x38;
	[tilespmem:$0x1C000] =	vst v63  }
0x5de: {  	s15 =	simm.s32 $0x19C00;
	s14 =	sadd.s32 $0x780, s28  }
0x5df: {  	[tilespmem:s15], [sflag:$0x1] =	stream.linear.gather [hbm4b:s14+s2], $0x980, $0x38;
	[tilespmem:$0x1C000] =	vst v63  }
0x5e0: {  	s22 =	sadd.s32 $0x900, s28;
	s26 =	simm.s32 $0x1A800  }
0x5e1: {  	[tilespmem:s26], [sflag:$0x1] =	stream.linear.gather [hbm4b:s22+s2], $0x980, $0x38;
	[tilespmem:$0x1C000] =	vst v63  }
0x5e2: {  	s28 =	sadd.s32 $0xA80, s28;
	s8 =	simm.s32 $0x1B400  }
0x5e3: {  	[tilespmem:s8], [sflag:$0x1] =	stream.linear.gather [hbm4b:s28+s2], $0x980, $0x38;
	[tilespmem:$0x1C000] =	vst v63  }
0x5e4: {  	s31 =	rddreg [dreg:$0x16]  }
0x5e5: {  	[hbm4b:s31+s16] =	stream.strided.scatter [tilespmem:s2], [sflag:$0x3], $0xA000, s10, s16, $0x38;
	[tilespmem:$0x1C000] =	vst v63  }
0x5e6: {  	_ =	swait.ge [sflag:s12], $0x4C00  }
0x5e7: {  	[sflag:s12] =	ssyncset.done $0x0  }
0x5e8: {  	s1 =	rddreg [dreg:$0x17];
	[sflag:s12] =	ssyncadd.s32 $0xFFFFB400  }
0x5e9: {  	[hbm4b:s1+s24] =	stream.strided.scatter [tilespmem:s20], [sflag:$0x2], $0x6000, s10, s24, $0x38;
	[tilespmem:$0x1C000] =	vst v63  }
0x5ea: {  	_ =	swait.ge [sflag:s6], $0x6000  }
0x5eb: {  	s1 =	sld [smem:$0x7F2]  }
0x5ec: {  	[sflag:s6] =	ssyncset.done $0x0  }
0x5ed: {  	[sflag:s6] =	ssyncadd.s32 $0xFFFFA000  }
0x5ee: {  	[tilespmem:s20], [sflag:$0x1] =	stream.linear.gather [hbm4b:s1+s2], $0x980, $0x38;
	[tilespmem:$0x1C000] =	vst v63  }
0x5ef: {  	s22 =	simm.s32 $0xAC00;
	s4 =	sadd.s32 $0x180, s1  }
0x5f0: {  	[tilespmem:s22], [sflag:$0x1] =	stream.linear.gather [hbm4b:s4+s2], $0x980, $0x38;
	[tilespmem:$0x1C000] =	vst v63  }
0x5f1: {  	s18 =	simm.s32 $0xB800;
	s5 =	sadd.s32 $0x300, s1  }
0x5f2: {  	[tilespmem:s18], [sflag:$0x1] =	stream.linear.gather [hbm4b:s5+s2], $0x980, $0x38;
	[tilespmem:$0x1C000] =	vst v63  }
0x5f3: {  	s17 =	simm.s32 $0xC400;
	s14 =	sadd.s32 $0x480, s1  }
0x5f4: {  	[tilespmem:s17], [sflag:$0x1] =	stream.linear.gather [hbm4b:s14+s2], $0x980, $0x38;
	[tilespmem:$0x1C000] =	vst v63  }
0x5f5: {  	s19 =	simm.s32 $0xD000;
	s17 =	sadd.s32 $0x600, s1  }
0x5f6: {  	[tilespmem:s19], [sflag:$0x1] =	stream.linear.gather [hbm4b:s17+s2], $0x980, $0x38;
	[tilespmem:$0x1C000] =	vst v63  }
0x5f7: {  	s26 =	simm.s32 $0xDC00;
	s18 =	sadd.s32 $0x780, s1  }
0x5f8: {  	[tilespmem:s26], [sflag:$0x1] =	stream.linear.gather [hbm4b:s18+s2], $0x980, $0x38;
	[tilespmem:$0x1C000] =	vst v63  }
0x5f9: {  	s31 =	simm.s32 $0xE800;
	s19 =	sadd.s32 $0x900, s1  }
0x5fa: {  	[tilespmem:s31], [sflag:$0x1] =	stream.linear.gather [hbm4b:s19+s2], $0x980, $0x38;
	[tilespmem:$0x1C000] =	vst v63  }
0x5fb: {  	s14 =	simm.s32 $0xF400;
	s1 =	sadd.s32 $0xA80, s1  }
0x5fc: {  	[tilespmem:s14], [sflag:$0x1] =	stream.linear.gather [hbm4b:s1+s2], $0x980, $0x38;
	[tilespmem:$0x1C000] =	vst v63  }
0x5fd: {  	s4 =	rddreg [dreg:$0x18]  }
0x5fe: {  	[hbm4b:s4+s16] =	stream.strided.scatter [tilespmem:s2], [sflag:$0x3], $0xA000, s10, s16, $0x38;
	[tilespmem:$0x1C000] =	vst v63  }
0x5ff: {  	_ =	swait.ge [sflag:s12], $0x4C00  }
0x600: {  	[sflag:s12] =	ssyncset.done $0x0  }
0x601: {  	s18 =	simm.s32 $0x10000;
	s5 =	rddreg [dreg:$0x19];
	[sflag:s12] =	ssyncadd.s32 $0xFFFFB400  }
0x602: {  	[hbm4b:s5+s24] =	stream.strided.scatter [tilespmem:s18], [sflag:$0x2], $0x6000, s10, s24, $0x38;
	[tilespmem:$0x1C000] =	vst v63  }
0x603: {  	_ =	swait.ge [sflag:s6], $0x6000  }
0x604: {  	s1 =	sld [smem:$0x7F4]  }
0x605: {  	[sflag:s6] =	ssyncset.done $0x0  }
0x606: {  	[sflag:s6] =	ssyncadd.s32 $0xFFFFA000  }
0x607: {  	[tilespmem:s18], [sflag:$0x1] =	stream.linear.gather [hbm4b:s1+s2], $0x980, $0x38;
	[tilespmem:$0x1C000] =	vst v63  }
0x608: {  	s23 =	simm.s32 $0x10C00;
	s19 =	sadd.s32 $0x180, s1  }
0x609: {  	[tilespmem:s23], [sflag:$0x1] =	stream.linear.gather [hbm4b:s19+s2], $0x980, $0x38;
	[tilespmem:$0x1C000] =	vst v63  }
0x60a: {  	s13 =	simm.s32 $0x11800;
	s23 =	sadd.s32 $0x300, s1  }
0x60b: {  	[tilespmem:s13], [sflag:$0x1] =	stream.linear.gather [hbm4b:s23+s2], $0x980, $0x38;
	[tilespmem:$0x1C000] =	vst v63  }
0x60c: {  	s4 =	sadd.s32 $0x480, s1;
	s13 =	simm.s32 $0x12400  }
0x60d: {  	[tilespmem:s13], [sflag:$0x1] =	stream.linear.gather [hbm4b:s4+s2], $0x980, $0x38;
	[tilespmem:$0x1C000] =	vst v63  }
0x60e: {  	s18 =	sadd.s32 $0x600, s1;
	s19 =	simm.s32 $0x13000  }
0x60f: {  	[tilespmem:s19], [sflag:$0x1] =	stream.linear.gather [hbm4b:s18+s2], $0x980, $0x38;
	[tilespmem:$0x1C000] =	vst v63  }
0x610: {  	s25 =	simm.s32 $0x13C00;
	s23 =	sadd.s32 $0x780, s1  }
0x611: {  	[tilespmem:s25], [sflag:$0x1] =	stream.linear.gather [hbm4b:s23+s2], $0x980, $0x38;
	[tilespmem:$0x1C000] =	vst v63  }
0x612: {  	s4 =	sadd.s32 $0x900, s1;
	s13 =	simm.s32 $0x14800  }
0x613: {  	[tilespmem:s13], [sflag:$0x1] =	stream.linear.gather [hbm4b:s4+s2], $0x980, $0x38;
	[tilespmem:$0x1C000] =	vst v63  }
0x614: {  	s11 =	simm.s32 $0x15400;
	s18 =	sadd.s32 $0xA80, s1  }
0x615: {  	[tilespmem:s11], [sflag:$0x1] =	stream.linear.gather [hbm4b:s18+s2], $0x980, $0x38;
	[tilespmem:$0x1C000] =	vst v63  }
0x616: {  	s19 =	rddreg [dreg:$0x1a]  }
0x617: {  	[hbm4b:s19+s16] =	stream.strided.scatter [tilespmem:s2], [sflag:$0x3], $0xA000, s10, s16, $0x38;
	[tilespmem:$0x1C000] =	vst v63  }
0x618: {  	_ =	swait.ge [sflag:s12], $0x4C00  }
0x619: {  	[sflag:s12] =	ssyncset.done $0x0  }
0x61a: {  	s25 =	simm.s32 $0x16000;
	s23 =	rddreg [dreg:$0x1b];
	[sflag:s12] =	ssyncadd.s32 $0xFFFFB400  }
0x61b: {  	[hbm4b:s23+s24] =	stream.strided.scatter [tilespmem:s25], [sflag:$0x2], $0x6000, s10, s24, $0x38;
	[tilespmem:$0x1C000] =	vst v63  }
0x61c: {  	_ =	swait.ge [sflag:s6], $0x6000  }
0x61d: {  	s1 =	sld [smem:$0x7F8]  }
0x61e: {  	[sflag:s6] =	ssyncset.done $0x0  }
0x61f: {  	[sflag:s6] =	ssyncadd.s32 $0xFFFFA000  }
0x620: {  	[tilespmem:s25], [sflag:$0x1] =	stream.linear.gather [hbm4b:s1+s2], $0x980, $0x38;
	[tilespmem:$0x1C000] =	vst v63  }
0x621: {  	s7 =	simm.s32 $0x16C00;
	s11 =	sadd.s32 $0x180, s1  }
0x622: {  	[tilespmem:s7], [sflag:$0x1] =	stream.linear.gather [hbm4b:s11+s2], $0x980, $0x38;
	[tilespmem:$0x1C000] =	vst v63  }
0x623: {  	s30 =	simm.s32 $0x17800;
	s13 =	sadd.s32 $0x300, s1  }
0x624: {  	[tilespmem:s30], [sflag:$0x1] =	stream.linear.gather [hbm4b:s13+s2], $0x980, $0x38;
	[tilespmem:$0x1C000] =	vst v63  }
0x625: {  	s29 =	simm.s32 $0x18400;
	s18 =	sadd.s32 $0x480, s1  }
0x626: {  	[tilespmem:s29], [sflag:$0x1] =	stream.linear.gather [hbm4b:s18+s2], $0x980, $0x38;
	[tilespmem:$0x1C000] =	vst v63  }
0x627: {  	s9 =	simm.s32 $0x19000;
	s19 =	sadd.s32 $0x600, s1  }
0x628: {  	[tilespmem:s9], [sflag:$0x1] =	stream.linear.gather [hbm4b:s19+s2], $0x980, $0x38;
	[tilespmem:$0x1C000] =	vst v63  }
0x629: {  	s23 =	sadd.s32 $0x780, s1;
	s25 =	simm.s32 $0x19C00  }
0x62a: {  	[tilespmem:s25], [sflag:$0x1] =	stream.linear.gather [hbm4b:s23+s2], $0x980, $0x38;
	[tilespmem:$0x1C000] =	vst v63  }
0x62b: {  	s30 =	simm.s32 $0x1A800;
	s29 =	sadd.s32 $0x900, s1  }
0x62c: {  	[tilespmem:s30], [sflag:$0x1] =	stream.linear.gather [hbm4b:s29+s2], $0x980, $0x38;
	[tilespmem:$0x1C000] =	vst v63  }
0x62d: {  	s1 =	sadd.s32 $0xA80, s1  }
0x62e: {  	[tilespmem:s8], [sflag:$0x1] =	stream.linear.gather [hbm4b:s1+s2], $0x980, $0x38;
	[tilespmem:$0x1C000] =	vst v63  }
0x62f: {  	s7 =	rddreg [dreg:$0x1c]  }
0x630: {  	[hbm4b:s7+s16] =	stream.strided.scatter [tilespmem:s2], [sflag:$0x3], $0xA000, s10, s16, $0x38;
	[tilespmem:$0x1C000] =	vst v63  }
0x631: {  	_ =	swait.ge [sflag:s12], $0x4C00  }
0x632: {  	[sflag:s12] =	ssyncset.done $0x0  }
0x633: {  	s8 =	rddreg [dreg:$0x1d];
	[sflag:s12] =	ssyncadd.s32 $0xFFFFB400  }
0x634: {  	[hbm4b:s8+s24] =	stream.strided.scatter [tilespmem:s20], [sflag:$0x2], $0x6000, s10, s24, $0x38;
	[tilespmem:$0x1C000] =	vst v63  }
0x635: {  	_ =	swait.ge [sflag:s6], $0x6000  }
0x636: {  	[sflag:s6] =	ssyncset.done $0x0  }
0x637: {  	[sflag:s6] =	ssyncadd.s32 $0xFFFFA000  }
0x638: {  	[tilespmem:s20], [sflag:$0x1] =	stream.linear.gather [hbm4b:s21+s2], $0x980, $0x38;
	[tilespmem:$0x1C000] =	vst v63  }
0x639: {  	s9 =	sadd.s32 $0x180, s21  }
0x63a: {  	[tilespmem:s22], [sflag:$0x1] =	stream.linear.gather [hbm4b:s9+s2], $0x980, $0x38;
	[tilespmem:$0x1C000] =	vst v63  }
0x63b: {  	s15 =	simm.s32 $0xB800;
	s11 =	sadd.s32 $0x300, s21  }
0x63c: {  	[tilespmem:s15], [sflag:$0x1] =	stream.linear.gather [hbm4b:s11+s2], $0x980, $0x38;
	[tilespmem:$0x1C000] =	vst v63  }
0x63d: {  	s28 =	simm.s32 $0xC400;
	s13 =	sadd.s32 $0x480, s21  }
0x63e: {  	[tilespmem:s28], [sflag:$0x1] =	stream.linear.gather [hbm4b:s13+s2], $0x980, $0x38;
	[tilespmem:$0x1C000] =	vst v63  }
0x63f: {  	s17 =	simm.s32 $0xD000;
	s15 =	sadd.s32 $0x600, s21  }
0x640: {  	[tilespmem:s17], [sflag:$0x1] =	stream.linear.gather [hbm4b:s15+s2], $0x980, $0x38;
	[tilespmem:$0x1C000] =	vst v63  }
0x641: {  	s18 =	sadd.s32 $0x780, s21  }
0x642: {  	[tilespmem:s26], [sflag:$0x1] =	stream.linear.gather [hbm4b:s18+s2], $0x980, $0x38;
	[tilespmem:$0x1C000] =	vst v63  }
0x643: {  	s19 =	sadd.s32 $0x900, s21  }
0x644: {  	[tilespmem:s31], [sflag:$0x1] =	stream.linear.gather [hbm4b:s19+s2], $0x980, $0x38;
	[tilespmem:$0x1C000] =	vst v63  }
0x645: {  	s22 =	sadd.s32 $0xA80, s21  }
0x646: {  	[tilespmem:s14], [sflag:$0x1] =	stream.linear.gather [hbm4b:s22+s2], $0x980, $0x38;
	[tilespmem:$0x1C000] =	vst v63  }
0x647: {  	s23 =	rddreg [dreg:$0x1e]  }
0x648: {  	[hbm4b:s23+s16] =	stream.strided.scatter [tilespmem:s2], [sflag:$0x3], $0xA000, s10, s16, $0x38;
	[tilespmem:$0x1C000] =	vst v63  }
0x649: {  	_ =	swait.ge [sflag:s12], $0x4C00  }
0x64a: {  	s25 =	rddreg [dreg:$0x1f];
	[sflag:s12] =	ssyncset.done $0x0  }
0x64b: {  	s5 =	simm.s32 $0x10000;
	s26 =	sld [smem:$0x7BE];
	[sflag:s12] =	ssyncadd.s32 $0xFFFFB400  }
0x64c: {  	[hbm4b:s25+s24] =	stream.strided.scatter [tilespmem:s5], [sflag:$0x2], $0x6000, s10, s24, $0x38;
	[tilespmem:$0x1C000] =	vst v63  }
0x64d: {  	_ = 	snop  }
0x64e: {  	[hbm4b:s26+s16] =	stream.strided.scatter [tilespmem:s2], [sflag:$0x3], $0xA000, s10, s16, $0x38;
	[tilespmem:$0x1C000] =	vst v63  }
0x64f: {  	_ =	swait.ge [sflag:s12], $0x4C00  }
0x650: {  	s28 =	sld [smem:$0x7BF]  }
0x651: {  	[sflag:s12] =	ssyncset.done $0x0  }
0x652: {  	s4 =	simm.s32 $0x16000;
	s29 =	sld [smem:$0x7C0];
	[sflag:s12] =	ssyncadd.s32 $0xFFFFB400  }
0x653: {  	[hbm4b:s28+s24] =	stream.strided.scatter [tilespmem:s4], [sflag:$0x2], $0x6000, s10, s24, $0x38;
	[tilespmem:$0x1C000] =	vst v63  }
0x654: {  	_ = 	snop  }
0x655: {  	[hbm4b:s29+s16] =	stream.strided.scatter [tilespmem:s2], [sflag:$0x3], $0xA000, s10, s16, $0x38;
	[tilespmem:$0x1C000] =	vst v63  }
0x656: {  	_ =	swait.ge [sflag:s12], $0x4C00  }
0x657: {  	s30 =	sld [smem:$0x7C1]  }
0x658: {  	[sflag:s12] =	ssyncset.done $0x0  }
0x659: {  	[sflag:s12] =	ssyncadd.s32 $0xFFFFB400  }
0x65a: {  	[hbm4b:s30+s24] =	stream.strided.scatter [tilespmem:s20], [sflag:$0x2], $0x6000, s10, s24, $0x38;
	[tilespmem:$0x1C000] =	vst v63  }
0x65b: {  	_ =	swait.ge [sflag:s6], $0x6000  }
0x65c: {  	[sflag:s6] =	ssyncset.done $0x0  }
0x65d: {  	[sflag:s6] =	ssyncadd.s32 $0xFFFFA000  }
0x65e: {  	_ =	swait.ge [sflag:s6], $0x6000  }
0x65f: {  	[sflag:s6] =	ssyncset.done $0x0  }
0x660: {  	[sflag:s6] =	ssyncadd.s32 $0xFFFFA000  }
0x661: {  	_ =	swait.ge [sflag:s6], $0x6000  }
0x662: {  	[sflag:s6] =	ssyncset.done $0x0  }
0x663: {  	[sflag:s6] =	ssyncadd.s32 $0xFFFFA000  }
0x664: {  	_ =	swait.ge [sflag:s3], $0xA000  }
0x665: {  	[sflag:s3] =	ssyncset.done $0x0  }
0x666: {  	[sflag:s3] =	ssyncadd.s32 $0xFFFF6000  }
0x667: {  	_ =	swait.ge [sflag:s3], $0xA000  }
0x668: {  	[sflag:s3] =	ssyncset.done $0x0  }
0x669: {  	[sflag:s3] =	ssyncadd.s32 $0xFFFF6000  }
0x66a: {  	_ =	swait.ge [sflag:s3], $0xA000  }
0x66b: {  	[sflag:s3] =	ssyncset.done $0x0  }
0x66c: {  	[sflag:s3] =	ssyncadd.s32 $0xFFFF6000  }
0x66d: {  	_ =	swait.ge [sflag:s3], $0xA000  }
0x66e: {  	[sflag:s3] =	ssyncset.done $0x0  }
0x66f: {  	[sflag:s3] =	ssyncadd.s32 $0xFFFF6000  }
0x670: {  	_ =	swait.ge [sflag:s3], $0xA000  }
0x671: {  	[sflag:s3] =	ssyncset.done $0x0  }
0x672: {  	[sflag:s3] =	ssyncadd.s32 $0xFFFF6000  }
0x673: {  	_ =	swait.ge [sflag:s3], $0xA000  }
0x674: {  	[sflag:s3] =	ssyncset.done $0x0  }
0x675: {  	[sflag:s3] =	ssyncadd.s32 $0xFFFF6000  }
0x676: {  	_ =	swait.ge [sflag:s3], $0xA000  }
0x677: {  	[sflag:s3] =	ssyncset.done $0x0  }
0x678: {  	[sflag:s3] =	ssyncadd.s32 $0xFFFF6000  }
0x679: {  	_ =	swait.ge [sflag:s3], $0xA000  }
0x67a: {  	[sflag:s3] =	ssyncset.done $0x0  }
0x67b: {  	[sflag:s3] =	ssyncadd.s32 $0xFFFF6000  }
0x67c: {  	_ =	swait.ge [sflag:s3], $0xA000  }
0x67d: {  	[sflag:s3] =	ssyncset.done $0x0  }
0x67e: {  	[sflag:s3] =	ssyncadd.s32 $0xFFFF6000  }
0x67f: {  	_ =	swait.ge [sflag:s3], $0xA000  }
0x680: {  	[sflag:s3] =	ssyncset.done $0x0  }
0x681: {  	[sflag:s3] =	ssyncadd.s32 $0xFFFF6000  }
0x682: {  	_ =	swait.ge [sflag:s3], $0xA000  }
0x683: {  	[sflag:s3] =	ssyncset.done $0x0  }
0x684: {  	[sflag:s3] =	ssyncadd.s32 $0xFFFF6000  }
0x685: {  	_ =	swait.ge [sflag:s3], $0xA000  }
0x686: {  	[sflag:s3] =	ssyncset.done $0x0  }
0x687: {  	[sflag:s3] =	ssyncadd.s32 $0xFFFF6000  }
0x688: {  	_ =	swait.ge [sflag:s3], $0xA000  }
0x689: {  	[sflag:s3] =	ssyncset.done $0x0  }
0x68a: {  	[sflag:s3] =	ssyncadd.s32 $0xFFFF6000  }
0x68b: {  	_ =	swait.ge [sflag:s3], $0xA000  }
0x68c: {  	[sflag:s3] =	ssyncset.done $0x0  }
0x68d: {  	[sflag:s3] =	ssyncadd.s32 $0xFFFF6000  }
0x68e: {  	_ =	swait.ge [sflag:s3], $0xA000  }
0x68f: {  	[sflag:s3] =	ssyncset.done $0x0  }
0x690: {  	[sflag:s3] =	ssyncadd.s32 $0xFFFF6000  }
0x691: {  	_ =	swait.ge [sflag:s3], $0xA000  }
0x692: {  	[sflag:s3] =	ssyncset.done $0x0  }
0x693: {  	[sflag:s3] =	ssyncadd.s32 $0xFFFF6000  }
0x694: {  	_ =	sfence.sel $0x180000  }
0x695: {  	[bflag:$0x0] =	sbarrier.arrive $0xFFFF  }
0x696: {  	_ =	strace $0x90000047  }
0x697: {  	s31 =	stileid.u32;
	[bflag:$0x2] =	sbarrier.arrive $0xFFFF  }
0x698: {  	p0 =	sne.s32 s31, $0x0;
	s0 =	rddreg [dreg:$0x2]  }
0x699: {  	s0 =	sadd.s32 @!p0 $0x100000, s0  }
0x69a: {  	[sflag:s0] =	ssyncadd.tile.s32 @!p0 $0x1;
	_ =	shalt  }
.LBB2_1:
0x69b: {  	s29 =	sld [smem:$0x7D9]  }
.Ltmp3:
0x69c: {  	s14 =	sld [smem:$0x7D0];
	(pc) =	sbr.rel .LBB2_6-.Ltmp3, $4  }
0x69d: {  	s15 =	sld [smem:$0x7C8]  }
0x69e: {  	s19 =	sld [smem:$0x7D5]  }
0x69f: {  	s18 =	sld [smem:$0x7DA]  }
0x6a0: {  	s17 =	sld [smem:$0x7DC]  }
.LBB2_3:
0x6a1: {  	s29 =	sld [smem:$0x7D9]  }
0x6a2: {  	s14 =	sld [smem:$0x7D0]  }
0x6a3: {  	s15 =	sld [smem:$0x7C8]  }
0x6a4: {  	s19 =	sld [smem:$0x7D5]  }
0x6a5: {  	s18 =	sld [smem:$0x7DA]  }
0x6a6: {  	s17 =	sld [smem:$0x7DC]  }
0x6a7: {  	s21 =	sld [smem:$0x7BD]  }
0x6a8: {  	s23 =	sld [smem:$0x75B]  }
0x6a9: {  	s28 =	sld [smem:$0x75C]  }
0x6aa: {  	s7 =	sld [smem:$0x75D]  }
.Ltmp4:
0x6ab: {  	s26 =	sld [smem:$0x75E];
	(pc) =	sbr.rel .LBB2_6-.Ltmp4, $4  }
0x6ac: {  	s22 =	sld [smem:$0x760]  }
0x6ad: {  	s25 =	sld [smem:$0x75F]  }
0x6ae: {  	s30 =	sld [smem:$0x759]  }
0x6af: {  	s11 =	sld [smem:$0x75A];
	s13 =	simm.s32 $0x4  }
.Lfunc_end2:
_tile_overlayer_lowered:
.L_overlay_start_2:
0x6b0: {  	(tag) =	ssettag $0x2  }
0x6b1: {  	s0 =	rddreg [dreg:$0x0];
	s2 =	stileid.u32  }
0x6b2: {  	s1 =	rddreg [dreg:$0x1];
	p0 =	sne.s32 s2, $0x0  }
0x6b3: {  	s3 =	rddreg [dreg:$0x2];
	[bflag:$0x3] =	sbarrier.arrive $0xFFFF;
	s2 =	simm.s32 @!p0 $0x1C05  }
0x6b4: {  	[timem:s3], [sflag:s2] =	dma.local @!p0 [hbm:s0], s1  }
0x6b5: {  	s0 =	simm.s32 @!p0 $0x5  }
0x6b6: {  	_ =	swait.ge @!p0 [sflag:s0], s1  }
0x6b7: {  	s1 =	ssub.s32 @!p0 $0x0, s1;
	[sflag:s0] =	ssyncset.done @!p0 $0x0  }
0x6b8: {  	[sflag:s0] =	ssyncadd.s32 @!p0 s1  }
0x6b9: {  	[bflag:$0x3] =	sbarrier.arrive $0xFFFF  }
0x6ba: {  	_ =	shalt  }

</sc_bundles>
